<compile_context>
chip_gen: v7x
topology: tpu7x:2x2x1
jax: 0.10.2.dev20260603
libtpu: 0.0.44.dev20260713+nightly
codegen_flags: <defaults>
</compile_context>

<pallas_src>
import functools

import jax
import jax.numpy as jnp
from jax import lax
from jax.experimental import pallas as pl
from jax.experimental.pallas import tpu as pltpu
from jax.experimental.pallas import tpu_sc as plsc

_BATCH = 16384
_EMBED = 32
_BN_EPS = 1e-3

_NC = 2
_NS = 16
_NW = _NC * _NS
_BPW = _BATCH // _NW
_GROUPS = _BPW // 16


def _sc_kernel_body(uidx_hbm, cidx_hbm, ut_hbm, ct_hbm, sc_hbm, be_hbm,
                    out_hbm,
                    uidx_v, cidx_v, ua_v, ub_v, ca_v, cb_v,
                    sc_v, be_v, out_v, sema, semb):
    wid = lax.axis_index("s") * _NC + lax.axis_index("c")

    pltpu.sync_copy(uidx_hbm.at[pl.ds(wid, 1)], uidx_v)
    pltpu.sync_copy(cidx_hbm.at[pl.ds(wid, 1)], cidx_v)
    pltpu.sync_copy(sc_hbm, sc_v)
    pltpu.sync_copy(be_hbm, be_v)

    lane = lax.iota(jnp.int32, 16)
    s0 = sc_v[pl.ds(0, 16)]
    s1 = sc_v[pl.ds(16, 16)]
    b0 = be_v[pl.ds(0, 16)]
    b1 = be_v[pl.ds(16, 16)]

    def fire(g, ubuf, cbuf, sem):
        uvec = uidx_v[0, pl.ds(g * 16, 16)]
        cvec = cidx_v[0, pl.ds(g * 16, 16)]
        for r in range(16):
            pltpu.async_copy(ut_hbm.at[pl.ds(uvec[r], 1)],
                             ubuf.at[pl.ds(r, 1)], sem)
            pltpu.async_copy(ct_hbm.at[pl.ds(cvec[r], 1)],
                             cbuf.at[pl.ds(r, 1)], sem)

    def drain(ubuf, cbuf, sem):
        pltpu.make_async_copy(ut_hbm.at[pl.ds(0, 16)], ubuf, sem).wait()
        pltpu.make_async_copy(ct_hbm.at[pl.ds(0, 16)], cbuf, sem).wait()

    def compute(g, ubuf, cbuf):
        acc = jnp.zeros((16,), jnp.float32)
        for r in range(16):
            u0 = ubuf[r, pl.ds(0, 16)] * s0 + b0
            u1 = ubuf[r, pl.ds(16, 16)] * s1 + b1
            c0 = cbuf[r, pl.ds(0, 16)] * s0 + b0
            c1 = cbuf[r, pl.ds(16, 16)] * s1 + b1
            t = u0 * c0 + u1 * c1
            parts = [t[i] for i in range(16)]
            while len(parts) > 1:
                parts = [parts[i] + parts[i + 1]
                         for i in range(0, len(parts), 2)]
            acc = jnp.where(lane == r, parts[0], acc)
        out_v[pl.ds(g * 16, 16)] = acc

    fire(0, ua_v, ca_v, sema)

    def pair_body(k, carry):
        g0 = 2 * k
        fire(g0 + 1, ub_v, cb_v, semb)
        drain(ua_v, ca_v, sema)
        compute(g0, ua_v, ca_v)

        @pl.when(k < _GROUPS // 2 - 1)
        def _():
            fire(g0 + 2, ua_v, ca_v, sema)

        drain(ub_v, cb_v, semb)
        compute(g0 + 1, ub_v, cb_v)
        return carry

    lax.fori_loop(0, _GROUPS // 2, pair_body, 0, unroll=False)

    pltpu.sync_copy(out_v, out_hbm.at[pl.ds(wid * _BPW, _BPW)])


@jax.jit
def _run(uidx, cidx, user_table, content_table, scale, beta):
    mesh = plsc.VectorSubcoreMesh(core_axis_name="c", subcore_axis_name="s")
    kern = functools.partial(
        pl.kernel,
        mesh=mesh,
        out_type=jax.ShapeDtypeStruct((_BATCH,), jnp.float32),
        scratch_types=[
            pltpu.VMEM((1, _BPW), jnp.int32),
            pltpu.VMEM((1, _BPW), jnp.int32),
            pltpu.VMEM((16, _EMBED), jnp.float32),
            pltpu.VMEM((16, _EMBED), jnp.float32),
            pltpu.VMEM((16, _EMBED), jnp.float32),
            pltpu.VMEM((16, _EMBED), jnp.float32),
            pltpu.VMEM((_EMBED,), jnp.float32),
            pltpu.VMEM((_EMBED,), jnp.float32),
            pltpu.VMEM((_BPW,), jnp.float32),
            pltpu.SemaphoreType.DMA,
            pltpu.SemaphoreType.DMA,
        ],
    )(_sc_kernel_body)
    return kern(uidx, cidx, user_table, content_table, scale, beta)


def kernel(user, content, user_table, content_table, gamma, beta):
    scale = gamma / jnp.sqrt(1.0 + _BN_EPS)
    uidx = user.reshape(_NW, _BPW).astype(jnp.int32)
    cidx = content.reshape(_NW, _BPW).astype(jnp.int32)
    out = _run(uidx, cidx, user_table, content_table, scale, beta)
    return out.reshape(_BATCH, 1)

# --- scband reference (transcript-rebuilt; emitter-appended) ---
"""Pipeline reference for scband-content-based-model-17489106829489 (READ-ONLY COPY).

The authoritative reference and input builder live on the scoring server;
editing this copy changes nothing except your own understanding.
"""

import jax, jax.numpy as jnp
import numpy as np

NUM_USERS = 1000000
NUM_CONTENT = 100000
EMBED_DIM = 32
BATCH = 16384
BN_EPS = 1e-3


def setup_inputs(seed: int = 0) -> dict:
    key = jax.random.key(seed)
    k1, k2, k3, k4 = jax.random.split(key, 4)
    user = jax.random.randint(k1, (BATCH, 1), 0, NUM_USERS)
    content = jax.random.randint(k2, (BATCH, 1), 0, NUM_CONTENT)
    user_table = jax.random.normal(k3, (NUM_USERS, EMBED_DIM), dtype=jnp.float32) * 0.05
    content_table = jax.random.normal(k4, (NUM_CONTENT, EMBED_DIM), dtype=jnp.float32) * 0.05
    gamma = jnp.ones((EMBED_DIM,), dtype=jnp.float32)
    beta = jnp.zeros((EMBED_DIM,), dtype=jnp.float32)
    return {
        "user": user,
        "content": content,
        "user_table": user_table,
        "content_table": content_table,
        "gamma": gamma,
        "beta": beta,
    }


def reference(user, content, user_table, content_table, gamma, beta):
    # Embedding lookups (input_length=1 -> [B, 1, D], then Flatten -> [B, D])
    u = jnp.take(user_table, user[:, 0], axis=0)
    c = jnp.take(content_table, content[:, 0], axis=0)
    # Shared BatchNormalization in inference mode: moving_mean=0, moving_var=1
    scale = gamma / jnp.sqrt(1.0 + BN_EPS)
    u = u * scale + beta
    c = c * scale + beta
    # Dropout is identity at inference.
    # Dot(axes=1) -> [B, 1]
    return jnp.sum(u * c, axis=1, keepdims=True)

if __name__ == "__main__":
    import jax
    _d = setup_inputs()
    print(jax.jit(kernel)(*tuple(_d.values())))

</pallas_src>

<mosaic_0001>
#map = affine_map<(d0, d1) -> (0, 0)>
#map1 = affine_map<(d0, d1) -> (0)>
module attributes {stable_mosaic.version = 14 : i64} {
  func.func @_sc_kernel_body(%arg0: i32, %arg1: i32, %arg2: memref<32x512xi32, #tpu.memory_space<hbm>>, %arg3: memref<32x512xi32, #tpu.memory_space<hbm>>, %arg4: memref<1000000x32xf32, #tpu.memory_space<hbm>>, %arg5: memref<100000x32xf32, #tpu.memory_space<hbm>>, %arg6: memref<32xf32, #tpu.memory_space<hbm>>, %arg7: memref<32xf32, #tpu.memory_space<hbm>>, %arg8: memref<16384xf32, #tpu.memory_space<hbm>>, %arg9: memref<1x512xi32, #tpu.memory_space<vmem>>, %arg10: memref<1x512xi32, #tpu.memory_space<vmem>>, %arg11: memref<16x32xf32, #tpu.memory_space<vmem>>, %arg12: memref<16x32xf32, #tpu.memory_space<vmem>>, %arg13: memref<16x32xf32, #tpu.memory_space<vmem>>, %arg14: memref<16x32xf32, #tpu.memory_space<vmem>>, %arg15: memref<32xf32, #tpu.memory_space<vmem>>, %arg16: memref<32xf32, #tpu.memory_space<vmem>>, %arg17: memref<512xf32, #tpu.memory_space<vmem>>, %arg18: memref<!tpu.dma_semaphore, #tpu.memory_space<semaphore_mem>>, %arg19: memref<!tpu.dma_semaphore, #tpu.memory_space<semaphore_mem>>) attributes {dimension_semantics = [#tpu.dimension_semantics<core_parallel>, #tpu.dimension_semantics<subcore_parallel>], iteration_bounds = array<i64: 2, 16>, scalar_prefetch = 0 : i64, scratch_operands = 11 : i64, tpu.core_type = #tpu.core_type<sc_vector_subcore>, window_params = [{transform_indices = #map}, {transform_indices = #map}, {transform_indices = #map}, {transform_indices = #map}, {transform_indices = #map1}, {transform_indices = #map1}, {transform_indices = #map1}]} {
    %mul3A = arith.constant 2 : i32
    %mul3A_0 = arith.muli %arg1, %mul3A : i32
    %add3A = arith.addi %mul3A_0, %arg0 : i32
    "tpu.region"() ({
      %run_scoped3A = tpu.sem_alloc : memref<!tpu.dma_semaphore, #tpu.memory_space<semaphore_mem>>
      %dma_start3A_410 = arith.constant 0 : i32
      %dma_start3A_411 = tpu.memref_slice %arg2[%add3A, %dma_start3A_410] : memref<32x512xi32, #tpu.memory_space<hbm>> -> memref<1x512xi32, #tpu.memory_space<hbm>>
      %dma_start3A_412 = arith.constant 0 : i32
      %dma_start3A_413 = tpu.memref_slice %arg2[%add3A, %dma_start3A_412] : memref<32x512xi32, #tpu.memory_space<hbm>> -> memref<1x512xi32, #tpu.memory_space<hbm>>
      tpu.enqueue_dma source(%dma_start3A_413 : memref<1x512xi32, #tpu.memory_space<hbm>>) target(%arg9 : memref<1x512xi32, #tpu.memory_space<vmem>>) target_semaphore(%run_scoped3A : memref<!tpu.dma_semaphore, #tpu.memory_space<semaphore_mem>>)
      %dma_wait3A = arith.constant 0 : i32
      %dma_wait3A_414 = tpu.memref_slice %arg2[%add3A, %dma_wait3A] : memref<32x512xi32, #tpu.memory_space<hbm>> -> memref<1x512xi32, #tpu.memory_space<hbm>>
      %dma_wait3A_415 = arith.constant 0 : i32
      %dma_wait3A_416 = tpu.memref_slice %arg2[%add3A, %dma_wait3A_415] : memref<32x512xi32, #tpu.memory_space<hbm>> -> memref<1x512xi32, #tpu.memory_space<hbm>>
      tpu.wait_dma2 semaphore(%run_scoped3A : memref<!tpu.dma_semaphore, #tpu.memory_space<semaphore_mem>>) src(%dma_wait3A_416 : memref<1x512xi32, #tpu.memory_space<hbm>>) dst(%arg9 : memref<1x512xi32, #tpu.memory_space<vmem>>)
      tpu.yield
    }) : () -> ()
    "tpu.region"() ({
      %run_scoped3A = tpu.sem_alloc : memref<!tpu.dma_semaphore, #tpu.memory_space<semaphore_mem>>
      %dma_start3A_410 = arith.constant 0 : i32
      %dma_start3A_411 = tpu.memref_slice %arg3[%add3A, %dma_start3A_410] : memref<32x512xi32, #tpu.memory_space<hbm>> -> memref<1x512xi32, #tpu.memory_space<hbm>>
      %dma_start3A_412 = arith.constant 0 : i32
      %dma_start3A_413 = tpu.memref_slice %arg3[%add3A, %dma_start3A_412] : memref<32x512xi32, #tpu.memory_space<hbm>> -> memref<1x512xi32, #tpu.memory_space<hbm>>
      tpu.enqueue_dma source(%dma_start3A_413 : memref<1x512xi32, #tpu.memory_space<hbm>>) target(%arg10 : memref<1x512xi32, #tpu.memory_space<vmem>>) target_semaphore(%run_scoped3A : memref<!tpu.dma_semaphore, #tpu.memory_space<semaphore_mem>>)
      %dma_wait3A = arith.constant 0 : i32
      %dma_wait3A_414 = tpu.memref_slice %arg3[%add3A, %dma_wait3A] : memref<32x512xi32, #tpu.memory_space<hbm>> -> memref<1x512xi32, #tpu.memory_space<hbm>>
      %dma_wait3A_415 = arith.constant 0 : i32
      %dma_wait3A_416 = tpu.memref_slice %arg3[%add3A, %dma_wait3A_415] : memref<32x512xi32, #tpu.memory_space<hbm>> -> memref<1x512xi32, #tpu.memory_space<hbm>>
      tpu.wait_dma2 semaphore(%run_scoped3A : memref<!tpu.dma_semaphore, #tpu.memory_space<semaphore_mem>>) src(%dma_wait3A_416 : memref<1x512xi32, #tpu.memory_space<hbm>>) dst(%arg10 : memref<1x512xi32, #tpu.memory_space<vmem>>)
      tpu.yield
    }) : () -> ()
    "tpu.region"() ({
      %run_scoped3A = tpu.sem_alloc : memref<!tpu.dma_semaphore, #tpu.memory_space<semaphore_mem>>
      tpu.enqueue_dma source(%arg6 : memref<32xf32, #tpu.memory_space<hbm>>) target(%arg15 : memref<32xf32, #tpu.memory_space<vmem>>) target_semaphore(%run_scoped3A : memref<!tpu.dma_semaphore, #tpu.memory_space<semaphore_mem>>)
      tpu.wait_dma2 semaphore(%run_scoped3A : memref<!tpu.dma_semaphore, #tpu.memory_space<semaphore_mem>>) src(%arg6 : memref<32xf32, #tpu.memory_space<hbm>>) dst(%arg15 : memref<32xf32, #tpu.memory_space<vmem>>)
      tpu.yield
    }) : () -> ()
    "tpu.region"() ({
      %run_scoped3A = tpu.sem_alloc : memref<!tpu.dma_semaphore, #tpu.memory_space<semaphore_mem>>
      tpu.enqueue_dma source(%arg7 : memref<32xf32, #tpu.memory_space<hbm>>) target(%arg16 : memref<32xf32, #tpu.memory_space<vmem>>) target_semaphore(%run_scoped3A : memref<!tpu.dma_semaphore, #tpu.memory_space<semaphore_mem>>)
      tpu.wait_dma2 semaphore(%run_scoped3A : memref<!tpu.dma_semaphore, #tpu.memory_space<semaphore_mem>>) src(%arg7 : memref<32xf32, #tpu.memory_space<hbm>>) dst(%arg16 : memref<32xf32, #tpu.memory_space<vmem>>)
      tpu.yield
    }) : () -> ()
    %iota3A = tpu.iota {dimensions = array<i32: 0>} : vector<16xi32>
    %get3A = arith.constant 0 : index
    %get3A_1 = tpu.vector_load %arg15[%get3A] {strides = array<i32>} : memref<32xf32, #tpu.memory_space<vmem>>, vector<16xf32>,
    %get3A_2 = vector.shape_cast %get3A_1 : vector<16xf32> to vector<16xf32>
    %get3A_3 = arith.constant 16 : index
    %get3A_4 = tpu.vector_load %arg15[%get3A_3] {strides = array<i32>} : memref<32xf32, #tpu.memory_space<vmem>>, vector<16xf32>,
    %get3A_5 = vector.shape_cast %get3A_4 : vector<16xf32> to vector<16xf32>
    %get3A_6 = arith.constant 0 : index
    %get3A_7 = tpu.vector_load %arg16[%get3A_6] {strides = array<i32>} : memref<32xf32, #tpu.memory_space<vmem>>, vector<16xf32>,
    %get3A_8 = vector.shape_cast %get3A_7 : vector<16xf32> to vector<16xf32>
    %get3A_9 = arith.constant 16 : index
    %get3A_10 = tpu.vector_load %arg16[%get3A_9] {strides = array<i32>} : memref<32xf32, #tpu.memory_space<vmem>>, vector<16xf32>,
    %get3A_11 = vector.shape_cast %get3A_10 : vector<16xf32> to vector<16xf32>
    %get3A_12 = arith.constant 0 : i32
    %get3A_13 = arith.index_cast %get3A_12 : i32 to index
    %get3A_14 = arith.constant 0 : index
    %get3A_15 = tpu.vector_load %arg9[%get3A_13, %get3A_14] {strides = array<i32>} : memref<1x512xi32, #tpu.memory_space<vmem>>, vector<1x16xi32>,
    %get3A_16 = vector.shape_cast %get3A_15 : vector<1x16xi32> to vector<16xi32>
    %get3A_17 = arith.constant 0 : i32
    %get3A_18 = arith.index_cast %get3A_17 : i32 to index
    %get3A_19 = arith.constant 0 : index
    %get3A_20 = tpu.vector_load %arg10[%get3A_18, %get3A_19] {strides = array<i32>} : memref<1x512xi32, #tpu.memory_space<vmem>>, vector<1x16xi32>,
    %get3A_21 = vector.shape_cast %get3A_20 : vector<1x16xi32> to vector<16xi32>
    %slice3A = vector.extract_strided_slice %get3A_16 {offsets = [0], sizes = [1], strides = [1]} : vector<16xi32> to vector<1xi32>
    %squeeze3A = vector.extract %slice3A[0] : i32 from vector<1xi32>
    %dma_start3A = arith.constant 0 : i32
    %dma_start3A_22 = arith.constant 0 : i32
    %dma_start3A_23 = tpu.memref_slice %arg11[%dma_start3A, %dma_start3A_22] : memref<16x32xf32, #tpu.memory_space<vmem>> -> memref<1x32xf32, #tpu.memory_space<vmem>>
    %dma_start3A_24 = arith.constant 0 : i32
    %dma_start3A_25 = tpu.memref_slice %arg4[%squeeze3A, %dma_start3A_24] : memref<1000000x32xf32, #tpu.memory_space<hbm>> -> memref<1x32xf32, #tpu.memory_space<hbm>>
    %dma_start3A_26 = arith.constant 0 : i32
    %dma_start3A_27 = arith.constant 0 : i32
    %dma_start3A_28 = tpu.memref_slice %arg11[%dma_start3A_26, %dma_start3A_27] : memref<16x32xf32, #tpu.memory_space<vmem>> -> memref<1x32xf32, #tpu.memory_space<vmem>>
    %dma_start3A_29 = arith.constant 0 : i32
    %dma_start3A_30 = tpu.memref_slice %arg4[%squeeze3A, %dma_start3A_29] : memref<1000000x32xf32, #tpu.memory_space<hbm>> -> memref<1x32xf32, #tpu.memory_space<hbm>>
    tpu.enqueue_dma source(%dma_start3A_30 : memref<1x32xf32, #tpu.memory_space<hbm>>) target(%dma_start3A_28 : memref<1x32xf32, #tpu.memory_space<vmem>>) target_semaphore(%arg18 : memref<!tpu.dma_semaphore, #tpu.memory_space<semaphore_mem>>)
    %slice3A_31 = vector.extract_strided_slice %get3A_21 {offsets = [0], sizes = [1], strides = [1]} : vector<16xi32> to vector<1xi32>
    %squeeze3A_32 = vector.extract %slice3A_31[0] : i32 from vector<1xi32>
    %dma_start3A_33 = arith.constant 0 : i32
    %dma_start3A_34 = arith.constant 0 : i32
    %dma_start3A_35 = tpu.memref_slice %arg13[%dma_start3A_33, %dma_start3A_34] : memref<16x32xf32, #tpu.memory_space<vmem>> -> memref<1x32xf32, #tpu.memory_space<vmem>>
    %dma_start3A_36 = arith.constant 0 : i32
    %dma_start3A_37 = tpu.memref_slice %arg5[%squeeze3A_32, %dma_start3A_36] : memref<100000x32xf32, #tpu.memory_space<hbm>> -> memref<1x32xf32, #tpu.memory_space<hbm>>
    %dma_start3A_38 = arith.constant 0 : i32
    %dma_start3A_39 = arith.constant 0 : i32
    %dma_start3A_40 = tpu.memref_slice %arg13[%dma_start3A_38, %dma_start3A_39] : memref<16x32xf32, #tpu.memory_space<vmem>> -> memref<1x32xf32, #tpu.memory_space<vmem>>
    %dma_start3A_41 = arith.constant 0 : i32
    %dma_start3A_42 = tpu.memref_slice %arg5[%squeeze3A_32, %dma_start3A_41] : memref<100000x32xf32, #tpu.memory_space<hbm>> -> memref<1x32xf32, #tpu.memory_space<hbm>>
    tpu.enqueue_dma source(%dma_start3A_42 : memref<1x32xf32, #tpu.memory_space<hbm>>) target(%dma_start3A_40 : memref<1x32xf32, #tpu.memory_space<vmem>>) target_semaphore(%arg18 : memref<!tpu.dma_semaphore, #tpu.memory_space<semaphore_mem>>)
    %slice3A_43 = vector.extract_strided_slice %get3A_16 {offsets = [1], sizes = [1], strides = [1]} : vector<16xi32> to vector<1xi32>
    %squeeze3A_44 = vector.extract %slice3A_43[0] : i32 from vector<1xi32>
    %dma_start3A_45 = arith.constant 1 : i32
    %dma_start3A_46 = arith.constant 0 : i32
    %dma_start3A_47 = tpu.memref_slice %arg11[%dma_start3A_45, %dma_start3A_46] : memref<16x32xf32, #tpu.memory_space<vmem>> -> memref<1x32xf32, #tpu.memory_space<vmem>>
    %dma_start3A_48 = arith.constant 0 : i32
    %dma_start3A_49 = tpu.memref_slice %arg4[%squeeze3A_44, %dma_start3A_48] : memref<1000000x32xf32, #tpu.memory_space<hbm>> -> memref<1x32xf32, #tpu.memory_space<hbm>>
    %dma_start3A_50 = arith.constant 1 : i32
    %dma_start3A_51 = arith.constant 0 : i32
    %dma_start3A_52 = tpu.memref_slice %arg11[%dma_start3A_50, %dma_start3A_51] : memref<16x32xf32, #tpu.memory_space<vmem>> -> memref<1x32xf32, #tpu.memory_space<vmem>>
    %dma_start3A_53 = arith.constant 0 : i32
    %dma_start3A_54 = tpu.memref_slice %arg4[%squeeze3A_44, %dma_start3A_53] : memref<1000000x32xf32, #tpu.memory_space<hbm>> -> memref<1x32xf32, #tpu.memory_space<hbm>>
    tpu.enqueue_dma source(%dma_start3A_54 : memref<1x32xf32, #tpu.memory_space<hbm>>) target(%dma_start3A_52 : memref<1x32xf32, #tpu.memory_space<vmem>>) target_semaphore(%arg18 : memref<!tpu.dma_semaphore, #tpu.memory_space<semaphore_mem>>)
    %slice3A_55 = vector.extract_strided_slice %get3A_21 {offsets = [1], sizes = [1], strides = [1]} : vector<16xi32> to vector<1xi32>
    %squeeze3A_56 = vector.extract %slice3A_55[0] : i32 from vector<1xi32>
    %dma_start3A_57 = arith.constant 1 : i32
    %dma_start3A_58 = arith.constant 0 : i32
    %dma_start3A_59 = tpu.memref_slice %arg13[%dma_start3A_57, %dma_start3A_58] : memref<16x32xf32, #tpu.memory_space<vmem>> -> memref<1x32xf32, #tpu.memory_space<vmem>>
    %dma_start3A_60 = arith.constant 0 : i32
    %dma_start3A_61 = tpu.memref_slice %arg5[%squeeze3A_56, %dma_start3A_60] : memref<100000x32xf32, #tpu.memory_space<hbm>> -> memref<1x32xf32, #tpu.memory_space<hbm>>
    %dma_start3A_62 = arith.constant 1 : i32
    %dma_start3A_63 = arith.constant 0 : i32
    %dma_start3A_64 = tpu.memref_slice %arg13[%dma_start3A_62, %dma_start3A_63] : memref<16x32xf32, #tpu.memory_space<vmem>> -> memref<1x32xf32, #tpu.memory_space<vmem>>
    %dma_start3A_65 = arith.constant 0 : i32
    %dma_start3A_66 = tpu.memref_slice %arg5[%squeeze3A_56, %dma_start3A_65] : memref<100000x32xf32, #tpu.memory_space<hbm>> -> memref<1x32xf32, #tpu.memory_space<hbm>>
    tpu.enqueue_dma source(%dma_start3A_66 : memref<1x32xf32, #tpu.memory_space<hbm>>) target(%dma_start3A_64 : memref<1x32xf32, #tpu.memory_space<vmem>>) target_semaphore(%arg18 : memref<!tpu.dma_semaphore, #tpu.memory_space<semaphore_mem>>)
    %slice3A_67 = vector.extract_strided_slice %get3A_16 {offsets = [2], sizes = [1], strides = [1]} : vector<16xi32> to vector<1xi32>
    %squeeze3A_68 = vector.extract %slice3A_67[0] : i32 from vector<1xi32>
    %dma_start3A_69 = arith.constant 2 : i32
    %dma_start3A_70 = arith.constant 0 : i32
    %dma_start3A_71 = tpu.memref_slice %arg11[%dma_start3A_69, %dma_start3A_70] : memref<16x32xf32, #tpu.memory_space<vmem>> -> memref<1x32xf32, #tpu.memory_space<vmem>>
    %dma_start3A_72 = arith.constant 0 : i32
    %dma_start3A_73 = tpu.memref_slice %arg4[%squeeze3A_68, %dma_start3A_72] : memref<1000000x32xf32, #tpu.memory_space<hbm>> -> memref<1x32xf32, #tpu.memory_space<hbm>>
    %dma_start3A_74 = arith.constant 2 : i32
    %dma_start3A_75 = arith.constant 0 : i32
    %dma_start3A_76 = tpu.memref_slice %arg11[%dma_start3A_74, %dma_start3A_75] : memref<16x32xf32, #tpu.memory_space<vmem>> -> memref<1x32xf32, #tpu.memory_space<vmem>>
    %dma_start3A_77 = arith.constant 0 : i32
    %dma_start3A_78 = tpu.memref_slice %arg4[%squeeze3A_68, %dma_start3A_77] : memref<1000000x32xf32, #tpu.memory_space<hbm>> -> memref<1x32xf32, #tpu.memory_space<hbm>>
    tpu.enqueue_dma source(%dma_start3A_78 : memref<1x32xf32, #tpu.memory_space<hbm>>) target(%dma_start3A_76 : memref<1x32xf32, #tpu.memory_space<vmem>>) target_semaphore(%arg18 : memref<!tpu.dma_semaphore, #tpu.memory_space<semaphore_mem>>)
    %slice3A_79 = vector.extract_strided_slice %get3A_21 {offsets = [2], sizes = [1], strides = [1]} : vector<16xi32> to vector<1xi32>
    %squeeze3A_80 = vector.extract %slice3A_79[0] : i32 from vector<1xi32>
    %dma_start3A_81 = arith.constant 2 : i32
    %dma_start3A_82 = arith.constant 0 : i32
    %dma_start3A_83 = tpu.memref_slice %arg13[%dma_start3A_81, %dma_start3A_82] : memref<16x32xf32, #tpu.memory_space<vmem>> -> memref<1x32xf32, #tpu.memory_space<vmem>>
    %dma_start3A_84 = arith.constant 0 : i32
    %dma_start3A_85 = tpu.memref_slice %arg5[%squeeze3A_80, %dma_start3A_84] : memref<100000x32xf32, #tpu.memory_space<hbm>> -> memref<1x32xf32, #tpu.memory_space<hbm>>
    %dma_start3A_86 = arith.constant 2 : i32
    %dma_start3A_87 = arith.constant 0 : i32
    %dma_start3A_88 = tpu.memref_slice %arg13[%dma_start3A_86, %dma_start3A_87] : memref<16x32xf32, #tpu.memory_space<vmem>> -> memref<1x32xf32, #tpu.memory_space<vmem>>
    %dma_start3A_89 = arith.constant 0 : i32
    %dma_start3A_90 = tpu.memref_slice %arg5[%squeeze3A_80, %dma_start3A_89] : memref<100000x32xf32, #tpu.memory_space<hbm>> -> memref<1x32xf32, #tpu.memory_space<hbm>>
    tpu.enqueue_dma source(%dma_start3A_90 : memref<1x32xf32, #tpu.memory_space<hbm>>) target(%dma_start3A_88 : memref<1x32xf32, #tpu.memory_space<vmem>>) target_semaphore(%arg18 : memref<!tpu.dma_semaphore, #tpu.memory_space<semaphore_mem>>)
    %slice3A_91 = vector.extract_strided_slice %get3A_16 {offsets = [3], sizes = [1], strides = [1]} : vector<16xi32> to vector<1xi32>
    %squeeze3A_92 = vector.extract %slice3A_91[0] : i32 from vector<1xi32>
    %dma_start3A_93 = arith.constant 3 : i32
    %dma_start3A_94 = arith.constant 0 : i32
    %dma_start3A_95 = tpu.memref_slice %arg11[%dma_start3A_93, %dma_start3A_94] : memref<16x32xf32, #tpu.memory_space<vmem>> -> memref<1x32xf32, #tpu.memory_space<vmem>>
    %dma_start3A_96 = arith.constant 0 : i32
    %dma_start3A_97 = tpu.memref_slice %arg4[%squeeze3A_92, %dma_start3A_96] : memref<1000000x32xf32, #tpu.memory_space<hbm>> -> memref<1x32xf32, #tpu.memory_space<hbm>>
    %dma_start3A_98 = arith.constant 3 : i32
    %dma_start3A_99 = arith.constant 0 : i32
    %dma_start3A_100 = tpu.memref_slice %arg11[%dma_start3A_98, %dma_start3A_99] : memref<16x32xf32, #tpu.memory_space<vmem>> -> memref<1x32xf32, #tpu.memory_space<vmem>>
    %dma_start3A_101 = arith.constant 0 : i32
    %dma_start3A_102 = tpu.memref_slice %arg4[%squeeze3A_92, %dma_start3A_101] : memref<1000000x32xf32, #tpu.memory_space<hbm>> -> memref<1x32xf32, #tpu.memory_space<hbm>>
    tpu.enqueue_dma source(%dma_start3A_102 : memref<1x32xf32, #tpu.memory_space<hbm>>) target(%dma_start3A_100 : memref<1x32xf32, #tpu.memory_space<vmem>>) target_semaphore(%arg18 : memref<!tpu.dma_semaphore, #tpu.memory_space<semaphore_mem>>)
    %slice3A_103 = vector.extract_strided_slice %get3A_21 {offsets = [3], sizes = [1], strides = [1]} : vector<16xi32> to vector<1xi32>
    %squeeze3A_104 = vector.extract %slice3A_103[0] : i32 from vector<1xi32>
    %dma_start3A_105 = arith.constant 3 : i32
    %dma_start3A_106 = arith.constant 0 : i32
    %dma_start3A_107 = tpu.memref_slice %arg13[%dma_start3A_105, %dma_start3A_106] : memref<16x32xf32, #tpu.memory_space<vmem>> -> memref<1x32xf32, #tpu.memory_space<vmem>>
    %dma_start3A_108 = arith.constant 0 : i32
    %dma_start3A_109 = tpu.memref_slice %arg5[%squeeze3A_104, %dma_start3A_108] : memref<100000x32xf32, #tpu.memory_space<hbm>> -> memref<1x32xf32, #tpu.memory_space<hbm>>
    %dma_start3A_110 = arith.constant 3 : i32
    %dma_start3A_111 = arith.constant 0 : i32
    %dma_start3A_112 = tpu.memref_slice %arg13[%dma_start3A_110, %dma_start3A_111] : memref<16x32xf32, #tpu.memory_space<vmem>> -> memref<1x32xf32, #tpu.memory_space<vmem>>
    %dma_start3A_113 = arith.constant 0 : i32
    %dma_start3A_114 = tpu.memref_slice %arg5[%squeeze3A_104, %dma_start3A_113] : memref<100000x32xf32, #tpu.memory_space<hbm>> -> memref<1x32xf32, #tpu.memory_space<hbm>>
    tpu.enqueue_dma source(%dma_start3A_114 : memref<1x32xf32, #tpu.memory_space<hbm>>) target(%dma_start3A_112 : memref<1x32xf32, #tpu.memory_space<vmem>>) target_semaphore(%arg18 : memref<!tpu.dma_semaphore, #tpu.memory_space<semaphore_mem>>)
    %slice3A_115 = vector.extract_strided_slice %get3A_16 {offsets = [4], sizes = [1], strides = [1]} : vector<16xi32> to vector<1xi32>
    %squeeze3A_116 = vector.extract %slice3A_115[0] : i32 from vector<1xi32>
    %dma_start3A_117 = arith.constant 4 : i32
    %dma_start3A_118 = arith.constant 0 : i32
    %dma_start3A_119 = tpu.memref_slice %arg11[%dma_start3A_117, %dma_start3A_118] : memref<16x32xf32, #tpu.memory_space<vmem>> -> memref<1x32xf32, #tpu.memory_space<vmem>>
    %dma_start3A_120 = arith.constant 0 : i32
    %dma_start3A_121 = tpu.memref_slice %arg4[%squeeze3A_116, %dma_start3A_120] : memref<1000000x32xf32, #tpu.memory_space<hbm>> -> memref<1x32xf32, #tpu.memory_space<hbm>>
    %dma_start3A_122 = arith.constant 4 : i32
    %dma_start3A_123 = arith.constant 0 : i32
    %dma_start3A_124 = tpu.memref_slice %arg11[%dma_start3A_122, %dma_start3A_123] : memref<16x32xf32, #tpu.memory_space<vmem>> -> memref<1x32xf32, #tpu.memory_space<vmem>>
    %dma_start3A_125 = arith.constant 0 : i32
    %dma_start3A_126 = tpu.memref_slice %arg4[%squeeze3A_116, %dma_start3A_125] : memref<1000000x32xf32, #tpu.memory_space<hbm>> -> memref<1x32xf32, #tpu.memory_space<hbm>>
    tpu.enqueue_dma source(%dma_start3A_126 : memref<1x32xf32, #tpu.memory_space<hbm>>) target(%dma_start3A_124 : memref<1x32xf32, #tpu.memory_space<vmem>>) target_semaphore(%arg18 : memref<!tpu.dma_semaphore, #tpu.memory_space<semaphore_mem>>)
    %slice3A_127 = vector.extract_strided_slice %get3A_21 {offsets = [4], sizes = [1], strides = [1]} : vector<16xi32> to vector<1xi32>
    %squeeze3A_128 = vector.extract %slice3A_127[0] : i32 from vector<1xi32>
    %dma_start3A_129 = arith.constant 4 : i32
    %dma_start3A_130 = arith.constant 0 : i32
    %dma_start3A_131 = tpu.memref_slice %arg13[%dma_start3A_129, %dma_start3A_130] : memref<16x32xf32, #tpu.memory_space<vmem>> -> memref<1x32xf32, #tpu.memory_space<vmem>>
    %dma_start3A_132 = arith.constant 0 : i32
    %dma_start3A_133 = tpu.memref_slice %arg5[%squeeze3A_128, %dma_start3A_132] : memref<100000x32xf32, #tpu.memory_space<hbm>> -> memref<1x32xf32, #tpu.memory_space<hbm>>
    %dma_start3A_134 = arith.constant 4 : i32
    %dma_start3A_135 = arith.constant 0 : i32
    %dma_start3A_136 = tpu.memref_slice %arg13[%dma_start3A_134, %dma_start3A_135] : memref<16x32xf32, #tpu.memory_space<vmem>> -> memref<1x32xf32, #tpu.memory_space<vmem>>
    %dma_start3A_137 = arith.constant 0 : i32
    %dma_start3A_138 = tpu.memref_slice %arg5[%squeeze3A_128, %dma_start3A_137] : memref<100000x32xf32, #tpu.memory_space<hbm>> -> memref<1x32xf32, #tpu.memory_space<hbm>>
    tpu.enqueue_dma source(%dma_start3A_138 : memref<1x32xf32, #tpu.memory_space<hbm>>) target(%dma_start3A_136 : memref<1x32xf32, #tpu.memory_space<vmem>>) target_semaphore(%arg18 : memref<!tpu.dma_semaphore, #tpu.memory_space<semaphore_mem>>)
    %slice3A_139 = vector.extract_strided_slice %get3A_16 {offsets = [5], sizes = [1], strides = [1]} : vector<16xi32> to vector<1xi32>
    %squeeze3A_140 = vector.extract %slice3A_139[0] : i32 from vector<1xi32>
    %dma_start3A_141 = arith.constant 5 : i32
    %dma_start3A_142 = arith.constant 0 : i32
    %dma_start3A_143 = tpu.memref_slice %arg11[%dma_start3A_141, %dma_start3A_142] : memref<16x32xf32, #tpu.memory_space<vmem>> -> memref<1x32xf32, #tpu.memory_space<vmem>>
    %dma_start3A_144 = arith.constant 0 : i32
    %dma_start3A_145 = tpu.memref_slice %arg4[%squeeze3A_140, %dma_start3A_144] : memref<1000000x32xf32, #tpu.memory_space<hbm>> -> memref<1x32xf32, #tpu.memory_space<hbm>>
    %dma_start3A_146 = arith.constant 5 : i32
    %dma_start3A_147 = arith.constant 0 : i32
    %dma_start3A_148 = tpu.memref_slice %arg11[%dma_start3A_146, %dma_start3A_147] : memref<16x32xf32, #tpu.memory_space<vmem>> -> memref<1x32xf32, #tpu.memory_space<vmem>>
    %dma_start3A_149 = arith.constant 0 : i32
    %dma_start3A_150 = tpu.memref_slice %arg4[%squeeze3A_140, %dma_start3A_149] : memref<1000000x32xf32, #tpu.memory_space<hbm>> -> memref<1x32xf32, #tpu.memory_space<hbm>>
    tpu.enqueue_dma source(%dma_start3A_150 : memref<1x32xf32, #tpu.memory_space<hbm>>) target(%dma_start3A_148 : memref<1x32xf32, #tpu.memory_space<vmem>>) target_semaphore(%arg18 : memref<!tpu.dma_semaphore, #tpu.memory_space<semaphore_mem>>)
    %slice3A_151 = vector.extract_strided_slice %get3A_21 {offsets = [5], sizes = [1], strides = [1]} : vector<16xi32> to vector<1xi32>
    %squeeze3A_152 = vector.extract %slice3A_151[0] : i32 from vector<1xi32>
    %dma_start3A_153 = arith.constant 5 : i32
    %dma_start3A_154 = arith.constant 0 : i32
    %dma_start3A_155 = tpu.memref_slice %arg13[%dma_start3A_153, %dma_start3A_154] : memref<16x32xf32, #tpu.memory_space<vmem>> -> memref<1x32xf32, #tpu.memory_space<vmem>>
    %dma_start3A_156 = arith.constant 0 : i32
    %dma_start3A_157 = tpu.memref_slice %arg5[%squeeze3A_152, %dma_start3A_156] : memref<100000x32xf32, #tpu.memory_space<hbm>> -> memref<1x32xf32, #tpu.memory_space<hbm>>
    %dma_start3A_158 = arith.constant 5 : i32
    %dma_start3A_159 = arith.constant 0 : i32
    %dma_start3A_160 = tpu.memref_slice %arg13[%dma_start3A_158, %dma_start3A_159] : memref<16x32xf32, #tpu.memory_space<vmem>> -> memref<1x32xf32, #tpu.memory_space<vmem>>
    %dma_start3A_161 = arith.constant 0 : i32
    %dma_start3A_162 = tpu.memref_slice %arg5[%squeeze3A_152, %dma_start3A_161] : memref<100000x32xf32, #tpu.memory_space<hbm>> -> memref<1x32xf32, #tpu.memory_space<hbm>>
    tpu.enqueue_dma source(%dma_start3A_162 : memref<1x32xf32, #tpu.memory_space<hbm>>) target(%dma_start3A_160 : memref<1x32xf32, #tpu.memory_space<vmem>>) target_semaphore(%arg18 : memref<!tpu.dma_semaphore, #tpu.memory_space<semaphore_mem>>)
    %slice3A_163 = vector.extract_strided_slice %get3A_16 {offsets = [6], sizes = [1], strides = [1]} : vector<16xi32> to vector<1xi32>
    %squeeze3A_164 = vector.extract %slice3A_163[0] : i32 from vector<1xi32>
    %dma_start3A_165 = arith.constant 6 : i32
    %dma_start3A_166 = arith.constant 0 : i32
    %dma_start3A_167 = tpu.memref_slice %arg11[%dma_start3A_165, %dma_start3A_166] : memref<16x32xf32, #tpu.memory_space<vmem>> -> memref<1x32xf32, #tpu.memory_space<vmem>>
    %dma_start3A_168 = arith.constant 0 : i32
    %dma_start3A_169 = tpu.memref_slice %arg4[%squeeze3A_164, %dma_start3A_168] : memref<1000000x32xf32, #tpu.memory_space<hbm>> -> memref<1x32xf32, #tpu.memory_space<hbm>>
    %dma_start3A_170 = arith.constant 6 : i32
    %dma_start3A_171 = arith.constant 0 : i32
    %dma_start3A_172 = tpu.memref_slice %arg11[%dma_start3A_170, %dma_start3A_171] : memref<16x32xf32, #tpu.memory_space<vmem>> -> memref<1x32xf32, #tpu.memory_space<vmem>>
    %dma_start3A_173 = arith.constant 0 : i32
    %dma_start3A_174 = tpu.memref_slice %arg4[%squeeze3A_164, %dma_start3A_173] : memref<1000000x32xf32, #tpu.memory_space<hbm>> -> memref<1x32xf32, #tpu.memory_space<hbm>>
    tpu.enqueue_dma source(%dma_start3A_174 : memref<1x32xf32, #tpu.memory_space<hbm>>) target(%dma_start3A_172 : memref<1x32xf32, #tpu.memory_space<vmem>>) target_semaphore(%arg18 : memref<!tpu.dma_semaphore, #tpu.memory_space<semaphore_mem>>)
    %slice3A_175 = vector.extract_strided_slice %get3A_21 {offsets = [6], sizes = [1], strides = [1]} : vector<16xi32> to vector<1xi32>
    %squeeze3A_176 = vector.extract %slice3A_175[0] : i32 from vector<1xi32>
    %dma_start3A_177 = arith.constant 6 : i32
    %dma_start3A_178 = arith.constant 0 : i32
    %dma_start3A_179 = tpu.memref_slice %arg13[%dma_start3A_177, %dma_start3A_178] : memref<16x32xf32, #tpu.memory_space<vmem>> -> memref<1x32xf32, #tpu.memory_space<vmem>>
    %dma_start3A_180 = arith.constant 0 : i32
    %dma_start3A_181 = tpu.memref_slice %arg5[%squeeze3A_176, %dma_start3A_180] : memref<100000x32xf32, #tpu.memory_space<hbm>> -> memref<1x32xf32, #tpu.memory_space<hbm>>
    %dma_start3A_182 = arith.constant 6 : i32
    %dma_start3A_183 = arith.constant 0 : i32
    %dma_start3A_184 = tpu.memref_slice %arg13[%dma_start3A_182, %dma_start3A_183] : memref<16x32xf32, #tpu.memory_space<vmem>> -> memref<1x32xf32, #tpu.memory_space<vmem>>
    %dma_start3A_185 = arith.constant 0 : i32
    %dma_start3A_186 = tpu.memref_slice %arg5[%squeeze3A_176, %dma_start3A_185] : memref<100000x32xf32, #tpu.memory_space<hbm>> -> memref<1x32xf32, #tpu.memory_space<hbm>>
    tpu.enqueue_dma source(%dma_start3A_186 : memref<1x32xf32, #tpu.memory_space<hbm>>) target(%dma_start3A_184 : memref<1x32xf32, #tpu.memory_space<vmem>>) target_semaphore(%arg18 : memref<!tpu.dma_semaphore, #tpu.memory_space<semaphore_mem>>)
    %slice3A_187 = vector.extract_strided_slice %get3A_16 {offsets = [7], sizes = [1], strides = [1]} : vector<16xi32> to vector<1xi32>
    %squeeze3A_188 = vector.extract %slice3A_187[0] : i32 from vector<1xi32>
    %dma_start3A_189 = arith.constant 7 : i32
    %dma_start3A_190 = arith.constant 0 : i32
    %dma_start3A_191 = tpu.memref_slice %arg11[%dma_start3A_189, %dma_start3A_190] : memref<16x32xf32, #tpu.memory_space<vmem>> -> memref<1x32xf32, #tpu.memory_space<vmem>>
    %dma_start3A_192 = arith.constant 0 : i32
    %dma_start3A_193 = tpu.memref_slice %arg4[%squeeze3A_188, %dma_start3A_192] : memref<1000000x32xf32, #tpu.memory_space<hbm>> -> memref<1x32xf32, #tpu.memory_space<hbm>>
    %dma_start3A_194 = arith.constant 7 : i32
    %dma_start3A_195 = arith.constant 0 : i32
    %dma_start3A_196 = tpu.memref_slice %arg11[%dma_start3A_194, %dma_start3A_195] : memref<16x32xf32, #tpu.memory_space<vmem>> -> memref<1x32xf32, #tpu.memory_space<vmem>>
    %dma_start3A_197 = arith.constant 0 : i32
    %dma_start3A_198 = tpu.memref_slice %arg4[%squeeze3A_188, %dma_start3A_197] : memref<1000000x32xf32, #tpu.memory_space<hbm>> -> memref<1x32xf32, #tpu.memory_space<hbm>>
    tpu.enqueue_dma source(%dma_start3A_198 : memref<1x32xf32, #tpu.memory_space<hbm>>) target(%dma_start3A_196 : memref<1x32xf32, #tpu.memory_space<vmem>>) target_semaphore(%arg18 : memref<!tpu.dma_semaphore, #tpu.memory_space<semaphore_mem>>)
    %slice3A_199 = vector.extract_strided_slice %get3A_21 {offsets = [7], sizes = [1], strides = [1]} : vector<16xi32> to vector<1xi32>
    %squeeze3A_200 = vector.extract %slice3A_199[0] : i32 from vector<1xi32>
    %dma_start3A_201 = arith.constant 7 : i32
    %dma_start3A_202 = arith.constant 0 : i32
    %dma_start3A_203 = tpu.memref_slice %arg13[%dma_start3A_201, %dma_start3A_202] : memref<16x32xf32, #tpu.memory_space<vmem>> -> memref<1x32xf32, #tpu.memory_space<vmem>>
    %dma_start3A_204 = arith.constant 0 : i32
    %dma_start3A_205 = tpu.memref_slice %arg5[%squeeze3A_200, %dma_start3A_204] : memref<100000x32xf32, #tpu.memory_space<hbm>> -> memref<1x32xf32, #tpu.memory_space<hbm>>
    %dma_start3A_206 = arith.constant 7 : i32
    %dma_start3A_207 = arith.constant 0 : i32
    %dma_start3A_208 = tpu.memref_slice %arg13[%dma_start3A_206, %dma_start3A_207] : memref<16x32xf32, #tpu.memory_space<vmem>> -> memref<1x32xf32, #tpu.memory_space<vmem>>
    %dma_start3A_209 = arith.constant 0 : i32
    %dma_start3A_210 = tpu.memref_slice %arg5[%squeeze3A_200, %dma_start3A_209] : memref<100000x32xf32, #tpu.memory_space<hbm>> -> memref<1x32xf32, #tpu.memory_space<hbm>>
    tpu.enqueue_dma source(%dma_start3A_210 : memref<1x32xf32, #tpu.memory_space<hbm>>) target(%dma_start3A_208 : memref<1x32xf32, #tpu.memory_space<vmem>>) target_semaphore(%arg18 : memref<!tpu.dma_semaphore, #tpu.memory_space<semaphore_mem>>)
    %slice3A_211 = vector.extract_strided_slice %get3A_16 {offsets = [8], sizes = [1], strides = [1]} : vector<16xi32> to vector<1xi32>
    %squeeze3A_212 = vector.extract %slice3A_211[0] : i32 from vector<1xi32>
    %dma_start3A_213 = arith.constant 8 : i32
    %dma_start3A_214 = arith.constant 0 : i32
    %dma_start3A_215 = tpu.memref_slice %arg11[%dma_start3A_213, %dma_start3A_214] : memref<16x32xf32, #tpu.memory_space<vmem>> -> memref<1x32xf32, #tpu.memory_space<vmem>>
    %dma_start3A_216 = arith.constant 0 : i32
    %dma_start3A_217 = tpu.memref_slice %arg4[%squeeze3A_212, %dma_start3A_216] : memref<1000000x32xf32, #tpu.memory_space<hbm>> -> memref<1x32xf32, #tpu.memory_space<hbm>>
    %dma_start3A_218 = arith.constant 8 : i32
    %dma_start3A_219 = arith.constant 0 : i32
    %dma_start3A_220 = tpu.memref_slice %arg11[%dma_start3A_218, %dma_start3A_219] : memref<16x32xf32, #tpu.memory_space<vmem>> -> memref<1x32xf32, #tpu.memory_space<vmem>>
    %dma_start3A_221 = arith.constant 0 : i32
    %dma_start3A_222 = tpu.memref_slice %arg4[%squeeze3A_212, %dma_start3A_221] : memref<1000000x32xf32, #tpu.memory_space<hbm>> -> memref<1x32xf32, #tpu.memory_space<hbm>>
    tpu.enqueue_dma source(%dma_start3A_222 : memref<1x32xf32, #tpu.memory_space<hbm>>) target(%dma_start3A_220 : memref<1x32xf32, #tpu.memory_space<vmem>>) target_semaphore(%arg18 : memref<!tpu.dma_semaphore, #tpu.memory_space<semaphore_mem>>)
    %slice3A_223 = vector.extract_strided_slice %get3A_21 {offsets = [8], sizes = [1], strides = [1]} : vector<16xi32> to vector<1xi32>
    %squeeze3A_224 = vector.extract %slice3A_223[0] : i32 from vector<1xi32>
    %dma_start3A_225 = arith.constant 8 : i32
    %dma_start3A_226 = arith.constant 0 : i32
    %dma_start3A_227 = tpu.memref_slice %arg13[%dma_start3A_225, %dma_start3A_226] : memref<16x32xf32, #tpu.memory_space<vmem>> -> memref<1x32xf32, #tpu.memory_space<vmem>>
    %dma_start3A_228 = arith.constant 0 : i32
    %dma_start3A_229 = tpu.memref_slice %arg5[%squeeze3A_224, %dma_start3A_228] : memref<100000x32xf32, #tpu.memory_space<hbm>> -> memref<1x32xf32, #tpu.memory_space<hbm>>
    %dma_start3A_230 = arith.constant 8 : i32
    %dma_start3A_231 = arith.constant 0 : i32
    %dma_start3A_232 = tpu.memref_slice %arg13[%dma_start3A_230, %dma_start3A_231] : memref<16x32xf32, #tpu.memory_space<vmem>> -> memref<1x32xf32, #tpu.memory_space<vmem>>
    %dma_start3A_233 = arith.constant 0 : i32
    %dma_start3A_234 = tpu.memref_slice %arg5[%squeeze3A_224, %dma_start3A_233] : memref<100000x32xf32, #tpu.memory_space<hbm>> -> memref<1x32xf32, #tpu.memory_space<hbm>>
    tpu.enqueue_dma source(%dma_start3A_234 : memref<1x32xf32, #tpu.memory_space<hbm>>) target(%dma_start3A_232 : memref<1x32xf32, #tpu.memory_space<vmem>>) target_semaphore(%arg18 : memref<!tpu.dma_semaphore, #tpu.memory_space<semaphore_mem>>)
    %slice3A_235 = vector.extract_strided_slice %get3A_16 {offsets = [9], sizes = [1], strides = [1]} : vector<16xi32> to vector<1xi32>
    %squeeze3A_236 = vector.extract %slice3A_235[0] : i32 from vector<1xi32>
    %dma_start3A_237 = arith.constant 9 : i32
    %dma_start3A_238 = arith.constant 0 : i32
    %dma_start3A_239 = tpu.memref_slice %arg11[%dma_start3A_237, %dma_start3A_238] : memref<16x32xf32, #tpu.memory_space<vmem>> -> memref<1x32xf32, #tpu.memory_space<vmem>>
    %dma_start3A_240 = arith.constant 0 : i32
    %dma_start3A_241 = tpu.memref_slice %arg4[%squeeze3A_236, %dma_start3A_240] : memref<1000000x32xf32, #tpu.memory_space<hbm>> -> memref<1x32xf32, #tpu.memory_space<hbm>>
    %dma_start3A_242 = arith.constant 9 : i32
    %dma_start3A_243 = arith.constant 0 : i32
    %dma_start3A_244 = tpu.memref_slice %arg11[%dma_start3A_242, %dma_start3A_243] : memref<16x32xf32, #tpu.memory_space<vmem>> -> memref<1x32xf32, #tpu.memory_space<vmem>>
    %dma_start3A_245 = arith.constant 0 : i32
    %dma_start3A_246 = tpu.memref_slice %arg4[%squeeze3A_236, %dma_start3A_245] : memref<1000000x32xf32, #tpu.memory_space<hbm>> -> memref<1x32xf32, #tpu.memory_space<hbm>>
    tpu.enqueue_dma source(%dma_start3A_246 : memref<1x32xf32, #tpu.memory_space<hbm>>) target(%dma_start3A_244 : memref<1x32xf32, #tpu.memory_space<vmem>>) target_semaphore(%arg18 : memref<!tpu.dma_semaphore, #tpu.memory_space<semaphore_mem>>)
    %slice3A_247 = vector.extract_strided_slice %get3A_21 {offsets = [9], sizes = [1], strides = [1]} : vector<16xi32> to vector<1xi32>
    %squeeze3A_248 = vector.extract %slice3A_247[0] : i32 from vector<1xi32>
    %dma_start3A_249 = arith.constant 9 : i32
    %dma_start3A_250 = arith.constant 0 : i32
    %dma_start3A_251 = tpu.memref_slice %arg13[%dma_start3A_249, %dma_start3A_250] : memref<16x32xf32, #tpu.memory_space<vmem>> -> memref<1x32xf32, #tpu.memory_space<vmem>>
    %dma_start3A_252 = arith.constant 0 : i32
    %dma_start3A_253 = tpu.memref_slice %arg5[%squeeze3A_248, %dma_start3A_252] : memref<100000x32xf32, #tpu.memory_space<hbm>> -> memref<1x32xf32, #tpu.memory_space<hbm>>
    %dma_start3A_254 = arith.constant 9 : i32
    %dma_start3A_255 = arith.constant 0 : i32
    %dma_start3A_256 = tpu.memref_slice %arg13[%dma_start3A_254, %dma_start3A_255] : memref<16x32xf32, #tpu.memory_space<vmem>> -> memref<1x32xf32, #tpu.memory_space<vmem>>
    %dma_start3A_257 = arith.constant 0 : i32
    %dma_start3A_258 = tpu.memref_slice %arg5[%squeeze3A_248, %dma_start3A_257] : memref<100000x32xf32, #tpu.memory_space<hbm>> -> memref<1x32xf32, #tpu.memory_space<hbm>>
    tpu.enqueue_dma source(%dma_start3A_258 : memref<1x32xf32, #tpu.memory_space<hbm>>) target(%dma_start3A_256 : memref<1x32xf32, #tpu.memory_space<vmem>>) target_semaphore(%arg18 : memref<!tpu.dma_semaphore, #tpu.memory_space<semaphore_mem>>)
    %slice3A_259 = vector.extract_strided_slice %get3A_16 {offsets = [10], sizes = [1], strides = [1]} : vector<16xi32> to vector<1xi32>
    %squeeze3A_260 = vector.extract %slice3A_259[0] : i32 from vector<1xi32>
    %dma_start3A_261 = arith.constant 10 : i32
    %dma_start3A_262 = arith.constant 0 : i32
    %dma_start3A_263 = tpu.memref_slice %arg11[%dma_start3A_261, %dma_start3A_262] : memref<16x32xf32, #tpu.memory_space<vmem>> -> memref<1x32xf32, #tpu.memory_space<vmem>>
    %dma_start3A_264 = arith.constant 0 : i32
    %dma_start3A_265 = tpu.memref_slice %arg4[%squeeze3A_260, %dma_start3A_264] : memref<1000000x32xf32, #tpu.memory_space<hbm>> -> memref<1x32xf32, #tpu.memory_space<hbm>>
    %dma_start3A_266 = arith.constant 10 : i32
    %dma_start3A_267 = arith.constant 0 : i32
    %dma_start3A_268 = tpu.memref_slice %arg11[%dma_start3A_266, %dma_start3A_267] : memref<16x32xf32, #tpu.memory_space<vmem>> -> memref<1x32xf32, #tpu.memory_space<vmem>>
    %dma_start3A_269 = arith.constant 0 : i32
    %dma_start3A_270 = tpu.memref_slice %arg4[%squeeze3A_260, %dma_start3A_269] : memref<1000000x32xf32, #tpu.memory_space<hbm>> -> memref<1x32xf32, #tpu.memory_space<hbm>>
    tpu.enqueue_dma source(%dma_start3A_270 : memref<1x32xf32, #tpu.memory_space<hbm>>) target(%dma_start3A_268 : memref<1x32xf32, #tpu.memory_space<vmem>>) target_semaphore(%arg18 : memref<!tpu.dma_semaphore, #tpu.memory_space<semaphore_mem>>)
    %slice3A_271 = vector.extract_strided_slice %get3A_21 {offsets = [10], sizes = [1], strides = [1]} : vector<16xi32> to vector<1xi32>
    %squeeze3A_272 = vector.extract %slice3A_271[0] : i32 from vector<1xi32>
    %dma_start3A_273 = arith.constant 10 : i32
    %dma_start3A_274 = arith.constant 0 : i32
    %dma_start3A_275 = tpu.memref_slice %arg13[%dma_start3A_273, %dma_start3A_274] : memref<16x32xf32, #tpu.memory_space<vmem>> -> memref<1x32xf32, #tpu.memory_space<vmem>>
    %dma_start3A_276 = arith.constant 0 : i32
    %dma_start3A_277 = tpu.memref_slice %arg5[%squeeze3A_272, %dma_start3A_276] : memref<100000x32xf32, #tpu.memory_space<hbm>> -> memref<1x32xf32, #tpu.memory_space<hbm>>
    %dma_start3A_278 = arith.constant 10 : i32
    %dma_start3A_279 = arith.constant 0 : i32
    %dma_start3A_280 = tpu.memref_slice %arg13[%dma_start3A_278, %dma_start3A_279] : memref<16x32xf32, #tpu.memory_space<vmem>> -> memref<1x32xf32, #tpu.memory_space<vmem>>
    %dma_start3A_281 = arith.constant 0 : i32
    %dma_start3A_282 = tpu.memref_slice %arg5[%squeeze3A_272, %dma_start3A_281] : memref<100000x32xf32, #tpu.memory_space<hbm>> -> memref<1x32xf32, #tpu.memory_space<hbm>>
    tpu.enqueue_dma source(%dma_start3A_282 : memref<1x32xf32, #tpu.memory_space<hbm>>) target(%dma_start3A_280 : memref<1x32xf32, #tpu.memory_space<vmem>>) target_semaphore(%arg18 : memref<!tpu.dma_semaphore, #tpu.memory_space<semaphore_mem>>)
    %slice3A_283 = vector.extract_strided_slice %get3A_16 {offsets = [11], sizes = [1], strides = [1]} : vector<16xi32> to vector<1xi32>
    %squeeze3A_284 = vector.extract %slice3A_283[0] : i32 from vector<1xi32>
    %dma_start3A_285 = arith.constant 11 : i32
    %dma_start3A_286 = arith.constant 0 : i32
    %dma_start3A_287 = tpu.memref_slice %arg11[%dma_start3A_285, %dma_start3A_286] : memref<16x32xf32, #tpu.memory_space<vmem>> -> memref<1x32xf32, #tpu.memory_space<vmem>>
    %dma_start3A_288 = arith.constant 0 : i32
    %dma_start3A_289 = tpu.memref_slice %arg4[%squeeze3A_284, %dma_start3A_288] : memref<1000000x32xf32, #tpu.memory_space<hbm>> -> memref<1x32xf32, #tpu.memory_space<hbm>>
    %dma_start3A_290 = arith.constant 11 : i32
    %dma_start3A_291 = arith.constant 0 : i32
    %dma_start3A_292 = tpu.memref_slice %arg11[%dma_start3A_290, %dma_start3A_291] : memref<16x32xf32, #tpu.memory_space<vmem>> -> memref<1x32xf32, #tpu.memory_space<vmem>>
    %dma_start3A_293 = arith.constant 0 : i32
    %dma_start3A_294 = tpu.memref_slice %arg4[%squeeze3A_284, %dma_start3A_293] : memref<1000000x32xf32, #tpu.memory_space<hbm>> -> memref<1x32xf32, #tpu.memory_space<hbm>>
    tpu.enqueue_dma source(%dma_start3A_294 : memref<1x32xf32, #tpu.memory_space<hbm>>) target(%dma_start3A_292 : memref<1x32xf32, #tpu.memory_space<vmem>>) target_semaphore(%arg18 : memref<!tpu.dma_semaphore, #tpu.memory_space<semaphore_mem>>)
    %slice3A_295 = vector.extract_strided_slice %get3A_21 {offsets = [11], sizes = [1], strides = [1]} : vector<16xi32> to vector<1xi32>
    %squeeze3A_296 = vector.extract %slice3A_295[0] : i32 from vector<1xi32>
    %dma_start3A_297 = arith.constant 11 : i32
    %dma_start3A_298 = arith.constant 0 : i32
    %dma_start3A_299 = tpu.memref_slice %arg13[%dma_start3A_297, %dma_start3A_298] : memref<16x32xf32, #tpu.memory_space<vmem>> -> memref<1x32xf32, #tpu.memory_space<vmem>>
    %dma_start3A_300 = arith.constant 0 : i32
    %dma_start3A_301 = tpu.memref_slice %arg5[%squeeze3A_296, %dma_start3A_300] : memref<100000x32xf32, #tpu.memory_space<hbm>> -> memref<1x32xf32, #tpu.memory_space<hbm>>
    %dma_start3A_302 = arith.constant 11 : i32
    %dma_start3A_303 = arith.constant 0 : i32
    %dma_start3A_304 = tpu.memref_slice %arg13[%dma_start3A_302, %dma_start3A_303] : memref<16x32xf32, #tpu.memory_space<vmem>> -> memref<1x32xf32, #tpu.memory_space<vmem>>
    %dma_start3A_305 = arith.constant 0 : i32
    %dma_start3A_306 = tpu.memref_slice %arg5[%squeeze3A_296, %dma_start3A_305] : memref<100000x32xf32, #tpu.memory_space<hbm>> -> memref<1x32xf32, #tpu.memory_space<hbm>>
    tpu.enqueue_dma source(%dma_start3A_306 : memref<1x32xf32, #tpu.memory_space<hbm>>) target(%dma_start3A_304 : memref<1x32xf32, #tpu.memory_space<vmem>>) target_semaphore(%arg18 : memref<!tpu.dma_semaphore, #tpu.memory_space<semaphore_mem>>)
    %slice3A_307 = vector.extract_strided_slice %get3A_16 {offsets = [12], sizes = [1], strides = [1]} : vector<16xi32> to vector<1xi32>
    %squeeze3A_308 = vector.extract %slice3A_307[0] : i32 from vector<1xi32>
    %dma_start3A_309 = arith.constant 12 : i32
    %dma_start3A_310 = arith.constant 0 : i32
    %dma_start3A_311 = tpu.memref_slice %arg11[%dma_start3A_309, %dma_start3A_310] : memref<16x32xf32, #tpu.memory_space<vmem>> -> memref<1x32xf32, #tpu.memory_space<vmem>>
    %dma_start3A_312 = arith.constant 0 : i32
    %dma_start3A_313 = tpu.memref_slice %arg4[%squeeze3A_308, %dma_start3A_312] : memref<1000000x32xf32, #tpu.memory_space<hbm>> -> memref<1x32xf32, #tpu.memory_space<hbm>>
    %dma_start3A_314 = arith.constant 12 : i32
    %dma_start3A_315 = arith.constant 0 : i32
    %dma_start3A_316 = tpu.memref_slice %arg11[%dma_start3A_314, %dma_start3A_315] : memref<16x32xf32, #tpu.memory_space<vmem>> -> memref<1x32xf32, #tpu.memory_space<vmem>>
    %dma_start3A_317 = arith.constant 0 : i32
    %dma_start3A_318 = tpu.memref_slice %arg4[%squeeze3A_308, %dma_start3A_317] : memref<1000000x32xf32, #tpu.memory_space<hbm>> -> memref<1x32xf32, #tpu.memory_space<hbm>>
    tpu.enqueue_dma source(%dma_start3A_318 : memref<1x32xf32, #tpu.memory_space<hbm>>) target(%dma_start3A_316 : memref<1x32xf32, #tpu.memory_space<vmem>>) target_semaphore(%arg18 : memref<!tpu.dma_semaphore, #tpu.memory_space<semaphore_mem>>)
    %slice3A_319 = vector.extract_strided_slice %get3A_21 {offsets = [12], sizes = [1], strides = [1]} : vector<16xi32> to vector<1xi32>
    %squeeze3A_320 = vector.extract %slice3A_319[0] : i32 from vector<1xi32>
    %dma_start3A_321 = arith.constant 12 : i32
    %dma_start3A_322 = arith.constant 0 : i32
    %dma_start3A_323 = tpu.memref_slice %arg13[%dma_start3A_321, %dma_start3A_322] : memref<16x32xf32, #tpu.memory_space<vmem>> -> memref<1x32xf32, #tpu.memory_space<vmem>>
    %dma_start3A_324 = arith.constant 0 : i32
    %dma_start3A_325 = tpu.memref_slice %arg5[%squeeze3A_320, %dma_start3A_324] : memref<100000x32xf32, #tpu.memory_space<hbm>> -> memref<1x32xf32, #tpu.memory_space<hbm>>
    %dma_start3A_326 = arith.constant 12 : i32
    %dma_start3A_327 = arith.constant 0 : i32
    %dma_start3A_328 = tpu.memref_slice %arg13[%dma_start3A_326, %dma_start3A_327] : memref<16x32xf32, #tpu.memory_space<vmem>> -> memref<1x32xf32, #tpu.memory_space<vmem>>
    %dma_start3A_329 = arith.constant 0 : i32
    %dma_start3A_330 = tpu.memref_slice %arg5[%squeeze3A_320, %dma_start3A_329] : memref<100000x32xf32, #tpu.memory_space<hbm>> -> memref<1x32xf32, #tpu.memory_space<hbm>>
    tpu.enqueue_dma source(%dma_start3A_330 : memref<1x32xf32, #tpu.memory_space<hbm>>) target(%dma_start3A_328 : memref<1x32xf32, #tpu.memory_space<vmem>>) target_semaphore(%arg18 : memref<!tpu.dma_semaphore, #tpu.memory_space<semaphore_mem>>)
    %slice3A_331 = vector.extract_strided_slice %get3A_16 {offsets = [13], sizes = [1], strides = [1]} : vector<16xi32> to vector<1xi32>
    %squeeze3A_332 = vector.extract %slice3A_331[0] : i32 from vector<1xi32>
    %dma_start3A_333 = arith.constant 13 : i32
    %dma_start3A_334 = arith.constant 0 : i32
    %dma_start3A_335 = tpu.memref_slice %arg11[%dma_start3A_333, %dma_start3A_334] : memref<16x32xf32, #tpu.memory_space<vmem>> -> memref<1x32xf32, #tpu.memory_space<vmem>>
    %dma_start3A_336 = arith.constant 0 : i32
    %dma_start3A_337 = tpu.memref_slice %arg4[%squeeze3A_332, %dma_start3A_336] : memref<1000000x32xf32, #tpu.memory_space<hbm>> -> memref<1x32xf32, #tpu.memory_space<hbm>>
    %dma_start3A_338 = arith.constant 13 : i32
    %dma_start3A_339 = arith.constant 0 : i32
    %dma_start3A_340 = tpu.memref_slice %arg11[%dma_start3A_338, %dma_start3A_339] : memref<16x32xf32, #tpu.memory_space<vmem>> -> memref<1x32xf32, #tpu.memory_space<vmem>>
    %dma_start3A_341 = arith.constant 0 : i32
    %dma_start3A_342 = tpu.memref_slice %arg4[%squeeze3A_332, %dma_start3A_341] : memref<1000000x32xf32, #tpu.memory_space<hbm>> -> memref<1x32xf32, #tpu.memory_space<hbm>>
    tpu.enqueue_dma source(%dma_start3A_342 : memref<1x32xf32, #tpu.memory_space<hbm>>) target(%dma_start3A_340 : memref<1x32xf32, #tpu.memory_space<vmem>>) target_semaphore(%arg18 : memref<!tpu.dma_semaphore, #tpu.memory_space<semaphore_mem>>)
    %slice3A_343 = vector.extract_strided_slice %get3A_21 {offsets = [13], sizes = [1], strides = [1]} : vector<16xi32> to vector<1xi32>
    %squeeze3A_344 = vector.extract %slice3A_343[0] : i32 from vector<1xi32>
    %dma_start3A_345 = arith.constant 13 : i32
    %dma_start3A_346 = arith.constant 0 : i32
    %dma_start3A_347 = tpu.memref_slice %arg13[%dma_start3A_345, %dma_start3A_346] : memref<16x32xf32, #tpu.memory_space<vmem>> -> memref<1x32xf32, #tpu.memory_space<vmem>>
    %dma_start3A_348 = arith.constant 0 : i32
    %dma_start3A_349 = tpu.memref_slice %arg5[%squeeze3A_344, %dma_start3A_348] : memref<100000x32xf32, #tpu.memory_space<hbm>> -> memref<1x32xf32, #tpu.memory_space<hbm>>
    %dma_start3A_350 = arith.constant 13 : i32
    %dma_start3A_351 = arith.constant 0 : i32
    %dma_start3A_352 = tpu.memref_slice %arg13[%dma_start3A_350, %dma_start3A_351] : memref<16x32xf32, #tpu.memory_space<vmem>> -> memref<1x32xf32, #tpu.memory_space<vmem>>
    %dma_start3A_353 = arith.constant 0 : i32
    %dma_start3A_354 = tpu.memref_slice %arg5[%squeeze3A_344, %dma_start3A_353] : memref<100000x32xf32, #tpu.memory_space<hbm>> -> memref<1x32xf32, #tpu.memory_space<hbm>>
    tpu.enqueue_dma source(%dma_start3A_354 : memref<1x32xf32, #tpu.memory_space<hbm>>) target(%dma_start3A_352 : memref<1x32xf32, #tpu.memory_space<vmem>>) target_semaphore(%arg18 : memref<!tpu.dma_semaphore, #tpu.memory_space<semaphore_mem>>)
    %slice3A_355 = vector.extract_strided_slice %get3A_16 {offsets = [14], sizes = [1], strides = [1]} : vector<16xi32> to vector<1xi32>
    %squeeze3A_356 = vector.extract %slice3A_355[0] : i32 from vector<1xi32>
    %dma_start3A_357 = arith.constant 14 : i32
    %dma_start3A_358 = arith.constant 0 : i32
    %dma_start3A_359 = tpu.memref_slice %arg11[%dma_start3A_357, %dma_start3A_358] : memref<16x32xf32, #tpu.memory_space<vmem>> -> memref<1x32xf32, #tpu.memory_space<vmem>>
    %dma_start3A_360 = arith.constant 0 : i32
    %dma_start3A_361 = tpu.memref_slice %arg4[%squeeze3A_356, %dma_start3A_360] : memref<1000000x32xf32, #tpu.memory_space<hbm>> -> memref<1x32xf32, #tpu.memory_space<hbm>>
    %dma_start3A_362 = arith.constant 14 : i32
    %dma_start3A_363 = arith.constant 0 : i32
    %dma_start3A_364 = tpu.memref_slice %arg11[%dma_start3A_362, %dma_start3A_363] : memref<16x32xf32, #tpu.memory_space<vmem>> -> memref<1x32xf32, #tpu.memory_space<vmem>>
    %dma_start3A_365 = arith.constant 0 : i32
    %dma_start3A_366 = tpu.memref_slice %arg4[%squeeze3A_356, %dma_start3A_365] : memref<1000000x32xf32, #tpu.memory_space<hbm>> -> memref<1x32xf32, #tpu.memory_space<hbm>>
    tpu.enqueue_dma source(%dma_start3A_366 : memref<1x32xf32, #tpu.memory_space<hbm>>) target(%dma_start3A_364 : memref<1x32xf32, #tpu.memory_space<vmem>>) target_semaphore(%arg18 : memref<!tpu.dma_semaphore, #tpu.memory_space<semaphore_mem>>)
    %slice3A_367 = vector.extract_strided_slice %get3A_21 {offsets = [14], sizes = [1], strides = [1]} : vector<16xi32> to vector<1xi32>
    %squeeze3A_368 = vector.extract %slice3A_367[0] : i32 from vector<1xi32>
    %dma_start3A_369 = arith.constant 14 : i32
    %dma_start3A_370 = arith.constant 0 : i32
    %dma_start3A_371 = tpu.memref_slice %arg13[%dma_start3A_369, %dma_start3A_370] : memref<16x32xf32, #tpu.memory_space<vmem>> -> memref<1x32xf32, #tpu.memory_space<vmem>>
    %dma_start3A_372 = arith.constant 0 : i32
    %dma_start3A_373 = tpu.memref_slice %arg5[%squeeze3A_368, %dma_start3A_372] : memref<100000x32xf32, #tpu.memory_space<hbm>> -> memref<1x32xf32, #tpu.memory_space<hbm>>
    %dma_start3A_374 = arith.constant 14 : i32
    %dma_start3A_375 = arith.constant 0 : i32
    %dma_start3A_376 = tpu.memref_slice %arg13[%dma_start3A_374, %dma_start3A_375] : memref<16x32xf32, #tpu.memory_space<vmem>> -> memref<1x32xf32, #tpu.memory_space<vmem>>
    %dma_start3A_377 = arith.constant 0 : i32
    %dma_start3A_378 = tpu.memref_slice %arg5[%squeeze3A_368, %dma_start3A_377] : memref<100000x32xf32, #tpu.memory_space<hbm>> -> memref<1x32xf32, #tpu.memory_space<hbm>>
    tpu.enqueue_dma source(%dma_start3A_378 : memref<1x32xf32, #tpu.memory_space<hbm>>) target(%dma_start3A_376 : memref<1x32xf32, #tpu.memory_space<vmem>>) target_semaphore(%arg18 : memref<!tpu.dma_semaphore, #tpu.memory_space<semaphore_mem>>)
    %slice3A_379 = vector.extract_strided_slice %get3A_16 {offsets = [15], sizes = [1], strides = [1]} : vector<16xi32> to vector<1xi32>
    %squeeze3A_380 = vector.extract %slice3A_379[0] : i32 from vector<1xi32>
    %dma_start3A_381 = arith.constant 15 : i32
    %dma_start3A_382 = arith.constant 0 : i32
    %dma_start3A_383 = tpu.memref_slice %arg11[%dma_start3A_381, %dma_start3A_382] : memref<16x32xf32, #tpu.memory_space<vmem>> -> memref<1x32xf32, #tpu.memory_space<vmem>>
    %dma_start3A_384 = arith.constant 0 : i32
    %dma_start3A_385 = tpu.memref_slice %arg4[%squeeze3A_380, %dma_start3A_384] : memref<1000000x32xf32, #tpu.memory_space<hbm>> -> memref<1x32xf32, #tpu.memory_space<hbm>>
    %dma_start3A_386 = arith.constant 15 : i32
    %dma_start3A_387 = arith.constant 0 : i32
    %dma_start3A_388 = tpu.memref_slice %arg11[%dma_start3A_386, %dma_start3A_387] : memref<16x32xf32, #tpu.memory_space<vmem>> -> memref<1x32xf32, #tpu.memory_space<vmem>>
    %dma_start3A_389 = arith.constant 0 : i32
    %dma_start3A_390 = tpu.memref_slice %arg4[%squeeze3A_380, %dma_start3A_389] : memref<1000000x32xf32, #tpu.memory_space<hbm>> -> memref<1x32xf32, #tpu.memory_space<hbm>>
    tpu.enqueue_dma source(%dma_start3A_390 : memref<1x32xf32, #tpu.memory_space<hbm>>) target(%dma_start3A_388 : memref<1x32xf32, #tpu.memory_space<vmem>>) target_semaphore(%arg18 : memref<!tpu.dma_semaphore, #tpu.memory_space<semaphore_mem>>)
    %slice3A_391 = vector.extract_strided_slice %get3A_21 {offsets = [15], sizes = [1], strides = [1]} : vector<16xi32> to vector<1xi32>
    %squeeze3A_392 = vector.extract %slice3A_391[0] : i32 from vector<1xi32>
    %dma_start3A_393 = arith.constant 15 : i32
    %dma_start3A_394 = arith.constant 0 : i32
    %dma_start3A_395 = tpu.memref_slice %arg13[%dma_start3A_393, %dma_start3A_394] : memref<16x32xf32, #tpu.memory_space<vmem>> -> memref<1x32xf32, #tpu.memory_space<vmem>>
    %dma_start3A_396 = arith.constant 0 : i32
    %dma_start3A_397 = tpu.memref_slice %arg5[%squeeze3A_392, %dma_start3A_396] : memref<100000x32xf32, #tpu.memory_space<hbm>> -> memref<1x32xf32, #tpu.memory_space<hbm>>
    %dma_start3A_398 = arith.constant 15 : i32
    %dma_start3A_399 = arith.constant 0 : i32
    %dma_start3A_400 = tpu.memref_slice %arg13[%dma_start3A_398, %dma_start3A_399] : memref<16x32xf32, #tpu.memory_space<vmem>> -> memref<1x32xf32, #tpu.memory_space<vmem>>
    %dma_start3A_401 = arith.constant 0 : i32
    %dma_start3A_402 = tpu.memref_slice %arg5[%squeeze3A_392, %dma_start3A_401] : memref<100000x32xf32, #tpu.memory_space<hbm>> -> memref<1x32xf32, #tpu.memory_space<hbm>>
    tpu.enqueue_dma source(%dma_start3A_402 : memref<1x32xf32, #tpu.memory_space<hbm>>) target(%dma_start3A_400 : memref<1x32xf32, #tpu.memory_space<vmem>>) target_semaphore(%arg18 : memref<!tpu.dma_semaphore, #tpu.memory_space<semaphore_mem>>)
    %scan3A = arith.constant 0 : i32
    %scan3A_403 = arith.constant 0 : i32
    %scan3A_404 = arith.constant 16 : i32
    %scan3A_405 = arith.addi %scan3A_403, %scan3A_404 : i32
    %scan3A_406 = arith.constant 1 : i32
    scf.for %scan3A_410 = %scan3A_403 to %scan3A_405 step %scan3A_406  : i32 {
      %mul3A_411 = arith.constant 2 : i32
      %mul3A_412 = arith.muli %mul3A_411, %scan3A_410 : i32
      %add3A_413 = arith.constant 1 : i32
      %add3A_414 = arith.addi %mul3A_412, %add3A_413 : i32
      %mul3A_415 = arith.constant 16 : i32
      %mul3A_416 = arith.muli %add3A_414, %mul3A_415 : i32
      %get3A_417 = arith.constant 0 : i32
      %get3A_418 = arith.index_cast %get3A_417 : i32 to index
      %get3A_419 = arith.index_cast %mul3A_416 : i32 to index
      %get3A_420 = tpu.vector_load %arg9[%get3A_418, %get3A_419] {strides = array<i32>} : memref<1x512xi32, #tpu.memory_space<vmem>>, vector<1x16xi32>,
      %get3A_421 = vector.shape_cast %get3A_420 : vector<1x16xi32> to vector<16xi32>
      %mul3A_422 = arith.constant 16 : i32
      %mul3A_423 = arith.muli %add3A_414, %mul3A_422 : i32
      %get3A_424 = arith.constant 0 : i32
      %get3A_425 = arith.index_cast %get3A_424 : i32 to index
      %get3A_426 = arith.index_cast %mul3A_423 : i32 to index
      %get3A_427 = tpu.vector_load %arg10[%get3A_425, %get3A_426] {strides = array<i32>} : memref<1x512xi32, #tpu.memory_space<vmem>>, vector<1x16xi32>,
      %get3A_428 = vector.shape_cast %get3A_427 : vector<1x16xi32> to vector<16xi32>
      %slice3A_429 = vector.extract_strided_slice %get3A_421 {offsets = [0], sizes = [1], strides = [1]} : vector<16xi32> to vector<1xi32>
      %squeeze3A_430 = vector.extract %slice3A_429[0] : i32 from vector<1xi32>
      %dma_start3A_431 = arith.constant 0 : i32
      %dma_start3A_432 = arith.constant 0 : i32
      %dma_start3A_433 = tpu.memref_slice %arg12[%dma_start3A_431, %dma_start3A_432] : memref<16x32xf32, #tpu.memory_space<vmem>> -> memref<1x32xf32, #tpu.memory_space<vmem>>
      %dma_start3A_434 = arith.constant 0 : i32
      %dma_start3A_435 = tpu.memref_slice %arg4[%squeeze3A_430, %dma_start3A_434] : memref<1000000x32xf32, #tpu.memory_space<hbm>> -> memref<1x32xf32, #tpu.memory_space<hbm>>
      %dma_start3A_436 = arith.constant 0 : i32
      %dma_start3A_437 = arith.constant 0 : i32
      %dma_start3A_438 = tpu.memref_slice %arg12[%dma_start3A_436, %dma_start3A_437] : memref<16x32xf32, #tpu.memory_space<vmem>> -> memref<1x32xf32, #tpu.memory_space<vmem>>
      %dma_start3A_439 = arith.constant 0 : i32
      %dma_start3A_440 = tpu.memref_slice %arg4[%squeeze3A_430, %dma_start3A_439] : memref<1000000x32xf32, #tpu.memory_space<hbm>> -> memref<1x32xf32, #tpu.memory_space<hbm>>
      tpu.enqueue_dma source(%dma_start3A_440 : memref<1x32xf32, #tpu.memory_space<hbm>>) target(%dma_start3A_438 : memref<1x32xf32, #tpu.memory_space<vmem>>) target_semaphore(%arg19 : memref<!tpu.dma_semaphore, #tpu.memory_space<semaphore_mem>>)
      %slice3A_441 = vector.extract_strided_slice %get3A_428 {offsets = [0], sizes = [1], strides = [1]} : vector<16xi32> to vector<1xi32>
      %squeeze3A_442 = vector.extract %slice3A_441[0] : i32 from vector<1xi32>
      %dma_start3A_443 = arith.constant 0 : i32
      %dma_start3A_444 = arith.constant 0 : i32
      %dma_start3A_445 = tpu.memref_slice %arg14[%dma_start3A_443, %dma_start3A_444] : memref<16x32xf32, #tpu.memory_space<vmem>> -> memref<1x32xf32, #tpu.memory_space<vmem>>
      %dma_start3A_446 = arith.constant 0 : i32
      %dma_start3A_447 = tpu.memref_slice %arg5[%squeeze3A_442, %dma_start3A_446] : memref<100000x32xf32, #tpu.memory_space<hbm>> -> memref<1x32xf32, #tpu.memory_space<hbm>>
      %dma_start3A_448 = arith.constant 0 : i32
      %dma_start3A_449 = arith.constant 0 : i32
      %dma_start3A_450 = tpu.memref_slice %arg14[%dma_start3A_448, %dma_start3A_449] : memref<16x32xf32, #tpu.memory_space<vmem>> -> memref<1x32xf32, #tpu.memory_space<vmem>>
      %dma_start3A_451 = arith.constant 0 : i32
      %dma_start3A_452 = tpu.memref_slice %arg5[%squeeze3A_442, %dma_start3A_451] : memref<100000x32xf32, #tpu.memory_space<hbm>> -> memref<1x32xf32, #tpu.memory_space<hbm>>
      tpu.enqueue_dma source(%dma_start3A_452 : memref<1x32xf32, #tpu.memory_space<hbm>>) target(%dma_start3A_450 : memref<1x32xf32, #tpu.memory_space<vmem>>) target_semaphore(%arg19 : memref<!tpu.dma_semaphore, #tpu.memory_space<semaphore_mem>>)
      %slice3A_453 = vector.extract_strided_slice %get3A_421 {offsets = [1], sizes = [1], strides = [1]} : vector<16xi32> to vector<1xi32>
      %squeeze3A_454 = vector.extract %slice3A_453[0] : i32 from vector<1xi32>
      %dma_start3A_455 = arith.constant 1 : i32
      %dma_start3A_456 = arith.constant 0 : i32
      %dma_start3A_457 = tpu.memref_slice %arg12[%dma_start3A_455, %dma_start3A_456] : memref<16x32xf32, #tpu.memory_space<vmem>> -> memref<1x32xf32, #tpu.memory_space<vmem>>
      %dma_start3A_458 = arith.constant 0 : i32
      %dma_start3A_459 = tpu.memref_slice %arg4[%squeeze3A_454, %dma_start3A_458] : memref<1000000x32xf32, #tpu.memory_space<hbm>> -> memref<1x32xf32, #tpu.memory_space<hbm>>
      %dma_start3A_460 = arith.constant 1 : i32
      %dma_start3A_461 = arith.constant 0 : i32
      %dma_start3A_462 = tpu.memref_slice %arg12[%dma_start3A_460, %dma_start3A_461] : memref<16x32xf32, #tpu.memory_space<vmem>> -> memref<1x32xf32, #tpu.memory_space<vmem>>
      %dma_start3A_463 = arith.constant 0 : i32
      %dma_start3A_464 = tpu.memref_slice %arg4[%squeeze3A_454, %dma_start3A_463] : memref<1000000x32xf32, #tpu.memory_space<hbm>> -> memref<1x32xf32, #tpu.memory_space<hbm>>
      tpu.enqueue_dma source(%dma_start3A_464 : memref<1x32xf32, #tpu.memory_space<hbm>>) target(%dma_start3A_462 : memref<1x32xf32, #tpu.memory_space<vmem>>) target_semaphore(%arg19 : memref<!tpu.dma_semaphore, #tpu.memory_space<semaphore_mem>>)
      %slice3A_465 = vector.extract_strided_slice %get3A_428 {offsets = [1], sizes = [1], strides = [1]} : vector<16xi32> to vector<1xi32>
      %squeeze3A_466 = vector.extract %slice3A_465[0] : i32 from vector<1xi32>
      %dma_start3A_467 = arith.constant 1 : i32
      %dma_start3A_468 = arith.constant 0 : i32
      %dma_start3A_469 = tpu.memref_slice %arg14[%dma_start3A_467, %dma_start3A_468] : memref<16x32xf32, #tpu.memory_space<vmem>> -> memref<1x32xf32, #tpu.memory_space<vmem>>
      %dma_start3A_470 = arith.constant 0 : i32
      %dma_start3A_471 = tpu.memref_slice %arg5[%squeeze3A_466, %dma_start3A_470] : memref<100000x32xf32, #tpu.memory_space<hbm>> -> memref<1x32xf32, #tpu.memory_space<hbm>>
      %dma_start3A_472 = arith.constant 1 : i32
      %dma_start3A_473 = arith.constant 0 : i32
      %dma_start3A_474 = tpu.memref_slice %arg14[%dma_start3A_472, %dma_start3A_473] : memref<16x32xf32, #tpu.memory_space<vmem>> -> memref<1x32xf32, #tpu.memory_space<vmem>>
      %dma_start3A_475 = arith.constant 0 : i32
      %dma_start3A_476 = tpu.memref_slice %arg5[%squeeze3A_466, %dma_start3A_475] : memref<100000x32xf32, #tpu.memory_space<hbm>> -> memref<1x32xf32, #tpu.memory_space<hbm>>
      tpu.enqueue_dma source(%dma_start3A_476 : memref<1x32xf32, #tpu.memory_space<hbm>>) target(%dma_start3A_474 : memref<1x32xf32, #tpu.memory_space<vmem>>) target_semaphore(%arg19 : memref<!tpu.dma_semaphore, #tpu.memory_space<semaphore_mem>>)
      %slice3A_477 = vector.extract_strided_slice %get3A_421 {offsets = [2], sizes = [1], strides = [1]} : vector<16xi32> to vector<1xi32>
      %squeeze3A_478 = vector.extract %slice3A_477[0] : i32 from vector<1xi32>
      %dma_start3A_479 = arith.constant 2 : i32
      %dma_start3A_480 = arith.constant 0 : i32
      %dma_start3A_481 = tpu.memref_slice %arg12[%dma_start3A_479, %dma_start3A_480] : memref<16x32xf32, #tpu.memory_space<vmem>> -> memref<1x32xf32, #tpu.memory_space<vmem>>
      %dma_start3A_482 = arith.constant 0 : i32
      %dma_start3A_483 = tpu.memref_slice %arg4[%squeeze3A_478, %dma_start3A_482] : memref<1000000x32xf32, #tpu.memory_space<hbm>> -> memref<1x32xf32, #tpu.memory_space<hbm>>
      %dma_start3A_484 = arith.constant 2 : i32
      %dma_start3A_485 = arith.constant 0 : i32
      %dma_start3A_486 = tpu.memref_slice %arg12[%dma_start3A_484, %dma_start3A_485] : memref<16x32xf32, #tpu.memory_space<vmem>> -> memref<1x32xf32, #tpu.memory_space<vmem>>
      %dma_start3A_487 = arith.constant 0 : i32
      %dma_start3A_488 = tpu.memref_slice %arg4[%squeeze3A_478, %dma_start3A_487] : memref<1000000x32xf32, #tpu.memory_space<hbm>> -> memref<1x32xf32, #tpu.memory_space<hbm>>
      tpu.enqueue_dma source(%dma_start3A_488 : memref<1x32xf32, #tpu.memory_space<hbm>>) target(%dma_start3A_486 : memref<1x32xf32, #tpu.memory_space<vmem>>) target_semaphore(%arg19 : memref<!tpu.dma_semaphore, #tpu.memory_space<semaphore_mem>>)
      %slice3A_489 = vector.extract_strided_slice %get3A_428 {offsets = [2], sizes = [1], strides = [1]} : vector<16xi32> to vector<1xi32>
      %squeeze3A_490 = vector.extract %slice3A_489[0] : i32 from vector<1xi32>
      %dma_start3A_491 = arith.constant 2 : i32
      %dma_start3A_492 = arith.constant 0 : i32
      %dma_start3A_493 = tpu.memref_slice %arg14[%dma_start3A_491, %dma_start3A_492] : memref<16x32xf32, #tpu.memory_space<vmem>> -> memref<1x32xf32, #tpu.memory_space<vmem>>
      %dma_start3A_494 = arith.constant 0 : i32
      %dma_start3A_495 = tpu.memref_slice %arg5[%squeeze3A_490, %dma_start3A_494] : memref<100000x32xf32, #tpu.memory_space<hbm>> -> memref<1x32xf32, #tpu.memory_space<hbm>>
      %dma_start3A_496 = arith.constant 2 : i32
      %dma_start3A_497 = arith.constant 0 : i32
      %dma_start3A_498 = tpu.memref_slice %arg14[%dma_start3A_496, %dma_start3A_497] : memref<16x32xf32, #tpu.memory_space<vmem>> -> memref<1x32xf32, #tpu.memory_space<vmem>>
      %dma_start3A_499 = arith.constant 0 : i32
      %dma_start3A_500 = tpu.memref_slice %arg5[%squeeze3A_490, %dma_start3A_499] : memref<100000x32xf32, #tpu.memory_space<hbm>> -> memref<1x32xf32, #tpu.memory_space<hbm>>
      tpu.enqueue_dma source(%dma_start3A_500 : memref<1x32xf32, #tpu.memory_space<hbm>>) target(%dma_start3A_498 : memref<1x32xf32, #tpu.memory_space<vmem>>) target_semaphore(%arg19 : memref<!tpu.dma_semaphore, #tpu.memory_space<semaphore_mem>>)
      %slice3A_501 = vector.extract_strided_slice %get3A_421 {offsets = [3], sizes = [1], strides = [1]} : vector<16xi32> to vector<1xi32>
      %squeeze3A_502 = vector.extract %slice3A_501[0] : i32 from vector<1xi32>
      %dma_start3A_503 = arith.constant 3 : i32
      %dma_start3A_504 = arith.constant 0 : i32
      %dma_start3A_505 = tpu.memref_slice %arg12[%dma_start3A_503, %dma_start3A_504] : memref<16x32xf32, #tpu.memory_space<vmem>> -> memref<1x32xf32, #tpu.memory_space<vmem>>
      %dma_start3A_506 = arith.constant 0 : i32
      %dma_start3A_507 = tpu.memref_slice %arg4[%squeeze3A_502, %dma_start3A_506] : memref<1000000x32xf32, #tpu.memory_space<hbm>> -> memref<1x32xf32, #tpu.memory_space<hbm>>
      %dma_start3A_508 = arith.constant 3 : i32
      %dma_start3A_509 = arith.constant 0 : i32
      %dma_start3A_510 = tpu.memref_slice %arg12[%dma_start3A_508, %dma_start3A_509] : memref<16x32xf32, #tpu.memory_space<vmem>> -> memref<1x32xf32, #tpu.memory_space<vmem>>
      %dma_start3A_511 = arith.constant 0 : i32
      %dma_start3A_512 = tpu.memref_slice %arg4[%squeeze3A_502, %dma_start3A_511] : memref<1000000x32xf32, #tpu.memory_space<hbm>> -> memref<1x32xf32, #tpu.memory_space<hbm>>
      tpu.enqueue_dma source(%dma_start3A_512 : memref<1x32xf32, #tpu.memory_space<hbm>>) target(%dma_start3A_510 : memref<1x32xf32, #tpu.memory_space<vmem>>) target_semaphore(%arg19 : memref<!tpu.dma_semaphore, #tpu.memory_space<semaphore_mem>>)
      %slice3A_513 = vector.extract_strided_slice %get3A_428 {offsets = [3], sizes = [1], strides = [1]} : vector<16xi32> to vector<1xi32>
      %squeeze3A_514 = vector.extract %slice3A_513[0] : i32 from vector<1xi32>
      %dma_start3A_515 = arith.constant 3 : i32
      %dma_start3A_516 = arith.constant 0 : i32
      %dma_start3A_517 = tpu.memref_slice %arg14[%dma_start3A_515, %dma_start3A_516] : memref<16x32xf32, #tpu.memory_space<vmem>> -> memref<1x32xf32, #tpu.memory_space<vmem>>
      %dma_start3A_518 = arith.constant 0 : i32
      %dma_start3A_519 = tpu.memref_slice %arg5[%squeeze3A_514, %dma_start3A_518] : memref<100000x32xf32, #tpu.memory_space<hbm>> -> memref<1x32xf32, #tpu.memory_space<hbm>>
      %dma_start3A_520 = arith.constant 3 : i32
      %dma_start3A_521 = arith.constant 0 : i32
      %dma_start3A_522 = tpu.memref_slice %arg14[%dma_start3A_520, %dma_start3A_521] : memref<16x32xf32, #tpu.memory_space<vmem>> -> memref<1x32xf32, #tpu.memory_space<vmem>>
      %dma_start3A_523 = arith.constant 0 : i32
      %dma_start3A_524 = tpu.memref_slice %arg5[%squeeze3A_514, %dma_start3A_523] : memref<100000x32xf32, #tpu.memory_space<hbm>> -> memref<1x32xf32, #tpu.memory_space<hbm>>
      tpu.enqueue_dma source(%dma_start3A_524 : memref<1x32xf32, #tpu.memory_space<hbm>>) target(%dma_start3A_522 : memref<1x32xf32, #tpu.memory_space<vmem>>) target_semaphore(%arg19 : memref<!tpu.dma_semaphore, #tpu.memory_space<semaphore_mem>>)
      %slice3A_525 = vector.extract_strided_slice %get3A_421 {offsets = [4], sizes = [1], strides = [1]} : vector<16xi32> to vector<1xi32>
      %squeeze3A_526 = vector.extract %slice3A_525[0] : i32 from vector<1xi32>
      %dma_start3A_527 = arith.constant 4 : i32
      %dma_start3A_528 = arith.constant 0 : i32
      %dma_start3A_529 = tpu.memref_slice %arg12[%dma_start3A_527, %dma_start3A_528] : memref<16x32xf32, #tpu.memory_space<vmem>> -> memref<1x32xf32, #tpu.memory_space<vmem>>
      %dma_start3A_530 = arith.constant 0 : i32
      %dma_start3A_531 = tpu.memref_slice %arg4[%squeeze3A_526, %dma_start3A_530] : memref<1000000x32xf32, #tpu.memory_space<hbm>> -> memref<1x32xf32, #tpu.memory_space<hbm>>
      %dma_start3A_532 = arith.constant 4 : i32
      %dma_start3A_533 = arith.constant 0 : i32
      %dma_start3A_534 = tpu.memref_slice %arg12[%dma_start3A_532, %dma_start3A_533] : memref<16x32xf32, #tpu.memory_space<vmem>> -> memref<1x32xf32, #tpu.memory_space<vmem>>
      %dma_start3A_535 = arith.constant 0 : i32
      %dma_start3A_536 = tpu.memref_slice %arg4[%squeeze3A_526, %dma_start3A_535] : memref<1000000x32xf32, #tpu.memory_space<hbm>> -> memref<1x32xf32, #tpu.memory_space<hbm>>
      tpu.enqueue_dma source(%dma_start3A_536 : memref<1x32xf32, #tpu.memory_space<hbm>>) target(%dma_start3A_534 : memref<1x32xf32, #tpu.memory_space<vmem>>) target_semaphore(%arg19 : memref<!tpu.dma_semaphore, #tpu.memory_space<semaphore_mem>>)
      %slice3A_537 = vector.extract_strided_slice %get3A_428 {offsets = [4], sizes = [1], strides = [1]} : vector<16xi32> to vector<1xi32>
      %squeeze3A_538 = vector.extract %slice3A_537[0] : i32 from vector<1xi32>
      %dma_start3A_539 = arith.constant 4 : i32
      %dma_start3A_540 = arith.constant 0 : i32
      %dma_start3A_541 = tpu.memref_slice %arg14[%dma_start3A_539, %dma_start3A_540] : memref<16x32xf32, #tpu.memory_space<vmem>> -> memref<1x32xf32, #tpu.memory_space<vmem>>
      %dma_start3A_542 = arith.constant 0 : i32
      %dma_start3A_543 = tpu.memref_slice %arg5[%squeeze3A_538, %dma_start3A_542] : memref<100000x32xf32, #tpu.memory_space<hbm>> -> memref<1x32xf32, #tpu.memory_space<hbm>>
      %dma_start3A_544 = arith.constant 4 : i32
      %dma_start3A_545 = arith.constant 0 : i32
      %dma_start3A_546 = tpu.memref_slice %arg14[%dma_start3A_544, %dma_start3A_545] : memref<16x32xf32, #tpu.memory_space<vmem>> -> memref<1x32xf32, #tpu.memory_space<vmem>>
      %dma_start3A_547 = arith.constant 0 : i32
      %dma_start3A_548 = tpu.memref_slice %arg5[%squeeze3A_538, %dma_start3A_547] : memref<100000x32xf32, #tpu.memory_space<hbm>> -> memref<1x32xf32, #tpu.memory_space<hbm>>
      tpu.enqueue_dma source(%dma_start3A_548 : memref<1x32xf32, #tpu.memory_space<hbm>>) target(%dma_start3A_546 : memref<1x32xf32, #tpu.memory_space<vmem>>) target_semaphore(%arg19 : memref<!tpu.dma_semaphore, #tpu.memory_space<semaphore_mem>>)
      %slice3A_549 = vector.extract_strided_slice %get3A_421 {offsets = [5], sizes = [1], strides = [1]} : vector<16xi32> to vector<1xi32>
      %squeeze3A_550 = vector.extract %slice3A_549[0] : i32 from vector<1xi32>
      %dma_start3A_551 = arith.constant 5 : i32
      %dma_start3A_552 = arith.constant 0 : i32
      %dma_start3A_553 = tpu.memref_slice %arg12[%dma_start3A_551, %dma_start3A_552] : memref<16x32xf32, #tpu.memory_space<vmem>> -> memref<1x32xf32, #tpu.memory_space<vmem>>
      %dma_start3A_554 = arith.constant 0 : i32
      %dma_start3A_555 = tpu.memref_slice %arg4[%squeeze3A_550, %dma_start3A_554] : memref<1000000x32xf32, #tpu.memory_space<hbm>> -> memref<1x32xf32, #tpu.memory_space<hbm>>
      %dma_start3A_556 = arith.constant 5 : i32
      %dma_start3A_557 = arith.constant 0 : i32
      %dma_start3A_558 = tpu.memref_slice %arg12[%dma_start3A_556, %dma_start3A_557] : memref<16x32xf32, #tpu.memory_space<vmem>> -> memref<1x32xf32, #tpu.memory_space<vmem>>
      %dma_start3A_559 = arith.constant 0 : i32
      %dma_start3A_560 = tpu.memref_slice %arg4[%squeeze3A_550, %dma_start3A_559] : memref<1000000x32xf32, #tpu.memory_space<hbm>> -> memref<1x32xf32, #tpu.memory_space<hbm>>
      tpu.enqueue_dma source(%dma_start3A_560 : memref<1x32xf32, #tpu.memory_space<hbm>>) target(%dma_start3A_558 : memref<1x32xf32, #tpu.memory_space<vmem>>) target_semaphore(%arg19 : memref<!tpu.dma_semaphore, #tpu.memory_space<semaphore_mem>>)
      %slice3A_561 = vector.extract_strided_slice %get3A_428 {offsets = [5], sizes = [1], strides = [1]} : vector<16xi32> to vector<1xi32>
      %squeeze3A_562 = vector.extract %slice3A_561[0] : i32 from vector<1xi32>
      %dma_start3A_563 = arith.constant 5 : i32
      %dma_start3A_564 = arith.constant 0 : i32
      %dma_start3A_565 = tpu.memref_slice %arg14[%dma_start3A_563, %dma_start3A_564] : memref<16x32xf32, #tpu.memory_space<vmem>> -> memref<1x32xf32, #tpu.memory_space<vmem>>
      %dma_start3A_566 = arith.constant 0 : i32
      %dma_start3A_567 = tpu.memref_slice %arg5[%squeeze3A_562, %dma_start3A_566] : memref<100000x32xf32, #tpu.memory_space<hbm>> -> memref<1x32xf32, #tpu.memory_space<hbm>>
      %dma_start3A_568 = arith.constant 5 : i32
      %dma_start3A_569 = arith.constant 0 : i32
      %dma_start3A_570 = tpu.memref_slice %arg14[%dma_start3A_568, %dma_start3A_569] : memref<16x32xf32, #tpu.memory_space<vmem>> -> memref<1x32xf32, #tpu.memory_space<vmem>>
      %dma_start3A_571 = arith.constant 0 : i32
      %dma_start3A_572 = tpu.memref_slice %arg5[%squeeze3A_562, %dma_start3A_571] : memref<100000x32xf32, #tpu.memory_space<hbm>> -> memref<1x32xf32, #tpu.memory_space<hbm>>
      tpu.enqueue_dma source(%dma_start3A_572 : memref<1x32xf32, #tpu.memory_space<hbm>>) target(%dma_start3A_570 : memref<1x32xf32, #tpu.memory_space<vmem>>) target_semaphore(%arg19 : memref<!tpu.dma_semaphore, #tpu.memory_space<semaphore_mem>>)
      %slice3A_573 = vector.extract_strided_slice %get3A_421 {offsets = [6], sizes = [1], strides = [1]} : vector<16xi32> to vector<1xi32>
      %squeeze3A_574 = vector.extract %slice3A_573[0] : i32 from vector<1xi32>
      %dma_start3A_575 = arith.constant 6 : i32
      %dma_start3A_576 = arith.constant 0 : i32
      %dma_start3A_577 = tpu.memref_slice %arg12[%dma_start3A_575, %dma_start3A_576] : memref<16x32xf32, #tpu.memory_space<vmem>> -> memref<1x32xf32, #tpu.memory_space<vmem>>
      %dma_start3A_578 = arith.constant 0 : i32
      %dma_start3A_579 = tpu.memref_slice %arg4[%squeeze3A_574, %dma_start3A_578] : memref<1000000x32xf32, #tpu.memory_space<hbm>> -> memref<1x32xf32, #tpu.memory_space<hbm>>
      %dma_start3A_580 = arith.constant 6 : i32
      %dma_start3A_581 = arith.constant 0 : i32
      %dma_start3A_582 = tpu.memref_slice %arg12[%dma_start3A_580, %dma_start3A_581] : memref<16x32xf32, #tpu.memory_space<vmem>> -> memref<1x32xf32, #tpu.memory_space<vmem>>
      %dma_start3A_583 = arith.constant 0 : i32
      %dma_start3A_584 = tpu.memref_slice %arg4[%squeeze3A_574, %dma_start3A_583] : memref<1000000x32xf32, #tpu.memory_space<hbm>> -> memref<1x32xf32, #tpu.memory_space<hbm>>
      tpu.enqueue_dma source(%dma_start3A_584 : memref<1x32xf32, #tpu.memory_space<hbm>>) target(%dma_start3A_582 : memref<1x32xf32, #tpu.memory_space<vmem>>) target_semaphore(%arg19 : memref<!tpu.dma_semaphore, #tpu.memory_space<semaphore_mem>>)
      %slice3A_585 = vector.extract_strided_slice %get3A_428 {offsets = [6], sizes = [1], strides = [1]} : vector<16xi32> to vector<1xi32>
      %squeeze3A_586 = vector.extract %slice3A_585[0] : i32 from vector<1xi32>
      %dma_start3A_587 = arith.constant 6 : i32
      %dma_start3A_588 = arith.constant 0 : i32
      %dma_start3A_589 = tpu.memref_slice %arg14[%dma_start3A_587, %dma_start3A_588] : memref<16x32xf32, #tpu.memory_space<vmem>> -> memref<1x32xf32, #tpu.memory_space<vmem>>
      %dma_start3A_590 = arith.constant 0 : i32
      %dma_start3A_591 = tpu.memref_slice %arg5[%squeeze3A_586, %dma_start3A_590] : memref<100000x32xf32, #tpu.memory_space<hbm>> -> memref<1x32xf32, #tpu.memory_space<hbm>>
      %dma_start3A_592 = arith.constant 6 : i32
      %dma_start3A_593 = arith.constant 0 : i32
      %dma_start3A_594 = tpu.memref_slice %arg14[%dma_start3A_592, %dma_start3A_593] : memref<16x32xf32, #tpu.memory_space<vmem>> -> memref<1x32xf32, #tpu.memory_space<vmem>>
      %dma_start3A_595 = arith.constant 0 : i32
      %dma_start3A_596 = tpu.memref_slice %arg5[%squeeze3A_586, %dma_start3A_595] : memref<100000x32xf32, #tpu.memory_space<hbm>> -> memref<1x32xf32, #tpu.memory_space<hbm>>
      tpu.enqueue_dma source(%dma_start3A_596 : memref<1x32xf32, #tpu.memory_space<hbm>>) target(%dma_start3A_594 : memref<1x32xf32, #tpu.memory_space<vmem>>) target_semaphore(%arg19 : memref<!tpu.dma_semaphore, #tpu.memory_space<semaphore_mem>>)
      %slice3A_597 = vector.extract_strided_slice %get3A_421 {offsets = [7], sizes = [1], strides = [1]} : vector<16xi32> to vector<1xi32>
      %squeeze3A_598 = vector.extract %slice3A_597[0] : i32 from vector<1xi32>
      %dma_start3A_599 = arith.constant 7 : i32
      %dma_start3A_600 = arith.constant 0 : i32
      %dma_start3A_601 = tpu.memref_slice %arg12[%dma_start3A_599, %dma_start3A_600] : memref<16x32xf32, #tpu.memory_space<vmem>> -> memref<1x32xf32, #tpu.memory_space<vmem>>
      %dma_start3A_602 = arith.constant 0 : i32
      %dma_start3A_603 = tpu.memref_slice %arg4[%squeeze3A_598, %dma_start3A_602] : memref<1000000x32xf32, #tpu.memory_space<hbm>> -> memref<1x32xf32, #tpu.memory_space<hbm>>
      %dma_start3A_604 = arith.constant 7 : i32
      %dma_start3A_605 = arith.constant 0 : i32
      %dma_start3A_606 = tpu.memref_slice %arg12[%dma_start3A_604, %dma_start3A_605] : memref<16x32xf32, #tpu.memory_space<vmem>> -> memref<1x32xf32, #tpu.memory_space<vmem>>
      %dma_start3A_607 = arith.constant 0 : i32
      %dma_start3A_608 = tpu.memref_slice %arg4[%squeeze3A_598, %dma_start3A_607] : memref<1000000x32xf32, #tpu.memory_space<hbm>> -> memref<1x32xf32, #tpu.memory_space<hbm>>
      tpu.enqueue_dma source(%dma_start3A_608 : memref<1x32xf32, #tpu.memory_space<hbm>>) target(%dma_start3A_606 : memref<1x32xf32, #tpu.memory_space<vmem>>) target_semaphore(%arg19 : memref<!tpu.dma_semaphore, #tpu.memory_space<semaphore_mem>>)
      %slice3A_609 = vector.extract_strided_slice %get3A_428 {offsets = [7], sizes = [1], strides = [1]} : vector<16xi32> to vector<1xi32>
      %squeeze3A_610 = vector.extract %slice3A_609[0] : i32 from vector<1xi32>
      %dma_start3A_611 = arith.constant 7 : i32
      %dma_start3A_612 = arith.constant 0 : i32
      %dma_start3A_613 = tpu.memref_slice %arg14[%dma_start3A_611, %dma_start3A_612] : memref<16x32xf32, #tpu.memory_space<vmem>> -> memref<1x32xf32, #tpu.memory_space<vmem>>
      %dma_start3A_614 = arith.constant 0 : i32
      %dma_start3A_615 = tpu.memref_slice %arg5[%squeeze3A_610, %dma_start3A_614] : memref<100000x32xf32, #tpu.memory_space<hbm>> -> memref<1x32xf32, #tpu.memory_space<hbm>>
      %dma_start3A_616 = arith.constant 7 : i32
      %dma_start3A_617 = arith.constant 0 : i32
      %dma_start3A_618 = tpu.memref_slice %arg14[%dma_start3A_616, %dma_start3A_617] : memref<16x32xf32, #tpu.memory_space<vmem>> -> memref<1x32xf32, #tpu.memory_space<vmem>>
      %dma_start3A_619 = arith.constant 0 : i32
      %dma_start3A_620 = tpu.memref_slice %arg5[%squeeze3A_610, %dma_start3A_619] : memref<100000x32xf32, #tpu.memory_space<hbm>> -> memref<1x32xf32, #tpu.memory_space<hbm>>
      tpu.enqueue_dma source(%dma_start3A_620 : memref<1x32xf32, #tpu.memory_space<hbm>>) target(%dma_start3A_618 : memref<1x32xf32, #tpu.memory_space<vmem>>) target_semaphore(%arg19 : memref<!tpu.dma_semaphore, #tpu.memory_space<semaphore_mem>>)
      %slice3A_621 = vector.extract_strided_slice %get3A_421 {offsets = [8], sizes = [1], strides = [1]} : vector<16xi32> to vector<1xi32>
      %squeeze3A_622 = vector.extract %slice3A_621[0] : i32 from vector<1xi32>
      %dma_start3A_623 = arith.constant 8 : i32
      %dma_start3A_624 = arith.constant 0 : i32
      %dma_start3A_625 = tpu.memref_slice %arg12[%dma_start3A_623, %dma_start3A_624] : memref<16x32xf32, #tpu.memory_space<vmem>> -> memref<1x32xf32, #tpu.memory_space<vmem>>
      %dma_start3A_626 = arith.constant 0 : i32
      %dma_start3A_627 = tpu.memref_slice %arg4[%squeeze3A_622, %dma_start3A_626] : memref<1000000x32xf32, #tpu.memory_space<hbm>> -> memref<1x32xf32, #tpu.memory_space<hbm>>
      %dma_start3A_628 = arith.constant 8 : i32
      %dma_start3A_629 = arith.constant 0 : i32
      %dma_start3A_630 = tpu.memref_slice %arg12[%dma_start3A_628, %dma_start3A_629] : memref<16x32xf32, #tpu.memory_space<vmem>> -> memref<1x32xf32, #tpu.memory_space<vmem>>
      %dma_start3A_631 = arith.constant 0 : i32
      %dma_start3A_632 = tpu.memref_slice %arg4[%squeeze3A_622, %dma_start3A_631] : memref<1000000x32xf32, #tpu.memory_space<hbm>> -> memref<1x32xf32, #tpu.memory_space<hbm>>
      tpu.enqueue_dma source(%dma_start3A_632 : memref<1x32xf32, #tpu.memory_space<hbm>>) target(%dma_start3A_630 : memref<1x32xf32, #tpu.memory_space<vmem>>) target_semaphore(%arg19 : memref<!tpu.dma_semaphore, #tpu.memory_space<semaphore_mem>>)
      %slice3A_633 = vector.extract_strided_slice %get3A_428 {offsets = [8], sizes = [1], strides = [1]} : vector<16xi32> to vector<1xi32>
      %squeeze3A_634 = vector.extract %slice3A_633[0] : i32 from vector<1xi32>
      %dma_start3A_635 = arith.constant 8 : i32
      %dma_start3A_636 = arith.constant 0 : i32
      %dma_start3A_637 = tpu.memref_slice %arg14[%dma_start3A_635, %dma_start3A_636] : memref<16x32xf32, #tpu.memory_space<vmem>> -> memref<1x32xf32, #tpu.memory_space<vmem>>
      %dma_start3A_638 = arith.constant 0 : i32
      %dma_start3A_639 = tpu.memref_slice %arg5[%squeeze3A_634, %dma_start3A_638] : memref<100000x32xf32, #tpu.memory_space<hbm>> -> memref<1x32xf32, #tpu.memory_space<hbm>>
      %dma_start3A_640 = arith.constant 8 : i32
      %dma_start3A_641 = arith.constant 0 : i32
      %dma_start3A_642 = tpu.memref_slice %arg14[%dma_start3A_640, %dma_start3A_641] : memref<16x32xf32, #tpu.memory_space<vmem>> -> memref<1x32xf32, #tpu.memory_space<vmem>>
      %dma_start3A_643 = arith.constant 0 : i32
      %dma_start3A_644 = tpu.memref_slice %arg5[%squeeze3A_634, %dma_start3A_643] : memref<100000x32xf32, #tpu.memory_space<hbm>> -> memref<1x32xf32, #tpu.memory_space<hbm>>
      tpu.enqueue_dma source(%dma_start3A_644 : memref<1x32xf32, #tpu.memory_space<hbm>>) target(%dma_start3A_642 : memref<1x32xf32, #tpu.memory_space<vmem>>) target_semaphore(%arg19 : memref<!tpu.dma_semaphore, #tpu.memory_space<semaphore_mem>>)
      %slice3A_645 = vector.extract_strided_slice %get3A_421 {offsets = [9], sizes = [1], strides = [1]} : vector<16xi32> to vector<1xi32>
      %squeeze3A_646 = vector.extract %slice3A_645[0] : i32 from vector<1xi32>
      %dma_start3A_647 = arith.constant 9 : i32
      %dma_start3A_648 = arith.constant 0 : i32
      %dma_start3A_649 = tpu.memref_slice %arg12[%dma_start3A_647, %dma_start3A_648] : memref<16x32xf32, #tpu.memory_space<vmem>> -> memref<1x32xf32, #tpu.memory_space<vmem>>
      %dma_start3A_650 = arith.constant 0 : i32
      %dma_start3A_651 = tpu.memref_slice %arg4[%squeeze3A_646, %dma_start3A_650] : memref<1000000x32xf32, #tpu.memory_space<hbm>> -> memref<1x32xf32, #tpu.memory_space<hbm>>
      %dma_start3A_652 = arith.constant 9 : i32
      %dma_start3A_653 = arith.constant 0 : i32
      %dma_start3A_654 = tpu.memref_slice %arg12[%dma_start3A_652, %dma_start3A_653] : memref<16x32xf32, #tpu.memory_space<vmem>> -> memref<1x32xf32, #tpu.memory_space<vmem>>
      %dma_start3A_655 = arith.constant 0 : i32
      %dma_start3A_656 = tpu.memref_slice %arg4[%squeeze3A_646, %dma_start3A_655] : memref<1000000x32xf32, #tpu.memory_space<hbm>> -> memref<1x32xf32, #tpu.memory_space<hbm>>
      tpu.enqueue_dma source(%dma_start3A_656 : memref<1x32xf32, #tpu.memory_space<hbm>>) target(%dma_start3A_654 : memref<1x32xf32, #tpu.memory_space<vmem>>) target_semaphore(%arg19 : memref<!tpu.dma_semaphore, #tpu.memory_space<semaphore_mem>>)
      %slice3A_657 = vector.extract_strided_slice %get3A_428 {offsets = [9], sizes = [1], strides = [1]} : vector<16xi32> to vector<1xi32>
      %squeeze3A_658 = vector.extract %slice3A_657[0] : i32 from vector<1xi32>
      %dma_start3A_659 = arith.constant 9 : i32
      %dma_start3A_660 = arith.constant 0 : i32
      %dma_start3A_661 = tpu.memref_slice %arg14[%dma_start3A_659, %dma_start3A_660] : memref<16x32xf32, #tpu.memory_space<vmem>> -> memref<1x32xf32, #tpu.memory_space<vmem>>
      %dma_start3A_662 = arith.constant 0 : i32
      %dma_start3A_663 = tpu.memref_slice %arg5[%squeeze3A_658, %dma_start3A_662] : memref<100000x32xf32, #tpu.memory_space<hbm>> -> memref<1x32xf32, #tpu.memory_space<hbm>>
      %dma_start3A_664 = arith.constant 9 : i32
      %dma_start3A_665 = arith.constant 0 : i32
      %dma_start3A_666 = tpu.memref_slice %arg14[%dma_start3A_664, %dma_start3A_665] : memref<16x32xf32, #tpu.memory_space<vmem>> -> memref<1x32xf32, #tpu.memory_space<vmem>>
      %dma_start3A_667 = arith.constant 0 : i32
      %dma_start3A_668 = tpu.memref_slice %arg5[%squeeze3A_658, %dma_start3A_667] : memref<100000x32xf32, #tpu.memory_space<hbm>> -> memref<1x32xf32, #tpu.memory_space<hbm>>
      tpu.enqueue_dma source(%dma_start3A_668 : memref<1x32xf32, #tpu.memory_space<hbm>>) target(%dma_start3A_666 : memref<1x32xf32, #tpu.memory_space<vmem>>) target_semaphore(%arg19 : memref<!tpu.dma_semaphore, #tpu.memory_space<semaphore_mem>>)
      %slice3A_669 = vector.extract_strided_slice %get3A_421 {offsets = [10], sizes = [1], strides = [1]} : vector<16xi32> to vector<1xi32>
      %squeeze3A_670 = vector.extract %slice3A_669[0] : i32 from vector<1xi32>
      %dma_start3A_671 = arith.constant 10 : i32
      %dma_start3A_672 = arith.constant 0 : i32
      %dma_start3A_673 = tpu.memref_slice %arg12[%dma_start3A_671, %dma_start3A_672] : memref<16x32xf32, #tpu.memory_space<vmem>> -> memref<1x32xf32, #tpu.memory_space<vmem>>
      %dma_start3A_674 = arith.constant 0 : i32
      %dma_start3A_675 = tpu.memref_slice %arg4[%squeeze3A_670, %dma_start3A_674] : memref<1000000x32xf32, #tpu.memory_space<hbm>> -> memref<1x32xf32, #tpu.memory_space<hbm>>
      %dma_start3A_676 = arith.constant 10 : i32
      %dma_start3A_677 = arith.constant 0 : i32
      %dma_start3A_678 = tpu.memref_slice %arg12[%dma_start3A_676, %dma_start3A_677] : memref<16x32xf32, #tpu.memory_space<vmem>> -> memref<1x32xf32, #tpu.memory_space<vmem>>
      %dma_start3A_679 = arith.constant 0 : i32
      %dma_start3A_680 = tpu.memref_slice %arg4[%squeeze3A_670, %dma_start3A_679] : memref<1000000x32xf32, #tpu.memory_space<hbm>> -> memref<1x32xf32, #tpu.memory_space<hbm>>
      tpu.enqueue_dma source(%dma_start3A_680 : memref<1x32xf32, #tpu.memory_space<hbm>>) target(%dma_start3A_678 : memref<1x32xf32, #tpu.memory_space<vmem>>) target_semaphore(%arg19 : memref<!tpu.dma_semaphore, #tpu.memory_space<semaphore_mem>>)
      %slice3A_681 = vector.extract_strided_slice %get3A_428 {offsets = [10], sizes = [1], strides = [1]} : vector<16xi32> to vector<1xi32>
      %squeeze3A_682 = vector.extract %slice3A_681[0] : i32 from vector<1xi32>
      %dma_start3A_683 = arith.constant 10 : i32
      %dma_start3A_684 = arith.constant 0 : i32
      %dma_start3A_685 = tpu.memref_slice %arg14[%dma_start3A_683, %dma_start3A_684] : memref<16x32xf32, #tpu.memory_space<vmem>> -> memref<1x32xf32, #tpu.memory_space<vmem>>
      %dma_start3A_686 = arith.constant 0 : i32
      %dma_start3A_687 = tpu.memref_slice %arg5[%squeeze3A_682, %dma_start3A_686] : memref<100000x32xf32, #tpu.memory_space<hbm>> -> memref<1x32xf32, #tpu.memory_space<hbm>>
      %dma_start3A_688 = arith.constant 10 : i32
      %dma_start3A_689 = arith.constant 0 : i32
      %dma_start3A_690 = tpu.memref_slice %arg14[%dma_start3A_688, %dma_start3A_689] : memref<16x32xf32, #tpu.memory_space<vmem>> -> memref<1x32xf32, #tpu.memory_space<vmem>>
      %dma_start3A_691 = arith.constant 0 : i32
      %dma_start3A_692 = tpu.memref_slice %arg5[%squeeze3A_682, %dma_start3A_691] : memref<100000x32xf32, #tpu.memory_space<hbm>> -> memref<1x32xf32, #tpu.memory_space<hbm>>
      tpu.enqueue_dma source(%dma_start3A_692 : memref<1x32xf32, #tpu.memory_space<hbm>>) target(%dma_start3A_690 : memref<1x32xf32, #tpu.memory_space<vmem>>) target_semaphore(%arg19 : memref<!tpu.dma_semaphore, #tpu.memory_space<semaphore_mem>>)
      %slice3A_693 = vector.extract_strided_slice %get3A_421 {offsets = [11], sizes = [1], strides = [1]} : vector<16xi32> to vector<1xi32>
      %squeeze3A_694 = vector.extract %slice3A_693[0] : i32 from vector<1xi32>
      %dma_start3A_695 = arith.constant 11 : i32
      %dma_start3A_696 = arith.constant 0 : i32
      %dma_start3A_697 = tpu.memref_slice %arg12[%dma_start3A_695, %dma_start3A_696] : memref<16x32xf32, #tpu.memory_space<vmem>> -> memref<1x32xf32, #tpu.memory_space<vmem>>
      %dma_start3A_698 = arith.constant 0 : i32
      %dma_start3A_699 = tpu.memref_slice %arg4[%squeeze3A_694, %dma_start3A_698] : memref<1000000x32xf32, #tpu.memory_space<hbm>> -> memref<1x32xf32, #tpu.memory_space<hbm>>
      %dma_start3A_700 = arith.constant 11 : i32
      %dma_start3A_701 = arith.constant 0 : i32
      %dma_start3A_702 = tpu.memref_slice %arg12[%dma_start3A_700, %dma_start3A_701] : memref<16x32xf32, #tpu.memory_space<vmem>> -> memref<1x32xf32, #tpu.memory_space<vmem>>
      %dma_start3A_703 = arith.constant 0 : i32
      %dma_start3A_704 = tpu.memref_slice %arg4[%squeeze3A_694, %dma_start3A_703] : memref<1000000x32xf32, #tpu.memory_space<hbm>> -> memref<1x32xf32, #tpu.memory_space<hbm>>
      tpu.enqueue_dma source(%dma_start3A_704 : memref<1x32xf32, #tpu.memory_space<hbm>>) target(%dma_start3A_702 : memref<1x32xf32, #tpu.memory_space<vmem>>) target_semaphore(%arg19 : memref<!tpu.dma_semaphore, #tpu.memory_space<semaphore_mem>>)
      %slice3A_705 = vector.extract_strided_slice %get3A_428 {offsets = [11], sizes = [1], strides = [1]} : vector<16xi32> to vector<1xi32>
      %squeeze3A_706 = vector.extract %slice3A_705[0] : i32 from vector<1xi32>
      %dma_start3A_707 = arith.constant 11 : i32
      %dma_start3A_708 = arith.constant 0 : i32
      %dma_start3A_709 = tpu.memref_slice %arg14[%dma_start3A_707, %dma_start3A_708] : memref<16x32xf32, #tpu.memory_space<vmem>> -> memref<1x32xf32, #tpu.memory_space<vmem>>
      %dma_start3A_710 = arith.constant 0 : i32
      %dma_start3A_711 = tpu.memref_slice %arg5[%squeeze3A_706, %dma_start3A_710] : memref<100000x32xf32, #tpu.memory_space<hbm>> -> memref<1x32xf32, #tpu.memory_space<hbm>>
      %dma_start3A_712 = arith.constant 11 : i32
      %dma_start3A_713 = arith.constant 0 : i32
      %dma_start3A_714 = tpu.memref_slice %arg14[%dma_start3A_712, %dma_start3A_713] : memref<16x32xf32, #tpu.memory_space<vmem>> -> memref<1x32xf32, #tpu.memory_space<vmem>>
      %dma_start3A_715 = arith.constant 0 : i32
      %dma_start3A_716 = tpu.memref_slice %arg5[%squeeze3A_706, %dma_start3A_715] : memref<100000x32xf32, #tpu.memory_space<hbm>> -> memref<1x32xf32, #tpu.memory_space<hbm>>
      tpu.enqueue_dma source(%dma_start3A_716 : memref<1x32xf32, #tpu.memory_space<hbm>>) target(%dma_start3A_714 : memref<1x32xf32, #tpu.memory_space<vmem>>) target_semaphore(%arg19 : memref<!tpu.dma_semaphore, #tpu.memory_space<semaphore_mem>>)
      %slice3A_717 = vector.extract_strided_slice %get3A_421 {offsets = [12], sizes = [1], strides = [1]} : vector<16xi32> to vector<1xi32>
      %squeeze3A_718 = vector.extract %slice3A_717[0] : i32 from vector<1xi32>
      %dma_start3A_719 = arith.constant 12 : i32
      %dma_start3A_720 = arith.constant 0 : i32
      %dma_start3A_721 = tpu.memref_slice %arg12[%dma_start3A_719, %dma_start3A_720] : memref<16x32xf32, #tpu.memory_space<vmem>> -> memref<1x32xf32, #tpu.memory_space<vmem>>
      %dma_start3A_722 = arith.constant 0 : i32
      %dma_start3A_723 = tpu.memref_slice %arg4[%squeeze3A_718, %dma_start3A_722] : memref<1000000x32xf32, #tpu.memory_space<hbm>> -> memref<1x32xf32, #tpu.memory_space<hbm>>
      %dma_start3A_724 = arith.constant 12 : i32
      %dma_start3A_725 = arith.constant 0 : i32
      %dma_start3A_726 = tpu.memref_slice %arg12[%dma_start3A_724, %dma_start3A_725] : memref<16x32xf32, #tpu.memory_space<vmem>> -> memref<1x32xf32, #tpu.memory_space<vmem>>
      %dma_start3A_727 = arith.constant 0 : i32
      %dma_start3A_728 = tpu.memref_slice %arg4[%squeeze3A_718, %dma_start3A_727] : memref<1000000x32xf32, #tpu.memory_space<hbm>> -> memref<1x32xf32, #tpu.memory_space<hbm>>
      tpu.enqueue_dma source(%dma_start3A_728 : memref<1x32xf32, #tpu.memory_space<hbm>>) target(%dma_start3A_726 : memref<1x32xf32, #tpu.memory_space<vmem>>) target_semaphore(%arg19 : memref<!tpu.dma_semaphore, #tpu.memory_space<semaphore_mem>>)
      %slice3A_729 = vector.extract_strided_slice %get3A_428 {offsets = [12], sizes = [1], strides = [1]} : vector<16xi32> to vector<1xi32>
      %squeeze3A_730 = vector.extract %slice3A_729[0] : i32 from vector<1xi32>
      %dma_start3A_731 = arith.constant 12 : i32
      %dma_start3A_732 = arith.constant 0 : i32
      %dma_start3A_733 = tpu.memref_slice %arg14[%dma_start3A_731, %dma_start3A_732] : memref<16x32xf32, #tpu.memory_space<vmem>> -> memref<1x32xf32, #tpu.memory_space<vmem>>
      %dma_start3A_734 = arith.constant 0 : i32
      %dma_start3A_735 = tpu.memref_slice %arg5[%squeeze3A_730, %dma_start3A_734] : memref<100000x32xf32, #tpu.memory_space<hbm>> -> memref<1x32xf32, #tpu.memory_space<hbm>>
      %dma_start3A_736 = arith.constant 12 : i32
      %dma_start3A_737 = arith.constant 0 : i32
      %dma_start3A_738 = tpu.memref_slice %arg14[%dma_start3A_736, %dma_start3A_737] : memref<16x32xf32, #tpu.memory_space<vmem>> -> memref<1x32xf32, #tpu.memory_space<vmem>>
      %dma_start3A_739 = arith.constant 0 : i32
      %dma_start3A_740 = tpu.memref_slice %arg5[%squeeze3A_730, %dma_start3A_739] : memref<100000x32xf32, #tpu.memory_space<hbm>> -> memref<1x32xf32, #tpu.memory_space<hbm>>
      tpu.enqueue_dma source(%dma_start3A_740 : memref<1x32xf32, #tpu.memory_space<hbm>>) target(%dma_start3A_738 : memref<1x32xf32, #tpu.memory_space<vmem>>) target_semaphore(%arg19 : memref<!tpu.dma_semaphore, #tpu.memory_space<semaphore_mem>>)
      %slice3A_741 = vector.extract_strided_slice %get3A_421 {offsets = [13], sizes = [1], strides = [1]} : vector<16xi32> to vector<1xi32>
      %squeeze3A_742 = vector.extract %slice3A_741[0] : i32 from vector<1xi32>
      %dma_start3A_743 = arith.constant 13 : i32
      %dma_start3A_744 = arith.constant 0 : i32
      %dma_start3A_745 = tpu.memref_slice %arg12[%dma_start3A_743, %dma_start3A_744] : memref<16x32xf32, #tpu.memory_space<vmem>> -> memref<1x32xf32, #tpu.memory_space<vmem>>
      %dma_start3A_746 = arith.constant 0 : i32
      %dma_start3A_747 = tpu.memref_slice %arg4[%squeeze3A_742, %dma_start3A_746] : memref<1000000x32xf32, #tpu.memory_space<hbm>> -> memref<1x32xf32, #tpu.memory_space<hbm>>
      %dma_start3A_748 = arith.constant 13 : i32
      %dma_start3A_749 = arith.constant 0 : i32
      %dma_start3A_750 = tpu.memref_slice %arg12[%dma_start3A_748, %dma_start3A_749] : memref<16x32xf32, #tpu.memory_space<vmem>> -> memref<1x32xf32, #tpu.memory_space<vmem>>
      %dma_start3A_751 = arith.constant 0 : i32
      %dma_start3A_752 = tpu.memref_slice %arg4[%squeeze3A_742, %dma_start3A_751] : memref<1000000x32xf32, #tpu.memory_space<hbm>> -> memref<1x32xf32, #tpu.memory_space<hbm>>
      tpu.enqueue_dma source(%dma_start3A_752 : memref<1x32xf32, #tpu.memory_space<hbm>>) target(%dma_start3A_750 : memref<1x32xf32, #tpu.memory_space<vmem>>) target_semaphore(%arg19 : memref<!tpu.dma_semaphore, #tpu.memory_space<semaphore_mem>>)
      %slice3A_753 = vector.extract_strided_slice %get3A_428 {offsets = [13], sizes = [1], strides = [1]} : vector<16xi32> to vector<1xi32>
      %squeeze3A_754 = vector.extract %slice3A_753[0] : i32 from vector<1xi32>
      %dma_start3A_755 = arith.constant 13 : i32
      %dma_start3A_756 = arith.constant 0 : i32
      %dma_start3A_757 = tpu.memref_slice %arg14[%dma_start3A_755, %dma_start3A_756] : memref<16x32xf32, #tpu.memory_space<vmem>> -> memref<1x32xf32, #tpu.memory_space<vmem>>
      %dma_start3A_758 = arith.constant 0 : i32
      %dma_start3A_759 = tpu.memref_slice %arg5[%squeeze3A_754, %dma_start3A_758] : memref<100000x32xf32, #tpu.memory_space<hbm>> -> memref<1x32xf32, #tpu.memory_space<hbm>>
      %dma_start3A_760 = arith.constant 13 : i32
      %dma_start3A_761 = arith.constant 0 : i32
      %dma_start3A_762 = tpu.memref_slice %arg14[%dma_start3A_760, %dma_start3A_761] : memref<16x32xf32, #tpu.memory_space<vmem>> -> memref<1x32xf32, #tpu.memory_space<vmem>>
      %dma_start3A_763 = arith.constant 0 : i32
      %dma_start3A_764 = tpu.memref_slice %arg5[%squeeze3A_754, %dma_start3A_763] : memref<100000x32xf32, #tpu.memory_space<hbm>> -> memref<1x32xf32, #tpu.memory_space<hbm>>
      tpu.enqueue_dma source(%dma_start3A_764 : memref<1x32xf32, #tpu.memory_space<hbm>>) target(%dma_start3A_762 : memref<1x32xf32, #tpu.memory_space<vmem>>) target_semaphore(%arg19 : memref<!tpu.dma_semaphore, #tpu.memory_space<semaphore_mem>>)
      %slice3A_765 = vector.extract_strided_slice %get3A_421 {offsets = [14], sizes = [1], strides = [1]} : vector<16xi32> to vector<1xi32>
      %squeeze3A_766 = vector.extract %slice3A_765[0] : i32 from vector<1xi32>
      %dma_start3A_767 = arith.constant 14 : i32
      %dma_start3A_768 = arith.constant 0 : i32
      %dma_start3A_769 = tpu.memref_slice %arg12[%dma_start3A_767, %dma_start3A_768] : memref<16x32xf32, #tpu.memory_space<vmem>> -> memref<1x32xf32, #tpu.memory_space<vmem>>
      %dma_start3A_770 = arith.constant 0 : i32
      %dma_start3A_771 = tpu.memref_slice %arg4[%squeeze3A_766, %dma_start3A_770] : memref<1000000x32xf32, #tpu.memory_space<hbm>> -> memref<1x32xf32, #tpu.memory_space<hbm>>
      %dma_start3A_772 = arith.constant 14 : i32
      %dma_start3A_773 = arith.constant 0 : i32
      %dma_start3A_774 = tpu.memref_slice %arg12[%dma_start3A_772, %dma_start3A_773] : memref<16x32xf32, #tpu.memory_space<vmem>> -> memref<1x32xf32, #tpu.memory_space<vmem>>
      %dma_start3A_775 = arith.constant 0 : i32
      %dma_start3A_776 = tpu.memref_slice %arg4[%squeeze3A_766, %dma_start3A_775] : memref<1000000x32xf32, #tpu.memory_space<hbm>> -> memref<1x32xf32, #tpu.memory_space<hbm>>
      tpu.enqueue_dma source(%dma_start3A_776 : memref<1x32xf32, #tpu.memory_space<hbm>>) target(%dma_start3A_774 : memref<1x32xf32, #tpu.memory_space<vmem>>) target_semaphore(%arg19 : memref<!tpu.dma_semaphore, #tpu.memory_space<semaphore_mem>>)
      %slice3A_777 = vector.extract_strided_slice %get3A_428 {offsets = [14], sizes = [1], strides = [1]} : vector<16xi32> to vector<1xi32>
      %squeeze3A_778 = vector.extract %slice3A_777[0] : i32 from vector<1xi32>
      %dma_start3A_779 = arith.constant 14 : i32
      %dma_start3A_780 = arith.constant 0 : i32
      %dma_start3A_781 = tpu.memref_slice %arg14[%dma_start3A_779, %dma_start3A_780] : memref<16x32xf32, #tpu.memory_space<vmem>> -> memref<1x32xf32, #tpu.memory_space<vmem>>
      %dma_start3A_782 = arith.constant 0 : i32
      %dma_start3A_783 = tpu.memref_slice %arg5[%squeeze3A_778, %dma_start3A_782] : memref<100000x32xf32, #tpu.memory_space<hbm>> -> memref<1x32xf32, #tpu.memory_space<hbm>>
      %dma_start3A_784 = arith.constant 14 : i32
      %dma_start3A_785 = arith.constant 0 : i32
      %dma_start3A_786 = tpu.memref_slice %arg14[%dma_start3A_784, %dma_start3A_785] : memref<16x32xf32, #tpu.memory_space<vmem>> -> memref<1x32xf32, #tpu.memory_space<vmem>>
      %dma_start3A_787 = arith.constant 0 : i32
      %dma_start3A_788 = tpu.memref_slice %arg5[%squeeze3A_778, %dma_start3A_787] : memref<100000x32xf32, #tpu.memory_space<hbm>> -> memref<1x32xf32, #tpu.memory_space<hbm>>
      tpu.enqueue_dma source(%dma_start3A_788 : memref<1x32xf32, #tpu.memory_space<hbm>>) target(%dma_start3A_786 : memref<1x32xf32, #tpu.memory_space<vmem>>) target_semaphore(%arg19 : memref<!tpu.dma_semaphore, #tpu.memory_space<semaphore_mem>>)
      %slice3A_789 = vector.extract_strided_slice %get3A_421 {offsets = [15], sizes = [1], strides = [1]} : vector<16xi32> to vector<1xi32>
      %squeeze3A_790 = vector.extract %slice3A_789[0] : i32 from vector<1xi32>
      %dma_start3A_791 = arith.constant 15 : i32
      %dma_start3A_792 = arith.constant 0 : i32
      %dma_start3A_793 = tpu.memref_slice %arg12[%dma_start3A_791, %dma_start3A_792] : memref<16x32xf32, #tpu.memory_space<vmem>> -> memref<1x32xf32, #tpu.memory_space<vmem>>
      %dma_start3A_794 = arith.constant 0 : i32
      %dma_start3A_795 = tpu.memref_slice %arg4[%squeeze3A_790, %dma_start3A_794] : memref<1000000x32xf32, #tpu.memory_space<hbm>> -> memref<1x32xf32, #tpu.memory_space<hbm>>
      %dma_start3A_796 = arith.constant 15 : i32
      %dma_start3A_797 = arith.constant 0 : i32
      %dma_start3A_798 = tpu.memref_slice %arg12[%dma_start3A_796, %dma_start3A_797] : memref<16x32xf32, #tpu.memory_space<vmem>> -> memref<1x32xf32, #tpu.memory_space<vmem>>
      %dma_start3A_799 = arith.constant 0 : i32
      %dma_start3A_800 = tpu.memref_slice %arg4[%squeeze3A_790, %dma_start3A_799] : memref<1000000x32xf32, #tpu.memory_space<hbm>> -> memref<1x32xf32, #tpu.memory_space<hbm>>
      tpu.enqueue_dma source(%dma_start3A_800 : memref<1x32xf32, #tpu.memory_space<hbm>>) target(%dma_start3A_798 : memref<1x32xf32, #tpu.memory_space<vmem>>) target_semaphore(%arg19 : memref<!tpu.dma_semaphore, #tpu.memory_space<semaphore_mem>>)
      %slice3A_801 = vector.extract_strided_slice %get3A_428 {offsets = [15], sizes = [1], strides = [1]} : vector<16xi32> to vector<1xi32>
      %squeeze3A_802 = vector.extract %slice3A_801[0] : i32 from vector<1xi32>
      %dma_start3A_803 = arith.constant 15 : i32
      %dma_start3A_804 = arith.constant 0 : i32
      %dma_start3A_805 = tpu.memref_slice %arg14[%dma_start3A_803, %dma_start3A_804] : memref<16x32xf32, #tpu.memory_space<vmem>> -> memref<1x32xf32, #tpu.memory_space<vmem>>
      %dma_start3A_806 = arith.constant 0 : i32
      %dma_start3A_807 = tpu.memref_slice %arg5[%squeeze3A_802, %dma_start3A_806] : memref<100000x32xf32, #tpu.memory_space<hbm>> -> memref<1x32xf32, #tpu.memory_space<hbm>>
      %dma_start3A_808 = arith.constant 15 : i32
      %dma_start3A_809 = arith.constant 0 : i32
      %dma_start3A_810 = tpu.memref_slice %arg14[%dma_start3A_808, %dma_start3A_809] : memref<16x32xf32, #tpu.memory_space<vmem>> -> memref<1x32xf32, #tpu.memory_space<vmem>>
      %dma_start3A_811 = arith.constant 0 : i32
      %dma_start3A_812 = tpu.memref_slice %arg5[%squeeze3A_802, %dma_start3A_811] : memref<100000x32xf32, #tpu.memory_space<hbm>> -> memref<1x32xf32, #tpu.memory_space<hbm>>
      tpu.enqueue_dma source(%dma_start3A_812 : memref<1x32xf32, #tpu.memory_space<hbm>>) target(%dma_start3A_810 : memref<1x32xf32, #tpu.memory_space<vmem>>) target_semaphore(%arg19 : memref<!tpu.dma_semaphore, #tpu.memory_space<semaphore_mem>>)
      %dma_wait3A = arith.constant 0 : i32
      %dma_wait3A_813 = arith.constant 0 : i32
      %dma_wait3A_814 = tpu.memref_slice %arg4[%dma_wait3A, %dma_wait3A_813] : memref<1000000x32xf32, #tpu.memory_space<hbm>> -> memref<16x32xf32, #tpu.memory_space<hbm>>
      %dma_wait3A_815 = arith.constant 0 : i32
      %dma_wait3A_816 = arith.constant 0 : i32
      %dma_wait3A_817 = tpu.memref_slice %arg4[%dma_wait3A_815, %dma_wait3A_816] : memref<1000000x32xf32, #tpu.memory_space<hbm>> -> memref<16x32xf32, #tpu.memory_space<hbm>>
      tpu.wait_dma2 semaphore(%arg18 : memref<!tpu.dma_semaphore, #tpu.memory_space<semaphore_mem>>) src(%dma_wait3A_817 : memref<16x32xf32, #tpu.memory_space<hbm>>) dst(%arg11 : memref<16x32xf32, #tpu.memory_space<vmem>>)
      %dma_wait3A_818 = arith.constant 0 : i32
      %dma_wait3A_819 = arith.constant 0 : i32
      %dma_wait3A_820 = tpu.memref_slice %arg5[%dma_wait3A_818, %dma_wait3A_819] : memref<100000x32xf32, #tpu.memory_space<hbm>> -> memref<16x32xf32, #tpu.memory_space<hbm>>
      %dma_wait3A_821 = arith.constant 0 : i32
      %dma_wait3A_822 = arith.constant 0 : i32
      %dma_wait3A_823 = tpu.memref_slice %arg5[%dma_wait3A_821, %dma_wait3A_822] : memref<100000x32xf32, #tpu.memory_space<hbm>> -> memref<16x32xf32, #tpu.memory_space<hbm>>
      tpu.wait_dma2 semaphore(%arg18 : memref<!tpu.dma_semaphore, #tpu.memory_space<semaphore_mem>>) src(%dma_wait3A_823 : memref<16x32xf32, #tpu.memory_space<hbm>>) dst(%arg13 : memref<16x32xf32, #tpu.memory_space<vmem>>)
      %broadcast_in_dim3A = arith.constant 0.000000e+00 : f32
      %broadcast_in_dim3A_824 = vector.broadcast %broadcast_in_dim3A : f32 to vector<16xf32>
      %get3A_825 = arith.constant 0 : i32
      %get3A_826 = arith.index_cast %get3A_825 : i32 to index
      %get3A_827 = arith.constant 0 : index
      %get3A_828 = tpu.vector_load %arg11[%get3A_826, %get3A_827] {strides = array<i32>} : memref<16x32xf32, #tpu.memory_space<vmem>>, vector<1x16xf32>,
      %get3A_829 = vector.shape_cast %get3A_828 : vector<1x16xf32> to vector<16xf32>
      %mul3A_830 = arith.mulf %get3A_829, %get3A_2 : vector<16xf32>
      %add3A_831 = arith.addf %mul3A_830, %get3A_8 : vector<16xf32>
      %get3A_832 = arith.constant 0 : i32
      %get3A_833 = arith.index_cast %get3A_832 : i32 to index
      %get3A_834 = arith.constant 16 : index
      %get3A_835 = tpu.vector_load %arg11[%get3A_833, %get3A_834] {strides = array<i32>} : memref<16x32xf32, #tpu.memory_space<vmem>>, vector<1x16xf32>,
      %get3A_836 = vector.shape_cast %get3A_835 : vector<1x16xf32> to vector<16xf32>
      %mul3A_837 = arith.mulf %get3A_836, %get3A_5 : vector<16xf32>
      %add3A_838 = arith.addf %mul3A_837, %get3A_11 : vector<16xf32>
      %get3A_839 = arith.constant 0 : i32
      %get3A_840 = arith.index_cast %get3A_839 : i32 to index
      %get3A_841 = arith.constant 0 : index
      %get3A_842 = tpu.vector_load %arg13[%get3A_840, %get3A_841] {strides = array<i32>} : memref<16x32xf32, #tpu.memory_space<vmem>>, vector<1x16xf32>,
      %get3A_843 = vector.shape_cast %get3A_842 : vector<1x16xf32> to vector<16xf32>
      %mul3A_844 = arith.mulf %get3A_843, %get3A_2 : vector<16xf32>
      %add3A_845 = arith.addf %mul3A_844, %get3A_8 : vector<16xf32>
      %get3A_846 = arith.constant 0 : i32
      %get3A_847 = arith.index_cast %get3A_846 : i32 to index
      %get3A_848 = arith.constant 16 : index
      %get3A_849 = tpu.vector_load %arg13[%get3A_847, %get3A_848] {strides = array<i32>} : memref<16x32xf32, #tpu.memory_space<vmem>>, vector<1x16xf32>,
      %get3A_850 = vector.shape_cast %get3A_849 : vector<1x16xf32> to vector<16xf32>
      %mul3A_851 = arith.mulf %get3A_850, %get3A_5 : vector<16xf32>
      %add3A_852 = arith.addf %mul3A_851, %get3A_11 : vector<16xf32>
      %mul3A_853 = arith.mulf %add3A_831, %add3A_845 : vector<16xf32>
      %mul3A_854 = arith.mulf %add3A_838, %add3A_852 : vector<16xf32>
      %add3A_855 = arith.addf %mul3A_853, %mul3A_854 : vector<16xf32>
      %slice3A_856 = vector.extract_strided_slice %add3A_855 {offsets = [0], sizes = [1], strides = [1]} : vector<16xf32> to vector<1xf32>
      %squeeze3A_857 = vector.extract %slice3A_856[0] : f32 from vector<1xf32>
      %slice3A_858 = vector.extract_strided_slice %add3A_855 {offsets = [1], sizes = [1], strides = [1]} : vector<16xf32> to vector<1xf32>
      %squeeze3A_859 = vector.extract %slice3A_858[0] : f32 from vector<1xf32>
      %slice3A_860 = vector.extract_strided_slice %add3A_855 {offsets = [2], sizes = [1], strides = [1]} : vector<16xf32> to vector<1xf32>
      %squeeze3A_861 = vector.extract %slice3A_860[0] : f32 from vector<1xf32>
      %slice3A_862 = vector.extract_strided_slice %add3A_855 {offsets = [3], sizes = [1], strides = [1]} : vector<16xf32> to vector<1xf32>
      %squeeze3A_863 = vector.extract %slice3A_862[0] : f32 from vector<1xf32>
      %slice3A_864 = vector.extract_strided_slice %add3A_855 {offsets = [4], sizes = [1], strides = [1]} : vector<16xf32> to vector<1xf32>
      %squeeze3A_865 = vector.extract %slice3A_864[0] : f32 from vector<1xf32>
      %slice3A_866 = vector.extract_strided_slice %add3A_855 {offsets = [5], sizes = [1], strides = [1]} : vector<16xf32> to vector<1xf32>
      %squeeze3A_867 = vector.extract %slice3A_866[0] : f32 from vector<1xf32>
      %slice3A_868 = vector.extract_strided_slice %add3A_855 {offsets = [6], sizes = [1], strides = [1]} : vector<16xf32> to vector<1xf32>
      %squeeze3A_869 = vector.extract %slice3A_868[0] : f32 from vector<1xf32>
      %slice3A_870 = vector.extract_strided_slice %add3A_855 {offsets = [7], sizes = [1], strides = [1]} : vector<16xf32> to vector<1xf32>
      %squeeze3A_871 = vector.extract %slice3A_870[0] : f32 from vector<1xf32>
      %slice3A_872 = vector.extract_strided_slice %add3A_855 {offsets = [8], sizes = [1], strides = [1]} : vector<16xf32> to vector<1xf32>
      %squeeze3A_873 = vector.extract %slice3A_872[0] : f32 from vector<1xf32>
      %slice3A_874 = vector.extract_strided_slice %add3A_855 {offsets = [9], sizes = [1], strides = [1]} : vector<16xf32> to vector<1xf32>
      %squeeze3A_875 = vector.extract %slice3A_874[0] : f32 from vector<1xf32>
      %slice3A_876 = vector.extract_strided_slice %add3A_855 {offsets = [10], sizes = [1], strides = [1]} : vector<16xf32> to vector<1xf32>
      %squeeze3A_877 = vector.extract %slice3A_876[0] : f32 from vector<1xf32>
      %slice3A_878 = vector.extract_strided_slice %add3A_855 {offsets = [11], sizes = [1], strides = [1]} : vector<16xf32> to vector<1xf32>
      %squeeze3A_879 = vector.extract %slice3A_878[0] : f32 from vector<1xf32>
      %slice3A_880 = vector.extract_strided_slice %add3A_855 {offsets = [12], sizes = [1], strides = [1]} : vector<16xf32> to vector<1xf32>
      %squeeze3A_881 = vector.extract %slice3A_880[0] : f32 from vector<1xf32>
      %slice3A_882 = vector.extract_strided_slice %add3A_855 {offsets = [13], sizes = [1], strides = [1]} : vector<16xf32> to vector<1xf32>
      %squeeze3A_883 = vector.extract %slice3A_882[0] : f32 from vector<1xf32>
      %slice3A_884 = vector.extract_strided_slice %add3A_855 {offsets = [14], sizes = [1], strides = [1]} : vector<16xf32> to vector<1xf32>
      %squeeze3A_885 = vector.extract %slice3A_884[0] : f32 from vector<1xf32>
      %slice3A_886 = vector.extract_strided_slice %add3A_855 {offsets = [15], sizes = [1], strides = [1]} : vector<16xf32> to vector<1xf32>
      %squeeze3A_887 = vector.extract %slice3A_886[0] : f32 from vector<1xf32>
      %add3A_888 = arith.addf %squeeze3A_857, %squeeze3A_859 : f32
      %add3A_889 = arith.addf %squeeze3A_861, %squeeze3A_863 : f32
      %add3A_890 = arith.addf %squeeze3A_865, %squeeze3A_867 : f32
      %add3A_891 = arith.addf %squeeze3A_869, %squeeze3A_871 : f32
      %add3A_892 = arith.addf %squeeze3A_873, %squeeze3A_875 : f32
      %add3A_893 = arith.addf %squeeze3A_877, %squeeze3A_879 : f32
      %add3A_894 = arith.addf %squeeze3A_881, %squeeze3A_883 : f32
      %add3A_895 = arith.addf %squeeze3A_885, %squeeze3A_887 : f32
      %add3A_896 = arith.addf %add3A_888, %add3A_889 : f32
      %add3A_897 = arith.addf %add3A_890, %add3A_891 : f32
      %add3A_898 = arith.addf %add3A_892, %add3A_893 : f32
      %add3A_899 = arith.addf %add3A_894, %add3A_895 : f32
      %add3A_900 = arith.addf %add3A_896, %add3A_897 : f32
      %add3A_901 = arith.addf %add3A_898, %add3A_899 : f32
      %add3A_902 = arith.addf %add3A_900, %add3A_901 : f32
      %eq3A = arith.constant 0 : i32
      %eq3A_903 = vector.broadcast %eq3A : i32 to vector<16xi32>
      %eq3A_904 = arith.cmpi eq, %iota3A, %eq3A_903 : vector<16xi32>
      %broadcast_in_dim3A_905 = vector.broadcast %add3A_902 : f32 to vector<16xf32>
      %select_n3A = arith.select %eq3A_904, %broadcast_in_dim3A_905, %broadcast_in_dim3A_824 : vector<16xi1>, vector<16xf32>
      %get3A_906 = arith.constant 1 : i32
      %get3A_907 = arith.index_cast %get3A_906 : i32 to index
      %get3A_908 = arith.constant 0 : index
      %get3A_909 = tpu.vector_load %arg11[%get3A_907, %get3A_908] {strides = array<i32>} : memref<16x32xf32, #tpu.memory_space<vmem>>, vector<1x16xf32>,
      %get3A_910 = vector.shape_cast %get3A_909 : vector<1x16xf32> to vector<16xf32>
      %mul3A_911 = arith.mulf %get3A_910, %get3A_2 : vector<16xf32>
      %add3A_912 = arith.addf %mul3A_911, %get3A_8 : vector<16xf32>
      %get3A_913 = arith.constant 1 : i32
      %get3A_914 = arith.index_cast %get3A_913 : i32 to index
      %get3A_915 = arith.constant 16 : index
      %get3A_916 = tpu.vector_load %arg11[%get3A_914, %get3A_915] {strides = array<i32>} : memref<16x32xf32, #tpu.memory_space<vmem>>, vector<1x16xf32>,
      %get3A_917 = vector.shape_cast %get3A_916 : vector<1x16xf32> to vector<16xf32>
      %mul3A_918 = arith.mulf %get3A_917, %get3A_5 : vector<16xf32>
      %add3A_919 = arith.addf %mul3A_918, %get3A_11 : vector<16xf32>
      %get3A_920 = arith.constant 1 : i32
      %get3A_921 = arith.index_cast %get3A_920 : i32 to index
      %get3A_922 = arith.constant 0 : index
      %get3A_923 = tpu.vector_load %arg13[%get3A_921, %get3A_922] {strides = array<i32>} : memref<16x32xf32, #tpu.memory_space<vmem>>, vector<1x16xf32>,
      %get3A_924 = vector.shape_cast %get3A_923 : vector<1x16xf32> to vector<16xf32>
      %mul3A_925 = arith.mulf %get3A_924, %get3A_2 : vector<16xf32>
      %add3A_926 = arith.addf %mul3A_925, %get3A_8 : vector<16xf32>
      %get3A_927 = arith.constant 1 : i32
      %get3A_928 = arith.index_cast %get3A_927 : i32 to index
      %get3A_929 = arith.constant 16 : index
      %get3A_930 = tpu.vector_load %arg13[%get3A_928, %get3A_929] {strides = array<i32>} : memref<16x32xf32, #tpu.memory_space<vmem>>, vector<1x16xf32>,
      %get3A_931 = vector.shape_cast %get3A_930 : vector<1x16xf32> to vector<16xf32>
      %mul3A_932 = arith.mulf %get3A_931, %get3A_5 : vector<16xf32>
      %add3A_933 = arith.addf %mul3A_932, %get3A_11 : vector<16xf32>
      %mul3A_934 = arith.mulf %add3A_912, %add3A_926 : vector<16xf32>
      %mul3A_935 = arith.mulf %add3A_919, %add3A_933 : vector<16xf32>
      %add3A_936 = arith.addf %mul3A_934, %mul3A_935 : vector<16xf32>
      %slice3A_937 = vector.extract_strided_slice %add3A_936 {offsets = [0], sizes = [1], strides = [1]} : vector<16xf32> to vector<1xf32>
      %squeeze3A_938 = vector.extract %slice3A_937[0] : f32 from vector<1xf32>
      %slice3A_939 = vector.extract_strided_slice %add3A_936 {offsets = [1], sizes = [1], strides = [1]} : vector<16xf32> to vector<1xf32>
      %squeeze3A_940 = vector.extract %slice3A_939[0] : f32 from vector<1xf32>
      %slice3A_941 = vector.extract_strided_slice %add3A_936 {offsets = [2], sizes = [1], strides = [1]} : vector<16xf32> to vector<1xf32>
      %squeeze3A_942 = vector.extract %slice3A_941[0] : f32 from vector<1xf32>
      %slice3A_943 = vector.extract_strided_slice %add3A_936 {offsets = [3], sizes = [1], strides = [1]} : vector<16xf32> to vector<1xf32>
      %squeeze3A_944 = vector.extract %slice3A_943[0] : f32 from vector<1xf32>
      %slice3A_945 = vector.extract_strided_slice %add3A_936 {offsets = [4], sizes = [1], strides = [1]} : vector<16xf32> to vector<1xf32>
      %squeeze3A_946 = vector.extract %slice3A_945[0] : f32 from vector<1xf32>
      %slice3A_947 = vector.extract_strided_slice %add3A_936 {offsets = [5], sizes = [1], strides = [1]} : vector<16xf32> to vector<1xf32>
      %squeeze3A_948 = vector.extract %slice3A_947[0] : f32 from vector<1xf32>
      %slice3A_949 = vector.extract_strided_slice %add3A_936 {offsets = [6], sizes = [1], strides = [1]} : vector<16xf32> to vector<1xf32>
      %squeeze3A_950 = vector.extract %slice3A_949[0] : f32 from vector<1xf32>
      %slice3A_951 = vector.extract_strided_slice %add3A_936 {offsets = [7], sizes = [1], strides = [1]} : vector<16xf32> to vector<1xf32>
      %squeeze3A_952 = vector.extract %slice3A_951[0] : f32 from vector<1xf32>
      %slice3A_953 = vector.extract_strided_slice %add3A_936 {offsets = [8], sizes = [1], strides = [1]} : vector<16xf32> to vector<1xf32>
      %squeeze3A_954 = vector.extract %slice3A_953[0] : f32 from vector<1xf32>
      %slice3A_955 = vector.extract_strided_slice %add3A_936 {offsets = [9], sizes = [1], strides = [1]} : vector<16xf32> to vector<1xf32>
      %squeeze3A_956 = vector.extract %slice3A_955[0] : f32 from vector<1xf32>
      %slice3A_957 = vector.extract_strided_slice %add3A_936 {offsets = [10], sizes = [1], strides = [1]} : vector<16xf32> to vector<1xf32>
      %squeeze3A_958 = vector.extract %slice3A_957[0] : f32 from vector<1xf32>
      %slice3A_959 = vector.extract_strided_slice %add3A_936 {offsets = [11], sizes = [1], strides = [1]} : vector<16xf32> to vector<1xf32>
      %squeeze3A_960 = vector.extract %slice3A_959[0] : f32 from vector<1xf32>
      %slice3A_961 = vector.extract_strided_slice %add3A_936 {offsets = [12], sizes = [1], strides = [1]} : vector<16xf32> to vector<1xf32>
      %squeeze3A_962 = vector.extract %slice3A_961[0] : f32 from vector<1xf32>
      %slice3A_963 = vector.extract_strided_slice %add3A_936 {offsets = [13], sizes = [1], strides = [1]} : vector<16xf32> to vector<1xf32>
      %squeeze3A_964 = vector.extract %slice3A_963[0] : f32 from vector<1xf32>
      %slice3A_965 = vector.extract_strided_slice %add3A_936 {offsets = [14], sizes = [1], strides = [1]} : vector<16xf32> to vector<1xf32>
      %squeeze3A_966 = vector.extract %slice3A_965[0] : f32 from vector<1xf32>
      %slice3A_967 = vector.extract_strided_slice %add3A_936 {offsets = [15], sizes = [1], strides = [1]} : vector<16xf32> to vector<1xf32>
      %squeeze3A_968 = vector.extract %slice3A_967[0] : f32 from vector<1xf32>
      %add3A_969 = arith.addf %squeeze3A_938, %squeeze3A_940 : f32
      %add3A_970 = arith.addf %squeeze3A_942, %squeeze3A_944 : f32
      %add3A_971 = arith.addf %squeeze3A_946, %squeeze3A_948 : f32
      %add3A_972 = arith.addf %squeeze3A_950, %squeeze3A_952 : f32
      %add3A_973 = arith.addf %squeeze3A_954, %squeeze3A_956 : f32
      %add3A_974 = arith.addf %squeeze3A_958, %squeeze3A_960 : f32
      %add3A_975 = arith.addf %squeeze3A_962, %squeeze3A_964 : f32
      %add3A_976 = arith.addf %squeeze3A_966, %squeeze3A_968 : f32
      %add3A_977 = arith.addf %add3A_969, %add3A_970 : f32
      %add3A_978 = arith.addf %add3A_971, %add3A_972 : f32
      %add3A_979 = arith.addf %add3A_973, %add3A_974 : f32
      %add3A_980 = arith.addf %add3A_975, %add3A_976 : f32
      %add3A_981 = arith.addf %add3A_977, %add3A_978 : f32
      %add3A_982 = arith.addf %add3A_979, %add3A_980 : f32
      %add3A_983 = arith.addf %add3A_981, %add3A_982 : f32
      %eq3A_984 = arith.constant 1 : i32
      %eq3A_985 = vector.broadcast %eq3A_984 : i32 to vector<16xi32>
      %eq3A_986 = arith.cmpi eq, %iota3A, %eq3A_985 : vector<16xi32>
      %broadcast_in_dim3A_987 = vector.broadcast %add3A_983 : f32 to vector<16xf32>
      %select_n3A_988 = arith.select %eq3A_986, %broadcast_in_dim3A_987, %select_n3A : vector<16xi1>, vector<16xf32>
      %get3A_989 = arith.constant 2 : i32
      %get3A_990 = arith.index_cast %get3A_989 : i32 to index
      %get3A_991 = arith.constant 0 : index
      %get3A_992 = tpu.vector_load %arg11[%get3A_990, %get3A_991] {strides = array<i32>} : memref<16x32xf32, #tpu.memory_space<vmem>>, vector<1x16xf32>,
      %get3A_993 = vector.shape_cast %get3A_992 : vector<1x16xf32> to vector<16xf32>
      %mul3A_994 = arith.mulf %get3A_993, %get3A_2 : vector<16xf32>
      %add3A_995 = arith.addf %mul3A_994, %get3A_8 : vector<16xf32>
      %get3A_996 = arith.constant 2 : i32
      %get3A_997 = arith.index_cast %get3A_996 : i32 to index
      %get3A_998 = arith.constant 16 : index
      %get3A_999 = tpu.vector_load %arg11[%get3A_997, %get3A_998] {strides = array<i32>} : memref<16x32xf32, #tpu.memory_space<vmem>>, vector<1x16xf32>,
      %get3A_1000 = vector.shape_cast %get3A_999 : vector<1x16xf32> to vector<16xf32>
      %mul3A_1001 = arith.mulf %get3A_1000, %get3A_5 : vector<16xf32>
      %add3A_1002 = arith.addf %mul3A_1001, %get3A_11 : vector<16xf32>
      %get3A_1003 = arith.constant 2 : i32
      %get3A_1004 = arith.index_cast %get3A_1003 : i32 to index
      %get3A_1005 = arith.constant 0 : index
      %get3A_1006 = tpu.vector_load %arg13[%get3A_1004, %get3A_1005] {strides = array<i32>} : memref<16x32xf32, #tpu.memory_space<vmem>>, vector<1x16xf32>,
      %get3A_1007 = vector.shape_cast %get3A_1006 : vector<1x16xf32> to vector<16xf32>
      %mul3A_1008 = arith.mulf %get3A_1007, %get3A_2 : vector<16xf32>
      %add3A_1009 = arith.addf %mul3A_1008, %get3A_8 : vector<16xf32>
      %get3A_1010 = arith.constant 2 : i32
      %get3A_1011 = arith.index_cast %get3A_1010 : i32 to index
      %get3A_1012 = arith.constant 16 : index
      %get3A_1013 = tpu.vector_load %arg13[%get3A_1011, %get3A_1012] {strides = array<i32>} : memref<16x32xf32, #tpu.memory_space<vmem>>, vector<1x16xf32>,
      %get3A_1014 = vector.shape_cast %get3A_1013 : vector<1x16xf32> to vector<16xf32>
      %mul3A_1015 = arith.mulf %get3A_1014, %get3A_5 : vector<16xf32>
      %add3A_1016 = arith.addf %mul3A_1015, %get3A_11 : vector<16xf32>
      %mul3A_1017 = arith.mulf %add3A_995, %add3A_1009 : vector<16xf32>
      %mul3A_1018 = arith.mulf %add3A_1002, %add3A_1016 : vector<16xf32>
      %add3A_1019 = arith.addf %mul3A_1017, %mul3A_1018 : vector<16xf32>
      %slice3A_1020 = vector.extract_strided_slice %add3A_1019 {offsets = [0], sizes = [1], strides = [1]} : vector<16xf32> to vector<1xf32>
      %squeeze3A_1021 = vector.extract %slice3A_1020[0] : f32 from vector<1xf32>
      %slice3A_1022 = vector.extract_strided_slice %add3A_1019 {offsets = [1], sizes = [1], strides = [1]} : vector<16xf32> to vector<1xf32>
      %squeeze3A_1023 = vector.extract %slice3A_1022[0] : f32 from vector<1xf32>
      %slice3A_1024 = vector.extract_strided_slice %add3A_1019 {offsets = [2], sizes = [1], strides = [1]} : vector<16xf32> to vector<1xf32>
      %squeeze3A_1025 = vector.extract %slice3A_1024[0] : f32 from vector<1xf32>
      %slice3A_1026 = vector.extract_strided_slice %add3A_1019 {offsets = [3], sizes = [1], strides = [1]} : vector<16xf32> to vector<1xf32>
      %squeeze3A_1027 = vector.extract %slice3A_1026[0] : f32 from vector<1xf32>
      %slice3A_1028 = vector.extract_strided_slice %add3A_1019 {offsets = [4], sizes = [1], strides = [1]} : vector<16xf32> to vector<1xf32>
      %squeeze3A_1029 = vector.extract %slice3A_1028[0] : f32 from vector<1xf32>
      %slice3A_1030 = vector.extract_strided_slice %add3A_1019 {offsets = [5], sizes = [1], strides = [1]} : vector<16xf32> to vector<1xf32>
      %squeeze3A_1031 = vector.extract %slice3A_1030[0] : f32 from vector<1xf32>
      %slice3A_1032 = vector.extract_strided_slice %add3A_1019 {offsets = [6], sizes = [1], strides = [1]} : vector<16xf32> to vector<1xf32>
      %squeeze3A_1033 = vector.extract %slice3A_1032[0] : f32 from vector<1xf32>
      %slice3A_1034 = vector.extract_strided_slice %add3A_1019 {offsets = [7], sizes = [1], strides = [1]} : vector<16xf32> to vector<1xf32>
      %squeeze3A_1035 = vector.extract %slice3A_1034[0] : f32 from vector<1xf32>
      %slice3A_1036 = vector.extract_strided_slice %add3A_1019 {offsets = [8], sizes = [1], strides = [1]} : vector<16xf32> to vector<1xf32>
      %squeeze3A_1037 = vector.extract %slice3A_1036[0] : f32 from vector<1xf32>
      %slice3A_1038 = vector.extract_strided_slice %add3A_1019 {offsets = [9], sizes = [1], strides = [1]} : vector<16xf32> to vector<1xf32>
      %squeeze3A_1039 = vector.extract %slice3A_1038[0] : f32 from vector<1xf32>
      %slice3A_1040 = vector.extract_strided_slice %add3A_1019 {offsets = [10], sizes = [1], strides = [1]} : vector<16xf32> to vector<1xf32>
      %squeeze3A_1041 = vector.extract %slice3A_1040[0] : f32 from vector<1xf32>
      %slice3A_1042 = vector.extract_strided_slice %add3A_1019 {offsets = [11], sizes = [1], strides = [1]} : vector<16xf32> to vector<1xf32>
      %squeeze3A_1043 = vector.extract %slice3A_1042[0] : f32 from vector<1xf32>
      %slice3A_1044 = vector.extract_strided_slice %add3A_1019 {offsets = [12], sizes = [1], strides = [1]} : vector<16xf32> to vector<1xf32>
      %squeeze3A_1045 = vector.extract %slice3A_1044[0] : f32 from vector<1xf32>
      %slice3A_1046 = vector.extract_strided_slice %add3A_1019 {offsets = [13], sizes = [1], strides = [1]} : vector<16xf32> to vector<1xf32>
      %squeeze3A_1047 = vector.extract %slice3A_1046[0] : f32 from vector<1xf32>
      %slice3A_1048 = vector.extract_strided_slice %add3A_1019 {offsets = [14], sizes = [1], strides = [1]} : vector<16xf32> to vector<1xf32>
      %squeeze3A_1049 = vector.extract %slice3A_1048[0] : f32 from vector<1xf32>
      %slice3A_1050 = vector.extract_strided_slice %add3A_1019 {offsets = [15], sizes = [1], strides = [1]} : vector<16xf32> to vector<1xf32>
      %squeeze3A_1051 = vector.extract %slice3A_1050[0] : f32 from vector<1xf32>
      %add3A_1052 = arith.addf %squeeze3A_1021, %squeeze3A_1023 : f32
      %add3A_1053 = arith.addf %squeeze3A_1025, %squeeze3A_1027 : f32
      %add3A_1054 = arith.addf %squeeze3A_1029, %squeeze3A_1031 : f32
      %add3A_1055 = arith.addf %squeeze3A_1033, %squeeze3A_1035 : f32
      %add3A_1056 = arith.addf %squeeze3A_1037, %squeeze3A_1039 : f32
      %add3A_1057 = arith.addf %squeeze3A_1041, %squeeze3A_1043 : f32
      %add3A_1058 = arith.addf %squeeze3A_1045, %squeeze3A_1047 : f32
      %add3A_1059 = arith.addf %squeeze3A_1049, %squeeze3A_1051 : f32
      %add3A_1060 = arith.addf %add3A_1052, %add3A_1053 : f32
      %add3A_1061 = arith.addf %add3A_1054, %add3A_1055 : f32
      %add3A_1062 = arith.addf %add3A_1056, %add3A_1057 : f32
      %add3A_1063 = arith.addf %add3A_1058, %add3A_1059 : f32
      %add3A_1064 = arith.addf %add3A_1060, %add3A_1061 : f32
      %add3A_1065 = arith.addf %add3A_1062, %add3A_1063 : f32
      %add3A_1066 = arith.addf %add3A_1064, %add3A_1065 : f32
      %eq3A_1067 = arith.constant 2 : i32
      %eq3A_1068 = vector.broadcast %eq3A_1067 : i32 to vector<16xi32>
      %eq3A_1069 = arith.cmpi eq, %iota3A, %eq3A_1068 : vector<16xi32>
      %broadcast_in_dim3A_1070 = vector.broadcast %add3A_1066 : f32 to vector<16xf32>
      %select_n3A_1071 = arith.select %eq3A_1069, %broadcast_in_dim3A_1070, %select_n3A_988 : vector<16xi1>, vector<16xf32>
      %get3A_1072 = arith.constant 3 : i32
      %get3A_1073 = arith.index_cast %get3A_1072 : i32 to index
      %get3A_1074 = arith.constant 0 : index
      %get3A_1075 = tpu.vector_load %arg11[%get3A_1073, %get3A_1074] {strides = array<i32>} : memref<16x32xf32, #tpu.memory_space<vmem>>, vector<1x16xf32>,
      %get3A_1076 = vector.shape_cast %get3A_1075 : vector<1x16xf32> to vector<16xf32>
      %mul3A_1077 = arith.mulf %get3A_1076, %get3A_2 : vector<16xf32>
      %add3A_1078 = arith.addf %mul3A_1077, %get3A_8 : vector<16xf32>
      %get3A_1079 = arith.constant 3 : i32
      %get3A_1080 = arith.index_cast %get3A_1079 : i32 to index
      %get3A_1081 = arith.constant 16 : index
      %get3A_1082 = tpu.vector_load %arg11[%get3A_1080, %get3A_1081] {strides = array<i32>} : memref<16x32xf32, #tpu.memory_space<vmem>>, vector<1x16xf32>,
      %get3A_1083 = vector.shape_cast %get3A_1082 : vector<1x16xf32> to vector<16xf32>
      %mul3A_1084 = arith.mulf %get3A_1083, %get3A_5 : vector<16xf32>
      %add3A_1085 = arith.addf %mul3A_1084, %get3A_11 : vector<16xf32>
      %get3A_1086 = arith.constant 3 : i32
      %get3A_1087 = arith.index_cast %get3A_1086 : i32 to index
      %get3A_1088 = arith.constant 0 : index
      %get3A_1089 = tpu.vector_load %arg13[%get3A_1087, %get3A_1088] {strides = array<i32>} : memref<16x32xf32, #tpu.memory_space<vmem>>, vector<1x16xf32>,
      %get3A_1090 = vector.shape_cast %get3A_1089 : vector<1x16xf32> to vector<16xf32>
      %mul3A_1091 = arith.mulf %get3A_1090, %get3A_2 : vector<16xf32>
      %add3A_1092 = arith.addf %mul3A_1091, %get3A_8 : vector<16xf32>
      %get3A_1093 = arith.constant 3 : i32
      %get3A_1094 = arith.index_cast %get3A_1093 : i32 to index
      %get3A_1095 = arith.constant 16 : index
      %get3A_1096 = tpu.vector_load %arg13[%get3A_1094, %get3A_1095] {strides = array<i32>} : memref<16x32xf32, #tpu.memory_space<vmem>>, vector<1x16xf32>,
      %get3A_1097 = vector.shape_cast %get3A_1096 : vector<1x16xf32> to vector<16xf32>
      %mul3A_1098 = arith.mulf %get3A_1097, %get3A_5 : vector<16xf32>
      %add3A_1099 = arith.addf %mul3A_1098, %get3A_11 : vector<16xf32>
      %mul3A_1100 = arith.mulf %add3A_1078, %add3A_1092 : vector<16xf32>
      %mul3A_1101 = arith.mulf %add3A_1085, %add3A_1099 : vector<16xf32>
      %add3A_1102 = arith.addf %mul3A_1100, %mul3A_1101 : vector<16xf32>
      %slice3A_1103 = vector.extract_strided_slice %add3A_1102 {offsets = [0], sizes = [1], strides = [1]} : vector<16xf32> to vector<1xf32>
      %squeeze3A_1104 = vector.extract %slice3A_1103[0] : f32 from vector<1xf32>
      %slice3A_1105 = vector.extract_strided_slice %add3A_1102 {offsets = [1], sizes = [1], strides = [1]} : vector<16xf32> to vector<1xf32>
      %squeeze3A_1106 = vector.extract %slice3A_1105[0] : f32 from vector<1xf32>
      %slice3A_1107 = vector.extract_strided_slice %add3A_1102 {offsets = [2], sizes = [1], strides = [1]} : vector<16xf32> to vector<1xf32>
      %squeeze3A_1108 = vector.extract %slice3A_1107[0] : f32 from vector<1xf32>
      %slice3A_1109 = vector.extract_strided_slice %add3A_1102 {offsets = [3], sizes = [1], strides = [1]} : vector<16xf32> to vector<1xf32>
      %squeeze3A_1110 = vector.extract %slice3A_1109[0] : f32 from vector<1xf32>
      %slice3A_1111 = vector.extract_strided_slice %add3A_1102 {offsets = [4], sizes = [1], strides = [1]} : vector<16xf32> to vector<1xf32>
      %squeeze3A_1112 = vector.extract %slice3A_1111[0] : f32 from vector<1xf32>
      %slice3A_1113 = vector.extract_strided_slice %add3A_1102 {offsets = [5], sizes = [1], strides = [1]} : vector<16xf32> to vector<1xf32>
      %squeeze3A_1114 = vector.extract %slice3A_1113[0] : f32 from vector<1xf32>
      %slice3A_1115 = vector.extract_strided_slice %add3A_1102 {offsets = [6], sizes = [1], strides = [1]} : vector<16xf32> to vector<1xf32>
      %squeeze3A_1116 = vector.extract %slice3A_1115[0] : f32 from vector<1xf32>
      %slice3A_1117 = vector.extract_strided_slice %add3A_1102 {offsets = [7], sizes = [1], strides = [1]} : vector<16xf32> to vector<1xf32>
      %squeeze3A_1118 = vector.extract %slice3A_1117[0] : f32 from vector<1xf32>
      %slice3A_1119 = vector.extract_strided_slice %add3A_1102 {offsets = [8], sizes = [1], strides = [1]} : vector<16xf32> to vector<1xf32>
      %squeeze3A_1120 = vector.extract %slice3A_1119[0] : f32 from vector<1xf32>
      %slice3A_1121 = vector.extract_strided_slice %add3A_1102 {offsets = [9], sizes = [1], strides = [1]} : vector<16xf32> to vector<1xf32>
      %squeeze3A_1122 = vector.extract %slice3A_1121[0] : f32 from vector<1xf32>
      %slice3A_1123 = vector.extract_strided_slice %add3A_1102 {offsets = [10], sizes = [1], strides = [1]} : vector<16xf32> to vector<1xf32>
      %squeeze3A_1124 = vector.extract %slice3A_1123[0] : f32 from vector<1xf32>
      %slice3A_1125 = vector.extract_strided_slice %add3A_1102 {offsets = [11], sizes = [1], strides = [1]} : vector<16xf32> to vector<1xf32>
      %squeeze3A_1126 = vector.extract %slice3A_1125[0] : f32 from vector<1xf32>
      %slice3A_1127 = vector.extract_strided_slice %add3A_1102 {offsets = [12], sizes = [1], strides = [1]} : vector<16xf32> to vector<1xf32>
      %squeeze3A_1128 = vector.extract %slice3A_1127[0] : f32 from vector<1xf32>
      %slice3A_1129 = vector.extract_strided_slice %add3A_1102 {offsets = [13], sizes = [1], strides = [1]} : vector<16xf32> to vector<1xf32>
      %squeeze3A_1130 = vector.extract %slice3A_1129[0] : f32 from vector<1xf32>
      %slice3A_1131 = vector.extract_strided_slice %add3A_1102 {offsets = [14], sizes = [1], strides = [1]} : vector<16xf32> to vector<1xf32>
      %squeeze3A_1132 = vector.extract %slice3A_1131[0] : f32 from vector<1xf32>
      %slice3A_1133 = vector.extract_strided_slice %add3A_1102 {offsets = [15], sizes = [1], strides = [1]} : vector<16xf32> to vector<1xf32>
      %squeeze3A_1134 = vector.extract %slice3A_1133[0] : f32 from vector<1xf32>
      %add3A_1135 = arith.addf %squeeze3A_1104, %squeeze3A_1106 : f32
      %add3A_1136 = arith.addf %squeeze3A_1108, %squeeze3A_1110 : f32
      %add3A_1137 = arith.addf %squeeze3A_1112, %squeeze3A_1114 : f32
      %add3A_1138 = arith.addf %squeeze3A_1116, %squeeze3A_1118 : f32
      %add3A_1139 = arith.addf %squeeze3A_1120, %squeeze3A_1122 : f32
      %add3A_1140 = arith.addf %squeeze3A_1124, %squeeze3A_1126 : f32
      %add3A_1141 = arith.addf %squeeze3A_1128, %squeeze3A_1130 : f32
      %add3A_1142 = arith.addf %squeeze3A_1132, %squeeze3A_1134 : f32
      %add3A_1143 = arith.addf %add3A_1135, %add3A_1136 : f32
      %add3A_1144 = arith.addf %add3A_1137, %add3A_1138 : f32
      %add3A_1145 = arith.addf %add3A_1139, %add3A_1140 : f32
      %add3A_1146 = arith.addf %add3A_1141, %add3A_1142 : f32
      %add3A_1147 = arith.addf %add3A_1143, %add3A_1144 : f32
      %add3A_1148 = arith.addf %add3A_1145, %add3A_1146 : f32
      %add3A_1149 = arith.addf %add3A_1147, %add3A_1148 : f32
      %eq3A_1150 = arith.constant 3 : i32
      %eq3A_1151 = vector.broadcast %eq3A_1150 : i32 to vector<16xi32>
      %eq3A_1152 = arith.cmpi eq, %iota3A, %eq3A_1151 : vector<16xi32>
      %broadcast_in_dim3A_1153 = vector.broadcast %add3A_1149 : f32 to vector<16xf32>
      %select_n3A_1154 = arith.select %eq3A_1152, %broadcast_in_dim3A_1153, %select_n3A_1071 : vector<16xi1>, vector<16xf32>
      %get3A_1155 = arith.constant 4 : i32
      %get3A_1156 = arith.index_cast %get3A_1155 : i32 to index
      %get3A_1157 = arith.constant 0 : index
      %get3A_1158 = tpu.vector_load %arg11[%get3A_1156, %get3A_1157] {strides = array<i32>} : memref<16x32xf32, #tpu.memory_space<vmem>>, vector<1x16xf32>,
      %get3A_1159 = vector.shape_cast %get3A_1158 : vector<1x16xf32> to vector<16xf32>
      %mul3A_1160 = arith.mulf %get3A_1159, %get3A_2 : vector<16xf32>
      %add3A_1161 = arith.addf %mul3A_1160, %get3A_8 : vector<16xf32>
      %get3A_1162 = arith.constant 4 : i32
      %get3A_1163 = arith.index_cast %get3A_1162 : i32 to index
      %get3A_1164 = arith.constant 16 : index
      %get3A_1165 = tpu.vector_load %arg11[%get3A_1163, %get3A_1164] {strides = array<i32>} : memref<16x32xf32, #tpu.memory_space<vmem>>, vector<1x16xf32>,
      %get3A_1166 = vector.shape_cast %get3A_1165 : vector<1x16xf32> to vector<16xf32>
      %mul3A_1167 = arith.mulf %get3A_1166, %get3A_5 : vector<16xf32>
      %add3A_1168 = arith.addf %mul3A_1167, %get3A_11 : vector<16xf32>
      %get3A_1169 = arith.constant 4 : i32
      %get3A_1170 = arith.index_cast %get3A_1169 : i32 to index
      %get3A_1171 = arith.constant 0 : index
      %get3A_1172 = tpu.vector_load %arg13[%get3A_1170, %get3A_1171] {strides = array<i32>} : memref<16x32xf32, #tpu.memory_space<vmem>>, vector<1x16xf32>,
      %get3A_1173 = vector.shape_cast %get3A_1172 : vector<1x16xf32> to vector<16xf32>
      %mul3A_1174 = arith.mulf %get3A_1173, %get3A_2 : vector<16xf32>
      %add3A_1175 = arith.addf %mul3A_1174, %get3A_8 : vector<16xf32>
      %get3A_1176 = arith.constant 4 : i32
      %get3A_1177 = arith.index_cast %get3A_1176 : i32 to index
      %get3A_1178 = arith.constant 16 : index
      %get3A_1179 = tpu.vector_load %arg13[%get3A_1177, %get3A_1178] {strides = array<i32>} : memref<16x32xf32, #tpu.memory_space<vmem>>, vector<1x16xf32>,
      %get3A_1180 = vector.shape_cast %get3A_1179 : vector<1x16xf32> to vector<16xf32>
      %mul3A_1181 = arith.mulf %get3A_1180, %get3A_5 : vector<16xf32>
      %add3A_1182 = arith.addf %mul3A_1181, %get3A_11 : vector<16xf32>
      %mul3A_1183 = arith.mulf %add3A_1161, %add3A_1175 : vector<16xf32>
      %mul3A_1184 = arith.mulf %add3A_1168, %add3A_1182 : vector<16xf32>
      %add3A_1185 = arith.addf %mul3A_1183, %mul3A_1184 : vector<16xf32>
      %slice3A_1186 = vector.extract_strided_slice %add3A_1185 {offsets = [0], sizes = [1], strides = [1]} : vector<16xf32> to vector<1xf32>
      %squeeze3A_1187 = vector.extract %slice3A_1186[0] : f32 from vector<1xf32>
      %slice3A_1188 = vector.extract_strided_slice %add3A_1185 {offsets = [1], sizes = [1], strides = [1]} : vector<16xf32> to vector<1xf32>
      %squeeze3A_1189 = vector.extract %slice3A_1188[0] : f32 from vector<1xf32>
      %slice3A_1190 = vector.extract_strided_slice %add3A_1185 {offsets = [2], sizes = [1], strides = [1]} : vector<16xf32> to vector<1xf32>
      %squeeze3A_1191 = vector.extract %slice3A_1190[0] : f32 from vector<1xf32>
      %slice3A_1192 = vector.extract_strided_slice %add3A_1185 {offsets = [3], sizes = [1], strides = [1]} : vector<16xf32> to vector<1xf32>
      %squeeze3A_1193 = vector.extract %slice3A_1192[0] : f32 from vector<1xf32>
      %slice3A_1194 = vector.extract_strided_slice %add3A_1185 {offsets = [4], sizes = [1], strides = [1]} : vector<16xf32> to vector<1xf32>
      %squeeze3A_1195 = vector.extract %slice3A_1194[0] : f32 from vector<1xf32>
      %slice3A_1196 = vector.extract_strided_slice %add3A_1185 {offsets = [5], sizes = [1], strides = [1]} : vector<16xf32> to vector<1xf32>
      %squeeze3A_1197 = vector.extract %slice3A_1196[0] : f32 from vector<1xf32>
      %slice3A_1198 = vector.extract_strided_slice %add3A_1185 {offsets = [6], sizes = [1], strides = [1]} : vector<16xf32> to vector<1xf32>
      %squeeze3A_1199 = vector.extract %slice3A_1198[0] : f32 from vector<1xf32>
      %slice3A_1200 = vector.extract_strided_slice %add3A_1185 {offsets = [7], sizes = [1], strides = [1]} : vector<16xf32> to vector<1xf32>
      %squeeze3A_1201 = vector.extract %slice3A_1200[0] : f32 from vector<1xf32>
      %slice3A_1202 = vector.extract_strided_slice %add3A_1185 {offsets = [8], sizes = [1], strides = [1]} : vector<16xf32> to vector<1xf32>
      %squeeze3A_1203 = vector.extract %slice3A_1202[0] : f32 from vector<1xf32>
      %slice3A_1204 = vector.extract_strided_slice %add3A_1185 {offsets = [9], sizes = [1], strides = [1]} : vector<16xf32> to vector<1xf32>
      %squeeze3A_1205 = vector.extract %slice3A_1204[0] : f32 from vector<1xf32>
      %slice3A_1206 = vector.extract_strided_slice %add3A_1185 {offsets = [10], sizes = [1], strides = [1]} : vector<16xf32> to vector<1xf32>
      %squeeze3A_1207 = vector.extract %slice3A_1206[0] : f32 from vector<1xf32>
      %slice3A_1208 = vector.extract_strided_slice %add3A_1185 {offsets = [11], sizes = [1], strides = [1]} : vector<16xf32> to vector<1xf32>
      %squeeze3A_1209 = vector.extract %slice3A_1208[0] : f32 from vector<1xf32>
      %slice3A_1210 = vector.extract_strided_slice %add3A_1185 {offsets = [12], sizes = [1], strides = [1]} : vector<16xf32> to vector<1xf32>
      %squeeze3A_1211 = vector.extract %slice3A_1210[0] : f32 from vector<1xf32>
      %slice3A_1212 = vector.extract_strided_slice %add3A_1185 {offsets = [13], sizes = [1], strides = [1]} : vector<16xf32> to vector<1xf32>
      %squeeze3A_1213 = vector.extract %slice3A_1212[0] : f32 from vector<1xf32>
      %slice3A_1214 = vector.extract_strided_slice %add3A_1185 {offsets = [14], sizes = [1], strides = [1]} : vector<16xf32> to vector<1xf32>
      %squeeze3A_1215 = vector.extract %slice3A_1214[0] : f32 from vector<1xf32>
      %slice3A_1216 = vector.extract_strided_slice %add3A_1185 {offsets = [15], sizes = [1], strides = [1]} : vector<16xf32> to vector<1xf32>
      %squeeze3A_1217 = vector.extract %slice3A_1216[0] : f32 from vector<1xf32>
      %add3A_1218 = arith.addf %squeeze3A_1187, %squeeze3A_1189 : f32
      %add3A_1219 = arith.addf %squeeze3A_1191, %squeeze3A_1193 : f32
      %add3A_1220 = arith.addf %squeeze3A_1195, %squeeze3A_1197 : f32
      %add3A_1221 = arith.addf %squeeze3A_1199, %squeeze3A_1201 : f32
      %add3A_1222 = arith.addf %squeeze3A_1203, %squeeze3A_1205 : f32
      %add3A_1223 = arith.addf %squeeze3A_1207, %squeeze3A_1209 : f32
      %add3A_1224 = arith.addf %squeeze3A_1211, %squeeze3A_1213 : f32
      %add3A_1225 = arith.addf %squeeze3A_1215, %squeeze3A_1217 : f32
      %add3A_1226 = arith.addf %add3A_1218, %add3A_1219 : f32
      %add3A_1227 = arith.addf %add3A_1220, %add3A_1221 : f32
      %add3A_1228 = arith.addf %add3A_1222, %add3A_1223 : f32
      %add3A_1229 = arith.addf %add3A_1224, %add3A_1225 : f32
      %add3A_1230 = arith.addf %add3A_1226, %add3A_1227 : f32
      %add3A_1231 = arith.addf %add3A_1228, %add3A_1229 : f32
      %add3A_1232 = arith.addf %add3A_1230, %add3A_1231 : f32
      %eq3A_1233 = arith.constant 4 : i32
      %eq3A_1234 = vector.broadcast %eq3A_1233 : i32 to vector<16xi32>
      %eq3A_1235 = arith.cmpi eq, %iota3A, %eq3A_1234 : vector<16xi32>
      %broadcast_in_dim3A_1236 = vector.broadcast %add3A_1232 : f32 to vector<16xf32>
      %select_n3A_1237 = arith.select %eq3A_1235, %broadcast_in_dim3A_1236, %select_n3A_1154 : vector<16xi1>, vector<16xf32>
      %get3A_1238 = arith.constant 5 : i32
      %get3A_1239 = arith.index_cast %get3A_1238 : i32 to index
      %get3A_1240 = arith.constant 0 : index
      %get3A_1241 = tpu.vector_load %arg11[%get3A_1239, %get3A_1240] {strides = array<i32>} : memref<16x32xf32, #tpu.memory_space<vmem>>, vector<1x16xf32>,
      %get3A_1242 = vector.shape_cast %get3A_1241 : vector<1x16xf32> to vector<16xf32>
      %mul3A_1243 = arith.mulf %get3A_1242, %get3A_2 : vector<16xf32>
      %add3A_1244 = arith.addf %mul3A_1243, %get3A_8 : vector<16xf32>
      %get3A_1245 = arith.constant 5 : i32
      %get3A_1246 = arith.index_cast %get3A_1245 : i32 to index
      %get3A_1247 = arith.constant 16 : index
      %get3A_1248 = tpu.vector_load %arg11[%get3A_1246, %get3A_1247] {strides = array<i32>} : memref<16x32xf32, #tpu.memory_space<vmem>>, vector<1x16xf32>,
      %get3A_1249 = vector.shape_cast %get3A_1248 : vector<1x16xf32> to vector<16xf32>
      %mul3A_1250 = arith.mulf %get3A_1249, %get3A_5 : vector<16xf32>
      %add3A_1251 = arith.addf %mul3A_1250, %get3A_11 : vector<16xf32>
      %get3A_1252 = arith.constant 5 : i32
      %get3A_1253 = arith.index_cast %get3A_1252 : i32 to index
      %get3A_1254 = arith.constant 0 : index
      %get3A_1255 = tpu.vector_load %arg13[%get3A_1253, %get3A_1254] {strides = array<i32>} : memref<16x32xf32, #tpu.memory_space<vmem>>, vector<1x16xf32>,
      %get3A_1256 = vector.shape_cast %get3A_1255 : vector<1x16xf32> to vector<16xf32>
      %mul3A_1257 = arith.mulf %get3A_1256, %get3A_2 : vector<16xf32>
      %add3A_1258 = arith.addf %mul3A_1257, %get3A_8 : vector<16xf32>
      %get3A_1259 = arith.constant 5 : i32
      %get3A_1260 = arith.index_cast %get3A_1259 : i32 to index
      %get3A_1261 = arith.constant 16 : index
      %get3A_1262 = tpu.vector_load %arg13[%get3A_1260, %get3A_1261] {strides = array<i32>} : memref<16x32xf32, #tpu.memory_space<vmem>>, vector<1x16xf32>,
      %get3A_1263 = vector.shape_cast %get3A_1262 : vector<1x16xf32> to vector<16xf32>
      %mul3A_1264 = arith.mulf %get3A_1263, %get3A_5 : vector<16xf32>
      %add3A_1265 = arith.addf %mul3A_1264, %get3A_11 : vector<16xf32>
      %mul3A_1266 = arith.mulf %add3A_1244, %add3A_1258 : vector<16xf32>
      %mul3A_1267 = arith.mulf %add3A_1251, %add3A_1265 : vector<16xf32>
      %add3A_1268 = arith.addf %mul3A_1266, %mul3A_1267 : vector<16xf32>
      %slice3A_1269 = vector.extract_strided_slice %add3A_1268 {offsets = [0], sizes = [1], strides = [1]} : vector<16xf32> to vector<1xf32>
      %squeeze3A_1270 = vector.extract %slice3A_1269[0] : f32 from vector<1xf32>
      %slice3A_1271 = vector.extract_strided_slice %add3A_1268 {offsets = [1], sizes = [1], strides = [1]} : vector<16xf32> to vector<1xf32>
      %squeeze3A_1272 = vector.extract %slice3A_1271[0] : f32 from vector<1xf32>
      %slice3A_1273 = vector.extract_strided_slice %add3A_1268 {offsets = [2], sizes = [1], strides = [1]} : vector<16xf32> to vector<1xf32>
      %squeeze3A_1274 = vector.extract %slice3A_1273[0] : f32 from vector<1xf32>
      %slice3A_1275 = vector.extract_strided_slice %add3A_1268 {offsets = [3], sizes = [1], strides = [1]} : vector<16xf32> to vector<1xf32>
      %squeeze3A_1276 = vector.extract %slice3A_1275[0] : f32 from vector<1xf32>
      %slice3A_1277 = vector.extract_strided_slice %add3A_1268 {offsets = [4], sizes = [1], strides = [1]} : vector<16xf32> to vector<1xf32>
      %squeeze3A_1278 = vector.extract %slice3A_1277[0] : f32 from vector<1xf32>
      %slice3A_1279 = vector.extract_strided_slice %add3A_1268 {offsets = [5], sizes = [1], strides = [1]} : vector<16xf32> to vector<1xf32>
      %squeeze3A_1280 = vector.extract %slice3A_1279[0] : f32 from vector<1xf32>
      %slice3A_1281 = vector.extract_strided_slice %add3A_1268 {offsets = [6], sizes = [1], strides = [1]} : vector<16xf32> to vector<1xf32>
      %squeeze3A_1282 = vector.extract %slice3A_1281[0] : f32 from vector<1xf32>
      %slice3A_1283 = vector.extract_strided_slice %add3A_1268 {offsets = [7], sizes = [1], strides = [1]} : vector<16xf32> to vector<1xf32>
      %squeeze3A_1284 = vector.extract %slice3A_1283[0] : f32 from vector<1xf32>
      %slice3A_1285 = vector.extract_strided_slice %add3A_1268 {offsets = [8], sizes = [1], strides = [1]} : vector<16xf32> to vector<1xf32>
      %squeeze3A_1286 = vector.extract %slice3A_1285[0] : f32 from vector<1xf32>
      %slice3A_1287 = vector.extract_strided_slice %add3A_1268 {offsets = [9], sizes = [1], strides = [1]} : vector<16xf32> to vector<1xf32>
      %squeeze3A_1288 = vector.extract %slice3A_1287[0] : f32 from vector<1xf32>
      %slice3A_1289 = vector.extract_strided_slice %add3A_1268 {offsets = [10], sizes = [1], strides = [1]} : vector<16xf32> to vector<1xf32>
      %squeeze3A_1290 = vector.extract %slice3A_1289[0] : f32 from vector<1xf32>
      %slice3A_1291 = vector.extract_strided_slice %add3A_1268 {offsets = [11], sizes = [1], strides = [1]} : vector<16xf32> to vector<1xf32>
      %squeeze3A_1292 = vector.extract %slice3A_1291[0] : f32 from vector<1xf32>
      %slice3A_1293 = vector.extract_strided_slice %add3A_1268 {offsets = [12], sizes = [1], strides = [1]} : vector<16xf32> to vector<1xf32>
      %squeeze3A_1294 = vector.extract %slice3A_1293[0] : f32 from vector<1xf32>
      %slice3A_1295 = vector.extract_strided_slice %add3A_1268 {offsets = [13], sizes = [1], strides = [1]} : vector<16xf32> to vector<1xf32>
      %squeeze3A_1296 = vector.extract %slice3A_1295[0] : f32 from vector<1xf32>
      %slice3A_1297 = vector.extract_strided_slice %add3A_1268 {offsets = [14], sizes = [1], strides = [1]} : vector<16xf32> to vector<1xf32>
      %squeeze3A_1298 = vector.extract %slice3A_1297[0] : f32 from vector<1xf32>
      %slice3A_1299 = vector.extract_strided_slice %add3A_1268 {offsets = [15], sizes = [1], strides = [1]} : vector<16xf32> to vector<1xf32>
      %squeeze3A_1300 = vector.extract %slice3A_1299[0] : f32 from vector<1xf32>
      %add3A_1301 = arith.addf %squeeze3A_1270, %squeeze3A_1272 : f32
      %add3A_1302 = arith.addf %squeeze3A_1274, %squeeze3A_1276 : f32
      %add3A_1303 = arith.addf %squeeze3A_1278, %squeeze3A_1280 : f32
      %add3A_1304 = arith.addf %squeeze3A_1282, %squeeze3A_1284 : f32
      %add3A_1305 = arith.addf %squeeze3A_1286, %squeeze3A_1288 : f32
      %add3A_1306 = arith.addf %squeeze3A_1290, %squeeze3A_1292 : f32
      %add3A_1307 = arith.addf %squeeze3A_1294, %squeeze3A_1296 : f32
      %add3A_1308 = arith.addf %squeeze3A_1298, %squeeze3A_1300 : f32
      %add3A_1309 = arith.addf %add3A_1301, %add3A_1302 : f32
      %add3A_1310 = arith.addf %add3A_1303, %add3A_1304 : f32
      %add3A_1311 = arith.addf %add3A_1305, %add3A_1306 : f32
      %add3A_1312 = arith.addf %add3A_1307, %add3A_1308 : f32
      %add3A_1313 = arith.addf %add3A_1309, %add3A_1310 : f32
      %add3A_1314 = arith.addf %add3A_1311, %add3A_1312 : f32
      %add3A_1315 = arith.addf %add3A_1313, %add3A_1314 : f32
      %eq3A_1316 = arith.constant 5 : i32
      %eq3A_1317 = vector.broadcast %eq3A_1316 : i32 to vector<16xi32>
      %eq3A_1318 = arith.cmpi eq, %iota3A, %eq3A_1317 : vector<16xi32>
      %broadcast_in_dim3A_1319 = vector.broadcast %add3A_1315 : f32 to vector<16xf32>
      %select_n3A_1320 = arith.select %eq3A_1318, %broadcast_in_dim3A_1319, %select_n3A_1237 : vector<16xi1>, vector<16xf32>
      %get3A_1321 = arith.constant 6 : i32
      %get3A_1322 = arith.index_cast %get3A_1321 : i32 to index
      %get3A_1323 = arith.constant 0 : index
      %get3A_1324 = tpu.vector_load %arg11[%get3A_1322, %get3A_1323] {strides = array<i32>} : memref<16x32xf32, #tpu.memory_space<vmem>>, vector<1x16xf32>,
      %get3A_1325 = vector.shape_cast %get3A_1324 : vector<1x16xf32> to vector<16xf32>
      %mul3A_1326 = arith.mulf %get3A_1325, %get3A_2 : vector<16xf32>
      %add3A_1327 = arith.addf %mul3A_1326, %get3A_8 : vector<16xf32>
      %get3A_1328 = arith.constant 6 : i32
      %get3A_1329 = arith.index_cast %get3A_1328 : i32 to index
      %get3A_1330 = arith.constant 16 : index
      %get3A_1331 = tpu.vector_load %arg11[%get3A_1329, %get3A_1330] {strides = array<i32>} : memref<16x32xf32, #tpu.memory_space<vmem>>, vector<1x16xf32>,
      %get3A_1332 = vector.shape_cast %get3A_1331 : vector<1x16xf32> to vector<16xf32>
      %mul3A_1333 = arith.mulf %get3A_1332, %get3A_5 : vector<16xf32>
      %add3A_1334 = arith.addf %mul3A_1333, %get3A_11 : vector<16xf32>
      %get3A_1335 = arith.constant 6 : i32
      %get3A_1336 = arith.index_cast %get3A_1335 : i32 to index
      %get3A_1337 = arith.constant 0 : index
      %get3A_1338 = tpu.vector_load %arg13[%get3A_1336, %get3A_1337] {strides = array<i32>} : memref<16x32xf32, #tpu.memory_space<vmem>>, vector<1x16xf32>,
      %get3A_1339 = vector.shape_cast %get3A_1338 : vector<1x16xf32> to vector<16xf32>
      %mul3A_1340 = arith.mulf %get3A_1339, %get3A_2 : vector<16xf32>
      %add3A_1341 = arith.addf %mul3A_1340, %get3A_8 : vector<16xf32>
      %get3A_1342 = arith.constant 6 : i32
      %get3A_1343 = arith.index_cast %get3A_1342 : i32 to index
      %get3A_1344 = arith.constant 16 : index
      %get3A_1345 = tpu.vector_load %arg13[%get3A_1343, %get3A_1344] {strides = array<i32>} : memref<16x32xf32, #tpu.memory_space<vmem>>, vector<1x16xf32>,
      %get3A_1346 = vector.shape_cast %get3A_1345 : vector<1x16xf32> to vector<16xf32>
      %mul3A_1347 = arith.mulf %get3A_1346, %get3A_5 : vector<16xf32>
      %add3A_1348 = arith.addf %mul3A_1347, %get3A_11 : vector<16xf32>
      %mul3A_1349 = arith.mulf %add3A_1327, %add3A_1341 : vector<16xf32>
      %mul3A_1350 = arith.mulf %add3A_1334, %add3A_1348 : vector<16xf32>
      %add3A_1351 = arith.addf %mul3A_1349, %mul3A_1350 : vector<16xf32>
      %slice3A_1352 = vector.extract_strided_slice %add3A_1351 {offsets = [0], sizes = [1], strides = [1]} : vector<16xf32> to vector<1xf32>
      %squeeze3A_1353 = vector.extract %slice3A_1352[0] : f32 from vector<1xf32>
      %slice3A_1354 = vector.extract_strided_slice %add3A_1351 {offsets = [1], sizes = [1], strides = [1]} : vector<16xf32> to vector<1xf32>
      %squeeze3A_1355 = vector.extract %slice3A_1354[0] : f32 from vector<1xf32>
      %slice3A_1356 = vector.extract_strided_slice %add3A_1351 {offsets = [2], sizes = [1], strides = [1]} : vector<16xf32> to vector<1xf32>
      %squeeze3A_1357 = vector.extract %slice3A_1356[0] : f32 from vector<1xf32>
      %slice3A_1358 = vector.extract_strided_slice %add3A_1351 {offsets = [3], sizes = [1], strides = [1]} : vector<16xf32> to vector<1xf32>
      %squeeze3A_1359 = vector.extract %slice3A_1358[0] : f32 from vector<1xf32>
      %slice3A_1360 = vector.extract_strided_slice %add3A_1351 {offsets = [4], sizes = [1], strides = [1]} : vector<16xf32> to vector<1xf32>
      %squeeze3A_1361 = vector.extract %slice3A_1360[0] : f32 from vector<1xf32>
      %slice3A_1362 = vector.extract_strided_slice %add3A_1351 {offsets = [5], sizes = [1], strides = [1]} : vector<16xf32> to vector<1xf32>
      %squeeze3A_1363 = vector.extract %slice3A_1362[0] : f32 from vector<1xf32>
      %slice3A_1364 = vector.extract_strided_slice %add3A_1351 {offsets = [6], sizes = [1], strides = [1]} : vector<16xf32> to vector<1xf32>
      %squeeze3A_1365 = vector.extract %slice3A_1364[0] : f32 from vector<1xf32>
      %slice3A_1366 = vector.extract_strided_slice %add3A_1351 {offsets = [7], sizes = [1], strides = [1]} : vector<16xf32> to vector<1xf32>
      %squeeze3A_1367 = vector.extract %slice3A_1366[0] : f32 from vector<1xf32>
      %slice3A_1368 = vector.extract_strided_slice %add3A_1351 {offsets = [8], sizes = [1], strides = [1]} : vector<16xf32> to vector<1xf32>
      %squeeze3A_1369 = vector.extract %slice3A_1368[0] : f32 from vector<1xf32>
      %slice3A_1370 = vector.extract_strided_slice %add3A_1351 {offsets = [9], sizes = [1], strides = [1]} : vector<16xf32> to vector<1xf32>
      %squeeze3A_1371 = vector.extract %slice3A_1370[0] : f32 from vector<1xf32>
      %slice3A_1372 = vector.extract_strided_slice %add3A_1351 {offsets = [10], sizes = [1], strides = [1]} : vector<16xf32> to vector<1xf32>
      %squeeze3A_1373 = vector.extract %slice3A_1372[0] : f32 from vector<1xf32>
      %slice3A_1374 = vector.extract_strided_slice %add3A_1351 {offsets = [11], sizes = [1], strides = [1]} : vector<16xf32> to vector<1xf32>
      %squeeze3A_1375 = vector.extract %slice3A_1374[0] : f32 from vector<1xf32>
      %slice3A_1376 = vector.extract_strided_slice %add3A_1351 {offsets = [12], sizes = [1], strides = [1]} : vector<16xf32> to vector<1xf32>
      %squeeze3A_1377 = vector.extract %slice3A_1376[0] : f32 from vector<1xf32>
      %slice3A_1378 = vector.extract_strided_slice %add3A_1351 {offsets = [13], sizes = [1], strides = [1]} : vector<16xf32> to vector<1xf32>
      %squeeze3A_1379 = vector.extract %slice3A_1378[0] : f32 from vector<1xf32>
      %slice3A_1380 = vector.extract_strided_slice %add3A_1351 {offsets = [14], sizes = [1], strides = [1]} : vector<16xf32> to vector<1xf32>
      %squeeze3A_1381 = vector.extract %slice3A_1380[0] : f32 from vector<1xf32>
      %slice3A_1382 = vector.extract_strided_slice %add3A_1351 {offsets = [15], sizes = [1], strides = [1]} : vector<16xf32> to vector<1xf32>
      %squeeze3A_1383 = vector.extract %slice3A_1382[0] : f32 from vector<1xf32>
      %add3A_1384 = arith.addf %squeeze3A_1353, %squeeze3A_1355 : f32
      %add3A_1385 = arith.addf %squeeze3A_1357, %squeeze3A_1359 : f32
      %add3A_1386 = arith.addf %squeeze3A_1361, %squeeze3A_1363 : f32
      %add3A_1387 = arith.addf %squeeze3A_1365, %squeeze3A_1367 : f32
      %add3A_1388 = arith.addf %squeeze3A_1369, %squeeze3A_1371 : f32
      %add3A_1389 = arith.addf %squeeze3A_1373, %squeeze3A_1375 : f32
      %add3A_1390 = arith.addf %squeeze3A_1377, %squeeze3A_1379 : f32
      %add3A_1391 = arith.addf %squeeze3A_1381, %squeeze3A_1383 : f32
      %add3A_1392 = arith.addf %add3A_1384, %add3A_1385 : f32
      %add3A_1393 = arith.addf %add3A_1386, %add3A_1387 : f32
      %add3A_1394 = arith.addf %add3A_1388, %add3A_1389 : f32
      %add3A_1395 = arith.addf %add3A_1390, %add3A_1391 : f32
      %add3A_1396 = arith.addf %add3A_1392, %add3A_1393 : f32
      %add3A_1397 = arith.addf %add3A_1394, %add3A_1395 : f32
      %add3A_1398 = arith.addf %add3A_1396, %add3A_1397 : f32
      %eq3A_1399 = arith.constant 6 : i32
      %eq3A_1400 = vector.broadcast %eq3A_1399 : i32 to vector<16xi32>
      %eq3A_1401 = arith.cmpi eq, %iota3A, %eq3A_1400 : vector<16xi32>
      %broadcast_in_dim3A_1402 = vector.broadcast %add3A_1398 : f32 to vector<16xf32>
      %select_n3A_1403 = arith.select %eq3A_1401, %broadcast_in_dim3A_1402, %select_n3A_1320 : vector<16xi1>, vector<16xf32>
      %get3A_1404 = arith.constant 7 : i32
      %get3A_1405 = arith.index_cast %get3A_1404 : i32 to index
      %get3A_1406 = arith.constant 0 : index
      %get3A_1407 = tpu.vector_load %arg11[%get3A_1405, %get3A_1406] {strides = array<i32>} : memref<16x32xf32, #tpu.memory_space<vmem>>, vector<1x16xf32>,
      %get3A_1408 = vector.shape_cast %get3A_1407 : vector<1x16xf32> to vector<16xf32>
      %mul3A_1409 = arith.mulf %get3A_1408, %get3A_2 : vector<16xf32>
      %add3A_1410 = arith.addf %mul3A_1409, %get3A_8 : vector<16xf32>
      %get3A_1411 = arith.constant 7 : i32
      %get3A_1412 = arith.index_cast %get3A_1411 : i32 to index
      %get3A_1413 = arith.constant 16 : index
      %get3A_1414 = tpu.vector_load %arg11[%get3A_1412, %get3A_1413] {strides = array<i32>} : memref<16x32xf32, #tpu.memory_space<vmem>>, vector<1x16xf32>,
      %get3A_1415 = vector.shape_cast %get3A_1414 : vector<1x16xf32> to vector<16xf32>
      %mul3A_1416 = arith.mulf %get3A_1415, %get3A_5 : vector<16xf32>
      %add3A_1417 = arith.addf %mul3A_1416, %get3A_11 : vector<16xf32>
      %get3A_1418 = arith.constant 7 : i32
      %get3A_1419 = arith.index_cast %get3A_1418 : i32 to index
      %get3A_1420 = arith.constant 0 : index
      %get3A_1421 = tpu.vector_load %arg13[%get3A_1419, %get3A_1420] {strides = array<i32>} : memref<16x32xf32, #tpu.memory_space<vmem>>, vector<1x16xf32>,
      %get3A_1422 = vector.shape_cast %get3A_1421 : vector<1x16xf32> to vector<16xf32>
      %mul3A_1423 = arith.mulf %get3A_1422, %get3A_2 : vector<16xf32>
      %add3A_1424 = arith.addf %mul3A_1423, %get3A_8 : vector<16xf32>
      %get3A_1425 = arith.constant 7 : i32
      %get3A_1426 = arith.index_cast %get3A_1425 : i32 to index
      %get3A_1427 = arith.constant 16 : index
      %get3A_1428 = tpu.vector_load %arg13[%get3A_1426, %get3A_1427] {strides = array<i32>} : memref<16x32xf32, #tpu.memory_space<vmem>>, vector<1x16xf32>,
      %get3A_1429 = vector.shape_cast %get3A_1428 : vector<1x16xf32> to vector<16xf32>
      %mul3A_1430 = arith.mulf %get3A_1429, %get3A_5 : vector<16xf32>
      %add3A_1431 = arith.addf %mul3A_1430, %get3A_11 : vector<16xf32>
      %mul3A_1432 = arith.mulf %add3A_1410, %add3A_1424 : vector<16xf32>
      %mul3A_1433 = arith.mulf %add3A_1417, %add3A_1431 : vector<16xf32>
      %add3A_1434 = arith.addf %mul3A_1432, %mul3A_1433 : vector<16xf32>
      %slice3A_1435 = vector.extract_strided_slice %add3A_1434 {offsets = [0], sizes = [1], strides = [1]} : vector<16xf32> to vector<1xf32>
      %squeeze3A_1436 = vector.extract %slice3A_1435[0] : f32 from vector<1xf32>
      %slice3A_1437 = vector.extract_strided_slice %add3A_1434 {offsets = [1], sizes = [1], strides = [1]} : vector<16xf32> to vector<1xf32>
      %squeeze3A_1438 = vector.extract %slice3A_1437[0] : f32 from vector<1xf32>
      %slice3A_1439 = vector.extract_strided_slice %add3A_1434 {offsets = [2], sizes = [1], strides = [1]} : vector<16xf32> to vector<1xf32>
      %squeeze3A_1440 = vector.extract %slice3A_1439[0] : f32 from vector<1xf32>
      %slice3A_1441 = vector.extract_strided_slice %add3A_1434 {offsets = [3], sizes = [1], strides = [1]} : vector<16xf32> to vector<1xf32>
      %squeeze3A_1442 = vector.extract %slice3A_1441[0] : f32 from vector<1xf32>
      %slice3A_1443 = vector.extract_strided_slice %add3A_1434 {offsets = [4], sizes = [1], strides = [1]} : vector<16xf32> to vector<1xf32>
      %squeeze3A_1444 = vector.extract %slice3A_1443[0] : f32 from vector<1xf32>
      %slice3A_1445 = vector.extract_strided_slice %add3A_1434 {offsets = [5], sizes = [1], strides = [1]} : vector<16xf32> to vector<1xf32>
      %squeeze3A_1446 = vector.extract %slice3A_1445[0] : f32 from vector<1xf32>
      %slice3A_1447 = vector.extract_strided_slice %add3A_1434 {offsets = [6], sizes = [1], strides = [1]} : vector<16xf32> to vector<1xf32>
      %squeeze3A_1448 = vector.extract %slice3A_1447[0] : f32 from vector<1xf32>
      %slice3A_1449 = vector.extract_strided_slice %add3A_1434 {offsets = [7], sizes = [1], strides = [1]} : vector<16xf32> to vector<1xf32>
      %squeeze3A_1450 = vector.extract %slice3A_1449[0] : f32 from vector<1xf32>
      %slice3A_1451 = vector.extract_strided_slice %add3A_1434 {offsets = [8], sizes = [1], strides = [1]} : vector<16xf32> to vector<1xf32>
      %squeeze3A_1452 = vector.extract %slice3A_1451[0] : f32 from vector<1xf32>
      %slice3A_1453 = vector.extract_strided_slice %add3A_1434 {offsets = [9], sizes = [1], strides = [1]} : vector<16xf32> to vector<1xf32>
      %squeeze3A_1454 = vector.extract %slice3A_1453[0] : f32 from vector<1xf32>
      %slice3A_1455 = vector.extract_strided_slice %add3A_1434 {offsets = [10], sizes = [1], strides = [1]} : vector<16xf32> to vector<1xf32>
      %squeeze3A_1456 = vector.extract %slice3A_1455[0] : f32 from vector<1xf32>
      %slice3A_1457 = vector.extract_strided_slice %add3A_1434 {offsets = [11], sizes = [1], strides = [1]} : vector<16xf32> to vector<1xf32>
      %squeeze3A_1458 = vector.extract %slice3A_1457[0] : f32 from vector<1xf32>
      %slice3A_1459 = vector.extract_strided_slice %add3A_1434 {offsets = [12], sizes = [1], strides = [1]} : vector<16xf32> to vector<1xf32>
      %squeeze3A_1460 = vector.extract %slice3A_1459[0] : f32 from vector<1xf32>
      %slice3A_1461 = vector.extract_strided_slice %add3A_1434 {offsets = [13], sizes = [1], strides = [1]} : vector<16xf32> to vector<1xf32>
      %squeeze3A_1462 = vector.extract %slice3A_1461[0] : f32 from vector<1xf32>
      %slice3A_1463 = vector.extract_strided_slice %add3A_1434 {offsets = [14], sizes = [1], strides = [1]} : vector<16xf32> to vector<1xf32>
      %squeeze3A_1464 = vector.extract %slice3A_1463[0] : f32 from vector<1xf32>
      %slice3A_1465 = vector.extract_strided_slice %add3A_1434 {offsets = [15], sizes = [1], strides = [1]} : vector<16xf32> to vector<1xf32>
      %squeeze3A_1466 = vector.extract %slice3A_1465[0] : f32 from vector<1xf32>
      %add3A_1467 = arith.addf %squeeze3A_1436, %squeeze3A_1438 : f32
      %add3A_1468 = arith.addf %squeeze3A_1440, %squeeze3A_1442 : f32
      %add3A_1469 = arith.addf %squeeze3A_1444, %squeeze3A_1446 : f32
      %add3A_1470 = arith.addf %squeeze3A_1448, %squeeze3A_1450 : f32
      %add3A_1471 = arith.addf %squeeze3A_1452, %squeeze3A_1454 : f32
      %add3A_1472 = arith.addf %squeeze3A_1456, %squeeze3A_1458 : f32
      %add3A_1473 = arith.addf %squeeze3A_1460, %squeeze3A_1462 : f32
      %add3A_1474 = arith.addf %squeeze3A_1464, %squeeze3A_1466 : f32
      %add3A_1475 = arith.addf %add3A_1467, %add3A_1468 : f32
      %add3A_1476 = arith.addf %add3A_1469, %add3A_1470 : f32
      %add3A_1477 = arith.addf %add3A_1471, %add3A_1472 : f32
      %add3A_1478 = arith.addf %add3A_1473, %add3A_1474 : f32
      %add3A_1479 = arith.addf %add3A_1475, %add3A_1476 : f32
      %add3A_1480 = arith.addf %add3A_1477, %add3A_1478 : f32
      %add3A_1481 = arith.addf %add3A_1479, %add3A_1480 : f32
      %eq3A_1482 = arith.constant 7 : i32
      %eq3A_1483 = vector.broadcast %eq3A_1482 : i32 to vector<16xi32>
      %eq3A_1484 = arith.cmpi eq, %iota3A, %eq3A_1483 : vector<16xi32>
      %broadcast_in_dim3A_1485 = vector.broadcast %add3A_1481 : f32 to vector<16xf32>
      %select_n3A_1486 = arith.select %eq3A_1484, %broadcast_in_dim3A_1485, %select_n3A_1403 : vector<16xi1>, vector<16xf32>
      %get3A_1487 = arith.constant 8 : i32
      %get3A_1488 = arith.index_cast %get3A_1487 : i32 to index
      %get3A_1489 = arith.constant 0 : index
      %get3A_1490 = tpu.vector_load %arg11[%get3A_1488, %get3A_1489] {strides = array<i32>} : memref<16x32xf32, #tpu.memory_space<vmem>>, vector<1x16xf32>,
      %get3A_1491 = vector.shape_cast %get3A_1490 : vector<1x16xf32> to vector<16xf32>
      %mul3A_1492 = arith.mulf %get3A_1491, %get3A_2 : vector<16xf32>
      %add3A_1493 = arith.addf %mul3A_1492, %get3A_8 : vector<16xf32>
      %get3A_1494 = arith.constant 8 : i32
      %get3A_1495 = arith.index_cast %get3A_1494 : i32 to index
      %get3A_1496 = arith.constant 16 : index
      %get3A_1497 = tpu.vector_load %arg11[%get3A_1495, %get3A_1496] {strides = array<i32>} : memref<16x32xf32, #tpu.memory_space<vmem>>, vector<1x16xf32>,
      %get3A_1498 = vector.shape_cast %get3A_1497 : vector<1x16xf32> to vector<16xf32>
      %mul3A_1499 = arith.mulf %get3A_1498, %get3A_5 : vector<16xf32>
      %add3A_1500 = arith.addf %mul3A_1499, %get3A_11 : vector<16xf32>
      %get3A_1501 = arith.constant 8 : i32
      %get3A_1502 = arith.index_cast %get3A_1501 : i32 to index
      %get3A_1503 = arith.constant 0 : index
      %get3A_1504 = tpu.vector_load %arg13[%get3A_1502, %get3A_1503] {strides = array<i32>} : memref<16x32xf32, #tpu.memory_space<vmem>>, vector<1x16xf32>,
      %get3A_1505 = vector.shape_cast %get3A_1504 : vector<1x16xf32> to vector<16xf32>
      %mul3A_1506 = arith.mulf %get3A_1505, %get3A_2 : vector<16xf32>
      %add3A_1507 = arith.addf %mul3A_1506, %get3A_8 : vector<16xf32>
      %get3A_1508 = arith.constant 8 : i32
      %get3A_1509 = arith.index_cast %get3A_1508 : i32 to index
      %get3A_1510 = arith.constant 16 : index
      %get3A_1511 = tpu.vector_load %arg13[%get3A_1509, %get3A_1510] {strides = array<i32>} : memref<16x32xf32, #tpu.memory_space<vmem>>, vector<1x16xf32>,
      %get3A_1512 = vector.shape_cast %get3A_1511 : vector<1x16xf32> to vector<16xf32>
      %mul3A_1513 = arith.mulf %get3A_1512, %get3A_5 : vector<16xf32>
      %add3A_1514 = arith.addf %mul3A_1513, %get3A_11 : vector<16xf32>
      %mul3A_1515 = arith.mulf %add3A_1493, %add3A_1507 : vector<16xf32>
      %mul3A_1516 = arith.mulf %add3A_1500, %add3A_1514 : vector<16xf32>
      %add3A_1517 = arith.addf %mul3A_1515, %mul3A_1516 : vector<16xf32>
      %slice3A_1518 = vector.extract_strided_slice %add3A_1517 {offsets = [0], sizes = [1], strides = [1]} : vector<16xf32> to vector<1xf32>
      %squeeze3A_1519 = vector.extract %slice3A_1518[0] : f32 from vector<1xf32>
      %slice3A_1520 = vector.extract_strided_slice %add3A_1517 {offsets = [1], sizes = [1], strides = [1]} : vector<16xf32> to vector<1xf32>
      %squeeze3A_1521 = vector.extract %slice3A_1520[0] : f32 from vector<1xf32>
      %slice3A_1522 = vector.extract_strided_slice %add3A_1517 {offsets = [2], sizes = [1], strides = [1]} : vector<16xf32> to vector<1xf32>
      %squeeze3A_1523 = vector.extract %slice3A_1522[0] : f32 from vector<1xf32>
      %slice3A_1524 = vector.extract_strided_slice %add3A_1517 {offsets = [3], sizes = [1], strides = [1]} : vector<16xf32> to vector<1xf32>
      %squeeze3A_1525 = vector.extract %slice3A_1524[0] : f32 from vector<1xf32>
      %slice3A_1526 = vector.extract_strided_slice %add3A_1517 {offsets = [4], sizes = [1], strides = [1]} : vector<16xf32> to vector<1xf32>
      %squeeze3A_1527 = vector.extract %slice3A_1526[0] : f32 from vector<1xf32>
      %slice3A_1528 = vector.extract_strided_slice %add3A_1517 {offsets = [5], sizes = [1], strides = [1]} : vector<16xf32> to vector<1xf32>
      %squeeze3A_1529 = vector.extract %slice3A_1528[0] : f32 from vector<1xf32>
      %slice3A_1530 = vector.extract_strided_slice %add3A_1517 {offsets = [6], sizes = [1], strides = [1]} : vector<16xf32> to vector<1xf32>
      %squeeze3A_1531 = vector.extract %slice3A_1530[0] : f32 from vector<1xf32>
      %slice3A_1532 = vector.extract_strided_slice %add3A_1517 {offsets = [7], sizes = [1], strides = [1]} : vector<16xf32> to vector<1xf32>
      %squeeze3A_1533 = vector.extract %slice3A_1532[0] : f32 from vector<1xf32>
      %slice3A_1534 = vector.extract_strided_slice %add3A_1517 {offsets = [8], sizes = [1], strides = [1]} : vector<16xf32> to vector<1xf32>
      %squeeze3A_1535 = vector.extract %slice3A_1534[0] : f32 from vector<1xf32>
      %slice3A_1536 = vector.extract_strided_slice %add3A_1517 {offsets = [9], sizes = [1], strides = [1]} : vector<16xf32> to vector<1xf32>
      %squeeze3A_1537 = vector.extract %slice3A_1536[0] : f32 from vector<1xf32>
      %slice3A_1538 = vector.extract_strided_slice %add3A_1517 {offsets = [10], sizes = [1], strides = [1]} : vector<16xf32> to vector<1xf32>
      %squeeze3A_1539 = vector.extract %slice3A_1538[0] : f32 from vector<1xf32>
      %slice3A_1540 = vector.extract_strided_slice %add3A_1517 {offsets = [11], sizes = [1], strides = [1]} : vector<16xf32> to vector<1xf32>
      %squeeze3A_1541 = vector.extract %slice3A_1540[0] : f32 from vector<1xf32>
      %slice3A_1542 = vector.extract_strided_slice %add3A_1517 {offsets = [12], sizes = [1], strides = [1]} : vector<16xf32> to vector<1xf32>
      %squeeze3A_1543 = vector.extract %slice3A_1542[0] : f32 from vector<1xf32>
      %slice3A_1544 = vector.extract_strided_slice %add3A_1517 {offsets = [13], sizes = [1], strides = [1]} : vector<16xf32> to vector<1xf32>
      %squeeze3A_1545 = vector.extract %slice3A_1544[0] : f32 from vector<1xf32>
      %slice3A_1546 = vector.extract_strided_slice %add3A_1517 {offsets = [14], sizes = [1], strides = [1]} : vector<16xf32> to vector<1xf32>
      %squeeze3A_1547 = vector.extract %slice3A_1546[0] : f32 from vector<1xf32>
      %slice3A_1548 = vector.extract_strided_slice %add3A_1517 {offsets = [15], sizes = [1], strides = [1]} : vector<16xf32> to vector<1xf32>
      %squeeze3A_1549 = vector.extract %slice3A_1548[0] : f32 from vector<1xf32>
      %add3A_1550 = arith.addf %squeeze3A_1519, %squeeze3A_1521 : f32
      %add3A_1551 = arith.addf %squeeze3A_1523, %squeeze3A_1525 : f32
      %add3A_1552 = arith.addf %squeeze3A_1527, %squeeze3A_1529 : f32
      %add3A_1553 = arith.addf %squeeze3A_1531, %squeeze3A_1533 : f32
      %add3A_1554 = arith.addf %squeeze3A_1535, %squeeze3A_1537 : f32
      %add3A_1555 = arith.addf %squeeze3A_1539, %squeeze3A_1541 : f32
      %add3A_1556 = arith.addf %squeeze3A_1543, %squeeze3A_1545 : f32
      %add3A_1557 = arith.addf %squeeze3A_1547, %squeeze3A_1549 : f32
      %add3A_1558 = arith.addf %add3A_1550, %add3A_1551 : f32
      %add3A_1559 = arith.addf %add3A_1552, %add3A_1553 : f32
      %add3A_1560 = arith.addf %add3A_1554, %add3A_1555 : f32
      %add3A_1561 = arith.addf %add3A_1556, %add3A_1557 : f32
      %add3A_1562 = arith.addf %add3A_1558, %add3A_1559 : f32
      %add3A_1563 = arith.addf %add3A_1560, %add3A_1561 : f32
      %add3A_1564 = arith.addf %add3A_1562, %add3A_1563 : f32
      %eq3A_1565 = arith.constant 8 : i32
      %eq3A_1566 = vector.broadcast %eq3A_1565 : i32 to vector<16xi32>
      %eq3A_1567 = arith.cmpi eq, %iota3A, %eq3A_1566 : vector<16xi32>
      %broadcast_in_dim3A_1568 = vector.broadcast %add3A_1564 : f32 to vector<16xf32>
      %select_n3A_1569 = arith.select %eq3A_1567, %broadcast_in_dim3A_1568, %select_n3A_1486 : vector<16xi1>, vector<16xf32>
      %get3A_1570 = arith.constant 9 : i32
      %get3A_1571 = arith.index_cast %get3A_1570 : i32 to index
      %get3A_1572 = arith.constant 0 : index
      %get3A_1573 = tpu.vector_load %arg11[%get3A_1571, %get3A_1572] {strides = array<i32>} : memref<16x32xf32, #tpu.memory_space<vmem>>, vector<1x16xf32>,
      %get3A_1574 = vector.shape_cast %get3A_1573 : vector<1x16xf32> to vector<16xf32>
      %mul3A_1575 = arith.mulf %get3A_1574, %get3A_2 : vector<16xf32>
      %add3A_1576 = arith.addf %mul3A_1575, %get3A_8 : vector<16xf32>
      %get3A_1577 = arith.constant 9 : i32
      %get3A_1578 = arith.index_cast %get3A_1577 : i32 to index
      %get3A_1579 = arith.constant 16 : index
      %get3A_1580 = tpu.vector_load %arg11[%get3A_1578, %get3A_1579] {strides = array<i32>} : memref<16x32xf32, #tpu.memory_space<vmem>>, vector<1x16xf32>,
      %get3A_1581 = vector.shape_cast %get3A_1580 : vector<1x16xf32> to vector<16xf32>
      %mul3A_1582 = arith.mulf %get3A_1581, %get3A_5 : vector<16xf32>
      %add3A_1583 = arith.addf %mul3A_1582, %get3A_11 : vector<16xf32>
      %get3A_1584 = arith.constant 9 : i32
      %get3A_1585 = arith.index_cast %get3A_1584 : i32 to index
      %get3A_1586 = arith.constant 0 : index
      %get3A_1587 = tpu.vector_load %arg13[%get3A_1585, %get3A_1586] {strides = array<i32>} : memref<16x32xf32, #tpu.memory_space<vmem>>, vector<1x16xf32>,
      %get3A_1588 = vector.shape_cast %get3A_1587 : vector<1x16xf32> to vector<16xf32>
      %mul3A_1589 = arith.mulf %get3A_1588, %get3A_2 : vector<16xf32>
      %add3A_1590 = arith.addf %mul3A_1589, %get3A_8 : vector<16xf32>
      %get3A_1591 = arith.constant 9 : i32
      %get3A_1592 = arith.index_cast %get3A_1591 : i32 to index
      %get3A_1593 = arith.constant 16 : index
      %get3A_1594 = tpu.vector_load %arg13[%get3A_1592, %get3A_1593] {strides = array<i32>} : memref<16x32xf32, #tpu.memory_space<vmem>>, vector<1x16xf32>,
      %get3A_1595 = vector.shape_cast %get3A_1594 : vector<1x16xf32> to vector<16xf32>
      %mul3A_1596 = arith.mulf %get3A_1595, %get3A_5 : vector<16xf32>
      %add3A_1597 = arith.addf %mul3A_1596, %get3A_11 : vector<16xf32>
      %mul3A_1598 = arith.mulf %add3A_1576, %add3A_1590 : vector<16xf32>
      %mul3A_1599 = arith.mulf %add3A_1583, %add3A_1597 : vector<16xf32>
      %add3A_1600 = arith.addf %mul3A_1598, %mul3A_1599 : vector<16xf32>
      %slice3A_1601 = vector.extract_strided_slice %add3A_1600 {offsets = [0], sizes = [1], strides = [1]} : vector<16xf32> to vector<1xf32>
      %squeeze3A_1602 = vector.extract %slice3A_1601[0] : f32 from vector<1xf32>
      %slice3A_1603 = vector.extract_strided_slice %add3A_1600 {offsets = [1], sizes = [1], strides = [1]} : vector<16xf32> to vector<1xf32>
      %squeeze3A_1604 = vector.extract %slice3A_1603[0] : f32 from vector<1xf32>
      %slice3A_1605 = vector.extract_strided_slice %add3A_1600 {offsets = [2], sizes = [1], strides = [1]} : vector<16xf32> to vector<1xf32>
      %squeeze3A_1606 = vector.extract %slice3A_1605[0] : f32 from vector<1xf32>
      %slice3A_1607 = vector.extract_strided_slice %add3A_1600 {offsets = [3], sizes = [1], strides = [1]} : vector<16xf32> to vector<1xf32>
      %squeeze3A_1608 = vector.extract %slice3A_1607[0] : f32 from vector<1xf32>
      %slice3A_1609 = vector.extract_strided_slice %add3A_1600 {offsets = [4], sizes = [1], strides = [1]} : vector<16xf32> to vector<1xf32>
      %squeeze3A_1610 = vector.extract %slice3A_1609[0] : f32 from vector<1xf32>
      %slice3A_1611 = vector.extract_strided_slice %add3A_1600 {offsets = [5], sizes = [1], strides = [1]} : vector<16xf32> to vector<1xf32>
      %squeeze3A_1612 = vector.extract %slice3A_1611[0] : f32 from vector<1xf32>
      %slice3A_1613 = vector.extract_strided_slice %add3A_1600 {offsets = [6], sizes = [1], strides = [1]} : vector<16xf32> to vector<1xf32>
      %squeeze3A_1614 = vector.extract %slice3A_1613[0] : f32 from vector<1xf32>
      %slice3A_1615 = vector.extract_strided_slice %add3A_1600 {offsets = [7], sizes = [1], strides = [1]} : vector<16xf32> to vector<1xf32>
      %squeeze3A_1616 = vector.extract %slice3A_1615[0] : f32 from vector<1xf32>
      %slice3A_1617 = vector.extract_strided_slice %add3A_1600 {offsets = [8], sizes = [1], strides = [1]} : vector<16xf32> to vector<1xf32>
      %squeeze3A_1618 = vector.extract %slice3A_1617[0] : f32 from vector<1xf32>
      %slice3A_1619 = vector.extract_strided_slice %add3A_1600 {offsets = [9], sizes = [1], strides = [1]} : vector<16xf32> to vector<1xf32>
      %squeeze3A_1620 = vector.extract %slice3A_1619[0] : f32 from vector<1xf32>
      %slice3A_1621 = vector.extract_strided_slice %add3A_1600 {offsets = [10], sizes = [1], strides = [1]} : vector<16xf32> to vector<1xf32>
      %squeeze3A_1622 = vector.extract %slice3A_1621[0] : f32 from vector<1xf32>
      %slice3A_1623 = vector.extract_strided_slice %add3A_1600 {offsets = [11], sizes = [1], strides = [1]} : vector<16xf32> to vector<1xf32>
      %squeeze3A_1624 = vector.extract %slice3A_1623[0] : f32 from vector<1xf32>
      %slice3A_1625 = vector.extract_strided_slice %add3A_1600 {offsets = [12], sizes = [1], strides = [1]} : vector<16xf32> to vector<1xf32>
      %squeeze3A_1626 = vector.extract %slice3A_1625[0] : f32 from vector<1xf32>
      %slice3A_1627 = vector.extract_strided_slice %add3A_1600 {offsets = [13], sizes = [1], strides = [1]} : vector<16xf32> to vector<1xf32>
      %squeeze3A_1628 = vector.extract %slice3A_1627[0] : f32 from vector<1xf32>
      %slice3A_1629 = vector.extract_strided_slice %add3A_1600 {offsets = [14], sizes = [1], strides = [1]} : vector<16xf32> to vector<1xf32>
      %squeeze3A_1630 = vector.extract %slice3A_1629[0] : f32 from vector<1xf32>
      %slice3A_1631 = vector.extract_strided_slice %add3A_1600 {offsets = [15], sizes = [1], strides = [1]} : vector<16xf32> to vector<1xf32>
      %squeeze3A_1632 = vector.extract %slice3A_1631[0] : f32 from vector<1xf32>
      %add3A_1633 = arith.addf %squeeze3A_1602, %squeeze3A_1604 : f32
      %add3A_1634 = arith.addf %squeeze3A_1606, %squeeze3A_1608 : f32
      %add3A_1635 = arith.addf %squeeze3A_1610, %squeeze3A_1612 : f32
      %add3A_1636 = arith.addf %squeeze3A_1614, %squeeze3A_1616 : f32
      %add3A_1637 = arith.addf %squeeze3A_1618, %squeeze3A_1620 : f32
      %add3A_1638 = arith.addf %squeeze3A_1622, %squeeze3A_1624 : f32
      %add3A_1639 = arith.addf %squeeze3A_1626, %squeeze3A_1628 : f32
      %add3A_1640 = arith.addf %squeeze3A_1630, %squeeze3A_1632 : f32
      %add3A_1641 = arith.addf %add3A_1633, %add3A_1634 : f32
      %add3A_1642 = arith.addf %add3A_1635, %add3A_1636 : f32
      %add3A_1643 = arith.addf %add3A_1637, %add3A_1638 : f32
      %add3A_1644 = arith.addf %add3A_1639, %add3A_1640 : f32
      %add3A_1645 = arith.addf %add3A_1641, %add3A_1642 : f32
      %add3A_1646 = arith.addf %add3A_1643, %add3A_1644 : f32
      %add3A_1647 = arith.addf %add3A_1645, %add3A_1646 : f32
      %eq3A_1648 = arith.constant 9 : i32
      %eq3A_1649 = vector.broadcast %eq3A_1648 : i32 to vector<16xi32>
      %eq3A_1650 = arith.cmpi eq, %iota3A, %eq3A_1649 : vector<16xi32>
      %broadcast_in_dim3A_1651 = vector.broadcast %add3A_1647 : f32 to vector<16xf32>
      %select_n3A_1652 = arith.select %eq3A_1650, %broadcast_in_dim3A_1651, %select_n3A_1569 : vector<16xi1>, vector<16xf32>
      %get3A_1653 = arith.constant 10 : i32
      %get3A_1654 = arith.index_cast %get3A_1653 : i32 to index
      %get3A_1655 = arith.constant 0 : index
      %get3A_1656 = tpu.vector_load %arg11[%get3A_1654, %get3A_1655] {strides = array<i32>} : memref<16x32xf32, #tpu.memory_space<vmem>>, vector<1x16xf32>,
      %get3A_1657 = vector.shape_cast %get3A_1656 : vector<1x16xf32> to vector<16xf32>
      %mul3A_1658 = arith.mulf %get3A_1657, %get3A_2 : vector<16xf32>
      %add3A_1659 = arith.addf %mul3A_1658, %get3A_8 : vector<16xf32>
      %get3A_1660 = arith.constant 10 : i32
      %get3A_1661 = arith.index_cast %get3A_1660 : i32 to index
      %get3A_1662 = arith.constant 16 : index
      %get3A_1663 = tpu.vector_load %arg11[%get3A_1661, %get3A_1662] {strides = array<i32>} : memref<16x32xf32, #tpu.memory_space<vmem>>, vector<1x16xf32>,
      %get3A_1664 = vector.shape_cast %get3A_1663 : vector<1x16xf32> to vector<16xf32>
      %mul3A_1665 = arith.mulf %get3A_1664, %get3A_5 : vector<16xf32>
      %add3A_1666 = arith.addf %mul3A_1665, %get3A_11 : vector<16xf32>
      %get3A_1667 = arith.constant 10 : i32
      %get3A_1668 = arith.index_cast %get3A_1667 : i32 to index
      %get3A_1669 = arith.constant 0 : index
      %get3A_1670 = tpu.vector_load %arg13[%get3A_1668, %get3A_1669] {strides = array<i32>} : memref<16x32xf32, #tpu.memory_space<vmem>>, vector<1x16xf32>,
      %get3A_1671 = vector.shape_cast %get3A_1670 : vector<1x16xf32> to vector<16xf32>
      %mul3A_1672 = arith.mulf %get3A_1671, %get3A_2 : vector<16xf32>
      %add3A_1673 = arith.addf %mul3A_1672, %get3A_8 : vector<16xf32>
      %get3A_1674 = arith.constant 10 : i32
      %get3A_1675 = arith.index_cast %get3A_1674 : i32 to index
      %get3A_1676 = arith.constant 16 : index
      %get3A_1677 = tpu.vector_load %arg13[%get3A_1675, %get3A_1676] {strides = array<i32>} : memref<16x32xf32, #tpu.memory_space<vmem>>, vector<1x16xf32>,
      %get3A_1678 = vector.shape_cast %get3A_1677 : vector<1x16xf32> to vector<16xf32>
      %mul3A_1679 = arith.mulf %get3A_1678, %get3A_5 : vector<16xf32>
      %add3A_1680 = arith.addf %mul3A_1679, %get3A_11 : vector<16xf32>
      %mul3A_1681 = arith.mulf %add3A_1659, %add3A_1673 : vector<16xf32>
      %mul3A_1682 = arith.mulf %add3A_1666, %add3A_1680 : vector<16xf32>
      %add3A_1683 = arith.addf %mul3A_1681, %mul3A_1682 : vector<16xf32>
      %slice3A_1684 = vector.extract_strided_slice %add3A_1683 {offsets = [0], sizes = [1], strides = [1]} : vector<16xf32> to vector<1xf32>
      %squeeze3A_1685 = vector.extract %slice3A_1684[0] : f32 from vector<1xf32>
      %slice3A_1686 = vector.extract_strided_slice %add3A_1683 {offsets = [1], sizes = [1], strides = [1]} : vector<16xf32> to vector<1xf32>
      %squeeze3A_1687 = vector.extract %slice3A_1686[0] : f32 from vector<1xf32>
      %slice3A_1688 = vector.extract_strided_slice %add3A_1683 {offsets = [2], sizes = [1], strides = [1]} : vector<16xf32> to vector<1xf32>
      %squeeze3A_1689 = vector.extract %slice3A_1688[0] : f32 from vector<1xf32>
      %slice3A_1690 = vector.extract_strided_slice %add3A_1683 {offsets = [3], sizes = [1], strides = [1]} : vector<16xf32> to vector<1xf32>
      %squeeze3A_1691 = vector.extract %slice3A_1690[0] : f32 from vector<1xf32>
      %slice3A_1692 = vector.extract_strided_slice %add3A_1683 {offsets = [4], sizes = [1], strides = [1]} : vector<16xf32> to vector<1xf32>
      %squeeze3A_1693 = vector.extract %slice3A_1692[0] : f32 from vector<1xf32>
      %slice3A_1694 = vector.extract_strided_slice %add3A_1683 {offsets = [5], sizes = [1], strides = [1]} : vector<16xf32> to vector<1xf32>
      %squeeze3A_1695 = vector.extract %slice3A_1694[0] : f32 from vector<1xf32>
      %slice3A_1696 = vector.extract_strided_slice %add3A_1683 {offsets = [6], sizes = [1], strides = [1]} : vector<16xf32> to vector<1xf32>
      %squeeze3A_1697 = vector.extract %slice3A_1696[0] : f32 from vector<1xf32>
      %slice3A_1698 = vector.extract_strided_slice %add3A_1683 {offsets = [7], sizes = [1], strides = [1]} : vector<16xf32> to vector<1xf32>
      %squeeze3A_1699 = vector.extract %slice3A_1698[0] : f32 from vector<1xf32>
      %slice3A_1700 = vector.extract_strided_slice %add3A_1683 {offsets = [8], sizes = [1], strides = [1]} : vector<16xf32> to vector<1xf32>
      %squeeze3A_1701 = vector.extract %slice3A_1700[0] : f32 from vector<1xf32>
      %slice3A_1702 = vector.extract_strided_slice %add3A_1683 {offsets = [9], sizes = [1], strides = [1]} : vector<16xf32> to vector<1xf32>
      %squeeze3A_1703 = vector.extract %slice3A_1702[0] : f32 from vector<1xf32>
      %slice3A_1704 = vector.extract_strided_slice %add3A_1683 {offsets = [10], sizes = [1], strides = [1]} : vector<16xf32> to vector<1xf32>
      %squeeze3A_1705 = vector.extract %slice3A_1704[0] : f32 from vector<1xf32>
      %slice3A_1706 = vector.extract_strided_slice %add3A_1683 {offsets = [11], sizes = [1], strides = [1]} : vector<16xf32> to vector<1xf32>
      %squeeze3A_1707 = vector.extract %slice3A_1706[0] : f32 from vector<1xf32>
      %slice3A_1708 = vector.extract_strided_slice %add3A_1683 {offsets = [12], sizes = [1], strides = [1]} : vector<16xf32> to vector<1xf32>
      %squeeze3A_1709 = vector.extract %slice3A_1708[0] : f32 from vector<1xf32>
      %slice3A_1710 = vector.extract_strided_slice %add3A_1683 {offsets = [13], sizes = [1], strides = [1]} : vector<16xf32> to vector<1xf32>
      %squeeze3A_1711 = vector.extract %slice3A_1710[0] : f32 from vector<1xf32>
      %slice3A_1712 = vector.extract_strided_slice %add3A_1683 {offsets = [14], sizes = [1], strides = [1]} : vector<16xf32> to vector<1xf32>
      %squeeze3A_1713 = vector.extract %slice3A_1712[0] : f32 from vector<1xf32>
      %slice3A_1714 = vector.extract_strided_slice %add3A_1683 {offsets = [15], sizes = [1], strides = [1]} : vector<16xf32> to vector<1xf32>
      %squeeze3A_1715 = vector.extract %slice3A_1714[0] : f32 from vector<1xf32>
      %add3A_1716 = arith.addf %squeeze3A_1685, %squeeze3A_1687 : f32
      %add3A_1717 = arith.addf %squeeze3A_1689, %squeeze3A_1691 : f32
      %add3A_1718 = arith.addf %squeeze3A_1693, %squeeze3A_1695 : f32
      %add3A_1719 = arith.addf %squeeze3A_1697, %squeeze3A_1699 : f32
      %add3A_1720 = arith.addf %squeeze3A_1701, %squeeze3A_1703 : f32
      %add3A_1721 = arith.addf %squeeze3A_1705, %squeeze3A_1707 : f32
      %add3A_1722 = arith.addf %squeeze3A_1709, %squeeze3A_1711 : f32
      %add3A_1723 = arith.addf %squeeze3A_1713, %squeeze3A_1715 : f32
      %add3A_1724 = arith.addf %add3A_1716, %add3A_1717 : f32
      %add3A_1725 = arith.addf %add3A_1718, %add3A_1719 : f32
      %add3A_1726 = arith.addf %add3A_1720, %add3A_1721 : f32
      %add3A_1727 = arith.addf %add3A_1722, %add3A_1723 : f32
      %add3A_1728 = arith.addf %add3A_1724, %add3A_1725 : f32
      %add3A_1729 = arith.addf %add3A_1726, %add3A_1727 : f32
      %add3A_1730 = arith.addf %add3A_1728, %add3A_1729 : f32
      %eq3A_1731 = arith.constant 10 : i32
      %eq3A_1732 = vector.broadcast %eq3A_1731 : i32 to vector<16xi32>
      %eq3A_1733 = arith.cmpi eq, %iota3A, %eq3A_1732 : vector<16xi32>
      %broadcast_in_dim3A_1734 = vector.broadcast %add3A_1730 : f32 to vector<16xf32>
      %select_n3A_1735 = arith.select %eq3A_1733, %broadcast_in_dim3A_1734, %select_n3A_1652 : vector<16xi1>, vector<16xf32>
      %get3A_1736 = arith.constant 11 : i32
      %get3A_1737 = arith.index_cast %get3A_1736 : i32 to index
      %get3A_1738 = arith.constant 0 : index
      %get3A_1739 = tpu.vector_load %arg11[%get3A_1737, %get3A_1738] {strides = array<i32>} : memref<16x32xf32, #tpu.memory_space<vmem>>, vector<1x16xf32>,
      %get3A_1740 = vector.shape_cast %get3A_1739 : vector<1x16xf32> to vector<16xf32>
      %mul3A_1741 = arith.mulf %get3A_1740, %get3A_2 : vector<16xf32>
      %add3A_1742 = arith.addf %mul3A_1741, %get3A_8 : vector<16xf32>
      %get3A_1743 = arith.constant 11 : i32
      %get3A_1744 = arith.index_cast %get3A_1743 : i32 to index
      %get3A_1745 = arith.constant 16 : index
      %get3A_1746 = tpu.vector_load %arg11[%get3A_1744, %get3A_1745] {strides = array<i32>} : memref<16x32xf32, #tpu.memory_space<vmem>>, vector<1x16xf32>,
      %get3A_1747 = vector.shape_cast %get3A_1746 : vector<1x16xf32> to vector<16xf32>
      %mul3A_1748 = arith.mulf %get3A_1747, %get3A_5 : vector<16xf32>
      %add3A_1749 = arith.addf %mul3A_1748, %get3A_11 : vector<16xf32>
      %get3A_1750 = arith.constant 11 : i32
      %get3A_1751 = arith.index_cast %get3A_1750 : i32 to index
      %get3A_1752 = arith.constant 0 : index
      %get3A_1753 = tpu.vector_load %arg13[%get3A_1751, %get3A_1752] {strides = array<i32>} : memref<16x32xf32, #tpu.memory_space<vmem>>, vector<1x16xf32>,
      %get3A_1754 = vector.shape_cast %get3A_1753 : vector<1x16xf32> to vector<16xf32>
      %mul3A_1755 = arith.mulf %get3A_1754, %get3A_2 : vector<16xf32>
      %add3A_1756 = arith.addf %mul3A_1755, %get3A_8 : vector<16xf32>
      %get3A_1757 = arith.constant 11 : i32
      %get3A_1758 = arith.index_cast %get3A_1757 : i32 to index
      %get3A_1759 = arith.constant 16 : index
      %get3A_1760 = tpu.vector_load %arg13[%get3A_1758, %get3A_1759] {strides = array<i32>} : memref<16x32xf32, #tpu.memory_space<vmem>>, vector<1x16xf32>,
      %get3A_1761 = vector.shape_cast %get3A_1760 : vector<1x16xf32> to vector<16xf32>
      %mul3A_1762 = arith.mulf %get3A_1761, %get3A_5 : vector<16xf32>
      %add3A_1763 = arith.addf %mul3A_1762, %get3A_11 : vector<16xf32>
      %mul3A_1764 = arith.mulf %add3A_1742, %add3A_1756 : vector<16xf32>
      %mul3A_1765 = arith.mulf %add3A_1749, %add3A_1763 : vector<16xf32>
      %add3A_1766 = arith.addf %mul3A_1764, %mul3A_1765 : vector<16xf32>
      %slice3A_1767 = vector.extract_strided_slice %add3A_1766 {offsets = [0], sizes = [1], strides = [1]} : vector<16xf32> to vector<1xf32>
      %squeeze3A_1768 = vector.extract %slice3A_1767[0] : f32 from vector<1xf32>
      %slice3A_1769 = vector.extract_strided_slice %add3A_1766 {offsets = [1], sizes = [1], strides = [1]} : vector<16xf32> to vector<1xf32>
      %squeeze3A_1770 = vector.extract %slice3A_1769[0] : f32 from vector<1xf32>
      %slice3A_1771 = vector.extract_strided_slice %add3A_1766 {offsets = [2], sizes = [1], strides = [1]} : vector<16xf32> to vector<1xf32>
      %squeeze3A_1772 = vector.extract %slice3A_1771[0] : f32 from vector<1xf32>
      %slice3A_1773 = vector.extract_strided_slice %add3A_1766 {offsets = [3], sizes = [1], strides = [1]} : vector<16xf32> to vector<1xf32>
      %squeeze3A_1774 = vector.extract %slice3A_1773[0] : f32 from vector<1xf32>
      %slice3A_1775 = vector.extract_strided_slice %add3A_1766 {offsets = [4], sizes = [1], strides = [1]} : vector<16xf32> to vector<1xf32>
      %squeeze3A_1776 = vector.extract %slice3A_1775[0] : f32 from vector<1xf32>
      %slice3A_1777 = vector.extract_strided_slice %add3A_1766 {offsets = [5], sizes = [1], strides = [1]} : vector<16xf32> to vector<1xf32>
      %squeeze3A_1778 = vector.extract %slice3A_1777[0] : f32 from vector<1xf32>
      %slice3A_1779 = vector.extract_strided_slice %add3A_1766 {offsets = [6], sizes = [1], strides = [1]} : vector<16xf32> to vector<1xf32>
      %squeeze3A_1780 = vector.extract %slice3A_1779[0] : f32 from vector<1xf32>
      %slice3A_1781 = vector.extract_strided_slice %add3A_1766 {offsets = [7], sizes = [1], strides = [1]} : vector<16xf32> to vector<1xf32>
      %squeeze3A_1782 = vector.extract %slice3A_1781[0] : f32 from vector<1xf32>
      %slice3A_1783 = vector.extract_strided_slice %add3A_1766 {offsets = [8], sizes = [1], strides = [1]} : vector<16xf32> to vector<1xf32>
      %squeeze3A_1784 = vector.extract %slice3A_1783[0] : f32 from vector<1xf32>
      %slice3A_1785 = vector.extract_strided_slice %add3A_1766 {offsets = [9], sizes = [1], strides = [1]} : vector<16xf32> to vector<1xf32>
      %squeeze3A_1786 = vector.extract %slice3A_1785[0] : f32 from vector<1xf32>
      %slice3A_1787 = vector.extract_strided_slice %add3A_1766 {offsets = [10], sizes = [1], strides = [1]} : vector<16xf32> to vector<1xf32>
      %squeeze3A_1788 = vector.extract %slice3A_1787[0] : f32 from vector<1xf32>
      %slice3A_1789 = vector.extract_strided_slice %add3A_1766 {offsets = [11], sizes = [1], strides = [1]} : vector<16xf32> to vector<1xf32>
      %squeeze3A_1790 = vector.extract %slice3A_1789[0] : f32 from vector<1xf32>
      %slice3A_1791 = vector.extract_strided_slice %add3A_1766 {offsets = [12], sizes = [1], strides = [1]} : vector<16xf32> to vector<1xf32>
      %squeeze3A_1792 = vector.extract %slice3A_1791[0] : f32 from vector<1xf32>
      %slice3A_1793 = vector.extract_strided_slice %add3A_1766 {offsets = [13], sizes = [1], strides = [1]} : vector<16xf32> to vector<1xf32>
      %squeeze3A_1794 = vector.extract %slice3A_1793[0] : f32 from vector<1xf32>
      %slice3A_1795 = vector.extract_strided_slice %add3A_1766 {offsets = [14], sizes = [1], strides = [1]} : vector<16xf32> to vector<1xf32>
      %squeeze3A_1796 = vector.extract %slice3A_1795[0] : f32 from vector<1xf32>
      %slice3A_1797 = vector.extract_strided_slice %add3A_1766 {offsets = [15], sizes = [1], strides = [1]} : vector<16xf32> to vector<1xf32>
      %squeeze3A_1798 = vector.extract %slice3A_1797[0] : f32 from vector<1xf32>
      %add3A_1799 = arith.addf %squeeze3A_1768, %squeeze3A_1770 : f32
      %add3A_1800 = arith.addf %squeeze3A_1772, %squeeze3A_1774 : f32
      %add3A_1801 = arith.addf %squeeze3A_1776, %squeeze3A_1778 : f32
      %add3A_1802 = arith.addf %squeeze3A_1780, %squeeze3A_1782 : f32
      %add3A_1803 = arith.addf %squeeze3A_1784, %squeeze3A_1786 : f32
      %add3A_1804 = arith.addf %squeeze3A_1788, %squeeze3A_1790 : f32
      %add3A_1805 = arith.addf %squeeze3A_1792, %squeeze3A_1794 : f32
      %add3A_1806 = arith.addf %squeeze3A_1796, %squeeze3A_1798 : f32
      %add3A_1807 = arith.addf %add3A_1799, %add3A_1800 : f32
      %add3A_1808 = arith.addf %add3A_1801, %add3A_1802 : f32
      %add3A_1809 = arith.addf %add3A_1803, %add3A_1804 : f32
      %add3A_1810 = arith.addf %add3A_1805, %add3A_1806 : f32
      %add3A_1811 = arith.addf %add3A_1807, %add3A_1808 : f32
      %add3A_1812 = arith.addf %add3A_1809, %add3A_1810 : f32
      %add3A_1813 = arith.addf %add3A_1811, %add3A_1812 : f32
      %eq3A_1814 = arith.constant 11 : i32
      %eq3A_1815 = vector.broadcast %eq3A_1814 : i32 to vector<16xi32>
      %eq3A_1816 = arith.cmpi eq, %iota3A, %eq3A_1815 : vector<16xi32>
      %broadcast_in_dim3A_1817 = vector.broadcast %add3A_1813 : f32 to vector<16xf32>
      %select_n3A_1818 = arith.select %eq3A_1816, %broadcast_in_dim3A_1817, %select_n3A_1735 : vector<16xi1>, vector<16xf32>
      %get3A_1819 = arith.constant 12 : i32
      %get3A_1820 = arith.index_cast %get3A_1819 : i32 to index
      %get3A_1821 = arith.constant 0 : index
      %get3A_1822 = tpu.vector_load %arg11[%get3A_1820, %get3A_1821] {strides = array<i32>} : memref<16x32xf32, #tpu.memory_space<vmem>>, vector<1x16xf32>,
      %get3A_1823 = vector.shape_cast %get3A_1822 : vector<1x16xf32> to vector<16xf32>
      %mul3A_1824 = arith.mulf %get3A_1823, %get3A_2 : vector<16xf32>
      %add3A_1825 = arith.addf %mul3A_1824, %get3A_8 : vector<16xf32>
      %get3A_1826 = arith.constant 12 : i32
      %get3A_1827 = arith.index_cast %get3A_1826 : i32 to index
      %get3A_1828 = arith.constant 16 : index
      %get3A_1829 = tpu.vector_load %arg11[%get3A_1827, %get3A_1828] {strides = array<i32>} : memref<16x32xf32, #tpu.memory_space<vmem>>, vector<1x16xf32>,
      %get3A_1830 = vector.shape_cast %get3A_1829 : vector<1x16xf32> to vector<16xf32>
      %mul3A_1831 = arith.mulf %get3A_1830, %get3A_5 : vector<16xf32>
      %add3A_1832 = arith.addf %mul3A_1831, %get3A_11 : vector<16xf32>
      %get3A_1833 = arith.constant 12 : i32
      %get3A_1834 = arith.index_cast %get3A_1833 : i32 to index
      %get3A_1835 = arith.constant 0 : index
      %get3A_1836 = tpu.vector_load %arg13[%get3A_1834, %get3A_1835] {strides = array<i32>} : memref<16x32xf32, #tpu.memory_space<vmem>>, vector<1x16xf32>,
      %get3A_1837 = vector.shape_cast %get3A_1836 : vector<1x16xf32> to vector<16xf32>
      %mul3A_1838 = arith.mulf %get3A_1837, %get3A_2 : vector<16xf32>
      %add3A_1839 = arith.addf %mul3A_1838, %get3A_8 : vector<16xf32>
      %get3A_1840 = arith.constant 12 : i32
      %get3A_1841 = arith.index_cast %get3A_1840 : i32 to index
      %get3A_1842 = arith.constant 16 : index
      %get3A_1843 = tpu.vector_load %arg13[%get3A_1841, %get3A_1842] {strides = array<i32>} : memref<16x32xf32, #tpu.memory_space<vmem>>, vector<1x16xf32>,
      %get3A_1844 = vector.shape_cast %get3A_1843 : vector<1x16xf32> to vector<16xf32>
      %mul3A_1845 = arith.mulf %get3A_1844, %get3A_5 : vector<16xf32>
      %add3A_1846 = arith.addf %mul3A_1845, %get3A_11 : vector<16xf32>
      %mul3A_1847 = arith.mulf %add3A_1825, %add3A_1839 : vector<16xf32>
      %mul3A_1848 = arith.mulf %add3A_1832, %add3A_1846 : vector<16xf32>
      %add3A_1849 = arith.addf %mul3A_1847, %mul3A_1848 : vector<16xf32>
      %slice3A_1850 = vector.extract_strided_slice %add3A_1849 {offsets = [0], sizes = [1], strides = [1]} : vector<16xf32> to vector<1xf32>
      %squeeze3A_1851 = vector.extract %slice3A_1850[0] : f32 from vector<1xf32>
      %slice3A_1852 = vector.extract_strided_slice %add3A_1849 {offsets = [1], sizes = [1], strides = [1]} : vector<16xf32> to vector<1xf32>
      %squeeze3A_1853 = vector.extract %slice3A_1852[0] : f32 from vector<1xf32>
      %slice3A_1854 = vector.extract_strided_slice %add3A_1849 {offsets = [2], sizes = [1], strides = [1]} : vector<16xf32> to vector<1xf32>
      %squeeze3A_1855 = vector.extract %slice3A_1854[0] : f32 from vector<1xf32>
      %slice3A_1856 = vector.extract_strided_slice %add3A_1849 {offsets = [3], sizes = [1], strides = [1]} : vector<16xf32> to vector<1xf32>
      %squeeze3A_1857 = vector.extract %slice3A_1856[0] : f32 from vector<1xf32>
      %slice3A_1858 = vector.extract_strided_slice %add3A_1849 {offsets = [4], sizes = [1], strides = [1]} : vector<16xf32> to vector<1xf32>
      %squeeze3A_1859 = vector.extract %slice3A_1858[0] : f32 from vector<1xf32>
      %slice3A_1860 = vector.extract_strided_slice %add3A_1849 {offsets = [5], sizes = [1], strides = [1]} : vector<16xf32> to vector<1xf32>
      %squeeze3A_1861 = vector.extract %slice3A_1860[0] : f32 from vector<1xf32>
      %slice3A_1862 = vector.extract_strided_slice %add3A_1849 {offsets = [6], sizes = [1], strides = [1]} : vector<16xf32> to vector<1xf32>
      %squeeze3A_1863 = vector.extract %slice3A_1862[0] : f32 from vector<1xf32>
      %slice3A_1864 = vector.extract_strided_slice %add3A_1849 {offsets = [7], sizes = [1], strides = [1]} : vector<16xf32> to vector<1xf32>
      %squeeze3A_1865 = vector.extract %slice3A_1864[0] : f32 from vector<1xf32>
      %slice3A_1866 = vector.extract_strided_slice %add3A_1849 {offsets = [8], sizes = [1], strides = [1]} : vector<16xf32> to vector<1xf32>
      %squeeze3A_1867 = vector.extract %slice3A_1866[0] : f32 from vector<1xf32>
      %slice3A_1868 = vector.extract_strided_slice %add3A_1849 {offsets = [9], sizes = [1], strides = [1]} : vector<16xf32> to vector<1xf32>
      %squeeze3A_1869 = vector.extract %slice3A_1868[0] : f32 from vector<1xf32>
      %slice3A_1870 = vector.extract_strided_slice %add3A_1849 {offsets = [10], sizes = [1], strides = [1]} : vector<16xf32> to vector<1xf32>
      %squeeze3A_1871 = vector.extract %slice3A_1870[0] : f32 from vector<1xf32>
      %slice3A_1872 = vector.extract_strided_slice %add3A_1849 {offsets = [11], sizes = [1], strides = [1]} : vector<16xf32> to vector<1xf32>
      %squeeze3A_1873 = vector.extract %slice3A_1872[0] : f32 from vector<1xf32>
      %slice3A_1874 = vector.extract_strided_slice %add3A_1849 {offsets = [12], sizes = [1], strides = [1]} : vector<16xf32> to vector<1xf32>
      %squeeze3A_1875 = vector.extract %slice3A_1874[0] : f32 from vector<1xf32>
      %slice3A_1876 = vector.extract_strided_slice %add3A_1849 {offsets = [13], sizes = [1], strides = [1]} : vector<16xf32> to vector<1xf32>
      %squeeze3A_1877 = vector.extract %slice3A_1876[0] : f32 from vector<1xf32>
      %slice3A_1878 = vector.extract_strided_slice %add3A_1849 {offsets = [14], sizes = [1], strides = [1]} : vector<16xf32> to vector<1xf32>
      %squeeze3A_1879 = vector.extract %slice3A_1878[0] : f32 from vector<1xf32>
      %slice3A_1880 = vector.extract_strided_slice %add3A_1849 {offsets = [15], sizes = [1], strides = [1]} : vector<16xf32> to vector<1xf32>
      %squeeze3A_1881 = vector.extract %slice3A_1880[0] : f32 from vector<1xf32>
      %add3A_1882 = arith.addf %squeeze3A_1851, %squeeze3A_1853 : f32
      %add3A_1883 = arith.addf %squeeze3A_1855, %squeeze3A_1857 : f32
      %add3A_1884 = arith.addf %squeeze3A_1859, %squeeze3A_1861 : f32
      %add3A_1885 = arith.addf %squeeze3A_1863, %squeeze3A_1865 : f32
      %add3A_1886 = arith.addf %squeeze3A_1867, %squeeze3A_1869 : f32
      %add3A_1887 = arith.addf %squeeze3A_1871, %squeeze3A_1873 : f32
      %add3A_1888 = arith.addf %squeeze3A_1875, %squeeze3A_1877 : f32
      %add3A_1889 = arith.addf %squeeze3A_1879, %squeeze3A_1881 : f32
      %add3A_1890 = arith.addf %add3A_1882, %add3A_1883 : f32
      %add3A_1891 = arith.addf %add3A_1884, %add3A_1885 : f32
      %add3A_1892 = arith.addf %add3A_1886, %add3A_1887 : f32
      %add3A_1893 = arith.addf %add3A_1888, %add3A_1889 : f32
      %add3A_1894 = arith.addf %add3A_1890, %add3A_1891 : f32
      %add3A_1895 = arith.addf %add3A_1892, %add3A_1893 : f32
      %add3A_1896 = arith.addf %add3A_1894, %add3A_1895 : f32
      %eq3A_1897 = arith.constant 12 : i32
      %eq3A_1898 = vector.broadcast %eq3A_1897 : i32 to vector<16xi32>
      %eq3A_1899 = arith.cmpi eq, %iota3A, %eq3A_1898 : vector<16xi32>
      %broadcast_in_dim3A_1900 = vector.broadcast %add3A_1896 : f32 to vector<16xf32>
      %select_n3A_1901 = arith.select %eq3A_1899, %broadcast_in_dim3A_1900, %select_n3A_1818 : vector<16xi1>, vector<16xf32>
      %get3A_1902 = arith.constant 13 : i32
      %get3A_1903 = arith.index_cast %get3A_1902 : i32 to index
      %get3A_1904 = arith.constant 0 : index
      %get3A_1905 = tpu.vector_load %arg11[%get3A_1903, %get3A_1904] {strides = array<i32>} : memref<16x32xf32, #tpu.memory_space<vmem>>, vector<1x16xf32>,
      %get3A_1906 = vector.shape_cast %get3A_1905 : vector<1x16xf32> to vector<16xf32>
      %mul3A_1907 = arith.mulf %get3A_1906, %get3A_2 : vector<16xf32>
      %add3A_1908 = arith.addf %mul3A_1907, %get3A_8 : vector<16xf32>
      %get3A_1909 = arith.constant 13 : i32
      %get3A_1910 = arith.index_cast %get3A_1909 : i32 to index
      %get3A_1911 = arith.constant 16 : index
      %get3A_1912 = tpu.vector_load %arg11[%get3A_1910, %get3A_1911] {strides = array<i32>} : memref<16x32xf32, #tpu.memory_space<vmem>>, vector<1x16xf32>,
      %get3A_1913 = vector.shape_cast %get3A_1912 : vector<1x16xf32> to vector<16xf32>
      %mul3A_1914 = arith.mulf %get3A_1913, %get3A_5 : vector<16xf32>
      %add3A_1915 = arith.addf %mul3A_1914, %get3A_11 : vector<16xf32>
      %get3A_1916 = arith.constant 13 : i32
      %get3A_1917 = arith.index_cast %get3A_1916 : i32 to index
      %get3A_1918 = arith.constant 0 : index
      %get3A_1919 = tpu.vector_load %arg13[%get3A_1917, %get3A_1918] {strides = array<i32>} : memref<16x32xf32, #tpu.memory_space<vmem>>, vector<1x16xf32>,
      %get3A_1920 = vector.shape_cast %get3A_1919 : vector<1x16xf32> to vector<16xf32>
      %mul3A_1921 = arith.mulf %get3A_1920, %get3A_2 : vector<16xf32>
      %add3A_1922 = arith.addf %mul3A_1921, %get3A_8 : vector<16xf32>
      %get3A_1923 = arith.constant 13 : i32
      %get3A_1924 = arith.index_cast %get3A_1923 : i32 to index
      %get3A_1925 = arith.constant 16 : index
      %get3A_1926 = tpu.vector_load %arg13[%get3A_1924, %get3A_1925] {strides = array<i32>} : memref<16x32xf32, #tpu.memory_space<vmem>>, vector<1x16xf32>,
      %get3A_1927 = vector.shape_cast %get3A_1926 : vector<1x16xf32> to vector<16xf32>
      %mul3A_1928 = arith.mulf %get3A_1927, %get3A_5 : vector<16xf32>
      %add3A_1929 = arith.addf %mul3A_1928, %get3A_11 : vector<16xf32>
      %mul3A_1930 = arith.mulf %add3A_1908, %add3A_1922 : vector<16xf32>
      %mul3A_1931 = arith.mulf %add3A_1915, %add3A_1929 : vector<16xf32>
      %add3A_1932 = arith.addf %mul3A_1930, %mul3A_1931 : vector<16xf32>
      %slice3A_1933 = vector.extract_strided_slice %add3A_1932 {offsets = [0], sizes = [1], strides = [1]} : vector<16xf32> to vector<1xf32>
      %squeeze3A_1934 = vector.extract %slice3A_1933[0] : f32 from vector<1xf32>
      %slice3A_1935 = vector.extract_strided_slice %add3A_1932 {offsets = [1], sizes = [1], strides = [1]} : vector<16xf32> to vector<1xf32>
      %squeeze3A_1936 = vector.extract %slice3A_1935[0] : f32 from vector<1xf32>
      %slice3A_1937 = vector.extract_strided_slice %add3A_1932 {offsets = [2], sizes = [1], strides = [1]} : vector<16xf32> to vector<1xf32>
      %squeeze3A_1938 = vector.extract %slice3A_1937[0] : f32 from vector<1xf32>
      %slice3A_1939 = vector.extract_strided_slice %add3A_1932 {offsets = [3], sizes = [1], strides = [1]} : vector<16xf32> to vector<1xf32>
      %squeeze3A_1940 = vector.extract %slice3A_1939[0] : f32 from vector<1xf32>
      %slice3A_1941 = vector.extract_strided_slice %add3A_1932 {offsets = [4], sizes = [1], strides = [1]} : vector<16xf32> to vector<1xf32>
      %squeeze3A_1942 = vector.extract %slice3A_1941[0] : f32 from vector<1xf32>
      %slice3A_1943 = vector.extract_strided_slice %add3A_1932 {offsets = [5], sizes = [1], strides = [1]} : vector<16xf32> to vector<1xf32>
      %squeeze3A_1944 = vector.extract %slice3A_1943[0] : f32 from vector<1xf32>
      %slice3A_1945 = vector.extract_strided_slice %add3A_1932 {offsets = [6], sizes = [1], strides = [1]} : vector<16xf32> to vector<1xf32>
      %squeeze3A_1946 = vector.extract %slice3A_1945[0] : f32 from vector<1xf32>
      %slice3A_1947 = vector.extract_strided_slice %add3A_1932 {offsets = [7], sizes = [1], strides = [1]} : vector<16xf32> to vector<1xf32>
      %squeeze3A_1948 = vector.extract %slice3A_1947[0] : f32 from vector<1xf32>
      %slice3A_1949 = vector.extract_strided_slice %add3A_1932 {offsets = [8], sizes = [1], strides = [1]} : vector<16xf32> to vector<1xf32>
      %squeeze3A_1950 = vector.extract %slice3A_1949[0] : f32 from vector<1xf32>
      %slice3A_1951 = vector.extract_strided_slice %add3A_1932 {offsets = [9], sizes = [1], strides = [1]} : vector<16xf32> to vector<1xf32>
      %squeeze3A_1952 = vector.extract %slice3A_1951[0] : f32 from vector<1xf32>
      %slice3A_1953 = vector.extract_strided_slice %add3A_1932 {offsets = [10], sizes = [1], strides = [1]} : vector<16xf32> to vector<1xf32>
      %squeeze3A_1954 = vector.extract %slice3A_1953[0] : f32 from vector<1xf32>
      %slice3A_1955 = vector.extract_strided_slice %add3A_1932 {offsets = [11], sizes = [1], strides = [1]} : vector<16xf32> to vector<1xf32>
      %squeeze3A_1956 = vector.extract %slice3A_1955[0] : f32 from vector<1xf32>
      %slice3A_1957 = vector.extract_strided_slice %add3A_1932 {offsets = [12], sizes = [1], strides = [1]} : vector<16xf32> to vector<1xf32>
      %squeeze3A_1958 = vector.extract %slice3A_1957[0] : f32 from vector<1xf32>
      %slice3A_1959 = vector.extract_strided_slice %add3A_1932 {offsets = [13], sizes = [1], strides = [1]} : vector<16xf32> to vector<1xf32>
      %squeeze3A_1960 = vector.extract %slice3A_1959[0] : f32 from vector<1xf32>
      %slice3A_1961 = vector.extract_strided_slice %add3A_1932 {offsets = [14], sizes = [1], strides = [1]} : vector<16xf32> to vector<1xf32>
      %squeeze3A_1962 = vector.extract %slice3A_1961[0] : f32 from vector<1xf32>
      %slice3A_1963 = vector.extract_strided_slice %add3A_1932 {offsets = [15], sizes = [1], strides = [1]} : vector<16xf32> to vector<1xf32>
      %squeeze3A_1964 = vector.extract %slice3A_1963[0] : f32 from vector<1xf32>
      %add3A_1965 = arith.addf %squeeze3A_1934, %squeeze3A_1936 : f32
      %add3A_1966 = arith.addf %squeeze3A_1938, %squeeze3A_1940 : f32
      %add3A_1967 = arith.addf %squeeze3A_1942, %squeeze3A_1944 : f32
      %add3A_1968 = arith.addf %squeeze3A_1946, %squeeze3A_1948 : f32
      %add3A_1969 = arith.addf %squeeze3A_1950, %squeeze3A_1952 : f32
      %add3A_1970 = arith.addf %squeeze3A_1954, %squeeze3A_1956 : f32
      %add3A_1971 = arith.addf %squeeze3A_1958, %squeeze3A_1960 : f32
      %add3A_1972 = arith.addf %squeeze3A_1962, %squeeze3A_1964 : f32
      %add3A_1973 = arith.addf %add3A_1965, %add3A_1966 : f32
      %add3A_1974 = arith.addf %add3A_1967, %add3A_1968 : f32
      %add3A_1975 = arith.addf %add3A_1969, %add3A_1970 : f32
      %add3A_1976 = arith.addf %add3A_1971, %add3A_1972 : f32
      %add3A_1977 = arith.addf %add3A_1973, %add3A_1974 : f32
      %add3A_1978 = arith.addf %add3A_1975, %add3A_1976 : f32
      %add3A_1979 = arith.addf %add3A_1977, %add3A_1978 : f32
      %eq3A_1980 = arith.constant 13 : i32
      %eq3A_1981 = vector.broadcast %eq3A_1980 : i32 to vector<16xi32>
      %eq3A_1982 = arith.cmpi eq, %iota3A, %eq3A_1981 : vector<16xi32>
      %broadcast_in_dim3A_1983 = vector.broadcast %add3A_1979 : f32 to vector<16xf32>
      %select_n3A_1984 = arith.select %eq3A_1982, %broadcast_in_dim3A_1983, %select_n3A_1901 : vector<16xi1>, vector<16xf32>
      %get3A_1985 = arith.constant 14 : i32
      %get3A_1986 = arith.index_cast %get3A_1985 : i32 to index
      %get3A_1987 = arith.constant 0 : index
      %get3A_1988 = tpu.vector_load %arg11[%get3A_1986, %get3A_1987] {strides = array<i32>} : memref<16x32xf32, #tpu.memory_space<vmem>>, vector<1x16xf32>,
      %get3A_1989 = vector.shape_cast %get3A_1988 : vector<1x16xf32> to vector<16xf32>
      %mul3A_1990 = arith.mulf %get3A_1989, %get3A_2 : vector<16xf32>
      %add3A_1991 = arith.addf %mul3A_1990, %get3A_8 : vector<16xf32>
      %get3A_1992 = arith.constant 14 : i32
      %get3A_1993 = arith.index_cast %get3A_1992 : i32 to index
      %get3A_1994 = arith.constant 16 : index
      %get3A_1995 = tpu.vector_load %arg11[%get3A_1993, %get3A_1994] {strides = array<i32>} : memref<16x32xf32, #tpu.memory_space<vmem>>, vector<1x16xf32>,
      %get3A_1996 = vector.shape_cast %get3A_1995 : vector<1x16xf32> to vector<16xf32>
      %mul3A_1997 = arith.mulf %get3A_1996, %get3A_5 : vector<16xf32>
      %add3A_1998 = arith.addf %mul3A_1997, %get3A_11 : vector<16xf32>
      %get3A_1999 = arith.constant 14 : i32
      %get3A_2000 = arith.index_cast %get3A_1999 : i32 to index
      %get3A_2001 = arith.constant 0 : index
      %get3A_2002 = tpu.vector_load %arg13[%get3A_2000, %get3A_2001] {strides = array<i32>} : memref<16x32xf32, #tpu.memory_space<vmem>>, vector<1x16xf32>,
      %get3A_2003 = vector.shape_cast %get3A_2002 : vector<1x16xf32> to vector<16xf32>
      %mul3A_2004 = arith.mulf %get3A_2003, %get3A_2 : vector<16xf32>
      %add3A_2005 = arith.addf %mul3A_2004, %get3A_8 : vector<16xf32>
      %get3A_2006 = arith.constant 14 : i32
      %get3A_2007 = arith.index_cast %get3A_2006 : i32 to index
      %get3A_2008 = arith.constant 16 : index
      %get3A_2009 = tpu.vector_load %arg13[%get3A_2007, %get3A_2008] {strides = array<i32>} : memref<16x32xf32, #tpu.memory_space<vmem>>, vector<1x16xf32>,
      %get3A_2010 = vector.shape_cast %get3A_2009 : vector<1x16xf32> to vector<16xf32>
      %mul3A_2011 = arith.mulf %get3A_2010, %get3A_5 : vector<16xf32>
      %add3A_2012 = arith.addf %mul3A_2011, %get3A_11 : vector<16xf32>
      %mul3A_2013 = arith.mulf %add3A_1991, %add3A_2005 : vector<16xf32>
      %mul3A_2014 = arith.mulf %add3A_1998, %add3A_2012 : vector<16xf32>
      %add3A_2015 = arith.addf %mul3A_2013, %mul3A_2014 : vector<16xf32>
      %slice3A_2016 = vector.extract_strided_slice %add3A_2015 {offsets = [0], sizes = [1], strides = [1]} : vector<16xf32> to vector<1xf32>
      %squeeze3A_2017 = vector.extract %slice3A_2016[0] : f32 from vector<1xf32>
      %slice3A_2018 = vector.extract_strided_slice %add3A_2015 {offsets = [1], sizes = [1], strides = [1]} : vector<16xf32> to vector<1xf32>
      %squeeze3A_2019 = vector.extract %slice3A_2018[0] : f32 from vector<1xf32>
      %slice3A_2020 = vector.extract_strided_slice %add3A_2015 {offsets = [2], sizes = [1], strides = [1]} : vector<16xf32> to vector<1xf32>
      %squeeze3A_2021 = vector.extract %slice3A_2020[0] : f32 from vector<1xf32>
      %slice3A_2022 = vector.extract_strided_slice %add3A_2015 {offsets = [3], sizes = [1], strides = [1]} : vector<16xf32> to vector<1xf32>
      %squeeze3A_2023 = vector.extract %slice3A_2022[0] : f32 from vector<1xf32>
      %slice3A_2024 = vector.extract_strided_slice %add3A_2015 {offsets = [4], sizes = [1], strides = [1]} : vector<16xf32> to vector<1xf32>
      %squeeze3A_2025 = vector.extract %slice3A_2024[0] : f32 from vector<1xf32>
      %slice3A_2026 = vector.extract_strided_slice %add3A_2015 {offsets = [5], sizes = [1], strides = [1]} : vector<16xf32> to vector<1xf32>
      %squeeze3A_2027 = vector.extract %slice3A_2026[0] : f32 from vector<1xf32>
      %slice3A_2028 = vector.extract_strided_slice %add3A_2015 {offsets = [6], sizes = [1], strides = [1]} : vector<16xf32> to vector<1xf32>
      %squeeze3A_2029 = vector.extract %slice3A_2028[0] : f32 from vector<1xf32>
      %slice3A_2030 = vector.extract_strided_slice %add3A_2015 {offsets = [7], sizes = [1], strides = [1]} : vector<16xf32> to vector<1xf32>
      %squeeze3A_2031 = vector.extract %slice3A_2030[0] : f32 from vector<1xf32>
      %slice3A_2032 = vector.extract_strided_slice %add3A_2015 {offsets = [8], sizes = [1], strides = [1]} : vector<16xf32> to vector<1xf32>
      %squeeze3A_2033 = vector.extract %slice3A_2032[0] : f32 from vector<1xf32>
      %slice3A_2034 = vector.extract_strided_slice %add3A_2015 {offsets = [9], sizes = [1], strides = [1]} : vector<16xf32> to vector<1xf32>
      %squeeze3A_2035 = vector.extract %slice3A_2034[0] : f32 from vector<1xf32>
      %slice3A_2036 = vector.extract_strided_slice %add3A_2015 {offsets = [10], sizes = [1], strides = [1]} : vector<16xf32> to vector<1xf32>
      %squeeze3A_2037 = vector.extract %slice3A_2036[0] : f32 from vector<1xf32>
      %slice3A_2038 = vector.extract_strided_slice %add3A_2015 {offsets = [11], sizes = [1], strides = [1]} : vector<16xf32> to vector<1xf32>
      %squeeze3A_2039 = vector.extract %slice3A_2038[0] : f32 from vector<1xf32>
      %slice3A_2040 = vector.extract_strided_slice %add3A_2015 {offsets = [12], sizes = [1], strides = [1]} : vector<16xf32> to vector<1xf32>
      %squeeze3A_2041 = vector.extract %slice3A_2040[0] : f32 from vector<1xf32>
      %slice3A_2042 = vector.extract_strided_slice %add3A_2015 {offsets = [13], sizes = [1], strides = [1]} : vector<16xf32> to vector<1xf32>
      %squeeze3A_2043 = vector.extract %slice3A_2042[0] : f32 from vector<1xf32>
      %slice3A_2044 = vector.extract_strided_slice %add3A_2015 {offsets = [14], sizes = [1], strides = [1]} : vector<16xf32> to vector<1xf32>
      %squeeze3A_2045 = vector.extract %slice3A_2044[0] : f32 from vector<1xf32>
      %slice3A_2046 = vector.extract_strided_slice %add3A_2015 {offsets = [15], sizes = [1], strides = [1]} : vector<16xf32> to vector<1xf32>
      %squeeze3A_2047 = vector.extract %slice3A_2046[0] : f32 from vector<1xf32>
      %add3A_2048 = arith.addf %squeeze3A_2017, %squeeze3A_2019 : f32
      %add3A_2049 = arith.addf %squeeze3A_2021, %squeeze3A_2023 : f32
      %add3A_2050 = arith.addf %squeeze3A_2025, %squeeze3A_2027 : f32
      %add3A_2051 = arith.addf %squeeze3A_2029, %squeeze3A_2031 : f32
      %add3A_2052 = arith.addf %squeeze3A_2033, %squeeze3A_2035 : f32
      %add3A_2053 = arith.addf %squeeze3A_2037, %squeeze3A_2039 : f32
      %add3A_2054 = arith.addf %squeeze3A_2041, %squeeze3A_2043 : f32
      %add3A_2055 = arith.addf %squeeze3A_2045, %squeeze3A_2047 : f32
      %add3A_2056 = arith.addf %add3A_2048, %add3A_2049 : f32
      %add3A_2057 = arith.addf %add3A_2050, %add3A_2051 : f32
      %add3A_2058 = arith.addf %add3A_2052, %add3A_2053 : f32
      %add3A_2059 = arith.addf %add3A_2054, %add3A_2055 : f32
      %add3A_2060 = arith.addf %add3A_2056, %add3A_2057 : f32
      %add3A_2061 = arith.addf %add3A_2058, %add3A_2059 : f32
      %add3A_2062 = arith.addf %add3A_2060, %add3A_2061 : f32
      %eq3A_2063 = arith.constant 14 : i32
      %eq3A_2064 = vector.broadcast %eq3A_2063 : i32 to vector<16xi32>
      %eq3A_2065 = arith.cmpi eq, %iota3A, %eq3A_2064 : vector<16xi32>
      %broadcast_in_dim3A_2066 = vector.broadcast %add3A_2062 : f32 to vector<16xf32>
      %select_n3A_2067 = arith.select %eq3A_2065, %broadcast_in_dim3A_2066, %select_n3A_1984 : vector<16xi1>, vector<16xf32>
      %get3A_2068 = arith.constant 15 : i32
      %get3A_2069 = arith.index_cast %get3A_2068 : i32 to index
      %get3A_2070 = arith.constant 0 : index
      %get3A_2071 = tpu.vector_load %arg11[%get3A_2069, %get3A_2070] {strides = array<i32>} : memref<16x32xf32, #tpu.memory_space<vmem>>, vector<1x16xf32>,
      %get3A_2072 = vector.shape_cast %get3A_2071 : vector<1x16xf32> to vector<16xf32>
      %mul3A_2073 = arith.mulf %get3A_2072, %get3A_2 : vector<16xf32>
      %add3A_2074 = arith.addf %mul3A_2073, %get3A_8 : vector<16xf32>
      %get3A_2075 = arith.constant 15 : i32
      %get3A_2076 = arith.index_cast %get3A_2075 : i32 to index
      %get3A_2077 = arith.constant 16 : index
      %get3A_2078 = tpu.vector_load %arg11[%get3A_2076, %get3A_2077] {strides = array<i32>} : memref<16x32xf32, #tpu.memory_space<vmem>>, vector<1x16xf32>,
      %get3A_2079 = vector.shape_cast %get3A_2078 : vector<1x16xf32> to vector<16xf32>
      %mul3A_2080 = arith.mulf %get3A_2079, %get3A_5 : vector<16xf32>
      %add3A_2081 = arith.addf %mul3A_2080, %get3A_11 : vector<16xf32>
      %get3A_2082 = arith.constant 15 : i32
      %get3A_2083 = arith.index_cast %get3A_2082 : i32 to index
      %get3A_2084 = arith.constant 0 : index
      %get3A_2085 = tpu.vector_load %arg13[%get3A_2083, %get3A_2084] {strides = array<i32>} : memref<16x32xf32, #tpu.memory_space<vmem>>, vector<1x16xf32>,
      %get3A_2086 = vector.shape_cast %get3A_2085 : vector<1x16xf32> to vector<16xf32>
      %mul3A_2087 = arith.mulf %get3A_2086, %get3A_2 : vector<16xf32>
      %add3A_2088 = arith.addf %mul3A_2087, %get3A_8 : vector<16xf32>
      %get3A_2089 = arith.constant 15 : i32
      %get3A_2090 = arith.index_cast %get3A_2089 : i32 to index
      %get3A_2091 = arith.constant 16 : index
      %get3A_2092 = tpu.vector_load %arg13[%get3A_2090, %get3A_2091] {strides = array<i32>} : memref<16x32xf32, #tpu.memory_space<vmem>>, vector<1x16xf32>,
      %get3A_2093 = vector.shape_cast %get3A_2092 : vector<1x16xf32> to vector<16xf32>
      %mul3A_2094 = arith.mulf %get3A_2093, %get3A_5 : vector<16xf32>
      %add3A_2095 = arith.addf %mul3A_2094, %get3A_11 : vector<16xf32>
      %mul3A_2096 = arith.mulf %add3A_2074, %add3A_2088 : vector<16xf32>
      %mul3A_2097 = arith.mulf %add3A_2081, %add3A_2095 : vector<16xf32>
      %add3A_2098 = arith.addf %mul3A_2096, %mul3A_2097 : vector<16xf32>
      %slice3A_2099 = vector.extract_strided_slice %add3A_2098 {offsets = [0], sizes = [1], strides = [1]} : vector<16xf32> to vector<1xf32>
      %squeeze3A_2100 = vector.extract %slice3A_2099[0] : f32 from vector<1xf32>
      %slice3A_2101 = vector.extract_strided_slice %add3A_2098 {offsets = [1], sizes = [1], strides = [1]} : vector<16xf32> to vector<1xf32>
      %squeeze3A_2102 = vector.extract %slice3A_2101[0] : f32 from vector<1xf32>
      %slice3A_2103 = vector.extract_strided_slice %add3A_2098 {offsets = [2], sizes = [1], strides = [1]} : vector<16xf32> to vector<1xf32>
      %squeeze3A_2104 = vector.extract %slice3A_2103[0] : f32 from vector<1xf32>
      %slice3A_2105 = vector.extract_strided_slice %add3A_2098 {offsets = [3], sizes = [1], strides = [1]} : vector<16xf32> to vector<1xf32>
      %squeeze3A_2106 = vector.extract %slice3A_2105[0] : f32 from vector<1xf32>
      %slice3A_2107 = vector.extract_strided_slice %add3A_2098 {offsets = [4], sizes = [1], strides = [1]} : vector<16xf32> to vector<1xf32>
      %squeeze3A_2108 = vector.extract %slice3A_2107[0] : f32 from vector<1xf32>
      %slice3A_2109 = vector.extract_strided_slice %add3A_2098 {offsets = [5], sizes = [1], strides = [1]} : vector<16xf32> to vector<1xf32>
      %squeeze3A_2110 = vector.extract %slice3A_2109[0] : f32 from vector<1xf32>
      %slice3A_2111 = vector.extract_strided_slice %add3A_2098 {offsets = [6], sizes = [1], strides = [1]} : vector<16xf32> to vector<1xf32>
      %squeeze3A_2112 = vector.extract %slice3A_2111[0] : f32 from vector<1xf32>
      %slice3A_2113 = vector.extract_strided_slice %add3A_2098 {offsets = [7], sizes = [1], strides = [1]} : vector<16xf32> to vector<1xf32>
      %squeeze3A_2114 = vector.extract %slice3A_2113[0] : f32 from vector<1xf32>
      %slice3A_2115 = vector.extract_strided_slice %add3A_2098 {offsets = [8], sizes = [1], strides = [1]} : vector<16xf32> to vector<1xf32>
      %squeeze3A_2116 = vector.extract %slice3A_2115[0] : f32 from vector<1xf32>
      %slice3A_2117 = vector.extract_strided_slice %add3A_2098 {offsets = [9], sizes = [1], strides = [1]} : vector<16xf32> to vector<1xf32>
      %squeeze3A_2118 = vector.extract %slice3A_2117[0] : f32 from vector<1xf32>
      %slice3A_2119 = vector.extract_strided_slice %add3A_2098 {offsets = [10], sizes = [1], strides = [1]} : vector<16xf32> to vector<1xf32>
      %squeeze3A_2120 = vector.extract %slice3A_2119[0] : f32 from vector<1xf32>
      %slice3A_2121 = vector.extract_strided_slice %add3A_2098 {offsets = [11], sizes = [1], strides = [1]} : vector<16xf32> to vector<1xf32>
      %squeeze3A_2122 = vector.extract %slice3A_2121[0] : f32 from vector<1xf32>
      %slice3A_2123 = vector.extract_strided_slice %add3A_2098 {offsets = [12], sizes = [1], strides = [1]} : vector<16xf32> to vector<1xf32>
      %squeeze3A_2124 = vector.extract %slice3A_2123[0] : f32 from vector<1xf32>
      %slice3A_2125 = vector.extract_strided_slice %add3A_2098 {offsets = [13], sizes = [1], strides = [1]} : vector<16xf32> to vector<1xf32>
      %squeeze3A_2126 = vector.extract %slice3A_2125[0] : f32 from vector<1xf32>
      %slice3A_2127 = vector.extract_strided_slice %add3A_2098 {offsets = [14], sizes = [1], strides = [1]} : vector<16xf32> to vector<1xf32>
      %squeeze3A_2128 = vector.extract %slice3A_2127[0] : f32 from vector<1xf32>
      %slice3A_2129 = vector.extract_strided_slice %add3A_2098 {offsets = [15], sizes = [1], strides = [1]} : vector<16xf32> to vector<1xf32>
      %squeeze3A_2130 = vector.extract %slice3A_2129[0] : f32 from vector<1xf32>
      %add3A_2131 = arith.addf %squeeze3A_2100, %squeeze3A_2102 : f32
      %add3A_2132 = arith.addf %squeeze3A_2104, %squeeze3A_2106 : f32
      %add3A_2133 = arith.addf %squeeze3A_2108, %squeeze3A_2110 : f32
      %add3A_2134 = arith.addf %squeeze3A_2112, %squeeze3A_2114 : f32
      %add3A_2135 = arith.addf %squeeze3A_2116, %squeeze3A_2118 : f32
      %add3A_2136 = arith.addf %squeeze3A_2120, %squeeze3A_2122 : f32
      %add3A_2137 = arith.addf %squeeze3A_2124, %squeeze3A_2126 : f32
      %add3A_2138 = arith.addf %squeeze3A_2128, %squeeze3A_2130 : f32
      %add3A_2139 = arith.addf %add3A_2131, %add3A_2132 : f32
      %add3A_2140 = arith.addf %add3A_2133, %add3A_2134 : f32
      %add3A_2141 = arith.addf %add3A_2135, %add3A_2136 : f32
      %add3A_2142 = arith.addf %add3A_2137, %add3A_2138 : f32
      %add3A_2143 = arith.addf %add3A_2139, %add3A_2140 : f32
      %add3A_2144 = arith.addf %add3A_2141, %add3A_2142 : f32
      %add3A_2145 = arith.addf %add3A_2143, %add3A_2144 : f32
      %eq3A_2146 = arith.constant 15 : i32
      %eq3A_2147 = vector.broadcast %eq3A_2146 : i32 to vector<16xi32>
      %eq3A_2148 = arith.cmpi eq, %iota3A, %eq3A_2147 : vector<16xi32>
      %broadcast_in_dim3A_2149 = vector.broadcast %add3A_2145 : f32 to vector<16xf32>
      %select_n3A_2150 = arith.select %eq3A_2148, %broadcast_in_dim3A_2149, %select_n3A_2067 : vector<16xi1>, vector<16xf32>
      %mul3A_2151 = arith.constant 16 : i32
      %mul3A_2152 = arith.muli %mul3A_412, %mul3A_2151 : i32
      %swap3A = arith.index_cast %mul3A_2152 : i32 to index
      %swap3A_2153 = tpu.vector_load %arg17[%swap3A] {strides = array<i32>} : memref<512xf32, #tpu.memory_space<vmem>>, vector<16xf32>,
      %swap3A_2154 = vector.shape_cast %swap3A_2153 : vector<16xf32> to vector<16xf32>
      %swap3A_2155 = vector.shape_cast %select_n3A_2150 : vector<16xf32> to vector<16xf32>
      tpu.vector_store %arg17[%swap3A], %swap3A_2155 {strides = array<i32>} : memref<512xf32, #tpu.memory_space<vmem>>, vector<16xf32>,
      %lt3A = arith.constant 15 : i32
      %lt3A_2156 = arith.cmpi slt, %scan3A_410, %lt3A : i32
      %convert_element_type3A = arith.extui %lt3A_2156 : i1 to i32
      %cond3A = arith.constant 0 : i32
      %cond3A_2157 = arith.cmpi ne, %convert_element_type3A, %cond3A : i32
      scf.if %cond3A_2157 {
        %add3A_3508 = arith.constant 2 : i32
        %add3A_3509 = arith.addi %mul3A_412, %add3A_3508 : i32
        %mul3A_3510 = arith.constant 16 : i32
        %mul3A_3511 = arith.muli %add3A_3509, %mul3A_3510 : i32
        %get3A_3512 = arith.constant 0 : i32
        %get3A_3513 = arith.index_cast %get3A_3512 : i32 to index
        %get3A_3514 = arith.index_cast %mul3A_3511 : i32 to index
        %get3A_3515 = tpu.vector_load %arg9[%get3A_3513, %get3A_3514] {strides = array<i32>} : memref<1x512xi32, #tpu.memory_space<vmem>>, vector<1x16xi32>,
        %get3A_3516 = vector.shape_cast %get3A_3515 : vector<1x16xi32> to vector<16xi32>
        %mul3A_3517 = arith.constant 16 : i32
        %mul3A_3518 = arith.muli %add3A_3509, %mul3A_3517 : i32
        %get3A_3519 = arith.constant 0 : i32
        %get3A_3520 = arith.index_cast %get3A_3519 : i32 to index
        %get3A_3521 = arith.index_cast %mul3A_3518 : i32 to index
        %get3A_3522 = tpu.vector_load %arg10[%get3A_3520, %get3A_3521] {strides = array<i32>} : memref<1x512xi32, #tpu.memory_space<vmem>>, vector<1x16xi32>,
        %get3A_3523 = vector.shape_cast %get3A_3522 : vector<1x16xi32> to vector<16xi32>
        %slice3A_3524 = vector.extract_strided_slice %get3A_3516 {offsets = [0], sizes = [1], strides = [1]} : vector<16xi32> to vector<1xi32>
        %squeeze3A_3525 = vector.extract %slice3A_3524[0] : i32 from vector<1xi32>
        %dma_start3A_3526 = arith.constant 0 : i32
        %dma_start3A_3527 = arith.constant 0 : i32
        %dma_start3A_3528 = tpu.memref_slice %arg11[%dma_start3A_3526, %dma_start3A_3527] : memref<16x32xf32, #tpu.memory_space<vmem>> -> memref<1x32xf32, #tpu.memory_space<vmem>>
        %dma_start3A_3529 = arith.constant 0 : i32
        %dma_start3A_3530 = tpu.memref_slice %arg4[%squeeze3A_3525, %dma_start3A_3529] : memref<1000000x32xf32, #tpu.memory_space<hbm>> -> memref<1x32xf32, #tpu.memory_space<hbm>>
        %dma_start3A_3531 = arith.constant 0 : i32
        %dma_start3A_3532 = arith.constant 0 : i32
        %dma_start3A_3533 = tpu.memref_slice %arg11[%dma_start3A_3531, %dma_start3A_3532] : memref<16x32xf32, #tpu.memory_space<vmem>> -> memref<1x32xf32, #tpu.memory_space<vmem>>
        %dma_start3A_3534 = arith.constant 0 : i32
        %dma_start3A_3535 = tpu.memref_slice %arg4[%squeeze3A_3525, %dma_start3A_3534] : memref<1000000x32xf32, #tpu.memory_space<hbm>> -> memref<1x32xf32, #tpu.memory_space<hbm>>
        tpu.enqueue_dma source(%dma_start3A_3535 : memref<1x32xf32, #tpu.memory_space<hbm>>) target(%dma_start3A_3533 : memref<1x32xf32, #tpu.memory_space<vmem>>) target_semaphore(%arg18 : memref<!tpu.dma_semaphore, #tpu.memory_space<semaphore_mem>>)
        %slice3A_3536 = vector.extract_strided_slice %get3A_3523 {offsets = [0], sizes = [1], strides = [1]} : vector<16xi32> to vector<1xi32>
        %squeeze3A_3537 = vector.extract %slice3A_3536[0] : i32 from vector<1xi32>
        %dma_start3A_3538 = arith.constant 0 : i32
        %dma_start3A_3539 = arith.constant 0 : i32
        %dma_start3A_3540 = tpu.memref_slice %arg13[%dma_start3A_3538, %dma_start3A_3539] : memref<16x32xf32, #tpu.memory_space<vmem>> -> memref<1x32xf32, #tpu.memory_space<vmem>>
        %dma_start3A_3541 = arith.constant 0 : i32
        %dma_start3A_3542 = tpu.memref_slice %arg5[%squeeze3A_3537, %dma_start3A_3541] : memref<100000x32xf32, #tpu.memory_space<hbm>> -> memref<1x32xf32, #tpu.memory_space<hbm>>
        %dma_start3A_3543 = arith.constant 0 : i32
        %dma_start3A_3544 = arith.constant 0 : i32
        %dma_start3A_3545 = tpu.memref_slice %arg13[%dma_start3A_3543, %dma_start3A_3544] : memref<16x32xf32, #tpu.memory_space<vmem>> -> memref<1x32xf32, #tpu.memory_space<vmem>>
        %dma_start3A_3546 = arith.constant 0 : i32
        %dma_start3A_3547 = tpu.memref_slice %arg5[%squeeze3A_3537, %dma_start3A_3546] : memref<100000x32xf32, #tpu.memory_space<hbm>> -> memref<1x32xf32, #tpu.memory_space<hbm>>
        tpu.enqueue_dma source(%dma_start3A_3547 : memref<1x32xf32, #tpu.memory_space<hbm>>) target(%dma_start3A_3545 : memref<1x32xf32, #tpu.memory_space<vmem>>) target_semaphore(%arg18 : memref<!tpu.dma_semaphore, #tpu.memory_space<semaphore_mem>>)
        %slice3A_3548 = vector.extract_strided_slice %get3A_3516 {offsets = [1], sizes = [1], strides = [1]} : vector<16xi32> to vector<1xi32>
        %squeeze3A_3549 = vector.extract %slice3A_3548[0] : i32 from vector<1xi32>
        %dma_start3A_3550 = arith.constant 1 : i32
        %dma_start3A_3551 = arith.constant 0 : i32
        %dma_start3A_3552 = tpu.memref_slice %arg11[%dma_start3A_3550, %dma_start3A_3551] : memref<16x32xf32, #tpu.memory_space<vmem>> -> memref<1x32xf32, #tpu.memory_space<vmem>>
        %dma_start3A_3553 = arith.constant 0 : i32
        %dma_start3A_3554 = tpu.memref_slice %arg4[%squeeze3A_3549, %dma_start3A_3553] : memref<1000000x32xf32, #tpu.memory_space<hbm>> -> memref<1x32xf32, #tpu.memory_space<hbm>>
        %dma_start3A_3555 = arith.constant 1 : i32
        %dma_start3A_3556 = arith.constant 0 : i32
        %dma_start3A_3557 = tpu.memref_slice %arg11[%dma_start3A_3555, %dma_start3A_3556] : memref<16x32xf32, #tpu.memory_space<vmem>> -> memref<1x32xf32, #tpu.memory_space<vmem>>
        %dma_start3A_3558 = arith.constant 0 : i32
        %dma_start3A_3559 = tpu.memref_slice %arg4[%squeeze3A_3549, %dma_start3A_3558] : memref<1000000x32xf32, #tpu.memory_space<hbm>> -> memref<1x32xf32, #tpu.memory_space<hbm>>
        tpu.enqueue_dma source(%dma_start3A_3559 : memref<1x32xf32, #tpu.memory_space<hbm>>) target(%dma_start3A_3557 : memref<1x32xf32, #tpu.memory_space<vmem>>) target_semaphore(%arg18 : memref<!tpu.dma_semaphore, #tpu.memory_space<semaphore_mem>>)
        %slice3A_3560 = vector.extract_strided_slice %get3A_3523 {offsets = [1], sizes = [1], strides = [1]} : vector<16xi32> to vector<1xi32>
        %squeeze3A_3561 = vector.extract %slice3A_3560[0] : i32 from vector<1xi32>
        %dma_start3A_3562 = arith.constant 1 : i32
        %dma_start3A_3563 = arith.constant 0 : i32
        %dma_start3A_3564 = tpu.memref_slice %arg13[%dma_start3A_3562, %dma_start3A_3563] : memref<16x32xf32, #tpu.memory_space<vmem>> -> memref<1x32xf32, #tpu.memory_space<vmem>>
        %dma_start3A_3565 = arith.constant 0 : i32
        %dma_start3A_3566 = tpu.memref_slice %arg5[%squeeze3A_3561, %dma_start3A_3565] : memref<100000x32xf32, #tpu.memory_space<hbm>> -> memref<1x32xf32, #tpu.memory_space<hbm>>
        %dma_start3A_3567 = arith.constant 1 : i32
        %dma_start3A_3568 = arith.constant 0 : i32
        %dma_start3A_3569 = tpu.memref_slice %arg13[%dma_start3A_3567, %dma_start3A_3568] : memref<16x32xf32, #tpu.memory_space<vmem>> -> memref<1x32xf32, #tpu.memory_space<vmem>>
        %dma_start3A_3570 = arith.constant 0 : i32
        %dma_start3A_3571 = tpu.memref_slice %arg5[%squeeze3A_3561, %dma_start3A_3570] : memref<100000x32xf32, #tpu.memory_space<hbm>> -> memref<1x32xf32, #tpu.memory_space<hbm>>
        tpu.enqueue_dma source(%dma_start3A_3571 : memref<1x32xf32, #tpu.memory_space<hbm>>) target(%dma_start3A_3569 : memref<1x32xf32, #tpu.memory_space<vmem>>) target_semaphore(%arg18 : memref<!tpu.dma_semaphore, #tpu.memory_space<semaphore_mem>>)
        %slice3A_3572 = vector.extract_strided_slice %get3A_3516 {offsets = [2], sizes = [1], strides = [1]} : vector<16xi32> to vector<1xi32>
        %squeeze3A_3573 = vector.extract %slice3A_3572[0] : i32 from vector<1xi32>
        %dma_start3A_3574 = arith.constant 2 : i32
        %dma_start3A_3575 = arith.constant 0 : i32
        %dma_start3A_3576 = tpu.memref_slice %arg11[%dma_start3A_3574, %dma_start3A_3575] : memref<16x32xf32, #tpu.memory_space<vmem>> -> memref<1x32xf32, #tpu.memory_space<vmem>>
        %dma_start3A_3577 = arith.constant 0 : i32
        %dma_start3A_3578 = tpu.memref_slice %arg4[%squeeze3A_3573, %dma_start3A_3577] : memref<1000000x32xf32, #tpu.memory_space<hbm>> -> memref<1x32xf32, #tpu.memory_space<hbm>>
        %dma_start3A_3579 = arith.constant 2 : i32
        %dma_start3A_3580 = arith.constant 0 : i32
        %dma_start3A_3581 = tpu.memref_slice %arg11[%dma_start3A_3579, %dma_start3A_3580] : memref<16x32xf32, #tpu.memory_space<vmem>> -> memref<1x32xf32, #tpu.memory_space<vmem>>
        %dma_start3A_3582 = arith.constant 0 : i32
        %dma_start3A_3583 = tpu.memref_slice %arg4[%squeeze3A_3573, %dma_start3A_3582] : memref<1000000x32xf32, #tpu.memory_space<hbm>> -> memref<1x32xf32, #tpu.memory_space<hbm>>
        tpu.enqueue_dma source(%dma_start3A_3583 : memref<1x32xf32, #tpu.memory_space<hbm>>) target(%dma_start3A_3581 : memref<1x32xf32, #tpu.memory_space<vmem>>) target_semaphore(%arg18 : memref<!tpu.dma_semaphore, #tpu.memory_space<semaphore_mem>>)
        %slice3A_3584 = vector.extract_strided_slice %get3A_3523 {offsets = [2], sizes = [1], strides = [1]} : vector<16xi32> to vector<1xi32>
        %squeeze3A_3585 = vector.extract %slice3A_3584[0] : i32 from vector<1xi32>
        %dma_start3A_3586 = arith.constant 2 : i32
        %dma_start3A_3587 = arith.constant 0 : i32
        %dma_start3A_3588 = tpu.memref_slice %arg13[%dma_start3A_3586, %dma_start3A_3587] : memref<16x32xf32, #tpu.memory_space<vmem>> -> memref<1x32xf32, #tpu.memory_space<vmem>>
        %dma_start3A_3589 = arith.constant 0 : i32
        %dma_start3A_3590 = tpu.memref_slice %arg5[%squeeze3A_3585, %dma_start3A_3589] : memref<100000x32xf32, #tpu.memory_space<hbm>> -> memref<1x32xf32, #tpu.memory_space<hbm>>
        %dma_start3A_3591 = arith.constant 2 : i32
        %dma_start3A_3592 = arith.constant 0 : i32
        %dma_start3A_3593 = tpu.memref_slice %arg13[%dma_start3A_3591, %dma_start3A_3592] : memref<16x32xf32, #tpu.memory_space<vmem>> -> memref<1x32xf32, #tpu.memory_space<vmem>>
        %dma_start3A_3594 = arith.constant 0 : i32
        %dma_start3A_3595 = tpu.memref_slice %arg5[%squeeze3A_3585, %dma_start3A_3594] : memref<100000x32xf32, #tpu.memory_space<hbm>> -> memref<1x32xf32, #tpu.memory_space<hbm>>
        tpu.enqueue_dma source(%dma_start3A_3595 : memref<1x32xf32, #tpu.memory_space<hbm>>) target(%dma_start3A_3593 : memref<1x32xf32, #tpu.memory_space<vmem>>) target_semaphore(%arg18 : memref<!tpu.dma_semaphore, #tpu.memory_space<semaphore_mem>>)
        %slice3A_3596 = vector.extract_strided_slice %get3A_3516 {offsets = [3], sizes = [1], strides = [1]} : vector<16xi32> to vector<1xi32>
        %squeeze3A_3597 = vector.extract %slice3A_3596[0] : i32 from vector<1xi32>
        %dma_start3A_3598 = arith.constant 3 : i32
        %dma_start3A_3599 = arith.constant 0 : i32
        %dma_start3A_3600 = tpu.memref_slice %arg11[%dma_start3A_3598, %dma_start3A_3599] : memref<16x32xf32, #tpu.memory_space<vmem>> -> memref<1x32xf32, #tpu.memory_space<vmem>>
        %dma_start3A_3601 = arith.constant 0 : i32
        %dma_start3A_3602 = tpu.memref_slice %arg4[%squeeze3A_3597, %dma_start3A_3601] : memref<1000000x32xf32, #tpu.memory_space<hbm>> -> memref<1x32xf32, #tpu.memory_space<hbm>>
        %dma_start3A_3603 = arith.constant 3 : i32
        %dma_start3A_3604 = arith.constant 0 : i32
        %dma_start3A_3605 = tpu.memref_slice %arg11[%dma_start3A_3603, %dma_start3A_3604] : memref<16x32xf32, #tpu.memory_space<vmem>> -> memref<1x32xf32, #tpu.memory_space<vmem>>
        %dma_start3A_3606 = arith.constant 0 : i32
        %dma_start3A_3607 = tpu.memref_slice %arg4[%squeeze3A_3597, %dma_start3A_3606] : memref<1000000x32xf32, #tpu.memory_space<hbm>> -> memref<1x32xf32, #tpu.memory_space<hbm>>
        tpu.enqueue_dma source(%dma_start3A_3607 : memref<1x32xf32, #tpu.memory_space<hbm>>) target(%dma_start3A_3605 : memref<1x32xf32, #tpu.memory_space<vmem>>) target_semaphore(%arg18 : memref<!tpu.dma_semaphore, #tpu.memory_space<semaphore_mem>>)
        %slice3A_3608 = vector.extract_strided_slice %get3A_3523 {offsets = [3], sizes = [1], strides = [1]} : vector<16xi32> to vector<1xi32>
        %squeeze3A_3609 = vector.extract %slice3A_3608[0] : i32 from vector<1xi32>
        %dma_start3A_3610 = arith.constant 3 : i32
        %dma_start3A_3611 = arith.constant 0 : i32
        %dma_start3A_3612 = tpu.memref_slice %arg13[%dma_start3A_3610, %dma_start3A_3611] : memref<16x32xf32, #tpu.memory_space<vmem>> -> memref<1x32xf32, #tpu.memory_space<vmem>>
        %dma_start3A_3613 = arith.constant 0 : i32
        %dma_start3A_3614 = tpu.memref_slice %arg5[%squeeze3A_3609, %dma_start3A_3613] : memref<100000x32xf32, #tpu.memory_space<hbm>> -> memref<1x32xf32, #tpu.memory_space<hbm>>
        %dma_start3A_3615 = arith.constant 3 : i32
        %dma_start3A_3616 = arith.constant 0 : i32
        %dma_start3A_3617 = tpu.memref_slice %arg13[%dma_start3A_3615, %dma_start3A_3616] : memref<16x32xf32, #tpu.memory_space<vmem>> -> memref<1x32xf32, #tpu.memory_space<vmem>>
        %dma_start3A_3618 = arith.constant 0 : i32
        %dma_start3A_3619 = tpu.memref_slice %arg5[%squeeze3A_3609, %dma_start3A_3618] : memref<100000x32xf32, #tpu.memory_space<hbm>> -> memref<1x32xf32, #tpu.memory_space<hbm>>
        tpu.enqueue_dma source(%dma_start3A_3619 : memref<1x32xf32, #tpu.memory_space<hbm>>) target(%dma_start3A_3617 : memref<1x32xf32, #tpu.memory_space<vmem>>) target_semaphore(%arg18 : memref<!tpu.dma_semaphore, #tpu.memory_space<semaphore_mem>>)
        %slice3A_3620 = vector.extract_strided_slice %get3A_3516 {offsets = [4], sizes = [1], strides = [1]} : vector<16xi32> to vector<1xi32>
        %squeeze3A_3621 = vector.extract %slice3A_3620[0] : i32 from vector<1xi32>
        %dma_start3A_3622 = arith.constant 4 : i32
        %dma_start3A_3623 = arith.constant 0 : i32
        %dma_start3A_3624 = tpu.memref_slice %arg11[%dma_start3A_3622, %dma_start3A_3623] : memref<16x32xf32, #tpu.memory_space<vmem>> -> memref<1x32xf32, #tpu.memory_space<vmem>>
        %dma_start3A_3625 = arith.constant 0 : i32
        %dma_start3A_3626 = tpu.memref_slice %arg4[%squeeze3A_3621, %dma_start3A_3625] : memref<1000000x32xf32, #tpu.memory_space<hbm>> -> memref<1x32xf32, #tpu.memory_space<hbm>>
        %dma_start3A_3627 = arith.constant 4 : i32
        %dma_start3A_3628 = arith.constant 0 : i32
        %dma_start3A_3629 = tpu.memref_slice %arg11[%dma_start3A_3627, %dma_start3A_3628] : memref<16x32xf32, #tpu.memory_space<vmem>> -> memref<1x32xf32, #tpu.memory_space<vmem>>
        %dma_start3A_3630 = arith.constant 0 : i32
        %dma_start3A_3631 = tpu.memref_slice %arg4[%squeeze3A_3621, %dma_start3A_3630] : memref<1000000x32xf32, #tpu.memory_space<hbm>> -> memref<1x32xf32, #tpu.memory_space<hbm>>
        tpu.enqueue_dma source(%dma_start3A_3631 : memref<1x32xf32, #tpu.memory_space<hbm>>) target(%dma_start3A_3629 : memref<1x32xf32, #tpu.memory_space<vmem>>) target_semaphore(%arg18 : memref<!tpu.dma_semaphore, #tpu.memory_space<semaphore_mem>>)
        %slice3A_3632 = vector.extract_strided_slice %get3A_3523 {offsets = [4], sizes = [1], strides = [1]} : vector<16xi32> to vector<1xi32>
        %squeeze3A_3633 = vector.extract %slice3A_3632[0] : i32 from vector<1xi32>
        %dma_start3A_3634 = arith.constant 4 : i32
        %dma_start3A_3635 = arith.constant 0 : i32
        %dma_start3A_3636 = tpu.memref_slice %arg13[%dma_start3A_3634, %dma_start3A_3635] : memref<16x32xf32, #tpu.memory_space<vmem>> -> memref<1x32xf32, #tpu.memory_space<vmem>>
        %dma_start3A_3637 = arith.constant 0 : i32
        %dma_start3A_3638 = tpu.memref_slice %arg5[%squeeze3A_3633, %dma_start3A_3637] : memref<100000x32xf32, #tpu.memory_space<hbm>> -> memref<1x32xf32, #tpu.memory_space<hbm>>
        %dma_start3A_3639 = arith.constant 4 : i32
        %dma_start3A_3640 = arith.constant 0 : i32
        %dma_start3A_3641 = tpu.memref_slice %arg13[%dma_start3A_3639, %dma_start3A_3640] : memref<16x32xf32, #tpu.memory_space<vmem>> -> memref<1x32xf32, #tpu.memory_space<vmem>>
        %dma_start3A_3642 = arith.constant 0 : i32
        %dma_start3A_3643 = tpu.memref_slice %arg5[%squeeze3A_3633, %dma_start3A_3642] : memref<100000x32xf32, #tpu.memory_space<hbm>> -> memref<1x32xf32, #tpu.memory_space<hbm>>
        tpu.enqueue_dma source(%dma_start3A_3643 : memref<1x32xf32, #tpu.memory_space<hbm>>) target(%dma_start3A_3641 : memref<1x32xf32, #tpu.memory_space<vmem>>) target_semaphore(%arg18 : memref<!tpu.dma_semaphore, #tpu.memory_space<semaphore_mem>>)
        %slice3A_3644 = vector.extract_strided_slice %get3A_3516 {offsets = [5], sizes = [1], strides = [1]} : vector<16xi32> to vector<1xi32>
        %squeeze3A_3645 = vector.extract %slice3A_3644[0] : i32 from vector<1xi32>
        %dma_start3A_3646 = arith.constant 5 : i32
        %dma_start3A_3647 = arith.constant 0 : i32
        %dma_start3A_3648 = tpu.memref_slice %arg11[%dma_start3A_3646, %dma_start3A_3647] : memref<16x32xf32, #tpu.memory_space<vmem>> -> memref<1x32xf32, #tpu.memory_space<vmem>>
        %dma_start3A_3649 = arith.constant 0 : i32
        %dma_start3A_3650 = tpu.memref_slice %arg4[%squeeze3A_3645, %dma_start3A_3649] : memref<1000000x32xf32, #tpu.memory_space<hbm>> -> memref<1x32xf32, #tpu.memory_space<hbm>>
        %dma_start3A_3651 = arith.constant 5 : i32
        %dma_start3A_3652 = arith.constant 0 : i32
        %dma_start3A_3653 = tpu.memref_slice %arg11[%dma_start3A_3651, %dma_start3A_3652] : memref<16x32xf32, #tpu.memory_space<vmem>> -> memref<1x32xf32, #tpu.memory_space<vmem>>
        %dma_start3A_3654 = arith.constant 0 : i32
        %dma_start3A_3655 = tpu.memref_slice %arg4[%squeeze3A_3645, %dma_start3A_3654] : memref<1000000x32xf32, #tpu.memory_space<hbm>> -> memref<1x32xf32, #tpu.memory_space<hbm>>
        tpu.enqueue_dma source(%dma_start3A_3655 : memref<1x32xf32, #tpu.memory_space<hbm>>) target(%dma_start3A_3653 : memref<1x32xf32, #tpu.memory_space<vmem>>) target_semaphore(%arg18 : memref<!tpu.dma_semaphore, #tpu.memory_space<semaphore_mem>>)
        %slice3A_3656 = vector.extract_strided_slice %get3A_3523 {offsets = [5], sizes = [1], strides = [1]} : vector<16xi32> to vector<1xi32>
        %squeeze3A_3657 = vector.extract %slice3A_3656[0] : i32 from vector<1xi32>
        %dma_start3A_3658 = arith.constant 5 : i32
        %dma_start3A_3659 = arith.constant 0 : i32
        %dma_start3A_3660 = tpu.memref_slice %arg13[%dma_start3A_3658, %dma_start3A_3659] : memref<16x32xf32, #tpu.memory_space<vmem>> -> memref<1x32xf32, #tpu.memory_space<vmem>>
        %dma_start3A_3661 = arith.constant 0 : i32
        %dma_start3A_3662 = tpu.memref_slice %arg5[%squeeze3A_3657, %dma_start3A_3661] : memref<100000x32xf32, #tpu.memory_space<hbm>> -> memref<1x32xf32, #tpu.memory_space<hbm>>
        %dma_start3A_3663 = arith.constant 5 : i32
        %dma_start3A_3664 = arith.constant 0 : i32
        %dma_start3A_3665 = tpu.memref_slice %arg13[%dma_start3A_3663, %dma_start3A_3664] : memref<16x32xf32, #tpu.memory_space<vmem>> -> memref<1x32xf32, #tpu.memory_space<vmem>>
        %dma_start3A_3666 = arith.constant 0 : i32
        %dma_start3A_3667 = tpu.memref_slice %arg5[%squeeze3A_3657, %dma_start3A_3666] : memref<100000x32xf32, #tpu.memory_space<hbm>> -> memref<1x32xf32, #tpu.memory_space<hbm>>
        tpu.enqueue_dma source(%dma_start3A_3667 : memref<1x32xf32, #tpu.memory_space<hbm>>) target(%dma_start3A_3665 : memref<1x32xf32, #tpu.memory_space<vmem>>) target_semaphore(%arg18 : memref<!tpu.dma_semaphore, #tpu.memory_space<semaphore_mem>>)
        %slice3A_3668 = vector.extract_strided_slice %get3A_3516 {offsets = [6], sizes = [1], strides = [1]} : vector<16xi32> to vector<1xi32>
        %squeeze3A_3669 = vector.extract %slice3A_3668[0] : i32 from vector<1xi32>
        %dma_start3A_3670 = arith.constant 6 : i32
        %dma_start3A_3671 = arith.constant 0 : i32
        %dma_start3A_3672 = tpu.memref_slice %arg11[%dma_start3A_3670, %dma_start3A_3671] : memref<16x32xf32, #tpu.memory_space<vmem>> -> memref<1x32xf32, #tpu.memory_space<vmem>>
        %dma_start3A_3673 = arith.constant 0 : i32
        %dma_start3A_3674 = tpu.memref_slice %arg4[%squeeze3A_3669, %dma_start3A_3673] : memref<1000000x32xf32, #tpu.memory_space<hbm>> -> memref<1x32xf32, #tpu.memory_space<hbm>>
        %dma_start3A_3675 = arith.constant 6 : i32
        %dma_start3A_3676 = arith.constant 0 : i32
        %dma_start3A_3677 = tpu.memref_slice %arg11[%dma_start3A_3675, %dma_start3A_3676] : memref<16x32xf32, #tpu.memory_space<vmem>> -> memref<1x32xf32, #tpu.memory_space<vmem>>
        %dma_start3A_3678 = arith.constant 0 : i32
        %dma_start3A_3679 = tpu.memref_slice %arg4[%squeeze3A_3669, %dma_start3A_3678] : memref<1000000x32xf32, #tpu.memory_space<hbm>> -> memref<1x32xf32, #tpu.memory_space<hbm>>
        tpu.enqueue_dma source(%dma_start3A_3679 : memref<1x32xf32, #tpu.memory_space<hbm>>) target(%dma_start3A_3677 : memref<1x32xf32, #tpu.memory_space<vmem>>) target_semaphore(%arg18 : memref<!tpu.dma_semaphore, #tpu.memory_space<semaphore_mem>>)
        %slice3A_3680 = vector.extract_strided_slice %get3A_3523 {offsets = [6], sizes = [1], strides = [1]} : vector<16xi32> to vector<1xi32>
        %squeeze3A_3681 = vector.extract %slice3A_3680[0] : i32 from vector<1xi32>
        %dma_start3A_3682 = arith.constant 6 : i32
        %dma_start3A_3683 = arith.constant 0 : i32
        %dma_start3A_3684 = tpu.memref_slice %arg13[%dma_start3A_3682, %dma_start3A_3683] : memref<16x32xf32, #tpu.memory_space<vmem>> -> memref<1x32xf32, #tpu.memory_space<vmem>>
        %dma_start3A_3685 = arith.constant 0 : i32
        %dma_start3A_3686 = tpu.memref_slice %arg5[%squeeze3A_3681, %dma_start3A_3685] : memref<100000x32xf32, #tpu.memory_space<hbm>> -> memref<1x32xf32, #tpu.memory_space<hbm>>
        %dma_start3A_3687 = arith.constant 6 : i32
        %dma_start3A_3688 = arith.constant 0 : i32
        %dma_start3A_3689 = tpu.memref_slice %arg13[%dma_start3A_3687, %dma_start3A_3688] : memref<16x32xf32, #tpu.memory_space<vmem>> -> memref<1x32xf32, #tpu.memory_space<vmem>>
        %dma_start3A_3690 = arith.constant 0 : i32
        %dma_start3A_3691 = tpu.memref_slice %arg5[%squeeze3A_3681, %dma_start3A_3690] : memref<100000x32xf32, #tpu.memory_space<hbm>> -> memref<1x32xf32, #tpu.memory_space<hbm>>
        tpu.enqueue_dma source(%dma_start3A_3691 : memref<1x32xf32, #tpu.memory_space<hbm>>) target(%dma_start3A_3689 : memref<1x32xf32, #tpu.memory_space<vmem>>) target_semaphore(%arg18 : memref<!tpu.dma_semaphore, #tpu.memory_space<semaphore_mem>>)
        %slice3A_3692 = vector.extract_strided_slice %get3A_3516 {offsets = [7], sizes = [1], strides = [1]} : vector<16xi32> to vector<1xi32>
        %squeeze3A_3693 = vector.extract %slice3A_3692[0] : i32 from vector<1xi32>
        %dma_start3A_3694 = arith.constant 7 : i32
        %dma_start3A_3695 = arith.constant 0 : i32
        %dma_start3A_3696 = tpu.memref_slice %arg11[%dma_start3A_3694, %dma_start3A_3695] : memref<16x32xf32, #tpu.memory_space<vmem>> -> memref<1x32xf32, #tpu.memory_space<vmem>>
        %dma_start3A_3697 = arith.constant 0 : i32
        %dma_start3A_3698 = tpu.memref_slice %arg4[%squeeze3A_3693, %dma_start3A_3697] : memref<1000000x32xf32, #tpu.memory_space<hbm>> -> memref<1x32xf32, #tpu.memory_space<hbm>>
        %dma_start3A_3699 = arith.constant 7 : i32
        %dma_start3A_3700 = arith.constant 0 : i32
        %dma_start3A_3701 = tpu.memref_slice %arg11[%dma_start3A_3699, %dma_start3A_3700] : memref<16x32xf32, #tpu.memory_space<vmem>> -> memref<1x32xf32, #tpu.memory_space<vmem>>
        %dma_start3A_3702 = arith.constant 0 : i32
        %dma_start3A_3703 = tpu.memref_slice %arg4[%squeeze3A_3693, %dma_start3A_3702] : memref<1000000x32xf32, #tpu.memory_space<hbm>> -> memref<1x32xf32, #tpu.memory_space<hbm>>
        tpu.enqueue_dma source(%dma_start3A_3703 : memref<1x32xf32, #tpu.memory_space<hbm>>) target(%dma_start3A_3701 : memref<1x32xf32, #tpu.memory_space<vmem>>) target_semaphore(%arg18 : memref<!tpu.dma_semaphore, #tpu.memory_space<semaphore_mem>>)
        %slice3A_3704 = vector.extract_strided_slice %get3A_3523 {offsets = [7], sizes = [1], strides = [1]} : vector<16xi32> to vector<1xi32>
        %squeeze3A_3705 = vector.extract %slice3A_3704[0] : i32 from vector<1xi32>
        %dma_start3A_3706 = arith.constant 7 : i32
        %dma_start3A_3707 = arith.constant 0 : i32
        %dma_start3A_3708 = tpu.memref_slice %arg13[%dma_start3A_3706, %dma_start3A_3707] : memref<16x32xf32, #tpu.memory_space<vmem>> -> memref<1x32xf32, #tpu.memory_space<vmem>>
        %dma_start3A_3709 = arith.constant 0 : i32
        %dma_start3A_3710 = tpu.memref_slice %arg5[%squeeze3A_3705, %dma_start3A_3709] : memref<100000x32xf32, #tpu.memory_space<hbm>> -> memref<1x32xf32, #tpu.memory_space<hbm>>
        %dma_start3A_3711 = arith.constant 7 : i32
        %dma_start3A_3712 = arith.constant 0 : i32
        %dma_start3A_3713 = tpu.memref_slice %arg13[%dma_start3A_3711, %dma_start3A_3712] : memref<16x32xf32, #tpu.memory_space<vmem>> -> memref<1x32xf32, #tpu.memory_space<vmem>>
        %dma_start3A_3714 = arith.constant 0 : i32
        %dma_start3A_3715 = tpu.memref_slice %arg5[%squeeze3A_3705, %dma_start3A_3714] : memref<100000x32xf32, #tpu.memory_space<hbm>> -> memref<1x32xf32, #tpu.memory_space<hbm>>
        tpu.enqueue_dma source(%dma_start3A_3715 : memref<1x32xf32, #tpu.memory_space<hbm>>) target(%dma_start3A_3713 : memref<1x32xf32, #tpu.memory_space<vmem>>) target_semaphore(%arg18 : memref<!tpu.dma_semaphore, #tpu.memory_space<semaphore_mem>>)
        %slice3A_3716 = vector.extract_strided_slice %get3A_3516 {offsets = [8], sizes = [1], strides = [1]} : vector<16xi32> to vector<1xi32>
        %squeeze3A_3717 = vector.extract %slice3A_3716[0] : i32 from vector<1xi32>
        %dma_start3A_3718 = arith.constant 8 : i32
        %dma_start3A_3719 = arith.constant 0 : i32
        %dma_start3A_3720 = tpu.memref_slice %arg11[%dma_start3A_3718, %dma_start3A_3719] : memref<16x32xf32, #tpu.memory_space<vmem>> -> memref<1x32xf32, #tpu.memory_space<vmem>>
        %dma_start3A_3721 = arith.constant 0 : i32
        %dma_start3A_3722 = tpu.memref_slice %arg4[%squeeze3A_3717, %dma_start3A_3721] : memref<1000000x32xf32, #tpu.memory_space<hbm>> -> memref<1x32xf32, #tpu.memory_space<hbm>>
        %dma_start3A_3723 = arith.constant 8 : i32
        %dma_start3A_3724 = arith.constant 0 : i32
        %dma_start3A_3725 = tpu.memref_slice %arg11[%dma_start3A_3723, %dma_start3A_3724] : memref<16x32xf32, #tpu.memory_space<vmem>> -> memref<1x32xf32, #tpu.memory_space<vmem>>
        %dma_start3A_3726 = arith.constant 0 : i32
        %dma_start3A_3727 = tpu.memref_slice %arg4[%squeeze3A_3717, %dma_start3A_3726] : memref<1000000x32xf32, #tpu.memory_space<hbm>> -> memref<1x32xf32, #tpu.memory_space<hbm>>
        tpu.enqueue_dma source(%dma_start3A_3727 : memref<1x32xf32, #tpu.memory_space<hbm>>) target(%dma_start3A_3725 : memref<1x32xf32, #tpu.memory_space<vmem>>) target_semaphore(%arg18 : memref<!tpu.dma_semaphore, #tpu.memory_space<semaphore_mem>>)
        %slice3A_3728 = vector.extract_strided_slice %get3A_3523 {offsets = [8], sizes = [1], strides = [1]} : vector<16xi32> to vector<1xi32>
        %squeeze3A_3729 = vector.extract %slice3A_3728[0] : i32 from vector<1xi32>
        %dma_start3A_3730 = arith.constant 8 : i32
        %dma_start3A_3731 = arith.constant 0 : i32
        %dma_start3A_3732 = tpu.memref_slice %arg13[%dma_start3A_3730, %dma_start3A_3731] : memref<16x32xf32, #tpu.memory_space<vmem>> -> memref<1x32xf32, #tpu.memory_space<vmem>>
        %dma_start3A_3733 = arith.constant 0 : i32
        %dma_start3A_3734 = tpu.memref_slice %arg5[%squeeze3A_3729, %dma_start3A_3733] : memref<100000x32xf32, #tpu.memory_space<hbm>> -> memref<1x32xf32, #tpu.memory_space<hbm>>
        %dma_start3A_3735 = arith.constant 8 : i32
        %dma_start3A_3736 = arith.constant 0 : i32
        %dma_start3A_3737 = tpu.memref_slice %arg13[%dma_start3A_3735, %dma_start3A_3736] : memref<16x32xf32, #tpu.memory_space<vmem>> -> memref<1x32xf32, #tpu.memory_space<vmem>>
        %dma_start3A_3738 = arith.constant 0 : i32
        %dma_start3A_3739 = tpu.memref_slice %arg5[%squeeze3A_3729, %dma_start3A_3738] : memref<100000x32xf32, #tpu.memory_space<hbm>> -> memref<1x32xf32, #tpu.memory_space<hbm>>
        tpu.enqueue_dma source(%dma_start3A_3739 : memref<1x32xf32, #tpu.memory_space<hbm>>) target(%dma_start3A_3737 : memref<1x32xf32, #tpu.memory_space<vmem>>) target_semaphore(%arg18 : memref<!tpu.dma_semaphore, #tpu.memory_space<semaphore_mem>>)
        %slice3A_3740 = vector.extract_strided_slice %get3A_3516 {offsets = [9], sizes = [1], strides = [1]} : vector<16xi32> to vector<1xi32>
        %squeeze3A_3741 = vector.extract %slice3A_3740[0] : i32 from vector<1xi32>
        %dma_start3A_3742 = arith.constant 9 : i32
        %dma_start3A_3743 = arith.constant 0 : i32
        %dma_start3A_3744 = tpu.memref_slice %arg11[%dma_start3A_3742, %dma_start3A_3743] : memref<16x32xf32, #tpu.memory_space<vmem>> -> memref<1x32xf32, #tpu.memory_space<vmem>>
        %dma_start3A_3745 = arith.constant 0 : i32
        %dma_start3A_3746 = tpu.memref_slice %arg4[%squeeze3A_3741, %dma_start3A_3745] : memref<1000000x32xf32, #tpu.memory_space<hbm>> -> memref<1x32xf32, #tpu.memory_space<hbm>>
        %dma_start3A_3747 = arith.constant 9 : i32
        %dma_start3A_3748 = arith.constant 0 : i32
        %dma_start3A_3749 = tpu.memref_slice %arg11[%dma_start3A_3747, %dma_start3A_3748] : memref<16x32xf32, #tpu.memory_space<vmem>> -> memref<1x32xf32, #tpu.memory_space<vmem>>
        %dma_start3A_3750 = arith.constant 0 : i32
        %dma_start3A_3751 = tpu.memref_slice %arg4[%squeeze3A_3741, %dma_start3A_3750] : memref<1000000x32xf32, #tpu.memory_space<hbm>> -> memref<1x32xf32, #tpu.memory_space<hbm>>
        tpu.enqueue_dma source(%dma_start3A_3751 : memref<1x32xf32, #tpu.memory_space<hbm>>) target(%dma_start3A_3749 : memref<1x32xf32, #tpu.memory_space<vmem>>) target_semaphore(%arg18 : memref<!tpu.dma_semaphore, #tpu.memory_space<semaphore_mem>>)
        %slice3A_3752 = vector.extract_strided_slice %get3A_3523 {offsets = [9], sizes = [1], strides = [1]} : vector<16xi32> to vector<1xi32>
        %squeeze3A_3753 = vector.extract %slice3A_3752[0] : i32 from vector<1xi32>
        %dma_start3A_3754 = arith.constant 9 : i32
        %dma_start3A_3755 = arith.constant 0 : i32
        %dma_start3A_3756 = tpu.memref_slice %arg13[%dma_start3A_3754, %dma_start3A_3755] : memref<16x32xf32, #tpu.memory_space<vmem>> -> memref<1x32xf32, #tpu.memory_space<vmem>>
        %dma_start3A_3757 = arith.constant 0 : i32
        %dma_start3A_3758 = tpu.memref_slice %arg5[%squeeze3A_3753, %dma_start3A_3757] : memref<100000x32xf32, #tpu.memory_space<hbm>> -> memref<1x32xf32, #tpu.memory_space<hbm>>
        %dma_start3A_3759 = arith.constant 9 : i32
        %dma_start3A_3760 = arith.constant 0 : i32
        %dma_start3A_3761 = tpu.memref_slice %arg13[%dma_start3A_3759, %dma_start3A_3760] : memref<16x32xf32, #tpu.memory_space<vmem>> -> memref<1x32xf32, #tpu.memory_space<vmem>>
        %dma_start3A_3762 = arith.constant 0 : i32
        %dma_start3A_3763 = tpu.memref_slice %arg5[%squeeze3A_3753, %dma_start3A_3762] : memref<100000x32xf32, #tpu.memory_space<hbm>> -> memref<1x32xf32, #tpu.memory_space<hbm>>
        tpu.enqueue_dma source(%dma_start3A_3763 : memref<1x32xf32, #tpu.memory_space<hbm>>) target(%dma_start3A_3761 : memref<1x32xf32, #tpu.memory_space<vmem>>) target_semaphore(%arg18 : memref<!tpu.dma_semaphore, #tpu.memory_space<semaphore_mem>>)
        %slice3A_3764 = vector.extract_strided_slice %get3A_3516 {offsets = [10], sizes = [1], strides = [1]} : vector<16xi32> to vector<1xi32>
        %squeeze3A_3765 = vector.extract %slice3A_3764[0] : i32 from vector<1xi32>
        %dma_start3A_3766 = arith.constant 10 : i32
        %dma_start3A_3767 = arith.constant 0 : i32
        %dma_start3A_3768 = tpu.memref_slice %arg11[%dma_start3A_3766, %dma_start3A_3767] : memref<16x32xf32, #tpu.memory_space<vmem>> -> memref<1x32xf32, #tpu.memory_space<vmem>>
        %dma_start3A_3769 = arith.constant 0 : i32
        %dma_start3A_3770 = tpu.memref_slice %arg4[%squeeze3A_3765, %dma_start3A_3769] : memref<1000000x32xf32, #tpu.memory_space<hbm>> -> memref<1x32xf32, #tpu.memory_space<hbm>>
        %dma_start3A_3771 = arith.constant 10 : i32
        %dma_start3A_3772 = arith.constant 0 : i32
        %dma_start3A_3773 = tpu.memref_slice %arg11[%dma_start3A_3771, %dma_start3A_3772] : memref<16x32xf32, #tpu.memory_space<vmem>> -> memref<1x32xf32, #tpu.memory_space<vmem>>
        %dma_start3A_3774 = arith.constant 0 : i32
        %dma_start3A_3775 = tpu.memref_slice %arg4[%squeeze3A_3765, %dma_start3A_3774] : memref<1000000x32xf32, #tpu.memory_space<hbm>> -> memref<1x32xf32, #tpu.memory_space<hbm>>
        tpu.enqueue_dma source(%dma_start3A_3775 : memref<1x32xf32, #tpu.memory_space<hbm>>) target(%dma_start3A_3773 : memref<1x32xf32, #tpu.memory_space<vmem>>) target_semaphore(%arg18 : memref<!tpu.dma_semaphore, #tpu.memory_space<semaphore_mem>>)
        %slice3A_3776 = vector.extract_strided_slice %get3A_3523 {offsets = [10], sizes = [1], strides = [1]} : vector<16xi32> to vector<1xi32>
        %squeeze3A_3777 = vector.extract %slice3A_3776[0] : i32 from vector<1xi32>
        %dma_start3A_3778 = arith.constant 10 : i32
        %dma_start3A_3779 = arith.constant 0 : i32
        %dma_start3A_3780 = tpu.memref_slice %arg13[%dma_start3A_3778, %dma_start3A_3779] : memref<16x32xf32, #tpu.memory_space<vmem>> -> memref<1x32xf32, #tpu.memory_space<vmem>>
        %dma_start3A_3781 = arith.constant 0 : i32
        %dma_start3A_3782 = tpu.memref_slice %arg5[%squeeze3A_3777, %dma_start3A_3781] : memref<100000x32xf32, #tpu.memory_space<hbm>> -> memref<1x32xf32, #tpu.memory_space<hbm>>
        %dma_start3A_3783 = arith.constant 10 : i32
        %dma_start3A_3784 = arith.constant 0 : i32
        %dma_start3A_3785 = tpu.memref_slice %arg13[%dma_start3A_3783, %dma_start3A_3784] : memref<16x32xf32, #tpu.memory_space<vmem>> -> memref<1x32xf32, #tpu.memory_space<vmem>>
        %dma_start3A_3786 = arith.constant 0 : i32
        %dma_start3A_3787 = tpu.memref_slice %arg5[%squeeze3A_3777, %dma_start3A_3786] : memref<100000x32xf32, #tpu.memory_space<hbm>> -> memref<1x32xf32, #tpu.memory_space<hbm>>
        tpu.enqueue_dma source(%dma_start3A_3787 : memref<1x32xf32, #tpu.memory_space<hbm>>) target(%dma_start3A_3785 : memref<1x32xf32, #tpu.memory_space<vmem>>) target_semaphore(%arg18 : memref<!tpu.dma_semaphore, #tpu.memory_space<semaphore_mem>>)
        %slice3A_3788 = vector.extract_strided_slice %get3A_3516 {offsets = [11], sizes = [1], strides = [1]} : vector<16xi32> to vector<1xi32>
        %squeeze3A_3789 = vector.extract %slice3A_3788[0] : i32 from vector<1xi32>
        %dma_start3A_3790 = arith.constant 11 : i32
        %dma_start3A_3791 = arith.constant 0 : i32
        %dma_start3A_3792 = tpu.memref_slice %arg11[%dma_start3A_3790, %dma_start3A_3791] : memref<16x32xf32, #tpu.memory_space<vmem>> -> memref<1x32xf32, #tpu.memory_space<vmem>>
        %dma_start3A_3793 = arith.constant 0 : i32
        %dma_start3A_3794 = tpu.memref_slice %arg4[%squeeze3A_3789, %dma_start3A_3793] : memref<1000000x32xf32, #tpu.memory_space<hbm>> -> memref<1x32xf32, #tpu.memory_space<hbm>>
        %dma_start3A_3795 = arith.constant 11 : i32
        %dma_start3A_3796 = arith.constant 0 : i32
        %dma_start3A_3797 = tpu.memref_slice %arg11[%dma_start3A_3795, %dma_start3A_3796] : memref<16x32xf32, #tpu.memory_space<vmem>> -> memref<1x32xf32, #tpu.memory_space<vmem>>
        %dma_start3A_3798 = arith.constant 0 : i32
        %dma_start3A_3799 = tpu.memref_slice %arg4[%squeeze3A_3789, %dma_start3A_3798] : memref<1000000x32xf32, #tpu.memory_space<hbm>> -> memref<1x32xf32, #tpu.memory_space<hbm>>
        tpu.enqueue_dma source(%dma_start3A_3799 : memref<1x32xf32, #tpu.memory_space<hbm>>) target(%dma_start3A_3797 : memref<1x32xf32, #tpu.memory_space<vmem>>) target_semaphore(%arg18 : memref<!tpu.dma_semaphore, #tpu.memory_space<semaphore_mem>>)
        %slice3A_3800 = vector.extract_strided_slice %get3A_3523 {offsets = [11], sizes = [1], strides = [1]} : vector<16xi32> to vector<1xi32>
        %squeeze3A_3801 = vector.extract %slice3A_3800[0] : i32 from vector<1xi32>
        %dma_start3A_3802 = arith.constant 11 : i32
        %dma_start3A_3803 = arith.constant 0 : i32
        %dma_start3A_3804 = tpu.memref_slice %arg13[%dma_start3A_3802, %dma_start3A_3803] : memref<16x32xf32, #tpu.memory_space<vmem>> -> memref<1x32xf32, #tpu.memory_space<vmem>>
        %dma_start3A_3805 = arith.constant 0 : i32
        %dma_start3A_3806 = tpu.memref_slice %arg5[%squeeze3A_3801, %dma_start3A_3805] : memref<100000x32xf32, #tpu.memory_space<hbm>> -> memref<1x32xf32, #tpu.memory_space<hbm>>
        %dma_start3A_3807 = arith.constant 11 : i32
        %dma_start3A_3808 = arith.constant 0 : i32
        %dma_start3A_3809 = tpu.memref_slice %arg13[%dma_start3A_3807, %dma_start3A_3808] : memref<16x32xf32, #tpu.memory_space<vmem>> -> memref<1x32xf32, #tpu.memory_space<vmem>>
        %dma_start3A_3810 = arith.constant 0 : i32
        %dma_start3A_3811 = tpu.memref_slice %arg5[%squeeze3A_3801, %dma_start3A_3810] : memref<100000x32xf32, #tpu.memory_space<hbm>> -> memref<1x32xf32, #tpu.memory_space<hbm>>
        tpu.enqueue_dma source(%dma_start3A_3811 : memref<1x32xf32, #tpu.memory_space<hbm>>) target(%dma_start3A_3809 : memref<1x32xf32, #tpu.memory_space<vmem>>) target_semaphore(%arg18 : memref<!tpu.dma_semaphore, #tpu.memory_space<semaphore_mem>>)
        %slice3A_3812 = vector.extract_strided_slice %get3A_3516 {offsets = [12], sizes = [1], strides = [1]} : vector<16xi32> to vector<1xi32>
        %squeeze3A_3813 = vector.extract %slice3A_3812[0] : i32 from vector<1xi32>
        %dma_start3A_3814 = arith.constant 12 : i32
        %dma_start3A_3815 = arith.constant 0 : i32
        %dma_start3A_3816 = tpu.memref_slice %arg11[%dma_start3A_3814, %dma_start3A_3815] : memref<16x32xf32, #tpu.memory_space<vmem>> -> memref<1x32xf32, #tpu.memory_space<vmem>>
        %dma_start3A_3817 = arith.constant 0 : i32
        %dma_start3A_3818 = tpu.memref_slice %arg4[%squeeze3A_3813, %dma_start3A_3817] : memref<1000000x32xf32, #tpu.memory_space<hbm>> -> memref<1x32xf32, #tpu.memory_space<hbm>>
        %dma_start3A_3819 = arith.constant 12 : i32
        %dma_start3A_3820 = arith.constant 0 : i32
        %dma_start3A_3821 = tpu.memref_slice %arg11[%dma_start3A_3819, %dma_start3A_3820] : memref<16x32xf32, #tpu.memory_space<vmem>> -> memref<1x32xf32, #tpu.memory_space<vmem>>
        %dma_start3A_3822 = arith.constant 0 : i32
        %dma_start3A_3823 = tpu.memref_slice %arg4[%squeeze3A_3813, %dma_start3A_3822] : memref<1000000x32xf32, #tpu.memory_space<hbm>> -> memref<1x32xf32, #tpu.memory_space<hbm>>
        tpu.enqueue_dma source(%dma_start3A_3823 : memref<1x32xf32, #tpu.memory_space<hbm>>) target(%dma_start3A_3821 : memref<1x32xf32, #tpu.memory_space<vmem>>) target_semaphore(%arg18 : memref<!tpu.dma_semaphore, #tpu.memory_space<semaphore_mem>>)
        %slice3A_3824 = vector.extract_strided_slice %get3A_3523 {offsets = [12], sizes = [1], strides = [1]} : vector<16xi32> to vector<1xi32>
        %squeeze3A_3825 = vector.extract %slice3A_3824[0] : i32 from vector<1xi32>
        %dma_start3A_3826 = arith.constant 12 : i32
        %dma_start3A_3827 = arith.constant 0 : i32
        %dma_start3A_3828 = tpu.memref_slice %arg13[%dma_start3A_3826, %dma_start3A_3827] : memref<16x32xf32, #tpu.memory_space<vmem>> -> memref<1x32xf32, #tpu.memory_space<vmem>>
        %dma_start3A_3829 = arith.constant 0 : i32
        %dma_start3A_3830 = tpu.memref_slice %arg5[%squeeze3A_3825, %dma_start3A_3829] : memref<100000x32xf32, #tpu.memory_space<hbm>> -> memref<1x32xf32, #tpu.memory_space<hbm>>
        %dma_start3A_3831 = arith.constant 12 : i32
        %dma_start3A_3832 = arith.constant 0 : i32
        %dma_start3A_3833 = tpu.memref_slice %arg13[%dma_start3A_3831, %dma_start3A_3832] : memref<16x32xf32, #tpu.memory_space<vmem>> -> memref<1x32xf32, #tpu.memory_space<vmem>>
        %dma_start3A_3834 = arith.constant 0 : i32
        %dma_start3A_3835 = tpu.memref_slice %arg5[%squeeze3A_3825, %dma_start3A_3834] : memref<100000x32xf32, #tpu.memory_space<hbm>> -> memref<1x32xf32, #tpu.memory_space<hbm>>
        tpu.enqueue_dma source(%dma_start3A_3835 : memref<1x32xf32, #tpu.memory_space<hbm>>) target(%dma_start3A_3833 : memref<1x32xf32, #tpu.memory_space<vmem>>) target_semaphore(%arg18 : memref<!tpu.dma_semaphore, #tpu.memory_space<semaphore_mem>>)
        %slice3A_3836 = vector.extract_strided_slice %get3A_3516 {offsets = [13], sizes = [1], strides = [1]} : vector<16xi32> to vector<1xi32>
        %squeeze3A_3837 = vector.extract %slice3A_3836[0] : i32 from vector<1xi32>
        %dma_start3A_3838 = arith.constant 13 : i32
        %dma_start3A_3839 = arith.constant 0 : i32
        %dma_start3A_3840 = tpu.memref_slice %arg11[%dma_start3A_3838, %dma_start3A_3839] : memref<16x32xf32, #tpu.memory_space<vmem>> -> memref<1x32xf32, #tpu.memory_space<vmem>>
        %dma_start3A_3841 = arith.constant 0 : i32
        %dma_start3A_3842 = tpu.memref_slice %arg4[%squeeze3A_3837, %dma_start3A_3841] : memref<1000000x32xf32, #tpu.memory_space<hbm>> -> memref<1x32xf32, #tpu.memory_space<hbm>>
        %dma_start3A_3843 = arith.constant 13 : i32
        %dma_start3A_3844 = arith.constant 0 : i32
        %dma_start3A_3845 = tpu.memref_slice %arg11[%dma_start3A_3843, %dma_start3A_3844] : memref<16x32xf32, #tpu.memory_space<vmem>> -> memref<1x32xf32, #tpu.memory_space<vmem>>
        %dma_start3A_3846 = arith.constant 0 : i32
        %dma_start3A_3847 = tpu.memref_slice %arg4[%squeeze3A_3837, %dma_start3A_3846] : memref<1000000x32xf32, #tpu.memory_space<hbm>> -> memref<1x32xf32, #tpu.memory_space<hbm>>
        tpu.enqueue_dma source(%dma_start3A_3847 : memref<1x32xf32, #tpu.memory_space<hbm>>) target(%dma_start3A_3845 : memref<1x32xf32, #tpu.memory_space<vmem>>) target_semaphore(%arg18 : memref<!tpu.dma_semaphore, #tpu.memory_space<semaphore_mem>>)
        %slice3A_3848 = vector.extract_strided_slice %get3A_3523 {offsets = [13], sizes = [1], strides = [1]} : vector<16xi32> to vector<1xi32>
        %squeeze3A_3849 = vector.extract %slice3A_3848[0] : i32 from vector<1xi32>
        %dma_start3A_3850 = arith.constant 13 : i32
        %dma_start3A_3851 = arith.constant 0 : i32
        %dma_start3A_3852 = tpu.memref_slice %arg13[%dma_start3A_3850, %dma_start3A_3851] : memref<16x32xf32, #tpu.memory_space<vmem>> -> memref<1x32xf32, #tpu.memory_space<vmem>>
        %dma_start3A_3853 = arith.constant 0 : i32
        %dma_start3A_3854 = tpu.memref_slice %arg5[%squeeze3A_3849, %dma_start3A_3853] : memref<100000x32xf32, #tpu.memory_space<hbm>> -> memref<1x32xf32, #tpu.memory_space<hbm>>
        %dma_start3A_3855 = arith.constant 13 : i32
        %dma_start3A_3856 = arith.constant 0 : i32
        %dma_start3A_3857 = tpu.memref_slice %arg13[%dma_start3A_3855, %dma_start3A_3856] : memref<16x32xf32, #tpu.memory_space<vmem>> -> memref<1x32xf32, #tpu.memory_space<vmem>>
        %dma_start3A_3858 = arith.constant 0 : i32
        %dma_start3A_3859 = tpu.memref_slice %arg5[%squeeze3A_3849, %dma_start3A_3858] : memref<100000x32xf32, #tpu.memory_space<hbm>> -> memref<1x32xf32, #tpu.memory_space<hbm>>
        tpu.enqueue_dma source(%dma_start3A_3859 : memref<1x32xf32, #tpu.memory_space<hbm>>) target(%dma_start3A_3857 : memref<1x32xf32, #tpu.memory_space<vmem>>) target_semaphore(%arg18 : memref<!tpu.dma_semaphore, #tpu.memory_space<semaphore_mem>>)
        %slice3A_3860 = vector.extract_strided_slice %get3A_3516 {offsets = [14], sizes = [1], strides = [1]} : vector<16xi32> to vector<1xi32>
        %squeeze3A_3861 = vector.extract %slice3A_3860[0] : i32 from vector<1xi32>
        %dma_start3A_3862 = arith.constant 14 : i32
        %dma_start3A_3863 = arith.constant 0 : i32
        %dma_start3A_3864 = tpu.memref_slice %arg11[%dma_start3A_3862, %dma_start3A_3863] : memref<16x32xf32, #tpu.memory_space<vmem>> -> memref<1x32xf32, #tpu.memory_space<vmem>>
        %dma_start3A_3865 = arith.constant 0 : i32
        %dma_start3A_3866 = tpu.memref_slice %arg4[%squeeze3A_3861, %dma_start3A_3865] : memref<1000000x32xf32, #tpu.memory_space<hbm>> -> memref<1x32xf32, #tpu.memory_space<hbm>>
        %dma_start3A_3867 = arith.constant 14 : i32
        %dma_start3A_3868 = arith.constant 0 : i32
        %dma_start3A_3869 = tpu.memref_slice %arg11[%dma_start3A_3867, %dma_start3A_3868] : memref<16x32xf32, #tpu.memory_space<vmem>> -> memref<1x32xf32, #tpu.memory_space<vmem>>
        %dma_start3A_3870 = arith.constant 0 : i32
        %dma_start3A_3871 = tpu.memref_slice %arg4[%squeeze3A_3861, %dma_start3A_3870] : memref<1000000x32xf32, #tpu.memory_space<hbm>> -> memref<1x32xf32, #tpu.memory_space<hbm>>
        tpu.enqueue_dma source(%dma_start3A_3871 : memref<1x32xf32, #tpu.memory_space<hbm>>) target(%dma_start3A_3869 : memref<1x32xf32, #tpu.memory_space<vmem>>) target_semaphore(%arg18 : memref<!tpu.dma_semaphore, #tpu.memory_space<semaphore_mem>>)
        %slice3A_3872 = vector.extract_strided_slice %get3A_3523 {offsets = [14], sizes = [1], strides = [1]} : vector<16xi32> to vector<1xi32>
        %squeeze3A_3873 = vector.extract %slice3A_3872[0] : i32 from vector<1xi32>
        %dma_start3A_3874 = arith.constant 14 : i32
        %dma_start3A_3875 = arith.constant 0 : i32
        %dma_start3A_3876 = tpu.memref_slice %arg13[%dma_start3A_3874, %dma_start3A_3875] : memref<16x32xf32, #tpu.memory_space<vmem>> -> memref<1x32xf32, #tpu.memory_space<vmem>>
        %dma_start3A_3877 = arith.constant 0 : i32
        %dma_start3A_3878 = tpu.memref_slice %arg5[%squeeze3A_3873, %dma_start3A_3877] : memref<100000x32xf32, #tpu.memory_space<hbm>> -> memref<1x32xf32, #tpu.memory_space<hbm>>
        %dma_start3A_3879 = arith.constant 14 : i32
        %dma_start3A_3880 = arith.constant 0 : i32
        %dma_start3A_3881 = tpu.memref_slice %arg13[%dma_start3A_3879, %dma_start3A_3880] : memref<16x32xf32, #tpu.memory_space<vmem>> -> memref<1x32xf32, #tpu.memory_space<vmem>>
        %dma_start3A_3882 = arith.constant 0 : i32
        %dma_start3A_3883 = tpu.memref_slice %arg5[%squeeze3A_3873, %dma_start3A_3882] : memref<100000x32xf32, #tpu.memory_space<hbm>> -> memref<1x32xf32, #tpu.memory_space<hbm>>
        tpu.enqueue_dma source(%dma_start3A_3883 : memref<1x32xf32, #tpu.memory_space<hbm>>) target(%dma_start3A_3881 : memref<1x32xf32, #tpu.memory_space<vmem>>) target_semaphore(%arg18 : memref<!tpu.dma_semaphore, #tpu.memory_space<semaphore_mem>>)
        %slice3A_3884 = vector.extract_strided_slice %get3A_3516 {offsets = [15], sizes = [1], strides = [1]} : vector<16xi32> to vector<1xi32>
        %squeeze3A_3885 = vector.extract %slice3A_3884[0] : i32 from vector<1xi32>
        %dma_start3A_3886 = arith.constant 15 : i32
        %dma_start3A_3887 = arith.constant 0 : i32
        %dma_start3A_3888 = tpu.memref_slice %arg11[%dma_start3A_3886, %dma_start3A_3887] : memref<16x32xf32, #tpu.memory_space<vmem>> -> memref<1x32xf32, #tpu.memory_space<vmem>>
        %dma_start3A_3889 = arith.constant 0 : i32
        %dma_start3A_3890 = tpu.memref_slice %arg4[%squeeze3A_3885, %dma_start3A_3889] : memref<1000000x32xf32, #tpu.memory_space<hbm>> -> memref<1x32xf32, #tpu.memory_space<hbm>>
        %dma_start3A_3891 = arith.constant 15 : i32
        %dma_start3A_3892 = arith.constant 0 : i32
        %dma_start3A_3893 = tpu.memref_slice %arg11[%dma_start3A_3891, %dma_start3A_3892] : memref<16x32xf32, #tpu.memory_space<vmem>> -> memref<1x32xf32, #tpu.memory_space<vmem>>
        %dma_start3A_3894 = arith.constant 0 : i32
        %dma_start3A_3895 = tpu.memref_slice %arg4[%squeeze3A_3885, %dma_start3A_3894] : memref<1000000x32xf32, #tpu.memory_space<hbm>> -> memref<1x32xf32, #tpu.memory_space<hbm>>
        tpu.enqueue_dma source(%dma_start3A_3895 : memref<1x32xf32, #tpu.memory_space<hbm>>) target(%dma_start3A_3893 : memref<1x32xf32, #tpu.memory_space<vmem>>) target_semaphore(%arg18 : memref<!tpu.dma_semaphore, #tpu.memory_space<semaphore_mem>>)
        %slice3A_3896 = vector.extract_strided_slice %get3A_3523 {offsets = [15], sizes = [1], strides = [1]} : vector<16xi32> to vector<1xi32>
        %squeeze3A_3897 = vector.extract %slice3A_3896[0] : i32 from vector<1xi32>
        %dma_start3A_3898 = arith.constant 15 : i32
        %dma_start3A_3899 = arith.constant 0 : i32
        %dma_start3A_3900 = tpu.memref_slice %arg13[%dma_start3A_3898, %dma_start3A_3899] : memref<16x32xf32, #tpu.memory_space<vmem>> -> memref<1x32xf32, #tpu.memory_space<vmem>>
        %dma_start3A_3901 = arith.constant 0 : i32
        %dma_start3A_3902 = tpu.memref_slice %arg5[%squeeze3A_3897, %dma_start3A_3901] : memref<100000x32xf32, #tpu.memory_space<hbm>> -> memref<1x32xf32, #tpu.memory_space<hbm>>
        %dma_start3A_3903 = arith.constant 15 : i32
        %dma_start3A_3904 = arith.constant 0 : i32
        %dma_start3A_3905 = tpu.memref_slice %arg13[%dma_start3A_3903, %dma_start3A_3904] : memref<16x32xf32, #tpu.memory_space<vmem>> -> memref<1x32xf32, #tpu.memory_space<vmem>>
        %dma_start3A_3906 = arith.constant 0 : i32
        %dma_start3A_3907 = tpu.memref_slice %arg5[%squeeze3A_3897, %dma_start3A_3906] : memref<100000x32xf32, #tpu.memory_space<hbm>> -> memref<1x32xf32, #tpu.memory_space<hbm>>
        tpu.enqueue_dma source(%dma_start3A_3907 : memref<1x32xf32, #tpu.memory_space<hbm>>) target(%dma_start3A_3905 : memref<1x32xf32, #tpu.memory_space<vmem>>) target_semaphore(%arg18 : memref<!tpu.dma_semaphore, #tpu.memory_space<semaphore_mem>>)
      } else {
      }
      %dma_wait3A_2158 = arith.constant 0 : i32
      %dma_wait3A_2159 = arith.constant 0 : i32
      %dma_wait3A_2160 = tpu.memref_slice %arg4[%dma_wait3A_2158, %dma_wait3A_2159] : memref<1000000x32xf32, #tpu.memory_space<hbm>> -> memref<16x32xf32, #tpu.memory_space<hbm>>
      %dma_wait3A_2161 = arith.constant 0 : i32
      %dma_wait3A_2162 = arith.constant 0 : i32
      %dma_wait3A_2163 = tpu.memref_slice %arg4[%dma_wait3A_2161, %dma_wait3A_2162] : memref<1000000x32xf32, #tpu.memory_space<hbm>> -> memref<16x32xf32, #tpu.memory_space<hbm>>
      tpu.wait_dma2 semaphore(%arg19 : memref<!tpu.dma_semaphore, #tpu.memory_space<semaphore_mem>>) src(%dma_wait3A_2163 : memref<16x32xf32, #tpu.memory_space<hbm>>) dst(%arg12 : memref<16x32xf32, #tpu.memory_space<vmem>>)
      %dma_wait3A_2164 = arith.constant 0 : i32
      %dma_wait3A_2165 = arith.constant 0 : i32
      %dma_wait3A_2166 = tpu.memref_slice %arg5[%dma_wait3A_2164, %dma_wait3A_2165] : memref<100000x32xf32, #tpu.memory_space<hbm>> -> memref<16x32xf32, #tpu.memory_space<hbm>>
      %dma_wait3A_2167 = arith.constant 0 : i32
      %dma_wait3A_2168 = arith.constant 0 : i32
      %dma_wait3A_2169 = tpu.memref_slice %arg5[%dma_wait3A_2167, %dma_wait3A_2168] : memref<100000x32xf32, #tpu.memory_space<hbm>> -> memref<16x32xf32, #tpu.memory_space<hbm>>
      tpu.wait_dma2 semaphore(%arg19 : memref<!tpu.dma_semaphore, #tpu.memory_space<semaphore_mem>>) src(%dma_wait3A_2169 : memref<16x32xf32, #tpu.memory_space<hbm>>) dst(%arg14 : memref<16x32xf32, #tpu.memory_space<vmem>>)
      %add3A_2170 = arith.constant 1 : i32
      %add3A_2171 = arith.addi %mul3A_412, %add3A_2170 : i32
      %broadcast_in_dim3A_2172 = arith.constant 0.000000e+00 : f32
      %broadcast_in_dim3A_2173 = vector.broadcast %broadcast_in_dim3A_2172 : f32 to vector<16xf32>
      %get3A_2174 = arith.constant 0 : i32
      %get3A_2175 = arith.index_cast %get3A_2174 : i32 to index
      %get3A_2176 = arith.constant 0 : index
      %get3A_2177 = tpu.vector_load %arg12[%get3A_2175, %get3A_2176] {strides = array<i32>} : memref<16x32xf32, #tpu.memory_space<vmem>>, vector<1x16xf32>,
      %get3A_2178 = vector.shape_cast %get3A_2177 : vector<1x16xf32> to vector<16xf32>
      %mul3A_2179 = arith.mulf %get3A_2178, %get3A_2 : vector<16xf32>
      %add3A_2180 = arith.addf %mul3A_2179, %get3A_8 : vector<16xf32>
      %get3A_2181 = arith.constant 0 : i32
      %get3A_2182 = arith.index_cast %get3A_2181 : i32 to index
      %get3A_2183 = arith.constant 16 : index
      %get3A_2184 = tpu.vector_load %arg12[%get3A_2182, %get3A_2183] {strides = array<i32>} : memref<16x32xf32, #tpu.memory_space<vmem>>, vector<1x16xf32>,
      %get3A_2185 = vector.shape_cast %get3A_2184 : vector<1x16xf32> to vector<16xf32>
      %mul3A_2186 = arith.mulf %get3A_2185, %get3A_5 : vector<16xf32>
      %add3A_2187 = arith.addf %mul3A_2186, %get3A_11 : vector<16xf32>
      %get3A_2188 = arith.constant 0 : i32
      %get3A_2189 = arith.index_cast %get3A_2188 : i32 to index
      %get3A_2190 = arith.constant 0 : index
      %get3A_2191 = tpu.vector_load %arg14[%get3A_2189, %get3A_2190] {strides = array<i32>} : memref<16x32xf32, #tpu.memory_space<vmem>>, vector<1x16xf32>,
      %get3A_2192 = vector.shape_cast %get3A_2191 : vector<1x16xf32> to vector<16xf32>
      %mul3A_2193 = arith.mulf %get3A_2192, %get3A_2 : vector<16xf32>
      %add3A_2194 = arith.addf %mul3A_2193, %get3A_8 : vector<16xf32>
      %get3A_2195 = arith.constant 0 : i32
      %get3A_2196 = arith.index_cast %get3A_2195 : i32 to index
      %get3A_2197 = arith.constant 16 : index
      %get3A_2198 = tpu.vector_load %arg14[%get3A_2196, %get3A_2197] {strides = array<i32>} : memref<16x32xf32, #tpu.memory_space<vmem>>, vector<1x16xf32>,
      %get3A_2199 = vector.shape_cast %get3A_2198 : vector<1x16xf32> to vector<16xf32>
      %mul3A_2200 = arith.mulf %get3A_2199, %get3A_5 : vector<16xf32>
      %add3A_2201 = arith.addf %mul3A_2200, %get3A_11 : vector<16xf32>
      %mul3A_2202 = arith.mulf %add3A_2180, %add3A_2194 : vector<16xf32>
      %mul3A_2203 = arith.mulf %add3A_2187, %add3A_2201 : vector<16xf32>
      %add3A_2204 = arith.addf %mul3A_2202, %mul3A_2203 : vector<16xf32>
      %slice3A_2205 = vector.extract_strided_slice %add3A_2204 {offsets = [0], sizes = [1], strides = [1]} : vector<16xf32> to vector<1xf32>
      %squeeze3A_2206 = vector.extract %slice3A_2205[0] : f32 from vector<1xf32>
      %slice3A_2207 = vector.extract_strided_slice %add3A_2204 {offsets = [1], sizes = [1], strides = [1]} : vector<16xf32> to vector<1xf32>
      %squeeze3A_2208 = vector.extract %slice3A_2207[0] : f32 from vector<1xf32>
      %slice3A_2209 = vector.extract_strided_slice %add3A_2204 {offsets = [2], sizes = [1], strides = [1]} : vector<16xf32> to vector<1xf32>
      %squeeze3A_2210 = vector.extract %slice3A_2209[0] : f32 from vector<1xf32>
      %slice3A_2211 = vector.extract_strided_slice %add3A_2204 {offsets = [3], sizes = [1], strides = [1]} : vector<16xf32> to vector<1xf32>
      %squeeze3A_2212 = vector.extract %slice3A_2211[0] : f32 from vector<1xf32>
      %slice3A_2213 = vector.extract_strided_slice %add3A_2204 {offsets = [4], sizes = [1], strides = [1]} : vector<16xf32> to vector<1xf32>
      %squeeze3A_2214 = vector.extract %slice3A_2213[0] : f32 from vector<1xf32>
      %slice3A_2215 = vector.extract_strided_slice %add3A_2204 {offsets = [5], sizes = [1], strides = [1]} : vector<16xf32> to vector<1xf32>
      %squeeze3A_2216 = vector.extract %slice3A_2215[0] : f32 from vector<1xf32>
      %slice3A_2217 = vector.extract_strided_slice %add3A_2204 {offsets = [6], sizes = [1], strides = [1]} : vector<16xf32> to vector<1xf32>
      %squeeze3A_2218 = vector.extract %slice3A_2217[0] : f32 from vector<1xf32>
      %slice3A_2219 = vector.extract_strided_slice %add3A_2204 {offsets = [7], sizes = [1], strides = [1]} : vector<16xf32> to vector<1xf32>
      %squeeze3A_2220 = vector.extract %slice3A_2219[0] : f32 from vector<1xf32>
      %slice3A_2221 = vector.extract_strided_slice %add3A_2204 {offsets = [8], sizes = [1], strides = [1]} : vector<16xf32> to vector<1xf32>
      %squeeze3A_2222 = vector.extract %slice3A_2221[0] : f32 from vector<1xf32>
      %slice3A_2223 = vector.extract_strided_slice %add3A_2204 {offsets = [9], sizes = [1], strides = [1]} : vector<16xf32> to vector<1xf32>
      %squeeze3A_2224 = vector.extract %slice3A_2223[0] : f32 from vector<1xf32>
      %slice3A_2225 = vector.extract_strided_slice %add3A_2204 {offsets = [10], sizes = [1], strides = [1]} : vector<16xf32> to vector<1xf32>
      %squeeze3A_2226 = vector.extract %slice3A_2225[0] : f32 from vector<1xf32>
      %slice3A_2227 = vector.extract_strided_slice %add3A_2204 {offsets = [11], sizes = [1], strides = [1]} : vector<16xf32> to vector<1xf32>
      %squeeze3A_2228 = vector.extract %slice3A_2227[0] : f32 from vector<1xf32>
      %slice3A_2229 = vector.extract_strided_slice %add3A_2204 {offsets = [12], sizes = [1], strides = [1]} : vector<16xf32> to vector<1xf32>
      %squeeze3A_2230 = vector.extract %slice3A_2229[0] : f32 from vector<1xf32>
      %slice3A_2231 = vector.extract_strided_slice %add3A_2204 {offsets = [13], sizes = [1], strides = [1]} : vector<16xf32> to vector<1xf32>
      %squeeze3A_2232 = vector.extract %slice3A_2231[0] : f32 from vector<1xf32>
      %slice3A_2233 = vector.extract_strided_slice %add3A_2204 {offsets = [14], sizes = [1], strides = [1]} : vector<16xf32> to vector<1xf32>
      %squeeze3A_2234 = vector.extract %slice3A_2233[0] : f32 from vector<1xf32>
      %slice3A_2235 = vector.extract_strided_slice %add3A_2204 {offsets = [15], sizes = [1], strides = [1]} : vector<16xf32> to vector<1xf32>
      %squeeze3A_2236 = vector.extract %slice3A_2235[0] : f32 from vector<1xf32>
      %add3A_2237 = arith.addf %squeeze3A_2206, %squeeze3A_2208 : f32
      %add3A_2238 = arith.addf %squeeze3A_2210, %squeeze3A_2212 : f32
      %add3A_2239 = arith.addf %squeeze3A_2214, %squeeze3A_2216 : f32
      %add3A_2240 = arith.addf %squeeze3A_2218, %squeeze3A_2220 : f32
      %add3A_2241 = arith.addf %squeeze3A_2222, %squeeze3A_2224 : f32
      %add3A_2242 = arith.addf %squeeze3A_2226, %squeeze3A_2228 : f32
      %add3A_2243 = arith.addf %squeeze3A_2230, %squeeze3A_2232 : f32
      %add3A_2244 = arith.addf %squeeze3A_2234, %squeeze3A_2236 : f32
      %add3A_2245 = arith.addf %add3A_2237, %add3A_2238 : f32
      %add3A_2246 = arith.addf %add3A_2239, %add3A_2240 : f32
      %add3A_2247 = arith.addf %add3A_2241, %add3A_2242 : f32
      %add3A_2248 = arith.addf %add3A_2243, %add3A_2244 : f32
      %add3A_2249 = arith.addf %add3A_2245, %add3A_2246 : f32
      %add3A_2250 = arith.addf %add3A_2247, %add3A_2248 : f32
      %add3A_2251 = arith.addf %add3A_2249, %add3A_2250 : f32
      %eq3A_2252 = arith.constant 0 : i32
      %eq3A_2253 = vector.broadcast %eq3A_2252 : i32 to vector<16xi32>
      %eq3A_2254 = arith.cmpi eq, %iota3A, %eq3A_2253 : vector<16xi32>
      %broadcast_in_dim3A_2255 = vector.broadcast %add3A_2251 : f32 to vector<16xf32>
      %select_n3A_2256 = arith.select %eq3A_2254, %broadcast_in_dim3A_2255, %broadcast_in_dim3A_2173 : vector<16xi1>, vector<16xf32>
      %get3A_2257 = arith.constant 1 : i32
      %get3A_2258 = arith.index_cast %get3A_2257 : i32 to index
      %get3A_2259 = arith.constant 0 : index
      %get3A_2260 = tpu.vector_load %arg12[%get3A_2258, %get3A_2259] {strides = array<i32>} : memref<16x32xf32, #tpu.memory_space<vmem>>, vector<1x16xf32>,
      %get3A_2261 = vector.shape_cast %get3A_2260 : vector<1x16xf32> to vector<16xf32>
      %mul3A_2262 = arith.mulf %get3A_2261, %get3A_2 : vector<16xf32>
      %add3A_2263 = arith.addf %mul3A_2262, %get3A_8 : vector<16xf32>
      %get3A_2264 = arith.constant 1 : i32
      %get3A_2265 = arith.index_cast %get3A_2264 : i32 to index
      %get3A_2266 = arith.constant 16 : index
      %get3A_2267 = tpu.vector_load %arg12[%get3A_2265, %get3A_2266] {strides = array<i32>} : memref<16x32xf32, #tpu.memory_space<vmem>>, vector<1x16xf32>,
      %get3A_2268 = vector.shape_cast %get3A_2267 : vector<1x16xf32> to vector<16xf32>
      %mul3A_2269 = arith.mulf %get3A_2268, %get3A_5 : vector<16xf32>
      %add3A_2270 = arith.addf %mul3A_2269, %get3A_11 : vector<16xf32>
      %get3A_2271 = arith.constant 1 : i32
      %get3A_2272 = arith.index_cast %get3A_2271 : i32 to index
      %get3A_2273 = arith.constant 0 : index
      %get3A_2274 = tpu.vector_load %arg14[%get3A_2272, %get3A_2273] {strides = array<i32>} : memref<16x32xf32, #tpu.memory_space<vmem>>, vector<1x16xf32>,
      %get3A_2275 = vector.shape_cast %get3A_2274 : vector<1x16xf32> to vector<16xf32>
      %mul3A_2276 = arith.mulf %get3A_2275, %get3A_2 : vector<16xf32>
      %add3A_2277 = arith.addf %mul3A_2276, %get3A_8 : vector<16xf32>
      %get3A_2278 = arith.constant 1 : i32
      %get3A_2279 = arith.index_cast %get3A_2278 : i32 to index
      %get3A_2280 = arith.constant 16 : index
      %get3A_2281 = tpu.vector_load %arg14[%get3A_2279, %get3A_2280] {strides = array<i32>} : memref<16x32xf32, #tpu.memory_space<vmem>>, vector<1x16xf32>,
      %get3A_2282 = vector.shape_cast %get3A_2281 : vector<1x16xf32> to vector<16xf32>
      %mul3A_2283 = arith.mulf %get3A_2282, %get3A_5 : vector<16xf32>
      %add3A_2284 = arith.addf %mul3A_2283, %get3A_11 : vector<16xf32>
      %mul3A_2285 = arith.mulf %add3A_2263, %add3A_2277 : vector<16xf32>
      %mul3A_2286 = arith.mulf %add3A_2270, %add3A_2284 : vector<16xf32>
      %add3A_2287 = arith.addf %mul3A_2285, %mul3A_2286 : vector<16xf32>
      %slice3A_2288 = vector.extract_strided_slice %add3A_2287 {offsets = [0], sizes = [1], strides = [1]} : vector<16xf32> to vector<1xf32>
      %squeeze3A_2289 = vector.extract %slice3A_2288[0] : f32 from vector<1xf32>
      %slice3A_2290 = vector.extract_strided_slice %add3A_2287 {offsets = [1], sizes = [1], strides = [1]} : vector<16xf32> to vector<1xf32>
      %squeeze3A_2291 = vector.extract %slice3A_2290[0] : f32 from vector<1xf32>
      %slice3A_2292 = vector.extract_strided_slice %add3A_2287 {offsets = [2], sizes = [1], strides = [1]} : vector<16xf32> to vector<1xf32>
      %squeeze3A_2293 = vector.extract %slice3A_2292[0] : f32 from vector<1xf32>
      %slice3A_2294 = vector.extract_strided_slice %add3A_2287 {offsets = [3], sizes = [1], strides = [1]} : vector<16xf32> to vector<1xf32>
      %squeeze3A_2295 = vector.extract %slice3A_2294[0] : f32 from vector<1xf32>
      %slice3A_2296 = vector.extract_strided_slice %add3A_2287 {offsets = [4], sizes = [1], strides = [1]} : vector<16xf32> to vector<1xf32>
      %squeeze3A_2297 = vector.extract %slice3A_2296[0] : f32 from vector<1xf32>
      %slice3A_2298 = vector.extract_strided_slice %add3A_2287 {offsets = [5], sizes = [1], strides = [1]} : vector<16xf32> to vector<1xf32>
      %squeeze3A_2299 = vector.extract %slice3A_2298[0] : f32 from vector<1xf32>
      %slice3A_2300 = vector.extract_strided_slice %add3A_2287 {offsets = [6], sizes = [1], strides = [1]} : vector<16xf32> to vector<1xf32>
      %squeeze3A_2301 = vector.extract %slice3A_2300[0] : f32 from vector<1xf32>
      %slice3A_2302 = vector.extract_strided_slice %add3A_2287 {offsets = [7], sizes = [1], strides = [1]} : vector<16xf32> to vector<1xf32>
      %squeeze3A_2303 = vector.extract %slice3A_2302[0] : f32 from vector<1xf32>
      %slice3A_2304 = vector.extract_strided_slice %add3A_2287 {offsets = [8], sizes = [1], strides = [1]} : vector<16xf32> to vector<1xf32>
      %squeeze3A_2305 = vector.extract %slice3A_2304[0] : f32 from vector<1xf32>
      %slice3A_2306 = vector.extract_strided_slice %add3A_2287 {offsets = [9], sizes = [1], strides = [1]} : vector<16xf32> to vector<1xf32>
      %squeeze3A_2307 = vector.extract %slice3A_2306[0] : f32 from vector<1xf32>
      %slice3A_2308 = vector.extract_strided_slice %add3A_2287 {offsets = [10], sizes = [1], strides = [1]} : vector<16xf32> to vector<1xf32>
      %squeeze3A_2309 = vector.extract %slice3A_2308[0] : f32 from vector<1xf32>
      %slice3A_2310 = vector.extract_strided_slice %add3A_2287 {offsets = [11], sizes = [1], strides = [1]} : vector<16xf32> to vector<1xf32>
      %squeeze3A_2311 = vector.extract %slice3A_2310[0] : f32 from vector<1xf32>
      %slice3A_2312 = vector.extract_strided_slice %add3A_2287 {offsets = [12], sizes = [1], strides = [1]} : vector<16xf32> to vector<1xf32>
      %squeeze3A_2313 = vector.extract %slice3A_2312[0] : f32 from vector<1xf32>
      %slice3A_2314 = vector.extract_strided_slice %add3A_2287 {offsets = [13], sizes = [1], strides = [1]} : vector<16xf32> to vector<1xf32>
      %squeeze3A_2315 = vector.extract %slice3A_2314[0] : f32 from vector<1xf32>
      %slice3A_2316 = vector.extract_strided_slice %add3A_2287 {offsets = [14], sizes = [1], strides = [1]} : vector<16xf32> to vector<1xf32>
      %squeeze3A_2317 = vector.extract %slice3A_2316[0] : f32 from vector<1xf32>
      %slice3A_2318 = vector.extract_strided_slice %add3A_2287 {offsets = [15], sizes = [1], strides = [1]} : vector<16xf32> to vector<1xf32>
      %squeeze3A_2319 = vector.extract %slice3A_2318[0] : f32 from vector<1xf32>
      %add3A_2320 = arith.addf %squeeze3A_2289, %squeeze3A_2291 : f32
      %add3A_2321 = arith.addf %squeeze3A_2293, %squeeze3A_2295 : f32
      %add3A_2322 = arith.addf %squeeze3A_2297, %squeeze3A_2299 : f32
      %add3A_2323 = arith.addf %squeeze3A_2301, %squeeze3A_2303 : f32
      %add3A_2324 = arith.addf %squeeze3A_2305, %squeeze3A_2307 : f32
      %add3A_2325 = arith.addf %squeeze3A_2309, %squeeze3A_2311 : f32
      %add3A_2326 = arith.addf %squeeze3A_2313, %squeeze3A_2315 : f32
      %add3A_2327 = arith.addf %squeeze3A_2317, %squeeze3A_2319 : f32
      %add3A_2328 = arith.addf %add3A_2320, %add3A_2321 : f32
      %add3A_2329 = arith.addf %add3A_2322, %add3A_2323 : f32
      %add3A_2330 = arith.addf %add3A_2324, %add3A_2325 : f32
      %add3A_2331 = arith.addf %add3A_2326, %add3A_2327 : f32
      %add3A_2332 = arith.addf %add3A_2328, %add3A_2329 : f32
      %add3A_2333 = arith.addf %add3A_2330, %add3A_2331 : f32
      %add3A_2334 = arith.addf %add3A_2332, %add3A_2333 : f32
      %eq3A_2335 = arith.constant 1 : i32
      %eq3A_2336 = vector.broadcast %eq3A_2335 : i32 to vector<16xi32>
      %eq3A_2337 = arith.cmpi eq, %iota3A, %eq3A_2336 : vector<16xi32>
      %broadcast_in_dim3A_2338 = vector.broadcast %add3A_2334 : f32 to vector<16xf32>
      %select_n3A_2339 = arith.select %eq3A_2337, %broadcast_in_dim3A_2338, %select_n3A_2256 : vector<16xi1>, vector<16xf32>
      %get3A_2340 = arith.constant 2 : i32
      %get3A_2341 = arith.index_cast %get3A_2340 : i32 to index
      %get3A_2342 = arith.constant 0 : index
      %get3A_2343 = tpu.vector_load %arg12[%get3A_2341, %get3A_2342] {strides = array<i32>} : memref<16x32xf32, #tpu.memory_space<vmem>>, vector<1x16xf32>,
      %get3A_2344 = vector.shape_cast %get3A_2343 : vector<1x16xf32> to vector<16xf32>
      %mul3A_2345 = arith.mulf %get3A_2344, %get3A_2 : vector<16xf32>
      %add3A_2346 = arith.addf %mul3A_2345, %get3A_8 : vector<16xf32>
      %get3A_2347 = arith.constant 2 : i32
      %get3A_2348 = arith.index_cast %get3A_2347 : i32 to index
      %get3A_2349 = arith.constant 16 : index
      %get3A_2350 = tpu.vector_load %arg12[%get3A_2348, %get3A_2349] {strides = array<i32>} : memref<16x32xf32, #tpu.memory_space<vmem>>, vector<1x16xf32>,
      %get3A_2351 = vector.shape_cast %get3A_2350 : vector<1x16xf32> to vector<16xf32>
      %mul3A_2352 = arith.mulf %get3A_2351, %get3A_5 : vector<16xf32>
      %add3A_2353 = arith.addf %mul3A_2352, %get3A_11 : vector<16xf32>
      %get3A_2354 = arith.constant 2 : i32
      %get3A_2355 = arith.index_cast %get3A_2354 : i32 to index
      %get3A_2356 = arith.constant 0 : index
      %get3A_2357 = tpu.vector_load %arg14[%get3A_2355, %get3A_2356] {strides = array<i32>} : memref<16x32xf32, #tpu.memory_space<vmem>>, vector<1x16xf32>,
      %get3A_2358 = vector.shape_cast %get3A_2357 : vector<1x16xf32> to vector<16xf32>
      %mul3A_2359 = arith.mulf %get3A_2358, %get3A_2 : vector<16xf32>
      %add3A_2360 = arith.addf %mul3A_2359, %get3A_8 : vector<16xf32>
      %get3A_2361 = arith.constant 2 : i32
      %get3A_2362 = arith.index_cast %get3A_2361 : i32 to index
      %get3A_2363 = arith.constant 16 : index
      %get3A_2364 = tpu.vector_load %arg14[%get3A_2362, %get3A_2363] {strides = array<i32>} : memref<16x32xf32, #tpu.memory_space<vmem>>, vector<1x16xf32>,
      %get3A_2365 = vector.shape_cast %get3A_2364 : vector<1x16xf32> to vector<16xf32>
      %mul3A_2366 = arith.mulf %get3A_2365, %get3A_5 : vector<16xf32>
      %add3A_2367 = arith.addf %mul3A_2366, %get3A_11 : vector<16xf32>
      %mul3A_2368 = arith.mulf %add3A_2346, %add3A_2360 : vector<16xf32>
      %mul3A_2369 = arith.mulf %add3A_2353, %add3A_2367 : vector<16xf32>
      %add3A_2370 = arith.addf %mul3A_2368, %mul3A_2369 : vector<16xf32>
      %slice3A_2371 = vector.extract_strided_slice %add3A_2370 {offsets = [0], sizes = [1], strides = [1]} : vector<16xf32> to vector<1xf32>
      %squeeze3A_2372 = vector.extract %slice3A_2371[0] : f32 from vector<1xf32>
      %slice3A_2373 = vector.extract_strided_slice %add3A_2370 {offsets = [1], sizes = [1], strides = [1]} : vector<16xf32> to vector<1xf32>
      %squeeze3A_2374 = vector.extract %slice3A_2373[0] : f32 from vector<1xf32>
      %slice3A_2375 = vector.extract_strided_slice %add3A_2370 {offsets = [2], sizes = [1], strides = [1]} : vector<16xf32> to vector<1xf32>
      %squeeze3A_2376 = vector.extract %slice3A_2375[0] : f32 from vector<1xf32>
      %slice3A_2377 = vector.extract_strided_slice %add3A_2370 {offsets = [3], sizes = [1], strides = [1]} : vector<16xf32> to vector<1xf32>
      %squeeze3A_2378 = vector.extract %slice3A_2377[0] : f32 from vector<1xf32>
      %slice3A_2379 = vector.extract_strided_slice %add3A_2370 {offsets = [4], sizes = [1], strides = [1]} : vector<16xf32> to vector<1xf32>
      %squeeze3A_2380 = vector.extract %slice3A_2379[0] : f32 from vector<1xf32>
      %slice3A_2381 = vector.extract_strided_slice %add3A_2370 {offsets = [5], sizes = [1], strides = [1]} : vector<16xf32> to vector<1xf32>
      %squeeze3A_2382 = vector.extract %slice3A_2381[0] : f32 from vector<1xf32>
      %slice3A_2383 = vector.extract_strided_slice %add3A_2370 {offsets = [6], sizes = [1], strides = [1]} : vector<16xf32> to vector<1xf32>
      %squeeze3A_2384 = vector.extract %slice3A_2383[0] : f32 from vector<1xf32>
      %slice3A_2385 = vector.extract_strided_slice %add3A_2370 {offsets = [7], sizes = [1], strides = [1]} : vector<16xf32> to vector<1xf32>
      %squeeze3A_2386 = vector.extract %slice3A_2385[0] : f32 from vector<1xf32>
      %slice3A_2387 = vector.extract_strided_slice %add3A_2370 {offsets = [8], sizes = [1], strides = [1]} : vector<16xf32> to vector<1xf32>
      %squeeze3A_2388 = vector.extract %slice3A_2387[0] : f32 from vector<1xf32>
      %slice3A_2389 = vector.extract_strided_slice %add3A_2370 {offsets = [9], sizes = [1], strides = [1]} : vector<16xf32> to vector<1xf32>
      %squeeze3A_2390 = vector.extract %slice3A_2389[0] : f32 from vector<1xf32>
      %slice3A_2391 = vector.extract_strided_slice %add3A_2370 {offsets = [10], sizes = [1], strides = [1]} : vector<16xf32> to vector<1xf32>
      %squeeze3A_2392 = vector.extract %slice3A_2391[0] : f32 from vector<1xf32>
      %slice3A_2393 = vector.extract_strided_slice %add3A_2370 {offsets = [11], sizes = [1], strides = [1]} : vector<16xf32> to vector<1xf32>
      %squeeze3A_2394 = vector.extract %slice3A_2393[0] : f32 from vector<1xf32>
      %slice3A_2395 = vector.extract_strided_slice %add3A_2370 {offsets = [12], sizes = [1], strides = [1]} : vector<16xf32> to vector<1xf32>
      %squeeze3A_2396 = vector.extract %slice3A_2395[0] : f32 from vector<1xf32>
      %slice3A_2397 = vector.extract_strided_slice %add3A_2370 {offsets = [13], sizes = [1], strides = [1]} : vector<16xf32> to vector<1xf32>
      %squeeze3A_2398 = vector.extract %slice3A_2397[0] : f32 from vector<1xf32>
      %slice3A_2399 = vector.extract_strided_slice %add3A_2370 {offsets = [14], sizes = [1], strides = [1]} : vector<16xf32> to vector<1xf32>
      %squeeze3A_2400 = vector.extract %slice3A_2399[0] : f32 from vector<1xf32>
      %slice3A_2401 = vector.extract_strided_slice %add3A_2370 {offsets = [15], sizes = [1], strides = [1]} : vector<16xf32> to vector<1xf32>
      %squeeze3A_2402 = vector.extract %slice3A_2401[0] : f32 from vector<1xf32>
      %add3A_2403 = arith.addf %squeeze3A_2372, %squeeze3A_2374 : f32
      %add3A_2404 = arith.addf %squeeze3A_2376, %squeeze3A_2378 : f32
      %add3A_2405 = arith.addf %squeeze3A_2380, %squeeze3A_2382 : f32
      %add3A_2406 = arith.addf %squeeze3A_2384, %squeeze3A_2386 : f32
      %add3A_2407 = arith.addf %squeeze3A_2388, %squeeze3A_2390 : f32
      %add3A_2408 = arith.addf %squeeze3A_2392, %squeeze3A_2394 : f32
      %add3A_2409 = arith.addf %squeeze3A_2396, %squeeze3A_2398 : f32
      %add3A_2410 = arith.addf %squeeze3A_2400, %squeeze3A_2402 : f32
      %add3A_2411 = arith.addf %add3A_2403, %add3A_2404 : f32
      %add3A_2412 = arith.addf %add3A_2405, %add3A_2406 : f32
      %add3A_2413 = arith.addf %add3A_2407, %add3A_2408 : f32
      %add3A_2414 = arith.addf %add3A_2409, %add3A_2410 : f32
      %add3A_2415 = arith.addf %add3A_2411, %add3A_2412 : f32
      %add3A_2416 = arith.addf %add3A_2413, %add3A_2414 : f32
      %add3A_2417 = arith.addf %add3A_2415, %add3A_2416 : f32
      %eq3A_2418 = arith.constant 2 : i32
      %eq3A_2419 = vector.broadcast %eq3A_2418 : i32 to vector<16xi32>
      %eq3A_2420 = arith.cmpi eq, %iota3A, %eq3A_2419 : vector<16xi32>
      %broadcast_in_dim3A_2421 = vector.broadcast %add3A_2417 : f32 to vector<16xf32>
      %select_n3A_2422 = arith.select %eq3A_2420, %broadcast_in_dim3A_2421, %select_n3A_2339 : vector<16xi1>, vector<16xf32>
      %get3A_2423 = arith.constant 3 : i32
      %get3A_2424 = arith.index_cast %get3A_2423 : i32 to index
      %get3A_2425 = arith.constant 0 : index
      %get3A_2426 = tpu.vector_load %arg12[%get3A_2424, %get3A_2425] {strides = array<i32>} : memref<16x32xf32, #tpu.memory_space<vmem>>, vector<1x16xf32>,
      %get3A_2427 = vector.shape_cast %get3A_2426 : vector<1x16xf32> to vector<16xf32>
      %mul3A_2428 = arith.mulf %get3A_2427, %get3A_2 : vector<16xf32>
      %add3A_2429 = arith.addf %mul3A_2428, %get3A_8 : vector<16xf32>
      %get3A_2430 = arith.constant 3 : i32
      %get3A_2431 = arith.index_cast %get3A_2430 : i32 to index
      %get3A_2432 = arith.constant 16 : index
      %get3A_2433 = tpu.vector_load %arg12[%get3A_2431, %get3A_2432] {strides = array<i32>} : memref<16x32xf32, #tpu.memory_space<vmem>>, vector<1x16xf32>,
      %get3A_2434 = vector.shape_cast %get3A_2433 : vector<1x16xf32> to vector<16xf32>
      %mul3A_2435 = arith.mulf %get3A_2434, %get3A_5 : vector<16xf32>
      %add3A_2436 = arith.addf %mul3A_2435, %get3A_11 : vector<16xf32>
      %get3A_2437 = arith.constant 3 : i32
      %get3A_2438 = arith.index_cast %get3A_2437 : i32 to index
      %get3A_2439 = arith.constant 0 : index
      %get3A_2440 = tpu.vector_load %arg14[%get3A_2438, %get3A_2439] {strides = array<i32>} : memref<16x32xf32, #tpu.memory_space<vmem>>, vector<1x16xf32>,
      %get3A_2441 = vector.shape_cast %get3A_2440 : vector<1x16xf32> to vector<16xf32>
      %mul3A_2442 = arith.mulf %get3A_2441, %get3A_2 : vector<16xf32>
      %add3A_2443 = arith.addf %mul3A_2442, %get3A_8 : vector<16xf32>
      %get3A_2444 = arith.constant 3 : i32
      %get3A_2445 = arith.index_cast %get3A_2444 : i32 to index
      %get3A_2446 = arith.constant 16 : index
      %get3A_2447 = tpu.vector_load %arg14[%get3A_2445, %get3A_2446] {strides = array<i32>} : memref<16x32xf32, #tpu.memory_space<vmem>>, vector<1x16xf32>,
      %get3A_2448 = vector.shape_cast %get3A_2447 : vector<1x16xf32> to vector<16xf32>
      %mul3A_2449 = arith.mulf %get3A_2448, %get3A_5 : vector<16xf32>
      %add3A_2450 = arith.addf %mul3A_2449, %get3A_11 : vector<16xf32>
      %mul3A_2451 = arith.mulf %add3A_2429, %add3A_2443 : vector<16xf32>
      %mul3A_2452 = arith.mulf %add3A_2436, %add3A_2450 : vector<16xf32>
      %add3A_2453 = arith.addf %mul3A_2451, %mul3A_2452 : vector<16xf32>
      %slice3A_2454 = vector.extract_strided_slice %add3A_2453 {offsets = [0], sizes = [1], strides = [1]} : vector<16xf32> to vector<1xf32>
      %squeeze3A_2455 = vector.extract %slice3A_2454[0] : f32 from vector<1xf32>
      %slice3A_2456 = vector.extract_strided_slice %add3A_2453 {offsets = [1], sizes = [1], strides = [1]} : vector<16xf32> to vector<1xf32>
      %squeeze3A_2457 = vector.extract %slice3A_2456[0] : f32 from vector<1xf32>
      %slice3A_2458 = vector.extract_strided_slice %add3A_2453 {offsets = [2], sizes = [1], strides = [1]} : vector<16xf32> to vector<1xf32>
      %squeeze3A_2459 = vector.extract %slice3A_2458[0] : f32 from vector<1xf32>
      %slice3A_2460 = vector.extract_strided_slice %add3A_2453 {offsets = [3], sizes = [1], strides = [1]} : vector<16xf32> to vector<1xf32>
      %squeeze3A_2461 = vector.extract %slice3A_2460[0] : f32 from vector<1xf32>
      %slice3A_2462 = vector.extract_strided_slice %add3A_2453 {offsets = [4], sizes = [1], strides = [1]} : vector<16xf32> to vector<1xf32>
      %squeeze3A_2463 = vector.extract %slice3A_2462[0] : f32 from vector<1xf32>
      %slice3A_2464 = vector.extract_strided_slice %add3A_2453 {offsets = [5], sizes = [1], strides = [1]} : vector<16xf32> to vector<1xf32>
      %squeeze3A_2465 = vector.extract %slice3A_2464[0] : f32 from vector<1xf32>
      %slice3A_2466 = vector.extract_strided_slice %add3A_2453 {offsets = [6], sizes = [1], strides = [1]} : vector<16xf32> to vector<1xf32>
      %squeeze3A_2467 = vector.extract %slice3A_2466[0] : f32 from vector<1xf32>
      %slice3A_2468 = vector.extract_strided_slice %add3A_2453 {offsets = [7], sizes = [1], strides = [1]} : vector<16xf32> to vector<1xf32>
      %squeeze3A_2469 = vector.extract %slice3A_2468[0] : f32 from vector<1xf32>
      %slice3A_2470 = vector.extract_strided_slice %add3A_2453 {offsets = [8], sizes = [1], strides = [1]} : vector<16xf32> to vector<1xf32>
      %squeeze3A_2471 = vector.extract %slice3A_2470[0] : f32 from vector<1xf32>
      %slice3A_2472 = vector.extract_strided_slice %add3A_2453 {offsets = [9], sizes = [1], strides = [1]} : vector<16xf32> to vector<1xf32>
      %squeeze3A_2473 = vector.extract %slice3A_2472[0] : f32 from vector<1xf32>
      %slice3A_2474 = vector.extract_strided_slice %add3A_2453 {offsets = [10], sizes = [1], strides = [1]} : vector<16xf32> to vector<1xf32>
      %squeeze3A_2475 = vector.extract %slice3A_2474[0] : f32 from vector<1xf32>
      %slice3A_2476 = vector.extract_strided_slice %add3A_2453 {offsets = [11], sizes = [1], strides = [1]} : vector<16xf32> to vector<1xf32>
      %squeeze3A_2477 = vector.extract %slice3A_2476[0] : f32 from vector<1xf32>
      %slice3A_2478 = vector.extract_strided_slice %add3A_2453 {offsets = [12], sizes = [1], strides = [1]} : vector<16xf32> to vector<1xf32>
      %squeeze3A_2479 = vector.extract %slice3A_2478[0] : f32 from vector<1xf32>
      %slice3A_2480 = vector.extract_strided_slice %add3A_2453 {offsets = [13], sizes = [1], strides = [1]} : vector<16xf32> to vector<1xf32>
      %squeeze3A_2481 = vector.extract %slice3A_2480[0] : f32 from vector<1xf32>
      %slice3A_2482 = vector.extract_strided_slice %add3A_2453 {offsets = [14], sizes = [1], strides = [1]} : vector<16xf32> to vector<1xf32>
      %squeeze3A_2483 = vector.extract %slice3A_2482[0] : f32 from vector<1xf32>
      %slice3A_2484 = vector.extract_strided_slice %add3A_2453 {offsets = [15], sizes = [1], strides = [1]} : vector<16xf32> to vector<1xf32>
      %squeeze3A_2485 = vector.extract %slice3A_2484[0] : f32 from vector<1xf32>
      %add3A_2486 = arith.addf %squeeze3A_2455, %squeeze3A_2457 : f32
      %add3A_2487 = arith.addf %squeeze3A_2459, %squeeze3A_2461 : f32
      %add3A_2488 = arith.addf %squeeze3A_2463, %squeeze3A_2465 : f32
      %add3A_2489 = arith.addf %squeeze3A_2467, %squeeze3A_2469 : f32
      %add3A_2490 = arith.addf %squeeze3A_2471, %squeeze3A_2473 : f32
      %add3A_2491 = arith.addf %squeeze3A_2475, %squeeze3A_2477 : f32
      %add3A_2492 = arith.addf %squeeze3A_2479, %squeeze3A_2481 : f32
      %add3A_2493 = arith.addf %squeeze3A_2483, %squeeze3A_2485 : f32
      %add3A_2494 = arith.addf %add3A_2486, %add3A_2487 : f32
      %add3A_2495 = arith.addf %add3A_2488, %add3A_2489 : f32
      %add3A_2496 = arith.addf %add3A_2490, %add3A_2491 : f32
      %add3A_2497 = arith.addf %add3A_2492, %add3A_2493 : f32
      %add3A_2498 = arith.addf %add3A_2494, %add3A_2495 : f32
      %add3A_2499 = arith.addf %add3A_2496, %add3A_2497 : f32
      %add3A_2500 = arith.addf %add3A_2498, %add3A_2499 : f32
      %eq3A_2501 = arith.constant 3 : i32
      %eq3A_2502 = vector.broadcast %eq3A_2501 : i32 to vector<16xi32>
      %eq3A_2503 = arith.cmpi eq, %iota3A, %eq3A_2502 : vector<16xi32>
      %broadcast_in_dim3A_2504 = vector.broadcast %add3A_2500 : f32 to vector<16xf32>
      %select_n3A_2505 = arith.select %eq3A_2503, %broadcast_in_dim3A_2504, %select_n3A_2422 : vector<16xi1>, vector<16xf32>
      %get3A_2506 = arith.constant 4 : i32
      %get3A_2507 = arith.index_cast %get3A_2506 : i32 to index
      %get3A_2508 = arith.constant 0 : index
      %get3A_2509 = tpu.vector_load %arg12[%get3A_2507, %get3A_2508] {strides = array<i32>} : memref<16x32xf32, #tpu.memory_space<vmem>>, vector<1x16xf32>,
      %get3A_2510 = vector.shape_cast %get3A_2509 : vector<1x16xf32> to vector<16xf32>
      %mul3A_2511 = arith.mulf %get3A_2510, %get3A_2 : vector<16xf32>
      %add3A_2512 = arith.addf %mul3A_2511, %get3A_8 : vector<16xf32>
      %get3A_2513 = arith.constant 4 : i32
      %get3A_2514 = arith.index_cast %get3A_2513 : i32 to index
      %get3A_2515 = arith.constant 16 : index
      %get3A_2516 = tpu.vector_load %arg12[%get3A_2514, %get3A_2515] {strides = array<i32>} : memref<16x32xf32, #tpu.memory_space<vmem>>, vector<1x16xf32>,
      %get3A_2517 = vector.shape_cast %get3A_2516 : vector<1x16xf32> to vector<16xf32>
      %mul3A_2518 = arith.mulf %get3A_2517, %get3A_5 : vector<16xf32>
      %add3A_2519 = arith.addf %mul3A_2518, %get3A_11 : vector<16xf32>
      %get3A_2520 = arith.constant 4 : i32
      %get3A_2521 = arith.index_cast %get3A_2520 : i32 to index
      %get3A_2522 = arith.constant 0 : index
      %get3A_2523 = tpu.vector_load %arg14[%get3A_2521, %get3A_2522] {strides = array<i32>} : memref<16x32xf32, #tpu.memory_space<vmem>>, vector<1x16xf32>,
      %get3A_2524 = vector.shape_cast %get3A_2523 : vector<1x16xf32> to vector<16xf32>
      %mul3A_2525 = arith.mulf %get3A_2524, %get3A_2 : vector<16xf32>
      %add3A_2526 = arith.addf %mul3A_2525, %get3A_8 : vector<16xf32>
      %get3A_2527 = arith.constant 4 : i32
      %get3A_2528 = arith.index_cast %get3A_2527 : i32 to index
      %get3A_2529 = arith.constant 16 : index
      %get3A_2530 = tpu.vector_load %arg14[%get3A_2528, %get3A_2529] {strides = array<i32>} : memref<16x32xf32, #tpu.memory_space<vmem>>, vector<1x16xf32>,
      %get3A_2531 = vector.shape_cast %get3A_2530 : vector<1x16xf32> to vector<16xf32>
      %mul3A_2532 = arith.mulf %get3A_2531, %get3A_5 : vector<16xf32>
      %add3A_2533 = arith.addf %mul3A_2532, %get3A_11 : vector<16xf32>
      %mul3A_2534 = arith.mulf %add3A_2512, %add3A_2526 : vector<16xf32>
      %mul3A_2535 = arith.mulf %add3A_2519, %add3A_2533 : vector<16xf32>
      %add3A_2536 = arith.addf %mul3A_2534, %mul3A_2535 : vector<16xf32>
      %slice3A_2537 = vector.extract_strided_slice %add3A_2536 {offsets = [0], sizes = [1], strides = [1]} : vector<16xf32> to vector<1xf32>
      %squeeze3A_2538 = vector.extract %slice3A_2537[0] : f32 from vector<1xf32>
      %slice3A_2539 = vector.extract_strided_slice %add3A_2536 {offsets = [1], sizes = [1], strides = [1]} : vector<16xf32> to vector<1xf32>
      %squeeze3A_2540 = vector.extract %slice3A_2539[0] : f32 from vector<1xf32>
      %slice3A_2541 = vector.extract_strided_slice %add3A_2536 {offsets = [2], sizes = [1], strides = [1]} : vector<16xf32> to vector<1xf32>
      %squeeze3A_2542 = vector.extract %slice3A_2541[0] : f32 from vector<1xf32>
      %slice3A_2543 = vector.extract_strided_slice %add3A_2536 {offsets = [3], sizes = [1], strides = [1]} : vector<16xf32> to vector<1xf32>
      %squeeze3A_2544 = vector.extract %slice3A_2543[0] : f32 from vector<1xf32>
      %slice3A_2545 = vector.extract_strided_slice %add3A_2536 {offsets = [4], sizes = [1], strides = [1]} : vector<16xf32> to vector<1xf32>
      %squeeze3A_2546 = vector.extract %slice3A_2545[0] : f32 from vector<1xf32>
      %slice3A_2547 = vector.extract_strided_slice %add3A_2536 {offsets = [5], sizes = [1], strides = [1]} : vector<16xf32> to vector<1xf32>
      %squeeze3A_2548 = vector.extract %slice3A_2547[0] : f32 from vector<1xf32>
      %slice3A_2549 = vector.extract_strided_slice %add3A_2536 {offsets = [6], sizes = [1], strides = [1]} : vector<16xf32> to vector<1xf32>
      %squeeze3A_2550 = vector.extract %slice3A_2549[0] : f32 from vector<1xf32>
      %slice3A_2551 = vector.extract_strided_slice %add3A_2536 {offsets = [7], sizes = [1], strides = [1]} : vector<16xf32> to vector<1xf32>
      %squeeze3A_2552 = vector.extract %slice3A_2551[0] : f32 from vector<1xf32>
      %slice3A_2553 = vector.extract_strided_slice %add3A_2536 {offsets = [8], sizes = [1], strides = [1]} : vector<16xf32> to vector<1xf32>
      %squeeze3A_2554 = vector.extract %slice3A_2553[0] : f32 from vector<1xf32>
      %slice3A_2555 = vector.extract_strided_slice %add3A_2536 {offsets = [9], sizes = [1], strides = [1]} : vector<16xf32> to vector<1xf32>
      %squeeze3A_2556 = vector.extract %slice3A_2555[0] : f32 from vector<1xf32>
      %slice3A_2557 = vector.extract_strided_slice %add3A_2536 {offsets = [10], sizes = [1], strides = [1]} : vector<16xf32> to vector<1xf32>
      %squeeze3A_2558 = vector.extract %slice3A_2557[0] : f32 from vector<1xf32>
      %slice3A_2559 = vector.extract_strided_slice %add3A_2536 {offsets = [11], sizes = [1], strides = [1]} : vector<16xf32> to vector<1xf32>
      %squeeze3A_2560 = vector.extract %slice3A_2559[0] : f32 from vector<1xf32>
      %slice3A_2561 = vector.extract_strided_slice %add3A_2536 {offsets = [12], sizes = [1], strides = [1]} : vector<16xf32> to vector<1xf32>
      %squeeze3A_2562 = vector.extract %slice3A_2561[0] : f32 from vector<1xf32>
      %slice3A_2563 = vector.extract_strided_slice %add3A_2536 {offsets = [13], sizes = [1], strides = [1]} : vector<16xf32> to vector<1xf32>
      %squeeze3A_2564 = vector.extract %slice3A_2563[0] : f32 from vector<1xf32>
      %slice3A_2565 = vector.extract_strided_slice %add3A_2536 {offsets = [14], sizes = [1], strides = [1]} : vector<16xf32> to vector<1xf32>
      %squeeze3A_2566 = vector.extract %slice3A_2565[0] : f32 from vector<1xf32>
      %slice3A_2567 = vector.extract_strided_slice %add3A_2536 {offsets = [15], sizes = [1], strides = [1]} : vector<16xf32> to vector<1xf32>
      %squeeze3A_2568 = vector.extract %slice3A_2567[0] : f32 from vector<1xf32>
      %add3A_2569 = arith.addf %squeeze3A_2538, %squeeze3A_2540 : f32
      %add3A_2570 = arith.addf %squeeze3A_2542, %squeeze3A_2544 : f32
      %add3A_2571 = arith.addf %squeeze3A_2546, %squeeze3A_2548 : f32
      %add3A_2572 = arith.addf %squeeze3A_2550, %squeeze3A_2552 : f32
      %add3A_2573 = arith.addf %squeeze3A_2554, %squeeze3A_2556 : f32
      %add3A_2574 = arith.addf %squeeze3A_2558, %squeeze3A_2560 : f32
      %add3A_2575 = arith.addf %squeeze3A_2562, %squeeze3A_2564 : f32
      %add3A_2576 = arith.addf %squeeze3A_2566, %squeeze3A_2568 : f32
      %add3A_2577 = arith.addf %add3A_2569, %add3A_2570 : f32
      %add3A_2578 = arith.addf %add3A_2571, %add3A_2572 : f32
      %add3A_2579 = arith.addf %add3A_2573, %add3A_2574 : f32
      %add3A_2580 = arith.addf %add3A_2575, %add3A_2576 : f32
      %add3A_2581 = arith.addf %add3A_2577, %add3A_2578 : f32
      %add3A_2582 = arith.addf %add3A_2579, %add3A_2580 : f32
      %add3A_2583 = arith.addf %add3A_2581, %add3A_2582 : f32
      %eq3A_2584 = arith.constant 4 : i32
      %eq3A_2585 = vector.broadcast %eq3A_2584 : i32 to vector<16xi32>
      %eq3A_2586 = arith.cmpi eq, %iota3A, %eq3A_2585 : vector<16xi32>
      %broadcast_in_dim3A_2587 = vector.broadcast %add3A_2583 : f32 to vector<16xf32>
      %select_n3A_2588 = arith.select %eq3A_2586, %broadcast_in_dim3A_2587, %select_n3A_2505 : vector<16xi1>, vector<16xf32>
      %get3A_2589 = arith.constant 5 : i32
      %get3A_2590 = arith.index_cast %get3A_2589 : i32 to index
      %get3A_2591 = arith.constant 0 : index
      %get3A_2592 = tpu.vector_load %arg12[%get3A_2590, %get3A_2591] {strides = array<i32>} : memref<16x32xf32, #tpu.memory_space<vmem>>, vector<1x16xf32>,
      %get3A_2593 = vector.shape_cast %get3A_2592 : vector<1x16xf32> to vector<16xf32>
      %mul3A_2594 = arith.mulf %get3A_2593, %get3A_2 : vector<16xf32>
      %add3A_2595 = arith.addf %mul3A_2594, %get3A_8 : vector<16xf32>
      %get3A_2596 = arith.constant 5 : i32
      %get3A_2597 = arith.index_cast %get3A_2596 : i32 to index
      %get3A_2598 = arith.constant 16 : index
      %get3A_2599 = tpu.vector_load %arg12[%get3A_2597, %get3A_2598] {strides = array<i32>} : memref<16x32xf32, #tpu.memory_space<vmem>>, vector<1x16xf32>,
      %get3A_2600 = vector.shape_cast %get3A_2599 : vector<1x16xf32> to vector<16xf32>
      %mul3A_2601 = arith.mulf %get3A_2600, %get3A_5 : vector<16xf32>
      %add3A_2602 = arith.addf %mul3A_2601, %get3A_11 : vector<16xf32>
      %get3A_2603 = arith.constant 5 : i32
      %get3A_2604 = arith.index_cast %get3A_2603 : i32 to index
      %get3A_2605 = arith.constant 0 : index
      %get3A_2606 = tpu.vector_load %arg14[%get3A_2604, %get3A_2605] {strides = array<i32>} : memref<16x32xf32, #tpu.memory_space<vmem>>, vector<1x16xf32>,
      %get3A_2607 = vector.shape_cast %get3A_2606 : vector<1x16xf32> to vector<16xf32>
      %mul3A_2608 = arith.mulf %get3A_2607, %get3A_2 : vector<16xf32>
      %add3A_2609 = arith.addf %mul3A_2608, %get3A_8 : vector<16xf32>
      %get3A_2610 = arith.constant 5 : i32
      %get3A_2611 = arith.index_cast %get3A_2610 : i32 to index
      %get3A_2612 = arith.constant 16 : index
      %get3A_2613 = tpu.vector_load %arg14[%get3A_2611, %get3A_2612] {strides = array<i32>} : memref<16x32xf32, #tpu.memory_space<vmem>>, vector<1x16xf32>,
      %get3A_2614 = vector.shape_cast %get3A_2613 : vector<1x16xf32> to vector<16xf32>
      %mul3A_2615 = arith.mulf %get3A_2614, %get3A_5 : vector<16xf32>
      %add3A_2616 = arith.addf %mul3A_2615, %get3A_11 : vector<16xf32>
      %mul3A_2617 = arith.mulf %add3A_2595, %add3A_2609 : vector<16xf32>
      %mul3A_2618 = arith.mulf %add3A_2602, %add3A_2616 : vector<16xf32>
      %add3A_2619 = arith.addf %mul3A_2617, %mul3A_2618 : vector<16xf32>
      %slice3A_2620 = vector.extract_strided_slice %add3A_2619 {offsets = [0], sizes = [1], strides = [1]} : vector<16xf32> to vector<1xf32>
      %squeeze3A_2621 = vector.extract %slice3A_2620[0] : f32 from vector<1xf32>
      %slice3A_2622 = vector.extract_strided_slice %add3A_2619 {offsets = [1], sizes = [1], strides = [1]} : vector<16xf32> to vector<1xf32>
      %squeeze3A_2623 = vector.extract %slice3A_2622[0] : f32 from vector<1xf32>
      %slice3A_2624 = vector.extract_strided_slice %add3A_2619 {offsets = [2], sizes = [1], strides = [1]} : vector<16xf32> to vector<1xf32>
      %squeeze3A_2625 = vector.extract %slice3A_2624[0] : f32 from vector<1xf32>
      %slice3A_2626 = vector.extract_strided_slice %add3A_2619 {offsets = [3], sizes = [1], strides = [1]} : vector<16xf32> to vector<1xf32>
      %squeeze3A_2627 = vector.extract %slice3A_2626[0] : f32 from vector<1xf32>
      %slice3A_2628 = vector.extract_strided_slice %add3A_2619 {offsets = [4], sizes = [1], strides = [1]} : vector<16xf32> to vector<1xf32>
      %squeeze3A_2629 = vector.extract %slice3A_2628[0] : f32 from vector<1xf32>
      %slice3A_2630 = vector.extract_strided_slice %add3A_2619 {offsets = [5], sizes = [1], strides = [1]} : vector<16xf32> to vector<1xf32>
      %squeeze3A_2631 = vector.extract %slice3A_2630[0] : f32 from vector<1xf32>
      %slice3A_2632 = vector.extract_strided_slice %add3A_2619 {offsets = [6], sizes = [1], strides = [1]} : vector<16xf32> to vector<1xf32>
      %squeeze3A_2633 = vector.extract %slice3A_2632[0] : f32 from vector<1xf32>
      %slice3A_2634 = vector.extract_strided_slice %add3A_2619 {offsets = [7], sizes = [1], strides = [1]} : vector<16xf32> to vector<1xf32>
      %squeeze3A_2635 = vector.extract %slice3A_2634[0] : f32 from vector<1xf32>
      %slice3A_2636 = vector.extract_strided_slice %add3A_2619 {offsets = [8], sizes = [1], strides = [1]} : vector<16xf32> to vector<1xf32>
      %squeeze3A_2637 = vector.extract %slice3A_2636[0] : f32 from vector<1xf32>
      %slice3A_2638 = vector.extract_strided_slice %add3A_2619 {offsets = [9], sizes = [1], strides = [1]} : vector<16xf32> to vector<1xf32>
      %squeeze3A_2639 = vector.extract %slice3A_2638[0] : f32 from vector<1xf32>
      %slice3A_2640 = vector.extract_strided_slice %add3A_2619 {offsets = [10], sizes = [1], strides = [1]} : vector<16xf32> to vector<1xf32>
      %squeeze3A_2641 = vector.extract %slice3A_2640[0] : f32 from vector<1xf32>
      %slice3A_2642 = vector.extract_strided_slice %add3A_2619 {offsets = [11], sizes = [1], strides = [1]} : vector<16xf32> to vector<1xf32>
      %squeeze3A_2643 = vector.extract %slice3A_2642[0] : f32 from vector<1xf32>
      %slice3A_2644 = vector.extract_strided_slice %add3A_2619 {offsets = [12], sizes = [1], strides = [1]} : vector<16xf32> to vector<1xf32>
      %squeeze3A_2645 = vector.extract %slice3A_2644[0] : f32 from vector<1xf32>
      %slice3A_2646 = vector.extract_strided_slice %add3A_2619 {offsets = [13], sizes = [1], strides = [1]} : vector<16xf32> to vector<1xf32>
      %squeeze3A_2647 = vector.extract %slice3A_2646[0] : f32 from vector<1xf32>
      %slice3A_2648 = vector.extract_strided_slice %add3A_2619 {offsets = [14], sizes = [1], strides = [1]} : vector<16xf32> to vector<1xf32>
      %squeeze3A_2649 = vector.extract %slice3A_2648[0] : f32 from vector<1xf32>
      %slice3A_2650 = vector.extract_strided_slice %add3A_2619 {offsets = [15], sizes = [1], strides = [1]} : vector<16xf32> to vector<1xf32>
      %squeeze3A_2651 = vector.extract %slice3A_2650[0] : f32 from vector<1xf32>
      %add3A_2652 = arith.addf %squeeze3A_2621, %squeeze3A_2623 : f32
      %add3A_2653 = arith.addf %squeeze3A_2625, %squeeze3A_2627 : f32
      %add3A_2654 = arith.addf %squeeze3A_2629, %squeeze3A_2631 : f32
      %add3A_2655 = arith.addf %squeeze3A_2633, %squeeze3A_2635 : f32
      %add3A_2656 = arith.addf %squeeze3A_2637, %squeeze3A_2639 : f32
      %add3A_2657 = arith.addf %squeeze3A_2641, %squeeze3A_2643 : f32
      %add3A_2658 = arith.addf %squeeze3A_2645, %squeeze3A_2647 : f32
      %add3A_2659 = arith.addf %squeeze3A_2649, %squeeze3A_2651 : f32
      %add3A_2660 = arith.addf %add3A_2652, %add3A_2653 : f32
      %add3A_2661 = arith.addf %add3A_2654, %add3A_2655 : f32
      %add3A_2662 = arith.addf %add3A_2656, %add3A_2657 : f32
      %add3A_2663 = arith.addf %add3A_2658, %add3A_2659 : f32
      %add3A_2664 = arith.addf %add3A_2660, %add3A_2661 : f32
      %add3A_2665 = arith.addf %add3A_2662, %add3A_2663 : f32
      %add3A_2666 = arith.addf %add3A_2664, %add3A_2665 : f32
      %eq3A_2667 = arith.constant 5 : i32
      %eq3A_2668 = vector.broadcast %eq3A_2667 : i32 to vector<16xi32>
      %eq3A_2669 = arith.cmpi eq, %iota3A, %eq3A_2668 : vector<16xi32>
      %broadcast_in_dim3A_2670 = vector.broadcast %add3A_2666 : f32 to vector<16xf32>
      %select_n3A_2671 = arith.select %eq3A_2669, %broadcast_in_dim3A_2670, %select_n3A_2588 : vector<16xi1>, vector<16xf32>
      %get3A_2672 = arith.constant 6 : i32
      %get3A_2673 = arith.index_cast %get3A_2672 : i32 to index
      %get3A_2674 = arith.constant 0 : index
      %get3A_2675 = tpu.vector_load %arg12[%get3A_2673, %get3A_2674] {strides = array<i32>} : memref<16x32xf32, #tpu.memory_space<vmem>>, vector<1x16xf32>,
      %get3A_2676 = vector.shape_cast %get3A_2675 : vector<1x16xf32> to vector<16xf32>
      %mul3A_2677 = arith.mulf %get3A_2676, %get3A_2 : vector<16xf32>
      %add3A_2678 = arith.addf %mul3A_2677, %get3A_8 : vector<16xf32>
      %get3A_2679 = arith.constant 6 : i32
      %get3A_2680 = arith.index_cast %get3A_2679 : i32 to index
      %get3A_2681 = arith.constant 16 : index
      %get3A_2682 = tpu.vector_load %arg12[%get3A_2680, %get3A_2681] {strides = array<i32>} : memref<16x32xf32, #tpu.memory_space<vmem>>, vector<1x16xf32>,
      %get3A_2683 = vector.shape_cast %get3A_2682 : vector<1x16xf32> to vector<16xf32>
      %mul3A_2684 = arith.mulf %get3A_2683, %get3A_5 : vector<16xf32>
      %add3A_2685 = arith.addf %mul3A_2684, %get3A_11 : vector<16xf32>
      %get3A_2686 = arith.constant 6 : i32
      %get3A_2687 = arith.index_cast %get3A_2686 : i32 to index
      %get3A_2688 = arith.constant 0 : index
      %get3A_2689 = tpu.vector_load %arg14[%get3A_2687, %get3A_2688] {strides = array<i32>} : memref<16x32xf32, #tpu.memory_space<vmem>>, vector<1x16xf32>,
      %get3A_2690 = vector.shape_cast %get3A_2689 : vector<1x16xf32> to vector<16xf32>
      %mul3A_2691 = arith.mulf %get3A_2690, %get3A_2 : vector<16xf32>
      %add3A_2692 = arith.addf %mul3A_2691, %get3A_8 : vector<16xf32>
      %get3A_2693 = arith.constant 6 : i32
      %get3A_2694 = arith.index_cast %get3A_2693 : i32 to index
      %get3A_2695 = arith.constant 16 : index
      %get3A_2696 = tpu.vector_load %arg14[%get3A_2694, %get3A_2695] {strides = array<i32>} : memref<16x32xf32, #tpu.memory_space<vmem>>, vector<1x16xf32>,
      %get3A_2697 = vector.shape_cast %get3A_2696 : vector<1x16xf32> to vector<16xf32>
      %mul3A_2698 = arith.mulf %get3A_2697, %get3A_5 : vector<16xf32>
      %add3A_2699 = arith.addf %mul3A_2698, %get3A_11 : vector<16xf32>
      %mul3A_2700 = arith.mulf %add3A_2678, %add3A_2692 : vector<16xf32>
      %mul3A_2701 = arith.mulf %add3A_2685, %add3A_2699 : vector<16xf32>
      %add3A_2702 = arith.addf %mul3A_2700, %mul3A_2701 : vector<16xf32>
      %slice3A_2703 = vector.extract_strided_slice %add3A_2702 {offsets = [0], sizes = [1], strides = [1]} : vector<16xf32> to vector<1xf32>
      %squeeze3A_2704 = vector.extract %slice3A_2703[0] : f32 from vector<1xf32>
      %slice3A_2705 = vector.extract_strided_slice %add3A_2702 {offsets = [1], sizes = [1], strides = [1]} : vector<16xf32> to vector<1xf32>
      %squeeze3A_2706 = vector.extract %slice3A_2705[0] : f32 from vector<1xf32>
      %slice3A_2707 = vector.extract_strided_slice %add3A_2702 {offsets = [2], sizes = [1], strides = [1]} : vector<16xf32> to vector<1xf32>
      %squeeze3A_2708 = vector.extract %slice3A_2707[0] : f32 from vector<1xf32>
      %slice3A_2709 = vector.extract_strided_slice %add3A_2702 {offsets = [3], sizes = [1], strides = [1]} : vector<16xf32> to vector<1xf32>
      %squeeze3A_2710 = vector.extract %slice3A_2709[0] : f32 from vector<1xf32>
      %slice3A_2711 = vector.extract_strided_slice %add3A_2702 {offsets = [4], sizes = [1], strides = [1]} : vector<16xf32> to vector<1xf32>
      %squeeze3A_2712 = vector.extract %slice3A_2711[0] : f32 from vector<1xf32>
      %slice3A_2713 = vector.extract_strided_slice %add3A_2702 {offsets = [5], sizes = [1], strides = [1]} : vector<16xf32> to vector<1xf32>
      %squeeze3A_2714 = vector.extract %slice3A_2713[0] : f32 from vector<1xf32>
      %slice3A_2715 = vector.extract_strided_slice %add3A_2702 {offsets = [6], sizes = [1], strides = [1]} : vector<16xf32> to vector<1xf32>
      %squeeze3A_2716 = vector.extract %slice3A_2715[0] : f32 from vector<1xf32>
      %slice3A_2717 = vector.extract_strided_slice %add3A_2702 {offsets = [7], sizes = [1], strides = [1]} : vector<16xf32> to vector<1xf32>
      %squeeze3A_2718 = vector.extract %slice3A_2717[0] : f32 from vector<1xf32>
      %slice3A_2719 = vector.extract_strided_slice %add3A_2702 {offsets = [8], sizes = [1], strides = [1]} : vector<16xf32> to vector<1xf32>
      %squeeze3A_2720 = vector.extract %slice3A_2719[0] : f32 from vector<1xf32>
      %slice3A_2721 = vector.extract_strided_slice %add3A_2702 {offsets = [9], sizes = [1], strides = [1]} : vector<16xf32> to vector<1xf32>
      %squeeze3A_2722 = vector.extract %slice3A_2721[0] : f32 from vector<1xf32>
      %slice3A_2723 = vector.extract_strided_slice %add3A_2702 {offsets = [10], sizes = [1], strides = [1]} : vector<16xf32> to vector<1xf32>
      %squeeze3A_2724 = vector.extract %slice3A_2723[0] : f32 from vector<1xf32>
      %slice3A_2725 = vector.extract_strided_slice %add3A_2702 {offsets = [11], sizes = [1], strides = [1]} : vector<16xf32> to vector<1xf32>
      %squeeze3A_2726 = vector.extract %slice3A_2725[0] : f32 from vector<1xf32>
      %slice3A_2727 = vector.extract_strided_slice %add3A_2702 {offsets = [12], sizes = [1], strides = [1]} : vector<16xf32> to vector<1xf32>
      %squeeze3A_2728 = vector.extract %slice3A_2727[0] : f32 from vector<1xf32>
      %slice3A_2729 = vector.extract_strided_slice %add3A_2702 {offsets = [13], sizes = [1], strides = [1]} : vector<16xf32> to vector<1xf32>
      %squeeze3A_2730 = vector.extract %slice3A_2729[0] : f32 from vector<1xf32>
      %slice3A_2731 = vector.extract_strided_slice %add3A_2702 {offsets = [14], sizes = [1], strides = [1]} : vector<16xf32> to vector<1xf32>
      %squeeze3A_2732 = vector.extract %slice3A_2731[0] : f32 from vector<1xf32>
      %slice3A_2733 = vector.extract_strided_slice %add3A_2702 {offsets = [15], sizes = [1], strides = [1]} : vector<16xf32> to vector<1xf32>
      %squeeze3A_2734 = vector.extract %slice3A_2733[0] : f32 from vector<1xf32>
      %add3A_2735 = arith.addf %squeeze3A_2704, %squeeze3A_2706 : f32
      %add3A_2736 = arith.addf %squeeze3A_2708, %squeeze3A_2710 : f32
      %add3A_2737 = arith.addf %squeeze3A_2712, %squeeze3A_2714 : f32
      %add3A_2738 = arith.addf %squeeze3A_2716, %squeeze3A_2718 : f32
      %add3A_2739 = arith.addf %squeeze3A_2720, %squeeze3A_2722 : f32
      %add3A_2740 = arith.addf %squeeze3A_2724, %squeeze3A_2726 : f32
      %add3A_2741 = arith.addf %squeeze3A_2728, %squeeze3A_2730 : f32
      %add3A_2742 = arith.addf %squeeze3A_2732, %squeeze3A_2734 : f32
      %add3A_2743 = arith.addf %add3A_2735, %add3A_2736 : f32
      %add3A_2744 = arith.addf %add3A_2737, %add3A_2738 : f32
      %add3A_2745 = arith.addf %add3A_2739, %add3A_2740 : f32
      %add3A_2746 = arith.addf %add3A_2741, %add3A_2742 : f32
      %add3A_2747 = arith.addf %add3A_2743, %add3A_2744 : f32
      %add3A_2748 = arith.addf %add3A_2745, %add3A_2746 : f32
      %add3A_2749 = arith.addf %add3A_2747, %add3A_2748 : f32
      %eq3A_2750 = arith.constant 6 : i32
      %eq3A_2751 = vector.broadcast %eq3A_2750 : i32 to vector<16xi32>
      %eq3A_2752 = arith.cmpi eq, %iota3A, %eq3A_2751 : vector<16xi32>
      %broadcast_in_dim3A_2753 = vector.broadcast %add3A_2749 : f32 to vector<16xf32>
      %select_n3A_2754 = arith.select %eq3A_2752, %broadcast_in_dim3A_2753, %select_n3A_2671 : vector<16xi1>, vector<16xf32>
      %get3A_2755 = arith.constant 7 : i32
      %get3A_2756 = arith.index_cast %get3A_2755 : i32 to index
      %get3A_2757 = arith.constant 0 : index
      %get3A_2758 = tpu.vector_load %arg12[%get3A_2756, %get3A_2757] {strides = array<i32>} : memref<16x32xf32, #tpu.memory_space<vmem>>, vector<1x16xf32>,
      %get3A_2759 = vector.shape_cast %get3A_2758 : vector<1x16xf32> to vector<16xf32>
      %mul3A_2760 = arith.mulf %get3A_2759, %get3A_2 : vector<16xf32>
      %add3A_2761 = arith.addf %mul3A_2760, %get3A_8 : vector<16xf32>
      %get3A_2762 = arith.constant 7 : i32
      %get3A_2763 = arith.index_cast %get3A_2762 : i32 to index
      %get3A_2764 = arith.constant 16 : index
      %get3A_2765 = tpu.vector_load %arg12[%get3A_2763, %get3A_2764] {strides = array<i32>} : memref<16x32xf32, #tpu.memory_space<vmem>>, vector<1x16xf32>,
      %get3A_2766 = vector.shape_cast %get3A_2765 : vector<1x16xf32> to vector<16xf32>
      %mul3A_2767 = arith.mulf %get3A_2766, %get3A_5 : vector<16xf32>
      %add3A_2768 = arith.addf %mul3A_2767, %get3A_11 : vector<16xf32>
      %get3A_2769 = arith.constant 7 : i32
      %get3A_2770 = arith.index_cast %get3A_2769 : i32 to index
      %get3A_2771 = arith.constant 0 : index
      %get3A_2772 = tpu.vector_load %arg14[%get3A_2770, %get3A_2771] {strides = array<i32>} : memref<16x32xf32, #tpu.memory_space<vmem>>, vector<1x16xf32>,
      %get3A_2773 = vector.shape_cast %get3A_2772 : vector<1x16xf32> to vector<16xf32>
      %mul3A_2774 = arith.mulf %get3A_2773, %get3A_2 : vector<16xf32>
      %add3A_2775 = arith.addf %mul3A_2774, %get3A_8 : vector<16xf32>
      %get3A_2776 = arith.constant 7 : i32
      %get3A_2777 = arith.index_cast %get3A_2776 : i32 to index
      %get3A_2778 = arith.constant 16 : index
      %get3A_2779 = tpu.vector_load %arg14[%get3A_2777, %get3A_2778] {strides = array<i32>} : memref<16x32xf32, #tpu.memory_space<vmem>>, vector<1x16xf32>,
      %get3A_2780 = vector.shape_cast %get3A_2779 : vector<1x16xf32> to vector<16xf32>
      %mul3A_2781 = arith.mulf %get3A_2780, %get3A_5 : vector<16xf32>
      %add3A_2782 = arith.addf %mul3A_2781, %get3A_11 : vector<16xf32>
      %mul3A_2783 = arith.mulf %add3A_2761, %add3A_2775 : vector<16xf32>
      %mul3A_2784 = arith.mulf %add3A_2768, %add3A_2782 : vector<16xf32>
      %add3A_2785 = arith.addf %mul3A_2783, %mul3A_2784 : vector<16xf32>
      %slice3A_2786 = vector.extract_strided_slice %add3A_2785 {offsets = [0], sizes = [1], strides = [1]} : vector<16xf32> to vector<1xf32>
      %squeeze3A_2787 = vector.extract %slice3A_2786[0] : f32 from vector<1xf32>
      %slice3A_2788 = vector.extract_strided_slice %add3A_2785 {offsets = [1], sizes = [1], strides = [1]} : vector<16xf32> to vector<1xf32>
      %squeeze3A_2789 = vector.extract %slice3A_2788[0] : f32 from vector<1xf32>
      %slice3A_2790 = vector.extract_strided_slice %add3A_2785 {offsets = [2], sizes = [1], strides = [1]} : vector<16xf32> to vector<1xf32>
      %squeeze3A_2791 = vector.extract %slice3A_2790[0] : f32 from vector<1xf32>
      %slice3A_2792 = vector.extract_strided_slice %add3A_2785 {offsets = [3], sizes = [1], strides = [1]} : vector<16xf32> to vector<1xf32>
      %squeeze3A_2793 = vector.extract %slice3A_2792[0] : f32 from vector<1xf32>
      %slice3A_2794 = vector.extract_strided_slice %add3A_2785 {offsets = [4], sizes = [1], strides = [1]} : vector<16xf32> to vector<1xf32>
      %squeeze3A_2795 = vector.extract %slice3A_2794[0] : f32 from vector<1xf32>
      %slice3A_2796 = vector.extract_strided_slice %add3A_2785 {offsets = [5], sizes = [1], strides = [1]} : vector<16xf32> to vector<1xf32>
      %squeeze3A_2797 = vector.extract %slice3A_2796[0] : f32 from vector<1xf32>
      %slice3A_2798 = vector.extract_strided_slice %add3A_2785 {offsets = [6], sizes = [1], strides = [1]} : vector<16xf32> to vector<1xf32>
      %squeeze3A_2799 = vector.extract %slice3A_2798[0] : f32 from vector<1xf32>
      %slice3A_2800 = vector.extract_strided_slice %add3A_2785 {offsets = [7], sizes = [1], strides = [1]} : vector<16xf32> to vector<1xf32>
      %squeeze3A_2801 = vector.extract %slice3A_2800[0] : f32 from vector<1xf32>
      %slice3A_2802 = vector.extract_strided_slice %add3A_2785 {offsets = [8], sizes = [1], strides = [1]} : vector<16xf32> to vector<1xf32>
      %squeeze3A_2803 = vector.extract %slice3A_2802[0] : f32 from vector<1xf32>
      %slice3A_2804 = vector.extract_strided_slice %add3A_2785 {offsets = [9], sizes = [1], strides = [1]} : vector<16xf32> to vector<1xf32>
      %squeeze3A_2805 = vector.extract %slice3A_2804[0] : f32 from vector<1xf32>
      %slice3A_2806 = vector.extract_strided_slice %add3A_2785 {offsets = [10], sizes = [1], strides = [1]} : vector<16xf32> to vector<1xf32>
      %squeeze3A_2807 = vector.extract %slice3A_2806[0] : f32 from vector<1xf32>
      %slice3A_2808 = vector.extract_strided_slice %add3A_2785 {offsets = [11], sizes = [1], strides = [1]} : vector<16xf32> to vector<1xf32>
      %squeeze3A_2809 = vector.extract %slice3A_2808[0] : f32 from vector<1xf32>
      %slice3A_2810 = vector.extract_strided_slice %add3A_2785 {offsets = [12], sizes = [1], strides = [1]} : vector<16xf32> to vector<1xf32>
      %squeeze3A_2811 = vector.extract %slice3A_2810[0] : f32 from vector<1xf32>
      %slice3A_2812 = vector.extract_strided_slice %add3A_2785 {offsets = [13], sizes = [1], strides = [1]} : vector<16xf32> to vector<1xf32>
      %squeeze3A_2813 = vector.extract %slice3A_2812[0] : f32 from vector<1xf32>
      %slice3A_2814 = vector.extract_strided_slice %add3A_2785 {offsets = [14], sizes = [1], strides = [1]} : vector<16xf32> to vector<1xf32>
      %squeeze3A_2815 = vector.extract %slice3A_2814[0] : f32 from vector<1xf32>
      %slice3A_2816 = vector.extract_strided_slice %add3A_2785 {offsets = [15], sizes = [1], strides = [1]} : vector<16xf32> to vector<1xf32>
      %squeeze3A_2817 = vector.extract %slice3A_2816[0] : f32 from vector<1xf32>
      %add3A_2818 = arith.addf %squeeze3A_2787, %squeeze3A_2789 : f32
      %add3A_2819 = arith.addf %squeeze3A_2791, %squeeze3A_2793 : f32
      %add3A_2820 = arith.addf %squeeze3A_2795, %squeeze3A_2797 : f32
      %add3A_2821 = arith.addf %squeeze3A_2799, %squeeze3A_2801 : f32
      %add3A_2822 = arith.addf %squeeze3A_2803, %squeeze3A_2805 : f32
      %add3A_2823 = arith.addf %squeeze3A_2807, %squeeze3A_2809 : f32
      %add3A_2824 = arith.addf %squeeze3A_2811, %squeeze3A_2813 : f32
      %add3A_2825 = arith.addf %squeeze3A_2815, %squeeze3A_2817 : f32
      %add3A_2826 = arith.addf %add3A_2818, %add3A_2819 : f32
      %add3A_2827 = arith.addf %add3A_2820, %add3A_2821 : f32
      %add3A_2828 = arith.addf %add3A_2822, %add3A_2823 : f32
      %add3A_2829 = arith.addf %add3A_2824, %add3A_2825 : f32
      %add3A_2830 = arith.addf %add3A_2826, %add3A_2827 : f32
      %add3A_2831 = arith.addf %add3A_2828, %add3A_2829 : f32
      %add3A_2832 = arith.addf %add3A_2830, %add3A_2831 : f32
      %eq3A_2833 = arith.constant 7 : i32
      %eq3A_2834 = vector.broadcast %eq3A_2833 : i32 to vector<16xi32>
      %eq3A_2835 = arith.cmpi eq, %iota3A, %eq3A_2834 : vector<16xi32>
      %broadcast_in_dim3A_2836 = vector.broadcast %add3A_2832 : f32 to vector<16xf32>
      %select_n3A_2837 = arith.select %eq3A_2835, %broadcast_in_dim3A_2836, %select_n3A_2754 : vector<16xi1>, vector<16xf32>
      %get3A_2838 = arith.constant 8 : i32
      %get3A_2839 = arith.index_cast %get3A_2838 : i32 to index
      %get3A_2840 = arith.constant 0 : index
      %get3A_2841 = tpu.vector_load %arg12[%get3A_2839, %get3A_2840] {strides = array<i32>} : memref<16x32xf32, #tpu.memory_space<vmem>>, vector<1x16xf32>,
      %get3A_2842 = vector.shape_cast %get3A_2841 : vector<1x16xf32> to vector<16xf32>
      %mul3A_2843 = arith.mulf %get3A_2842, %get3A_2 : vector<16xf32>
      %add3A_2844 = arith.addf %mul3A_2843, %get3A_8 : vector<16xf32>
      %get3A_2845 = arith.constant 8 : i32
      %get3A_2846 = arith.index_cast %get3A_2845 : i32 to index
      %get3A_2847 = arith.constant 16 : index
      %get3A_2848 = tpu.vector_load %arg12[%get3A_2846, %get3A_2847] {strides = array<i32>} : memref<16x32xf32, #tpu.memory_space<vmem>>, vector<1x16xf32>,
      %get3A_2849 = vector.shape_cast %get3A_2848 : vector<1x16xf32> to vector<16xf32>
      %mul3A_2850 = arith.mulf %get3A_2849, %get3A_5 : vector<16xf32>
      %add3A_2851 = arith.addf %mul3A_2850, %get3A_11 : vector<16xf32>
      %get3A_2852 = arith.constant 8 : i32
      %get3A_2853 = arith.index_cast %get3A_2852 : i32 to index
      %get3A_2854 = arith.constant 0 : index
      %get3A_2855 = tpu.vector_load %arg14[%get3A_2853, %get3A_2854] {strides = array<i32>} : memref<16x32xf32, #tpu.memory_space<vmem>>, vector<1x16xf32>,
      %get3A_2856 = vector.shape_cast %get3A_2855 : vector<1x16xf32> to vector<16xf32>
      %mul3A_2857 = arith.mulf %get3A_2856, %get3A_2 : vector<16xf32>
      %add3A_2858 = arith.addf %mul3A_2857, %get3A_8 : vector<16xf32>
      %get3A_2859 = arith.constant 8 : i32
      %get3A_2860 = arith.index_cast %get3A_2859 : i32 to index
      %get3A_2861 = arith.constant 16 : index
      %get3A_2862 = tpu.vector_load %arg14[%get3A_2860, %get3A_2861] {strides = array<i32>} : memref<16x32xf32, #tpu.memory_space<vmem>>, vector<1x16xf32>,
      %get3A_2863 = vector.shape_cast %get3A_2862 : vector<1x16xf32> to vector<16xf32>
      %mul3A_2864 = arith.mulf %get3A_2863, %get3A_5 : vector<16xf32>
      %add3A_2865 = arith.addf %mul3A_2864, %get3A_11 : vector<16xf32>
      %mul3A_2866 = arith.mulf %add3A_2844, %add3A_2858 : vector<16xf32>
      %mul3A_2867 = arith.mulf %add3A_2851, %add3A_2865 : vector<16xf32>
      %add3A_2868 = arith.addf %mul3A_2866, %mul3A_2867 : vector<16xf32>
      %slice3A_2869 = vector.extract_strided_slice %add3A_2868 {offsets = [0], sizes = [1], strides = [1]} : vector<16xf32> to vector<1xf32>
      %squeeze3A_2870 = vector.extract %slice3A_2869[0] : f32 from vector<1xf32>
      %slice3A_2871 = vector.extract_strided_slice %add3A_2868 {offsets = [1], sizes = [1], strides = [1]} : vector<16xf32> to vector<1xf32>
      %squeeze3A_2872 = vector.extract %slice3A_2871[0] : f32 from vector<1xf32>
      %slice3A_2873 = vector.extract_strided_slice %add3A_2868 {offsets = [2], sizes = [1], strides = [1]} : vector<16xf32> to vector<1xf32>
      %squeeze3A_2874 = vector.extract %slice3A_2873[0] : f32 from vector<1xf32>
      %slice3A_2875 = vector.extract_strided_slice %add3A_2868 {offsets = [3], sizes = [1], strides = [1]} : vector<16xf32> to vector<1xf32>
      %squeeze3A_2876 = vector.extract %slice3A_2875[0] : f32 from vector<1xf32>
      %slice3A_2877 = vector.extract_strided_slice %add3A_2868 {offsets = [4], sizes = [1], strides = [1]} : vector<16xf32> to vector<1xf32>
      %squeeze3A_2878 = vector.extract %slice3A_2877[0] : f32 from vector<1xf32>
      %slice3A_2879 = vector.extract_strided_slice %add3A_2868 {offsets = [5], sizes = [1], strides = [1]} : vector<16xf32> to vector<1xf32>
      %squeeze3A_2880 = vector.extract %slice3A_2879[0] : f32 from vector<1xf32>
      %slice3A_2881 = vector.extract_strided_slice %add3A_2868 {offsets = [6], sizes = [1], strides = [1]} : vector<16xf32> to vector<1xf32>
      %squeeze3A_2882 = vector.extract %slice3A_2881[0] : f32 from vector<1xf32>
      %slice3A_2883 = vector.extract_strided_slice %add3A_2868 {offsets = [7], sizes = [1], strides = [1]} : vector<16xf32> to vector<1xf32>
      %squeeze3A_2884 = vector.extract %slice3A_2883[0] : f32 from vector<1xf32>
      %slice3A_2885 = vector.extract_strided_slice %add3A_2868 {offsets = [8], sizes = [1], strides = [1]} : vector<16xf32> to vector<1xf32>
      %squeeze3A_2886 = vector.extract %slice3A_2885[0] : f32 from vector<1xf32>
      %slice3A_2887 = vector.extract_strided_slice %add3A_2868 {offsets = [9], sizes = [1], strides = [1]} : vector<16xf32> to vector<1xf32>
      %squeeze3A_2888 = vector.extract %slice3A_2887[0] : f32 from vector<1xf32>
      %slice3A_2889 = vector.extract_strided_slice %add3A_2868 {offsets = [10], sizes = [1], strides = [1]} : vector<16xf32> to vector<1xf32>
      %squeeze3A_2890 = vector.extract %slice3A_2889[0] : f32 from vector<1xf32>
      %slice3A_2891 = vector.extract_strided_slice %add3A_2868 {offsets = [11], sizes = [1], strides = [1]} : vector<16xf32> to vector<1xf32>
      %squeeze3A_2892 = vector.extract %slice3A_2891[0] : f32 from vector<1xf32>
      %slice3A_2893 = vector.extract_strided_slice %add3A_2868 {offsets = [12], sizes = [1], strides = [1]} : vector<16xf32> to vector<1xf32>
      %squeeze3A_2894 = vector.extract %slice3A_2893[0] : f32 from vector<1xf32>
      %slice3A_2895 = vector.extract_strided_slice %add3A_2868 {offsets = [13], sizes = [1], strides = [1]} : vector<16xf32> to vector<1xf32>
      %squeeze3A_2896 = vector.extract %slice3A_2895[0] : f32 from vector<1xf32>
      %slice3A_2897 = vector.extract_strided_slice %add3A_2868 {offsets = [14], sizes = [1], strides = [1]} : vector<16xf32> to vector<1xf32>
      %squeeze3A_2898 = vector.extract %slice3A_2897[0] : f32 from vector<1xf32>
      %slice3A_2899 = vector.extract_strided_slice %add3A_2868 {offsets = [15], sizes = [1], strides = [1]} : vector<16xf32> to vector<1xf32>
      %squeeze3A_2900 = vector.extract %slice3A_2899[0] : f32 from vector<1xf32>
      %add3A_2901 = arith.addf %squeeze3A_2870, %squeeze3A_2872 : f32
      %add3A_2902 = arith.addf %squeeze3A_2874, %squeeze3A_2876 : f32
      %add3A_2903 = arith.addf %squeeze3A_2878, %squeeze3A_2880 : f32
      %add3A_2904 = arith.addf %squeeze3A_2882, %squeeze3A_2884 : f32
      %add3A_2905 = arith.addf %squeeze3A_2886, %squeeze3A_2888 : f32
      %add3A_2906 = arith.addf %squeeze3A_2890, %squeeze3A_2892 : f32
      %add3A_2907 = arith.addf %squeeze3A_2894, %squeeze3A_2896 : f32
      %add3A_2908 = arith.addf %squeeze3A_2898, %squeeze3A_2900 : f32
      %add3A_2909 = arith.addf %add3A_2901, %add3A_2902 : f32
      %add3A_2910 = arith.addf %add3A_2903, %add3A_2904 : f32
      %add3A_2911 = arith.addf %add3A_2905, %add3A_2906 : f32
      %add3A_2912 = arith.addf %add3A_2907, %add3A_2908 : f32
      %add3A_2913 = arith.addf %add3A_2909, %add3A_2910 : f32
      %add3A_2914 = arith.addf %add3A_2911, %add3A_2912 : f32
      %add3A_2915 = arith.addf %add3A_2913, %add3A_2914 : f32
      %eq3A_2916 = arith.constant 8 : i32
      %eq3A_2917 = vector.broadcast %eq3A_2916 : i32 to vector<16xi32>
      %eq3A_2918 = arith.cmpi eq, %iota3A, %eq3A_2917 : vector<16xi32>
      %broadcast_in_dim3A_2919 = vector.broadcast %add3A_2915 : f32 to vector<16xf32>
      %select_n3A_2920 = arith.select %eq3A_2918, %broadcast_in_dim3A_2919, %select_n3A_2837 : vector<16xi1>, vector<16xf32>
      %get3A_2921 = arith.constant 9 : i32
      %get3A_2922 = arith.index_cast %get3A_2921 : i32 to index
      %get3A_2923 = arith.constant 0 : index
      %get3A_2924 = tpu.vector_load %arg12[%get3A_2922, %get3A_2923] {strides = array<i32>} : memref<16x32xf32, #tpu.memory_space<vmem>>, vector<1x16xf32>,
      %get3A_2925 = vector.shape_cast %get3A_2924 : vector<1x16xf32> to vector<16xf32>
      %mul3A_2926 = arith.mulf %get3A_2925, %get3A_2 : vector<16xf32>
      %add3A_2927 = arith.addf %mul3A_2926, %get3A_8 : vector<16xf32>
      %get3A_2928 = arith.constant 9 : i32
      %get3A_2929 = arith.index_cast %get3A_2928 : i32 to index
      %get3A_2930 = arith.constant 16 : index
      %get3A_2931 = tpu.vector_load %arg12[%get3A_2929, %get3A_2930] {strides = array<i32>} : memref<16x32xf32, #tpu.memory_space<vmem>>, vector<1x16xf32>,
      %get3A_2932 = vector.shape_cast %get3A_2931 : vector<1x16xf32> to vector<16xf32>
      %mul3A_2933 = arith.mulf %get3A_2932, %get3A_5 : vector<16xf32>
      %add3A_2934 = arith.addf %mul3A_2933, %get3A_11 : vector<16xf32>
      %get3A_2935 = arith.constant 9 : i32
      %get3A_2936 = arith.index_cast %get3A_2935 : i32 to index
      %get3A_2937 = arith.constant 0 : index
      %get3A_2938 = tpu.vector_load %arg14[%get3A_2936, %get3A_2937] {strides = array<i32>} : memref<16x32xf32, #tpu.memory_space<vmem>>, vector<1x16xf32>,
      %get3A_2939 = vector.shape_cast %get3A_2938 : vector<1x16xf32> to vector<16xf32>
      %mul3A_2940 = arith.mulf %get3A_2939, %get3A_2 : vector<16xf32>
      %add3A_2941 = arith.addf %mul3A_2940, %get3A_8 : vector<16xf32>
      %get3A_2942 = arith.constant 9 : i32
      %get3A_2943 = arith.index_cast %get3A_2942 : i32 to index
      %get3A_2944 = arith.constant 16 : index
      %get3A_2945 = tpu.vector_load %arg14[%get3A_2943, %get3A_2944] {strides = array<i32>} : memref<16x32xf32, #tpu.memory_space<vmem>>, vector<1x16xf32>,
      %get3A_2946 = vector.shape_cast %get3A_2945 : vector<1x16xf32> to vector<16xf32>
      %mul3A_2947 = arith.mulf %get3A_2946, %get3A_5 : vector<16xf32>
      %add3A_2948 = arith.addf %mul3A_2947, %get3A_11 : vector<16xf32>
      %mul3A_2949 = arith.mulf %add3A_2927, %add3A_2941 : vector<16xf32>
      %mul3A_2950 = arith.mulf %add3A_2934, %add3A_2948 : vector<16xf32>
      %add3A_2951 = arith.addf %mul3A_2949, %mul3A_2950 : vector<16xf32>
      %slice3A_2952 = vector.extract_strided_slice %add3A_2951 {offsets = [0], sizes = [1], strides = [1]} : vector<16xf32> to vector<1xf32>
      %squeeze3A_2953 = vector.extract %slice3A_2952[0] : f32 from vector<1xf32>
      %slice3A_2954 = vector.extract_strided_slice %add3A_2951 {offsets = [1], sizes = [1], strides = [1]} : vector<16xf32> to vector<1xf32>
      %squeeze3A_2955 = vector.extract %slice3A_2954[0] : f32 from vector<1xf32>
      %slice3A_2956 = vector.extract_strided_slice %add3A_2951 {offsets = [2], sizes = [1], strides = [1]} : vector<16xf32> to vector<1xf32>
      %squeeze3A_2957 = vector.extract %slice3A_2956[0] : f32 from vector<1xf32>
      %slice3A_2958 = vector.extract_strided_slice %add3A_2951 {offsets = [3], sizes = [1], strides = [1]} : vector<16xf32> to vector<1xf32>
      %squeeze3A_2959 = vector.extract %slice3A_2958[0] : f32 from vector<1xf32>
      %slice3A_2960 = vector.extract_strided_slice %add3A_2951 {offsets = [4], sizes = [1], strides = [1]} : vector<16xf32> to vector<1xf32>
      %squeeze3A_2961 = vector.extract %slice3A_2960[0] : f32 from vector<1xf32>
      %slice3A_2962 = vector.extract_strided_slice %add3A_2951 {offsets = [5], sizes = [1], strides = [1]} : vector<16xf32> to vector<1xf32>
      %squeeze3A_2963 = vector.extract %slice3A_2962[0] : f32 from vector<1xf32>
      %slice3A_2964 = vector.extract_strided_slice %add3A_2951 {offsets = [6], sizes = [1], strides = [1]} : vector<16xf32> to vector<1xf32>
      %squeeze3A_2965 = vector.extract %slice3A_2964[0] : f32 from vector<1xf32>
      %slice3A_2966 = vector.extract_strided_slice %add3A_2951 {offsets = [7], sizes = [1], strides = [1]} : vector<16xf32> to vector<1xf32>
      %squeeze3A_2967 = vector.extract %slice3A_2966[0] : f32 from vector<1xf32>
      %slice3A_2968 = vector.extract_strided_slice %add3A_2951 {offsets = [8], sizes = [1], strides = [1]} : vector<16xf32> to vector<1xf32>
      %squeeze3A_2969 = vector.extract %slice3A_2968[0] : f32 from vector<1xf32>
      %slice3A_2970 = vector.extract_strided_slice %add3A_2951 {offsets = [9], sizes = [1], strides = [1]} : vector<16xf32> to vector<1xf32>
      %squeeze3A_2971 = vector.extract %slice3A_2970[0] : f32 from vector<1xf32>
      %slice3A_2972 = vector.extract_strided_slice %add3A_2951 {offsets = [10], sizes = [1], strides = [1]} : vector<16xf32> to vector<1xf32>
      %squeeze3A_2973 = vector.extract %slice3A_2972[0] : f32 from vector<1xf32>
      %slice3A_2974 = vector.extract_strided_slice %add3A_2951 {offsets = [11], sizes = [1], strides = [1]} : vector<16xf32> to vector<1xf32>
      %squeeze3A_2975 = vector.extract %slice3A_2974[0] : f32 from vector<1xf32>
      %slice3A_2976 = vector.extract_strided_slice %add3A_2951 {offsets = [12], sizes = [1], strides = [1]} : vector<16xf32> to vector<1xf32>
      %squeeze3A_2977 = vector.extract %slice3A_2976[0] : f32 from vector<1xf32>
      %slice3A_2978 = vector.extract_strided_slice %add3A_2951 {offsets = [13], sizes = [1], strides = [1]} : vector<16xf32> to vector<1xf32>
      %squeeze3A_2979 = vector.extract %slice3A_2978[0] : f32 from vector<1xf32>
      %slice3A_2980 = vector.extract_strided_slice %add3A_2951 {offsets = [14], sizes = [1], strides = [1]} : vector<16xf32> to vector<1xf32>
      %squeeze3A_2981 = vector.extract %slice3A_2980[0] : f32 from vector<1xf32>
      %slice3A_2982 = vector.extract_strided_slice %add3A_2951 {offsets = [15], sizes = [1], strides = [1]} : vector<16xf32> to vector<1xf32>
      %squeeze3A_2983 = vector.extract %slice3A_2982[0] : f32 from vector<1xf32>
      %add3A_2984 = arith.addf %squeeze3A_2953, %squeeze3A_2955 : f32
      %add3A_2985 = arith.addf %squeeze3A_2957, %squeeze3A_2959 : f32
      %add3A_2986 = arith.addf %squeeze3A_2961, %squeeze3A_2963 : f32
      %add3A_2987 = arith.addf %squeeze3A_2965, %squeeze3A_2967 : f32
      %add3A_2988 = arith.addf %squeeze3A_2969, %squeeze3A_2971 : f32
      %add3A_2989 = arith.addf %squeeze3A_2973, %squeeze3A_2975 : f32
      %add3A_2990 = arith.addf %squeeze3A_2977, %squeeze3A_2979 : f32
      %add3A_2991 = arith.addf %squeeze3A_2981, %squeeze3A_2983 : f32
      %add3A_2992 = arith.addf %add3A_2984, %add3A_2985 : f32
      %add3A_2993 = arith.addf %add3A_2986, %add3A_2987 : f32
      %add3A_2994 = arith.addf %add3A_2988, %add3A_2989 : f32
      %add3A_2995 = arith.addf %add3A_2990, %add3A_2991 : f32
      %add3A_2996 = arith.addf %add3A_2992, %add3A_2993 : f32
      %add3A_2997 = arith.addf %add3A_2994, %add3A_2995 : f32
      %add3A_2998 = arith.addf %add3A_2996, %add3A_2997 : f32
      %eq3A_2999 = arith.constant 9 : i32
      %eq3A_3000 = vector.broadcast %eq3A_2999 : i32 to vector<16xi32>
      %eq3A_3001 = arith.cmpi eq, %iota3A, %eq3A_3000 : vector<16xi32>
      %broadcast_in_dim3A_3002 = vector.broadcast %add3A_2998 : f32 to vector<16xf32>
      %select_n3A_3003 = arith.select %eq3A_3001, %broadcast_in_dim3A_3002, %select_n3A_2920 : vector<16xi1>, vector<16xf32>
      %get3A_3004 = arith.constant 10 : i32
      %get3A_3005 = arith.index_cast %get3A_3004 : i32 to index
      %get3A_3006 = arith.constant 0 : index
      %get3A_3007 = tpu.vector_load %arg12[%get3A_3005, %get3A_3006] {strides = array<i32>} : memref<16x32xf32, #tpu.memory_space<vmem>>, vector<1x16xf32>,
      %get3A_3008 = vector.shape_cast %get3A_3007 : vector<1x16xf32> to vector<16xf32>
      %mul3A_3009 = arith.mulf %get3A_3008, %get3A_2 : vector<16xf32>
      %add3A_3010 = arith.addf %mul3A_3009, %get3A_8 : vector<16xf32>
      %get3A_3011 = arith.constant 10 : i32
      %get3A_3012 = arith.index_cast %get3A_3011 : i32 to index
      %get3A_3013 = arith.constant 16 : index
      %get3A_3014 = tpu.vector_load %arg12[%get3A_3012, %get3A_3013] {strides = array<i32>} : memref<16x32xf32, #tpu.memory_space<vmem>>, vector<1x16xf32>,
      %get3A_3015 = vector.shape_cast %get3A_3014 : vector<1x16xf32> to vector<16xf32>
      %mul3A_3016 = arith.mulf %get3A_3015, %get3A_5 : vector<16xf32>
      %add3A_3017 = arith.addf %mul3A_3016, %get3A_11 : vector<16xf32>
      %get3A_3018 = arith.constant 10 : i32
      %get3A_3019 = arith.index_cast %get3A_3018 : i32 to index
      %get3A_3020 = arith.constant 0 : index
      %get3A_3021 = tpu.vector_load %arg14[%get3A_3019, %get3A_3020] {strides = array<i32>} : memref<16x32xf32, #tpu.memory_space<vmem>>, vector<1x16xf32>,
      %get3A_3022 = vector.shape_cast %get3A_3021 : vector<1x16xf32> to vector<16xf32>
      %mul3A_3023 = arith.mulf %get3A_3022, %get3A_2 : vector<16xf32>
      %add3A_3024 = arith.addf %mul3A_3023, %get3A_8 : vector<16xf32>
      %get3A_3025 = arith.constant 10 : i32
      %get3A_3026 = arith.index_cast %get3A_3025 : i32 to index
      %get3A_3027 = arith.constant 16 : index
      %get3A_3028 = tpu.vector_load %arg14[%get3A_3026, %get3A_3027] {strides = array<i32>} : memref<16x32xf32, #tpu.memory_space<vmem>>, vector<1x16xf32>,
      %get3A_3029 = vector.shape_cast %get3A_3028 : vector<1x16xf32> to vector<16xf32>
      %mul3A_3030 = arith.mulf %get3A_3029, %get3A_5 : vector<16xf32>
      %add3A_3031 = arith.addf %mul3A_3030, %get3A_11 : vector<16xf32>
      %mul3A_3032 = arith.mulf %add3A_3010, %add3A_3024 : vector<16xf32>
      %mul3A_3033 = arith.mulf %add3A_3017, %add3A_3031 : vector<16xf32>
      %add3A_3034 = arith.addf %mul3A_3032, %mul3A_3033 : vector<16xf32>
      %slice3A_3035 = vector.extract_strided_slice %add3A_3034 {offsets = [0], sizes = [1], strides = [1]} : vector<16xf32> to vector<1xf32>
      %squeeze3A_3036 = vector.extract %slice3A_3035[0] : f32 from vector<1xf32>
      %slice3A_3037 = vector.extract_strided_slice %add3A_3034 {offsets = [1], sizes = [1], strides = [1]} : vector<16xf32> to vector<1xf32>
      %squeeze3A_3038 = vector.extract %slice3A_3037[0] : f32 from vector<1xf32>
      %slice3A_3039 = vector.extract_strided_slice %add3A_3034 {offsets = [2], sizes = [1], strides = [1]} : vector<16xf32> to vector<1xf32>
      %squeeze3A_3040 = vector.extract %slice3A_3039[0] : f32 from vector<1xf32>
      %slice3A_3041 = vector.extract_strided_slice %add3A_3034 {offsets = [3], sizes = [1], strides = [1]} : vector<16xf32> to vector<1xf32>
      %squeeze3A_3042 = vector.extract %slice3A_3041[0] : f32 from vector<1xf32>
      %slice3A_3043 = vector.extract_strided_slice %add3A_3034 {offsets = [4], sizes = [1], strides = [1]} : vector<16xf32> to vector<1xf32>
      %squeeze3A_3044 = vector.extract %slice3A_3043[0] : f32 from vector<1xf32>
      %slice3A_3045 = vector.extract_strided_slice %add3A_3034 {offsets = [5], sizes = [1], strides = [1]} : vector<16xf32> to vector<1xf32>
      %squeeze3A_3046 = vector.extract %slice3A_3045[0] : f32 from vector<1xf32>
      %slice3A_3047 = vector.extract_strided_slice %add3A_3034 {offsets = [6], sizes = [1], strides = [1]} : vector<16xf32> to vector<1xf32>
      %squeeze3A_3048 = vector.extract %slice3A_3047[0] : f32 from vector<1xf32>
      %slice3A_3049 = vector.extract_strided_slice %add3A_3034 {offsets = [7], sizes = [1], strides = [1]} : vector<16xf32> to vector<1xf32>
      %squeeze3A_3050 = vector.extract %slice3A_3049[0] : f32 from vector<1xf32>
      %slice3A_3051 = vector.extract_strided_slice %add3A_3034 {offsets = [8], sizes = [1], strides = [1]} : vector<16xf32> to vector<1xf32>
      %squeeze3A_3052 = vector.extract %slice3A_3051[0] : f32 from vector<1xf32>
      %slice3A_3053 = vector.extract_strided_slice %add3A_3034 {offsets = [9], sizes = [1], strides = [1]} : vector<16xf32> to vector<1xf32>
      %squeeze3A_3054 = vector.extract %slice3A_3053[0] : f32 from vector<1xf32>
      %slice3A_3055 = vector.extract_strided_slice %add3A_3034 {offsets = [10], sizes = [1], strides = [1]} : vector<16xf32> to vector<1xf32>
      %squeeze3A_3056 = vector.extract %slice3A_3055[0] : f32 from vector<1xf32>
      %slice3A_3057 = vector.extract_strided_slice %add3A_3034 {offsets = [11], sizes = [1], strides = [1]} : vector<16xf32> to vector<1xf32>
      %squeeze3A_3058 = vector.extract %slice3A_3057[0] : f32 from vector<1xf32>
      %slice3A_3059 = vector.extract_strided_slice %add3A_3034 {offsets = [12], sizes = [1], strides = [1]} : vector<16xf32> to vector<1xf32>
      %squeeze3A_3060 = vector.extract %slice3A_3059[0] : f32 from vector<1xf32>
      %slice3A_3061 = vector.extract_strided_slice %add3A_3034 {offsets = [13], sizes = [1], strides = [1]} : vector<16xf32> to vector<1xf32>
      %squeeze3A_3062 = vector.extract %slice3A_3061[0] : f32 from vector<1xf32>
      %slice3A_3063 = vector.extract_strided_slice %add3A_3034 {offsets = [14], sizes = [1], strides = [1]} : vector<16xf32> to vector<1xf32>
      %squeeze3A_3064 = vector.extract %slice3A_3063[0] : f32 from vector<1xf32>
      %slice3A_3065 = vector.extract_strided_slice %add3A_3034 {offsets = [15], sizes = [1], strides = [1]} : vector<16xf32> to vector<1xf32>
      %squeeze3A_3066 = vector.extract %slice3A_3065[0] : f32 from vector<1xf32>
      %add3A_3067 = arith.addf %squeeze3A_3036, %squeeze3A_3038 : f32
      %add3A_3068 = arith.addf %squeeze3A_3040, %squeeze3A_3042 : f32
      %add3A_3069 = arith.addf %squeeze3A_3044, %squeeze3A_3046 : f32
      %add3A_3070 = arith.addf %squeeze3A_3048, %squeeze3A_3050 : f32
      %add3A_3071 = arith.addf %squeeze3A_3052, %squeeze3A_3054 : f32
      %add3A_3072 = arith.addf %squeeze3A_3056, %squeeze3A_3058 : f32
      %add3A_3073 = arith.addf %squeeze3A_3060, %squeeze3A_3062 : f32
      %add3A_3074 = arith.addf %squeeze3A_3064, %squeeze3A_3066 : f32
      %add3A_3075 = arith.addf %add3A_3067, %add3A_3068 : f32
      %add3A_3076 = arith.addf %add3A_3069, %add3A_3070 : f32
      %add3A_3077 = arith.addf %add3A_3071, %add3A_3072 : f32
      %add3A_3078 = arith.addf %add3A_3073, %add3A_3074 : f32
      %add3A_3079 = arith.addf %add3A_3075, %add3A_3076 : f32
      %add3A_3080 = arith.addf %add3A_3077, %add3A_3078 : f32
      %add3A_3081 = arith.addf %add3A_3079, %add3A_3080 : f32
      %eq3A_3082 = arith.constant 10 : i32
      %eq3A_3083 = vector.broadcast %eq3A_3082 : i32 to vector<16xi32>
      %eq3A_3084 = arith.cmpi eq, %iota3A, %eq3A_3083 : vector<16xi32>
      %broadcast_in_dim3A_3085 = vector.broadcast %add3A_3081 : f32 to vector<16xf32>
      %select_n3A_3086 = arith.select %eq3A_3084, %broadcast_in_dim3A_3085, %select_n3A_3003 : vector<16xi1>, vector<16xf32>
      %get3A_3087 = arith.constant 11 : i32
      %get3A_3088 = arith.index_cast %get3A_3087 : i32 to index
      %get3A_3089 = arith.constant 0 : index
      %get3A_3090 = tpu.vector_load %arg12[%get3A_3088, %get3A_3089] {strides = array<i32>} : memref<16x32xf32, #tpu.memory_space<vmem>>, vector<1x16xf32>,
      %get3A_3091 = vector.shape_cast %get3A_3090 : vector<1x16xf32> to vector<16xf32>
      %mul3A_3092 = arith.mulf %get3A_3091, %get3A_2 : vector<16xf32>
      %add3A_3093 = arith.addf %mul3A_3092, %get3A_8 : vector<16xf32>
      %get3A_3094 = arith.constant 11 : i32
      %get3A_3095 = arith.index_cast %get3A_3094 : i32 to index
      %get3A_3096 = arith.constant 16 : index
      %get3A_3097 = tpu.vector_load %arg12[%get3A_3095, %get3A_3096] {strides = array<i32>} : memref<16x32xf32, #tpu.memory_space<vmem>>, vector<1x16xf32>,
      %get3A_3098 = vector.shape_cast %get3A_3097 : vector<1x16xf32> to vector<16xf32>
      %mul3A_3099 = arith.mulf %get3A_3098, %get3A_5 : vector<16xf32>
      %add3A_3100 = arith.addf %mul3A_3099, %get3A_11 : vector<16xf32>
      %get3A_3101 = arith.constant 11 : i32
      %get3A_3102 = arith.index_cast %get3A_3101 : i32 to index
      %get3A_3103 = arith.constant 0 : index
      %get3A_3104 = tpu.vector_load %arg14[%get3A_3102, %get3A_3103] {strides = array<i32>} : memref<16x32xf32, #tpu.memory_space<vmem>>, vector<1x16xf32>,
      %get3A_3105 = vector.shape_cast %get3A_3104 : vector<1x16xf32> to vector<16xf32>
      %mul3A_3106 = arith.mulf %get3A_3105, %get3A_2 : vector<16xf32>
      %add3A_3107 = arith.addf %mul3A_3106, %get3A_8 : vector<16xf32>
      %get3A_3108 = arith.constant 11 : i32
      %get3A_3109 = arith.index_cast %get3A_3108 : i32 to index
      %get3A_3110 = arith.constant 16 : index
      %get3A_3111 = tpu.vector_load %arg14[%get3A_3109, %get3A_3110] {strides = array<i32>} : memref<16x32xf32, #tpu.memory_space<vmem>>, vector<1x16xf32>,
      %get3A_3112 = vector.shape_cast %get3A_3111 : vector<1x16xf32> to vector<16xf32>
      %mul3A_3113 = arith.mulf %get3A_3112, %get3A_5 : vector<16xf32>
      %add3A_3114 = arith.addf %mul3A_3113, %get3A_11 : vector<16xf32>
      %mul3A_3115 = arith.mulf %add3A_3093, %add3A_3107 : vector<16xf32>
      %mul3A_3116 = arith.mulf %add3A_3100, %add3A_3114 : vector<16xf32>
      %add3A_3117 = arith.addf %mul3A_3115, %mul3A_3116 : vector<16xf32>
      %slice3A_3118 = vector.extract_strided_slice %add3A_3117 {offsets = [0], sizes = [1], strides = [1]} : vector<16xf32> to vector<1xf32>
      %squeeze3A_3119 = vector.extract %slice3A_3118[0] : f32 from vector<1xf32>
      %slice3A_3120 = vector.extract_strided_slice %add3A_3117 {offsets = [1], sizes = [1], strides = [1]} : vector<16xf32> to vector<1xf32>
      %squeeze3A_3121 = vector.extract %slice3A_3120[0] : f32 from vector<1xf32>
      %slice3A_3122 = vector.extract_strided_slice %add3A_3117 {offsets = [2], sizes = [1], strides = [1]} : vector<16xf32> to vector<1xf32>
      %squeeze3A_3123 = vector.extract %slice3A_3122[0] : f32 from vector<1xf32>
      %slice3A_3124 = vector.extract_strided_slice %add3A_3117 {offsets = [3], sizes = [1], strides = [1]} : vector<16xf32> to vector<1xf32>
      %squeeze3A_3125 = vector.extract %slice3A_3124[0] : f32 from vector<1xf32>
      %slice3A_3126 = vector.extract_strided_slice %add3A_3117 {offsets = [4], sizes = [1], strides = [1]} : vector<16xf32> to vector<1xf32>
      %squeeze3A_3127 = vector.extract %slice3A_3126[0] : f32 from vector<1xf32>
      %slice3A_3128 = vector.extract_strided_slice %add3A_3117 {offsets = [5], sizes = [1], strides = [1]} : vector<16xf32> to vector<1xf32>
      %squeeze3A_3129 = vector.extract %slice3A_3128[0] : f32 from vector<1xf32>
      %slice3A_3130 = vector.extract_strided_slice %add3A_3117 {offsets = [6], sizes = [1], strides = [1]} : vector<16xf32> to vector<1xf32>
      %squeeze3A_3131 = vector.extract %slice3A_3130[0] : f32 from vector<1xf32>
      %slice3A_3132 = vector.extract_strided_slice %add3A_3117 {offsets = [7], sizes = [1], strides = [1]} : vector<16xf32> to vector<1xf32>
      %squeeze3A_3133 = vector.extract %slice3A_3132[0] : f32 from vector<1xf32>
      %slice3A_3134 = vector.extract_strided_slice %add3A_3117 {offsets = [8], sizes = [1], strides = [1]} : vector<16xf32> to vector<1xf32>
      %squeeze3A_3135 = vector.extract %slice3A_3134[0] : f32 from vector<1xf32>
      %slice3A_3136 = vector.extract_strided_slice %add3A_3117 {offsets = [9], sizes = [1], strides = [1]} : vector<16xf32> to vector<1xf32>
      %squeeze3A_3137 = vector.extract %slice3A_3136[0] : f32 from vector<1xf32>
      %slice3A_3138 = vector.extract_strided_slice %add3A_3117 {offsets = [10], sizes = [1], strides = [1]} : vector<16xf32> to vector<1xf32>
      %squeeze3A_3139 = vector.extract %slice3A_3138[0] : f32 from vector<1xf32>
      %slice3A_3140 = vector.extract_strided_slice %add3A_3117 {offsets = [11], sizes = [1], strides = [1]} : vector<16xf32> to vector<1xf32>
      %squeeze3A_3141 = vector.extract %slice3A_3140[0] : f32 from vector<1xf32>
      %slice3A_3142 = vector.extract_strided_slice %add3A_3117 {offsets = [12], sizes = [1], strides = [1]} : vector<16xf32> to vector<1xf32>
      %squeeze3A_3143 = vector.extract %slice3A_3142[0] : f32 from vector<1xf32>
      %slice3A_3144 = vector.extract_strided_slice %add3A_3117 {offsets = [13], sizes = [1], strides = [1]} : vector<16xf32> to vector<1xf32>
      %squeeze3A_3145 = vector.extract %slice3A_3144[0] : f32 from vector<1xf32>
      %slice3A_3146 = vector.extract_strided_slice %add3A_3117 {offsets = [14], sizes = [1], strides = [1]} : vector<16xf32> to vector<1xf32>
      %squeeze3A_3147 = vector.extract %slice3A_3146[0] : f32 from vector<1xf32>
      %slice3A_3148 = vector.extract_strided_slice %add3A_3117 {offsets = [15], sizes = [1], strides = [1]} : vector<16xf32> to vector<1xf32>
      %squeeze3A_3149 = vector.extract %slice3A_3148[0] : f32 from vector<1xf32>
      %add3A_3150 = arith.addf %squeeze3A_3119, %squeeze3A_3121 : f32
      %add3A_3151 = arith.addf %squeeze3A_3123, %squeeze3A_3125 : f32
      %add3A_3152 = arith.addf %squeeze3A_3127, %squeeze3A_3129 : f32
      %add3A_3153 = arith.addf %squeeze3A_3131, %squeeze3A_3133 : f32
      %add3A_3154 = arith.addf %squeeze3A_3135, %squeeze3A_3137 : f32
      %add3A_3155 = arith.addf %squeeze3A_3139, %squeeze3A_3141 : f32
      %add3A_3156 = arith.addf %squeeze3A_3143, %squeeze3A_3145 : f32
      %add3A_3157 = arith.addf %squeeze3A_3147, %squeeze3A_3149 : f32
      %add3A_3158 = arith.addf %add3A_3150, %add3A_3151 : f32
      %add3A_3159 = arith.addf %add3A_3152, %add3A_3153 : f32
      %add3A_3160 = arith.addf %add3A_3154, %add3A_3155 : f32
      %add3A_3161 = arith.addf %add3A_3156, %add3A_3157 : f32
      %add3A_3162 = arith.addf %add3A_3158, %add3A_3159 : f32
      %add3A_3163 = arith.addf %add3A_3160, %add3A_3161 : f32
      %add3A_3164 = arith.addf %add3A_3162, %add3A_3163 : f32
      %eq3A_3165 = arith.constant 11 : i32
      %eq3A_3166 = vector.broadcast %eq3A_3165 : i32 to vector<16xi32>
      %eq3A_3167 = arith.cmpi eq, %iota3A, %eq3A_3166 : vector<16xi32>
      %broadcast_in_dim3A_3168 = vector.broadcast %add3A_3164 : f32 to vector<16xf32>
      %select_n3A_3169 = arith.select %eq3A_3167, %broadcast_in_dim3A_3168, %select_n3A_3086 : vector<16xi1>, vector<16xf32>
      %get3A_3170 = arith.constant 12 : i32
      %get3A_3171 = arith.index_cast %get3A_3170 : i32 to index
      %get3A_3172 = arith.constant 0 : index
      %get3A_3173 = tpu.vector_load %arg12[%get3A_3171, %get3A_3172] {strides = array<i32>} : memref<16x32xf32, #tpu.memory_space<vmem>>, vector<1x16xf32>,
      %get3A_3174 = vector.shape_cast %get3A_3173 : vector<1x16xf32> to vector<16xf32>
      %mul3A_3175 = arith.mulf %get3A_3174, %get3A_2 : vector<16xf32>
      %add3A_3176 = arith.addf %mul3A_3175, %get3A_8 : vector<16xf32>
      %get3A_3177 = arith.constant 12 : i32
      %get3A_3178 = arith.index_cast %get3A_3177 : i32 to index
      %get3A_3179 = arith.constant 16 : index
      %get3A_3180 = tpu.vector_load %arg12[%get3A_3178, %get3A_3179] {strides = array<i32>} : memref<16x32xf32, #tpu.memory_space<vmem>>, vector<1x16xf32>,
      %get3A_3181 = vector.shape_cast %get3A_3180 : vector<1x16xf32> to vector<16xf32>
      %mul3A_3182 = arith.mulf %get3A_3181, %get3A_5 : vector<16xf32>
      %add3A_3183 = arith.addf %mul3A_3182, %get3A_11 : vector<16xf32>
      %get3A_3184 = arith.constant 12 : i32
      %get3A_3185 = arith.index_cast %get3A_3184 : i32 to index
      %get3A_3186 = arith.constant 0 : index
      %get3A_3187 = tpu.vector_load %arg14[%get3A_3185, %get3A_3186] {strides = array<i32>} : memref<16x32xf32, #tpu.memory_space<vmem>>, vector<1x16xf32>,
      %get3A_3188 = vector.shape_cast %get3A_3187 : vector<1x16xf32> to vector<16xf32>
      %mul3A_3189 = arith.mulf %get3A_3188, %get3A_2 : vector<16xf32>
      %add3A_3190 = arith.addf %mul3A_3189, %get3A_8 : vector<16xf32>
      %get3A_3191 = arith.constant 12 : i32
      %get3A_3192 = arith.index_cast %get3A_3191 : i32 to index
      %get3A_3193 = arith.constant 16 : index
      %get3A_3194 = tpu.vector_load %arg14[%get3A_3192, %get3A_3193] {strides = array<i32>} : memref<16x32xf32, #tpu.memory_space<vmem>>, vector<1x16xf32>,
      %get3A_3195 = vector.shape_cast %get3A_3194 : vector<1x16xf32> to vector<16xf32>
      %mul3A_3196 = arith.mulf %get3A_3195, %get3A_5 : vector<16xf32>
      %add3A_3197 = arith.addf %mul3A_3196, %get3A_11 : vector<16xf32>
      %mul3A_3198 = arith.mulf %add3A_3176, %add3A_3190 : vector<16xf32>
      %mul3A_3199 = arith.mulf %add3A_3183, %add3A_3197 : vector<16xf32>
      %add3A_3200 = arith.addf %mul3A_3198, %mul3A_3199 : vector<16xf32>
      %slice3A_3201 = vector.extract_strided_slice %add3A_3200 {offsets = [0], sizes = [1], strides = [1]} : vector<16xf32> to vector<1xf32>
      %squeeze3A_3202 = vector.extract %slice3A_3201[0] : f32 from vector<1xf32>
      %slice3A_3203 = vector.extract_strided_slice %add3A_3200 {offsets = [1], sizes = [1], strides = [1]} : vector<16xf32> to vector<1xf32>
      %squeeze3A_3204 = vector.extract %slice3A_3203[0] : f32 from vector<1xf32>
      %slice3A_3205 = vector.extract_strided_slice %add3A_3200 {offsets = [2], sizes = [1], strides = [1]} : vector<16xf32> to vector<1xf32>
      %squeeze3A_3206 = vector.extract %slice3A_3205[0] : f32 from vector<1xf32>
      %slice3A_3207 = vector.extract_strided_slice %add3A_3200 {offsets = [3], sizes = [1], strides = [1]} : vector<16xf32> to vector<1xf32>
      %squeeze3A_3208 = vector.extract %slice3A_3207[0] : f32 from vector<1xf32>
      %slice3A_3209 = vector.extract_strided_slice %add3A_3200 {offsets = [4], sizes = [1], strides = [1]} : vector<16xf32> to vector<1xf32>
      %squeeze3A_3210 = vector.extract %slice3A_3209[0] : f32 from vector<1xf32>
      %slice3A_3211 = vector.extract_strided_slice %add3A_3200 {offsets = [5], sizes = [1], strides = [1]} : vector<16xf32> to vector<1xf32>
      %squeeze3A_3212 = vector.extract %slice3A_3211[0] : f32 from vector<1xf32>
      %slice3A_3213 = vector.extract_strided_slice %add3A_3200 {offsets = [6], sizes = [1], strides = [1]} : vector<16xf32> to vector<1xf32>
      %squeeze3A_3214 = vector.extract %slice3A_3213[0] : f32 from vector<1xf32>
      %slice3A_3215 = vector.extract_strided_slice %add3A_3200 {offsets = [7], sizes = [1], strides = [1]} : vector<16xf32> to vector<1xf32>
      %squeeze3A_3216 = vector.extract %slice3A_3215[0] : f32 from vector<1xf32>
      %slice3A_3217 = vector.extract_strided_slice %add3A_3200 {offsets = [8], sizes = [1], strides = [1]} : vector<16xf32> to vector<1xf32>
      %squeeze3A_3218 = vector.extract %slice3A_3217[0] : f32 from vector<1xf32>
      %slice3A_3219 = vector.extract_strided_slice %add3A_3200 {offsets = [9], sizes = [1], strides = [1]} : vector<16xf32> to vector<1xf32>
      %squeeze3A_3220 = vector.extract %slice3A_3219[0] : f32 from vector<1xf32>
      %slice3A_3221 = vector.extract_strided_slice %add3A_3200 {offsets = [10], sizes = [1], strides = [1]} : vector<16xf32> to vector<1xf32>
      %squeeze3A_3222 = vector.extract %slice3A_3221[0] : f32 from vector<1xf32>
      %slice3A_3223 = vector.extract_strided_slice %add3A_3200 {offsets = [11], sizes = [1], strides = [1]} : vector<16xf32> to vector<1xf32>
      %squeeze3A_3224 = vector.extract %slice3A_3223[0] : f32 from vector<1xf32>
      %slice3A_3225 = vector.extract_strided_slice %add3A_3200 {offsets = [12], sizes = [1], strides = [1]} : vector<16xf32> to vector<1xf32>
      %squeeze3A_3226 = vector.extract %slice3A_3225[0] : f32 from vector<1xf32>
      %slice3A_3227 = vector.extract_strided_slice %add3A_3200 {offsets = [13], sizes = [1], strides = [1]} : vector<16xf32> to vector<1xf32>
      %squeeze3A_3228 = vector.extract %slice3A_3227[0] : f32 from vector<1xf32>
      %slice3A_3229 = vector.extract_strided_slice %add3A_3200 {offsets = [14], sizes = [1], strides = [1]} : vector<16xf32> to vector<1xf32>
      %squeeze3A_3230 = vector.extract %slice3A_3229[0] : f32 from vector<1xf32>
      %slice3A_3231 = vector.extract_strided_slice %add3A_3200 {offsets = [15], sizes = [1], strides = [1]} : vector<16xf32> to vector<1xf32>
      %squeeze3A_3232 = vector.extract %slice3A_3231[0] : f32 from vector<1xf32>
      %add3A_3233 = arith.addf %squeeze3A_3202, %squeeze3A_3204 : f32
      %add3A_3234 = arith.addf %squeeze3A_3206, %squeeze3A_3208 : f32
      %add3A_3235 = arith.addf %squeeze3A_3210, %squeeze3A_3212 : f32
      %add3A_3236 = arith.addf %squeeze3A_3214, %squeeze3A_3216 : f32
      %add3A_3237 = arith.addf %squeeze3A_3218, %squeeze3A_3220 : f32
      %add3A_3238 = arith.addf %squeeze3A_3222, %squeeze3A_3224 : f32
      %add3A_3239 = arith.addf %squeeze3A_3226, %squeeze3A_3228 : f32
      %add3A_3240 = arith.addf %squeeze3A_3230, %squeeze3A_3232 : f32
      %add3A_3241 = arith.addf %add3A_3233, %add3A_3234 : f32
      %add3A_3242 = arith.addf %add3A_3235, %add3A_3236 : f32
      %add3A_3243 = arith.addf %add3A_3237, %add3A_3238 : f32
      %add3A_3244 = arith.addf %add3A_3239, %add3A_3240 : f32
      %add3A_3245 = arith.addf %add3A_3241, %add3A_3242 : f32
      %add3A_3246 = arith.addf %add3A_3243, %add3A_3244 : f32
      %add3A_3247 = arith.addf %add3A_3245, %add3A_3246 : f32
      %eq3A_3248 = arith.constant 12 : i32
      %eq3A_3249 = vector.broadcast %eq3A_3248 : i32 to vector<16xi32>
      %eq3A_3250 = arith.cmpi eq, %iota3A, %eq3A_3249 : vector<16xi32>
      %broadcast_in_dim3A_3251 = vector.broadcast %add3A_3247 : f32 to vector<16xf32>
      %select_n3A_3252 = arith.select %eq3A_3250, %broadcast_in_dim3A_3251, %select_n3A_3169 : vector<16xi1>, vector<16xf32>
      %get3A_3253 = arith.constant 13 : i32
      %get3A_3254 = arith.index_cast %get3A_3253 : i32 to index
      %get3A_3255 = arith.constant 0 : index
      %get3A_3256 = tpu.vector_load %arg12[%get3A_3254, %get3A_3255] {strides = array<i32>} : memref<16x32xf32, #tpu.memory_space<vmem>>, vector<1x16xf32>,
      %get3A_3257 = vector.shape_cast %get3A_3256 : vector<1x16xf32> to vector<16xf32>
      %mul3A_3258 = arith.mulf %get3A_3257, %get3A_2 : vector<16xf32>
      %add3A_3259 = arith.addf %mul3A_3258, %get3A_8 : vector<16xf32>
      %get3A_3260 = arith.constant 13 : i32
      %get3A_3261 = arith.index_cast %get3A_3260 : i32 to index
      %get3A_3262 = arith.constant 16 : index
      %get3A_3263 = tpu.vector_load %arg12[%get3A_3261, %get3A_3262] {strides = array<i32>} : memref<16x32xf32, #tpu.memory_space<vmem>>, vector<1x16xf32>,
      %get3A_3264 = vector.shape_cast %get3A_3263 : vector<1x16xf32> to vector<16xf32>
      %mul3A_3265 = arith.mulf %get3A_3264, %get3A_5 : vector<16xf32>
      %add3A_3266 = arith.addf %mul3A_3265, %get3A_11 : vector<16xf32>
      %get3A_3267 = arith.constant 13 : i32
      %get3A_3268 = arith.index_cast %get3A_3267 : i32 to index
      %get3A_3269 = arith.constant 0 : index
      %get3A_3270 = tpu.vector_load %arg14[%get3A_3268, %get3A_3269] {strides = array<i32>} : memref<16x32xf32, #tpu.memory_space<vmem>>, vector<1x16xf32>,
      %get3A_3271 = vector.shape_cast %get3A_3270 : vector<1x16xf32> to vector<16xf32>
      %mul3A_3272 = arith.mulf %get3A_3271, %get3A_2 : vector<16xf32>
      %add3A_3273 = arith.addf %mul3A_3272, %get3A_8 : vector<16xf32>
      %get3A_3274 = arith.constant 13 : i32
      %get3A_3275 = arith.index_cast %get3A_3274 : i32 to index
      %get3A_3276 = arith.constant 16 : index
      %get3A_3277 = tpu.vector_load %arg14[%get3A_3275, %get3A_3276] {strides = array<i32>} : memref<16x32xf32, #tpu.memory_space<vmem>>, vector<1x16xf32>,
      %get3A_3278 = vector.shape_cast %get3A_3277 : vector<1x16xf32> to vector<16xf32>
      %mul3A_3279 = arith.mulf %get3A_3278, %get3A_5 : vector<16xf32>
      %add3A_3280 = arith.addf %mul3A_3279, %get3A_11 : vector<16xf32>
      %mul3A_3281 = arith.mulf %add3A_3259, %add3A_3273 : vector<16xf32>
      %mul3A_3282 = arith.mulf %add3A_3266, %add3A_3280 : vector<16xf32>
      %add3A_3283 = arith.addf %mul3A_3281, %mul3A_3282 : vector<16xf32>
      %slice3A_3284 = vector.extract_strided_slice %add3A_3283 {offsets = [0], sizes = [1], strides = [1]} : vector<16xf32> to vector<1xf32>
      %squeeze3A_3285 = vector.extract %slice3A_3284[0] : f32 from vector<1xf32>
      %slice3A_3286 = vector.extract_strided_slice %add3A_3283 {offsets = [1], sizes = [1], strides = [1]} : vector<16xf32> to vector<1xf32>
      %squeeze3A_3287 = vector.extract %slice3A_3286[0] : f32 from vector<1xf32>
      %slice3A_3288 = vector.extract_strided_slice %add3A_3283 {offsets = [2], sizes = [1], strides = [1]} : vector<16xf32> to vector<1xf32>
      %squeeze3A_3289 = vector.extract %slice3A_3288[0] : f32 from vector<1xf32>
      %slice3A_3290 = vector.extract_strided_slice %add3A_3283 {offsets = [3], sizes = [1], strides = [1]} : vector<16xf32> to vector<1xf32>
      %squeeze3A_3291 = vector.extract %slice3A_3290[0] : f32 from vector<1xf32>
      %slice3A_3292 = vector.extract_strided_slice %add3A_3283 {offsets = [4], sizes = [1], strides = [1]} : vector<16xf32> to vector<1xf32>
      %squeeze3A_3293 = vector.extract %slice3A_3292[0] : f32 from vector<1xf32>
      %slice3A_3294 = vector.extract_strided_slice %add3A_3283 {offsets = [5], sizes = [1], strides = [1]} : vector<16xf32> to vector<1xf32>
      %squeeze3A_3295 = vector.extract %slice3A_3294[0] : f32 from vector<1xf32>
      %slice3A_3296 = vector.extract_strided_slice %add3A_3283 {offsets = [6], sizes = [1], strides = [1]} : vector<16xf32> to vector<1xf32>
      %squeeze3A_3297 = vector.extract %slice3A_3296[0] : f32 from vector<1xf32>
      %slice3A_3298 = vector.extract_strided_slice %add3A_3283 {offsets = [7], sizes = [1], strides = [1]} : vector<16xf32> to vector<1xf32>
      %squeeze3A_3299 = vector.extract %slice3A_3298[0] : f32 from vector<1xf32>
      %slice3A_3300 = vector.extract_strided_slice %add3A_3283 {offsets = [8], sizes = [1], strides = [1]} : vector<16xf32> to vector<1xf32>
      %squeeze3A_3301 = vector.extract %slice3A_3300[0] : f32 from vector<1xf32>
      %slice3A_3302 = vector.extract_strided_slice %add3A_3283 {offsets = [9], sizes = [1], strides = [1]} : vector<16xf32> to vector<1xf32>
      %squeeze3A_3303 = vector.extract %slice3A_3302[0] : f32 from vector<1xf32>
      %slice3A_3304 = vector.extract_strided_slice %add3A_3283 {offsets = [10], sizes = [1], strides = [1]} : vector<16xf32> to vector<1xf32>
      %squeeze3A_3305 = vector.extract %slice3A_3304[0] : f32 from vector<1xf32>
      %slice3A_3306 = vector.extract_strided_slice %add3A_3283 {offsets = [11], sizes = [1], strides = [1]} : vector<16xf32> to vector<1xf32>
      %squeeze3A_3307 = vector.extract %slice3A_3306[0] : f32 from vector<1xf32>
      %slice3A_3308 = vector.extract_strided_slice %add3A_3283 {offsets = [12], sizes = [1], strides = [1]} : vector<16xf32> to vector<1xf32>
      %squeeze3A_3309 = vector.extract %slice3A_3308[0] : f32 from vector<1xf32>
      %slice3A_3310 = vector.extract_strided_slice %add3A_3283 {offsets = [13], sizes = [1], strides = [1]} : vector<16xf32> to vector<1xf32>
      %squeeze3A_3311 = vector.extract %slice3A_3310[0] : f32 from vector<1xf32>
      %slice3A_3312 = vector.extract_strided_slice %add3A_3283 {offsets = [14], sizes = [1], strides = [1]} : vector<16xf32> to vector<1xf32>
      %squeeze3A_3313 = vector.extract %slice3A_3312[0] : f32 from vector<1xf32>
      %slice3A_3314 = vector.extract_strided_slice %add3A_3283 {offsets = [15], sizes = [1], strides = [1]} : vector<16xf32> to vector<1xf32>
      %squeeze3A_3315 = vector.extract %slice3A_3314[0] : f32 from vector<1xf32>
      %add3A_3316 = arith.addf %squeeze3A_3285, %squeeze3A_3287 : f32
      %add3A_3317 = arith.addf %squeeze3A_3289, %squeeze3A_3291 : f32
      %add3A_3318 = arith.addf %squeeze3A_3293, %squeeze3A_3295 : f32
      %add3A_3319 = arith.addf %squeeze3A_3297, %squeeze3A_3299 : f32
      %add3A_3320 = arith.addf %squeeze3A_3301, %squeeze3A_3303 : f32
      %add3A_3321 = arith.addf %squeeze3A_3305, %squeeze3A_3307 : f32
      %add3A_3322 = arith.addf %squeeze3A_3309, %squeeze3A_3311 : f32
      %add3A_3323 = arith.addf %squeeze3A_3313, %squeeze3A_3315 : f32
      %add3A_3324 = arith.addf %add3A_3316, %add3A_3317 : f32
      %add3A_3325 = arith.addf %add3A_3318, %add3A_3319 : f32
      %add3A_3326 = arith.addf %add3A_3320, %add3A_3321 : f32
      %add3A_3327 = arith.addf %add3A_3322, %add3A_3323 : f32
      %add3A_3328 = arith.addf %add3A_3324, %add3A_3325 : f32
      %add3A_3329 = arith.addf %add3A_3326, %add3A_3327 : f32
      %add3A_3330 = arith.addf %add3A_3328, %add3A_3329 : f32
      %eq3A_3331 = arith.constant 13 : i32
      %eq3A_3332 = vector.broadcast %eq3A_3331 : i32 to vector<16xi32>
      %eq3A_3333 = arith.cmpi eq, %iota3A, %eq3A_3332 : vector<16xi32>
      %broadcast_in_dim3A_3334 = vector.broadcast %add3A_3330 : f32 to vector<16xf32>
      %select_n3A_3335 = arith.select %eq3A_3333, %broadcast_in_dim3A_3334, %select_n3A_3252 : vector<16xi1>, vector<16xf32>
      %get3A_3336 = arith.constant 14 : i32
      %get3A_3337 = arith.index_cast %get3A_3336 : i32 to index
      %get3A_3338 = arith.constant 0 : index
      %get3A_3339 = tpu.vector_load %arg12[%get3A_3337, %get3A_3338] {strides = array<i32>} : memref<16x32xf32, #tpu.memory_space<vmem>>, vector<1x16xf32>,
      %get3A_3340 = vector.shape_cast %get3A_3339 : vector<1x16xf32> to vector<16xf32>
      %mul3A_3341 = arith.mulf %get3A_3340, %get3A_2 : vector<16xf32>
      %add3A_3342 = arith.addf %mul3A_3341, %get3A_8 : vector<16xf32>
      %get3A_3343 = arith.constant 14 : i32
      %get3A_3344 = arith.index_cast %get3A_3343 : i32 to index
      %get3A_3345 = arith.constant 16 : index
      %get3A_3346 = tpu.vector_load %arg12[%get3A_3344, %get3A_3345] {strides = array<i32>} : memref<16x32xf32, #tpu.memory_space<vmem>>, vector<1x16xf32>,
      %get3A_3347 = vector.shape_cast %get3A_3346 : vector<1x16xf32> to vector<16xf32>
      %mul3A_3348 = arith.mulf %get3A_3347, %get3A_5 : vector<16xf32>
      %add3A_3349 = arith.addf %mul3A_3348, %get3A_11 : vector<16xf32>
      %get3A_3350 = arith.constant 14 : i32
      %get3A_3351 = arith.index_cast %get3A_3350 : i32 to index
      %get3A_3352 = arith.constant 0 : index
      %get3A_3353 = tpu.vector_load %arg14[%get3A_3351, %get3A_3352] {strides = array<i32>} : memref<16x32xf32, #tpu.memory_space<vmem>>, vector<1x16xf32>,
      %get3A_3354 = vector.shape_cast %get3A_3353 : vector<1x16xf32> to vector<16xf32>
      %mul3A_3355 = arith.mulf %get3A_3354, %get3A_2 : vector<16xf32>
      %add3A_3356 = arith.addf %mul3A_3355, %get3A_8 : vector<16xf32>
      %get3A_3357 = arith.constant 14 : i32
      %get3A_3358 = arith.index_cast %get3A_3357 : i32 to index
      %get3A_3359 = arith.constant 16 : index
      %get3A_3360 = tpu.vector_load %arg14[%get3A_3358, %get3A_3359] {strides = array<i32>} : memref<16x32xf32, #tpu.memory_space<vmem>>, vector<1x16xf32>,
      %get3A_3361 = vector.shape_cast %get3A_3360 : vector<1x16xf32> to vector<16xf32>
      %mul3A_3362 = arith.mulf %get3A_3361, %get3A_5 : vector<16xf32>
      %add3A_3363 = arith.addf %mul3A_3362, %get3A_11 : vector<16xf32>
      %mul3A_3364 = arith.mulf %add3A_3342, %add3A_3356 : vector<16xf32>
      %mul3A_3365 = arith.mulf %add3A_3349, %add3A_3363 : vector<16xf32>
      %add3A_3366 = arith.addf %mul3A_3364, %mul3A_3365 : vector<16xf32>
      %slice3A_3367 = vector.extract_strided_slice %add3A_3366 {offsets = [0], sizes = [1], strides = [1]} : vector<16xf32> to vector<1xf32>
      %squeeze3A_3368 = vector.extract %slice3A_3367[0] : f32 from vector<1xf32>
      %slice3A_3369 = vector.extract_strided_slice %add3A_3366 {offsets = [1], sizes = [1], strides = [1]} : vector<16xf32> to vector<1xf32>
      %squeeze3A_3370 = vector.extract %slice3A_3369[0] : f32 from vector<1xf32>
      %slice3A_3371 = vector.extract_strided_slice %add3A_3366 {offsets = [2], sizes = [1], strides = [1]} : vector<16xf32> to vector<1xf32>
      %squeeze3A_3372 = vector.extract %slice3A_3371[0] : f32 from vector<1xf32>
      %slice3A_3373 = vector.extract_strided_slice %add3A_3366 {offsets = [3], sizes = [1], strides = [1]} : vector<16xf32> to vector<1xf32>
      %squeeze3A_3374 = vector.extract %slice3A_3373[0] : f32 from vector<1xf32>
      %slice3A_3375 = vector.extract_strided_slice %add3A_3366 {offsets = [4], sizes = [1], strides = [1]} : vector<16xf32> to vector<1xf32>
      %squeeze3A_3376 = vector.extract %slice3A_3375[0] : f32 from vector<1xf32>
      %slice3A_3377 = vector.extract_strided_slice %add3A_3366 {offsets = [5], sizes = [1], strides = [1]} : vector<16xf32> to vector<1xf32>
      %squeeze3A_3378 = vector.extract %slice3A_3377[0] : f32 from vector<1xf32>
      %slice3A_3379 = vector.extract_strided_slice %add3A_3366 {offsets = [6], sizes = [1], strides = [1]} : vector<16xf32> to vector<1xf32>
      %squeeze3A_3380 = vector.extract %slice3A_3379[0] : f32 from vector<1xf32>
      %slice3A_3381 = vector.extract_strided_slice %add3A_3366 {offsets = [7], sizes = [1], strides = [1]} : vector<16xf32> to vector<1xf32>
      %squeeze3A_3382 = vector.extract %slice3A_3381[0] : f32 from vector<1xf32>
      %slice3A_3383 = vector.extract_strided_slice %add3A_3366 {offsets = [8], sizes = [1], strides = [1]} : vector<16xf32> to vector<1xf32>
      %squeeze3A_3384 = vector.extract %slice3A_3383[0] : f32 from vector<1xf32>
      %slice3A_3385 = vector.extract_strided_slice %add3A_3366 {offsets = [9], sizes = [1], strides = [1]} : vector<16xf32> to vector<1xf32>
      %squeeze3A_3386 = vector.extract %slice3A_3385[0] : f32 from vector<1xf32>
      %slice3A_3387 = vector.extract_strided_slice %add3A_3366 {offsets = [10], sizes = [1], strides = [1]} : vector<16xf32> to vector<1xf32>
      %squeeze3A_3388 = vector.extract %slice3A_3387[0] : f32 from vector<1xf32>
      %slice3A_3389 = vector.extract_strided_slice %add3A_3366 {offsets = [11], sizes = [1], strides = [1]} : vector<16xf32> to vector<1xf32>
      %squeeze3A_3390 = vector.extract %slice3A_3389[0] : f32 from vector<1xf32>
      %slice3A_3391 = vector.extract_strided_slice %add3A_3366 {offsets = [12], sizes = [1], strides = [1]} : vector<16xf32> to vector<1xf32>
      %squeeze3A_3392 = vector.extract %slice3A_3391[0] : f32 from vector<1xf32>
      %slice3A_3393 = vector.extract_strided_slice %add3A_3366 {offsets = [13], sizes = [1], strides = [1]} : vector<16xf32> to vector<1xf32>
      %squeeze3A_3394 = vector.extract %slice3A_3393[0] : f32 from vector<1xf32>
      %slice3A_3395 = vector.extract_strided_slice %add3A_3366 {offsets = [14], sizes = [1], strides = [1]} : vector<16xf32> to vector<1xf32>
      %squeeze3A_3396 = vector.extract %slice3A_3395[0] : f32 from vector<1xf32>
      %slice3A_3397 = vector.extract_strided_slice %add3A_3366 {offsets = [15], sizes = [1], strides = [1]} : vector<16xf32> to vector<1xf32>
      %squeeze3A_3398 = vector.extract %slice3A_3397[0] : f32 from vector<1xf32>
      %add3A_3399 = arith.addf %squeeze3A_3368, %squeeze3A_3370 : f32
      %add3A_3400 = arith.addf %squeeze3A_3372, %squeeze3A_3374 : f32
      %add3A_3401 = arith.addf %squeeze3A_3376, %squeeze3A_3378 : f32
      %add3A_3402 = arith.addf %squeeze3A_3380, %squeeze3A_3382 : f32
      %add3A_3403 = arith.addf %squeeze3A_3384, %squeeze3A_3386 : f32
      %add3A_3404 = arith.addf %squeeze3A_3388, %squeeze3A_3390 : f32
      %add3A_3405 = arith.addf %squeeze3A_3392, %squeeze3A_3394 : f32
      %add3A_3406 = arith.addf %squeeze3A_3396, %squeeze3A_3398 : f32
      %add3A_3407 = arith.addf %add3A_3399, %add3A_3400 : f32
      %add3A_3408 = arith.addf %add3A_3401, %add3A_3402 : f32
      %add3A_3409 = arith.addf %add3A_3403, %add3A_3404 : f32
      %add3A_3410 = arith.addf %add3A_3405, %add3A_3406 : f32
      %add3A_3411 = arith.addf %add3A_3407, %add3A_3408 : f32
      %add3A_3412 = arith.addf %add3A_3409, %add3A_3410 : f32
      %add3A_3413 = arith.addf %add3A_3411, %add3A_3412 : f32
      %eq3A_3414 = arith.constant 14 : i32
      %eq3A_3415 = vector.broadcast %eq3A_3414 : i32 to vector<16xi32>
      %eq3A_3416 = arith.cmpi eq, %iota3A, %eq3A_3415 : vector<16xi32>
      %broadcast_in_dim3A_3417 = vector.broadcast %add3A_3413 : f32 to vector<16xf32>
      %select_n3A_3418 = arith.select %eq3A_3416, %broadcast_in_dim3A_3417, %select_n3A_3335 : vector<16xi1>, vector<16xf32>
      %get3A_3419 = arith.constant 15 : i32
      %get3A_3420 = arith.index_cast %get3A_3419 : i32 to index
      %get3A_3421 = arith.constant 0 : index
      %get3A_3422 = tpu.vector_load %arg12[%get3A_3420, %get3A_3421] {strides = array<i32>} : memref<16x32xf32, #tpu.memory_space<vmem>>, vector<1x16xf32>,
      %get3A_3423 = vector.shape_cast %get3A_3422 : vector<1x16xf32> to vector<16xf32>
      %mul3A_3424 = arith.mulf %get3A_3423, %get3A_2 : vector<16xf32>
      %add3A_3425 = arith.addf %mul3A_3424, %get3A_8 : vector<16xf32>
      %get3A_3426 = arith.constant 15 : i32
      %get3A_3427 = arith.index_cast %get3A_3426 : i32 to index
      %get3A_3428 = arith.constant 16 : index
      %get3A_3429 = tpu.vector_load %arg12[%get3A_3427, %get3A_3428] {strides = array<i32>} : memref<16x32xf32, #tpu.memory_space<vmem>>, vector<1x16xf32>,
      %get3A_3430 = vector.shape_cast %get3A_3429 : vector<1x16xf32> to vector<16xf32>
      %mul3A_3431 = arith.mulf %get3A_3430, %get3A_5 : vector<16xf32>
      %add3A_3432 = arith.addf %mul3A_3431, %get3A_11 : vector<16xf32>
      %get3A_3433 = arith.constant 15 : i32
      %get3A_3434 = arith.index_cast %get3A_3433 : i32 to index
      %get3A_3435 = arith.constant 0 : index
      %get3A_3436 = tpu.vector_load %arg14[%get3A_3434, %get3A_3435] {strides = array<i32>} : memref<16x32xf32, #tpu.memory_space<vmem>>, vector<1x16xf32>,
      %get3A_3437 = vector.shape_cast %get3A_3436 : vector<1x16xf32> to vector<16xf32>
      %mul3A_3438 = arith.mulf %get3A_3437, %get3A_2 : vector<16xf32>
      %add3A_3439 = arith.addf %mul3A_3438, %get3A_8 : vector<16xf32>
      %get3A_3440 = arith.constant 15 : i32
      %get3A_3441 = arith.index_cast %get3A_3440 : i32 to index
      %get3A_3442 = arith.constant 16 : index
      %get3A_3443 = tpu.vector_load %arg14[%get3A_3441, %get3A_3442] {strides = array<i32>} : memref<16x32xf32, #tpu.memory_space<vmem>>, vector<1x16xf32>,
      %get3A_3444 = vector.shape_cast %get3A_3443 : vector<1x16xf32> to vector<16xf32>
      %mul3A_3445 = arith.mulf %get3A_3444, %get3A_5 : vector<16xf32>
      %add3A_3446 = arith.addf %mul3A_3445, %get3A_11 : vector<16xf32>
      %mul3A_3447 = arith.mulf %add3A_3425, %add3A_3439 : vector<16xf32>
      %mul3A_3448 = arith.mulf %add3A_3432, %add3A_3446 : vector<16xf32>
      %add3A_3449 = arith.addf %mul3A_3447, %mul3A_3448 : vector<16xf32>
      %slice3A_3450 = vector.extract_strided_slice %add3A_3449 {offsets = [0], sizes = [1], strides = [1]} : vector<16xf32> to vector<1xf32>
      %squeeze3A_3451 = vector.extract %slice3A_3450[0] : f32 from vector<1xf32>
      %slice3A_3452 = vector.extract_strided_slice %add3A_3449 {offsets = [1], sizes = [1], strides = [1]} : vector<16xf32> to vector<1xf32>
      %squeeze3A_3453 = vector.extract %slice3A_3452[0] : f32 from vector<1xf32>
      %slice3A_3454 = vector.extract_strided_slice %add3A_3449 {offsets = [2], sizes = [1], strides = [1]} : vector<16xf32> to vector<1xf32>
      %squeeze3A_3455 = vector.extract %slice3A_3454[0] : f32 from vector<1xf32>
      %slice3A_3456 = vector.extract_strided_slice %add3A_3449 {offsets = [3], sizes = [1], strides = [1]} : vector<16xf32> to vector<1xf32>
      %squeeze3A_3457 = vector.extract %slice3A_3456[0] : f32 from vector<1xf32>
      %slice3A_3458 = vector.extract_strided_slice %add3A_3449 {offsets = [4], sizes = [1], strides = [1]} : vector<16xf32> to vector<1xf32>
      %squeeze3A_3459 = vector.extract %slice3A_3458[0] : f32 from vector<1xf32>
      %slice3A_3460 = vector.extract_strided_slice %add3A_3449 {offsets = [5], sizes = [1], strides = [1]} : vector<16xf32> to vector<1xf32>
      %squeeze3A_3461 = vector.extract %slice3A_3460[0] : f32 from vector<1xf32>
      %slice3A_3462 = vector.extract_strided_slice %add3A_3449 {offsets = [6], sizes = [1], strides = [1]} : vector<16xf32> to vector<1xf32>
      %squeeze3A_3463 = vector.extract %slice3A_3462[0] : f32 from vector<1xf32>
      %slice3A_3464 = vector.extract_strided_slice %add3A_3449 {offsets = [7], sizes = [1], strides = [1]} : vector<16xf32> to vector<1xf32>
      %squeeze3A_3465 = vector.extract %slice3A_3464[0] : f32 from vector<1xf32>
      %slice3A_3466 = vector.extract_strided_slice %add3A_3449 {offsets = [8], sizes = [1], strides = [1]} : vector<16xf32> to vector<1xf32>
      %squeeze3A_3467 = vector.extract %slice3A_3466[0] : f32 from vector<1xf32>
      %slice3A_3468 = vector.extract_strided_slice %add3A_3449 {offsets = [9], sizes = [1], strides = [1]} : vector<16xf32> to vector<1xf32>
      %squeeze3A_3469 = vector.extract %slice3A_3468[0] : f32 from vector<1xf32>
      %slice3A_3470 = vector.extract_strided_slice %add3A_3449 {offsets = [10], sizes = [1], strides = [1]} : vector<16xf32> to vector<1xf32>
      %squeeze3A_3471 = vector.extract %slice3A_3470[0] : f32 from vector<1xf32>
      %slice3A_3472 = vector.extract_strided_slice %add3A_3449 {offsets = [11], sizes = [1], strides = [1]} : vector<16xf32> to vector<1xf32>
      %squeeze3A_3473 = vector.extract %slice3A_3472[0] : f32 from vector<1xf32>
      %slice3A_3474 = vector.extract_strided_slice %add3A_3449 {offsets = [12], sizes = [1], strides = [1]} : vector<16xf32> to vector<1xf32>
      %squeeze3A_3475 = vector.extract %slice3A_3474[0] : f32 from vector<1xf32>
      %slice3A_3476 = vector.extract_strided_slice %add3A_3449 {offsets = [13], sizes = [1], strides = [1]} : vector<16xf32> to vector<1xf32>
      %squeeze3A_3477 = vector.extract %slice3A_3476[0] : f32 from vector<1xf32>
      %slice3A_3478 = vector.extract_strided_slice %add3A_3449 {offsets = [14], sizes = [1], strides = [1]} : vector<16xf32> to vector<1xf32>
      %squeeze3A_3479 = vector.extract %slice3A_3478[0] : f32 from vector<1xf32>
      %slice3A_3480 = vector.extract_strided_slice %add3A_3449 {offsets = [15], sizes = [1], strides = [1]} : vector<16xf32> to vector<1xf32>
      %squeeze3A_3481 = vector.extract %slice3A_3480[0] : f32 from vector<1xf32>
      %add3A_3482 = arith.addf %squeeze3A_3451, %squeeze3A_3453 : f32
      %add3A_3483 = arith.addf %squeeze3A_3455, %squeeze3A_3457 : f32
      %add3A_3484 = arith.addf %squeeze3A_3459, %squeeze3A_3461 : f32
      %add3A_3485 = arith.addf %squeeze3A_3463, %squeeze3A_3465 : f32
      %add3A_3486 = arith.addf %squeeze3A_3467, %squeeze3A_3469 : f32
      %add3A_3487 = arith.addf %squeeze3A_3471, %squeeze3A_3473 : f32
      %add3A_3488 = arith.addf %squeeze3A_3475, %squeeze3A_3477 : f32
      %add3A_3489 = arith.addf %squeeze3A_3479, %squeeze3A_3481 : f32
      %add3A_3490 = arith.addf %add3A_3482, %add3A_3483 : f32
      %add3A_3491 = arith.addf %add3A_3484, %add3A_3485 : f32
      %add3A_3492 = arith.addf %add3A_3486, %add3A_3487 : f32
      %add3A_3493 = arith.addf %add3A_3488, %add3A_3489 : f32
      %add3A_3494 = arith.addf %add3A_3490, %add3A_3491 : f32
      %add3A_3495 = arith.addf %add3A_3492, %add3A_3493 : f32
      %add3A_3496 = arith.addf %add3A_3494, %add3A_3495 : f32
      %eq3A_3497 = arith.constant 15 : i32
      %eq3A_3498 = vector.broadcast %eq3A_3497 : i32 to vector<16xi32>
      %eq3A_3499 = arith.cmpi eq, %iota3A, %eq3A_3498 : vector<16xi32>
      %broadcast_in_dim3A_3500 = vector.broadcast %add3A_3496 : f32 to vector<16xf32>
      %select_n3A_3501 = arith.select %eq3A_3499, %broadcast_in_dim3A_3500, %select_n3A_3418 : vector<16xi1>, vector<16xf32>
      %mul3A_3502 = arith.constant 16 : i32
      %mul3A_3503 = arith.muli %add3A_2171, %mul3A_3502 : i32
      %swap3A_3504 = arith.index_cast %mul3A_3503 : i32 to index
      %swap3A_3505 = tpu.vector_load %arg17[%swap3A_3504] {strides = array<i32>} : memref<512xf32, #tpu.memory_space<vmem>>, vector<16xf32>,
      %swap3A_3506 = vector.shape_cast %swap3A_3505 : vector<16xf32> to vector<16xf32>
      %swap3A_3507 = vector.shape_cast %select_n3A_3501 : vector<16xf32> to vector<16xf32>
      tpu.vector_store %arg17[%swap3A_3504], %swap3A_3507 {strides = array<i32>} : memref<512xf32, #tpu.memory_space<vmem>>, vector<16xf32>,
    }
    %scan3A_407 = arith.constant 16 : i32
    %mul3A_408 = arith.constant 512 : i32
    %mul3A_409 = arith.muli %add3A, %mul3A_408 : i32
    "tpu.region"() ({
      %run_scoped3A = tpu.sem_alloc : memref<!tpu.dma_semaphore, #tpu.memory_space<semaphore_mem>>
      %dma_start3A_410 = tpu.memref_slice %arg8[%mul3A_409] : memref<16384xf32, #tpu.memory_space<hbm>> -> memref<512xf32, #tpu.memory_space<hbm>>
      %dma_start3A_411 = tpu.memref_slice %arg8[%mul3A_409] : memref<16384xf32, #tpu.memory_space<hbm>> -> memref<512xf32, #tpu.memory_space<hbm>>
      tpu.enqueue_dma source(%arg17 : memref<512xf32, #tpu.memory_space<vmem>>) target(%dma_start3A_411 : memref<512xf32, #tpu.memory_space<hbm>>) target_semaphore(%run_scoped3A : memref<!tpu.dma_semaphore, #tpu.memory_space<semaphore_mem>>)
      %dma_wait3A = tpu.memref_slice %arg8[%mul3A_409] : memref<16384xf32, #tpu.memory_space<hbm>> -> memref<512xf32, #tpu.memory_space<hbm>>
      %dma_wait3A_412 = tpu.memref_slice %arg8[%mul3A_409] : memref<16384xf32, #tpu.memory_space<hbm>> -> memref<512xf32, #tpu.memory_space<hbm>>
      tpu.wait_dma2 semaphore(%run_scoped3A : memref<!tpu.dma_semaphore, #tpu.memory_space<semaphore_mem>>) src(%arg17 : memref<512xf32, #tpu.memory_space<vmem>>) dst(%dma_wait3A_412 : memref<512xf32, #tpu.memory_space<hbm>>)
      tpu.yield
    }) : () -> ()
    return
  }
}

</mosaic_0001>

<sc_bundles>
// kernel: _run.3.cloned.1.call-start
scs
__scs_entry_jumppad:
0x0: {  	(pc) =	sbr.rel $0x88, $3  }
0x1: {  	(tag) =	ssettag $0x0;
	lr =	simm.s32 $0x1  }
0x2: {  	[smem:$0x3F9B] =	sst lr;
	_ =	strace $0xD0000000  }
0x3: {  	_ = 	snop  }
0x4: {  	_ = 	snop  }
0x5: {  	_ = 	snop  }
0x6: {  	_ = 	snop  }
0x7: {  	_ = 	snop  }
__scs_overlays_trampoline_lowered:
0x8: {  	[smem:$0x3FAA] =	sst s0  }
0x9: {  	[smem:$0x3FAB] =	sst s1  }
0xa: {  	[smem:$0x3FAC] =	sst s2  }
0xb: {  	[smem:$0x3FAD] =	sst s3  }
0xc: {  	[smem:$0x3FAE] =	sst s4  }
0xd: {  	[smem:$0x3FAF] =	sst s5  }
0xe: {  	[smem:$0x3FB0] =	sst s6  }
0xf: {  	[smem:$0x3FB1] =	sst s7  }
0x10: {  	[smem:$0x3FB2] =	sst s8  }
0x11: {  	[smem:$0x3FB3] =	sst s9;
	s0 =	simm.s32 @!p0 $0x0  }
0x12: {  	s1 =	sld [smem:$0x3F99];
	s0 =	simm.s32 @p0 $0x1  }
0x13: {  	[smem:$0x3FB4] =	sst s0;
	s0 =	simm.s32 @!p1 $0x0  }
0x14: {  	s2 =	sld [smem:$0x3F98];
	s0 =	simm.s32 @p1 $0x1  }
0x15: {  	[smem:$0x3FB5] =	sst s0;
	s0 =	simm.s32 @!p2 $0x0  }
0x16: {  	s3 =	sld [smem:$0x3FDB];
	s0 =	simm.s32 @p2 $0x1  }
0x17: {  	s4 =	simm.s32 $0x1BF5;
	[smem:$0x3FB7] =	sst s0  }
0x18: {  	s0 =	sld [smem:$0x3F9A];
	_ =	swait.ge [sflag:s4], $0x0  }
0x19: {  	s7 =	sld [smem:$0x3F9B]  }
0x1a: {  	s8 =	sadd.s32 $0xFFFFE003, lr  }
0x1b: {  	s9 =	sadd.s32 $0xFFFFFEF7, lr;
	s5 =	simm.s32 $0xFFFFFFFF;
	p2 =	slt.u32 s8, $0xFFFFF086  }
0x1c: {  	p1 =	slt.u32 s9, $0xF7A;
	s5 =	simm.s32 @!p2 $0x0  }
0x1d: {  	s5 =	simm.s32 @p1 $0x1;
	p0 =	seq.s32 s7, s2  }
0x1e: {  	s7 =	smul.u32 @!p0 $0xF7A, s2;
	p2 =	seq.s32 @!p0 s5, $0x0  }
0x1f: {  	s9 =	smul.u32 $0xF7A, s1;
	s8 =	simm.s32 @!p0 $0x1BF5;
	p2 =	por !p2, p0  }
0x20: {  	[sflag:s8] =	ssyncset.s32 @!p0 $0xFFFFF086;
	s6 =	sadd.s32 @!p0 s3, s7;
	s7 =	simm.s32 @!p0 $0x108  }
0x21: {  	s3 =	sadd.s32 s3, s9;
	s6 =	sadd.s32 @!p0 $0x88, s6;
	s7 =	simm.s32 @p2 $0x1082  }
0x22: {  	[simem:s7], [sflag:s8] =	dma.local @!p0 [hbm:s6], $0xF7A  }
0x23: {  	s9 =	sor.u32 $0xD0000000, s2;
	s6 =	simm.s32 $0x108;
	_ =	swait.ge @!p0 [sflag:s8], $0x0  }
0x24: {  	s3 =	sadd.s32 $0x88, s3;
	s6 =	simm.s32 @!p1 $0x1082;
	[sflag:s4] =	ssyncset.s32 $0xFFFFF086  }
0x25: {  	[simem:s6], [sflag:s4] =	dma.local [hbm:s3], $0xF7A  }
0x26: {  	[smem:$0x3F9B] =	sst s1;
	(tag) =	ssettag s2;
	_ =	strace s9  }
0x27: {  	s1 =	sld [smem:$0x3FAB]  }
0x28: {  	s2 =	sld [smem:$0x3FAC]  }
0x29: {  	s4 =	sld [smem:$0x3FAE]  }
0x2a: {  	p0 =	seq.s32 s5, $0x0;
	s5 =	sld [smem:$0x3FAF]  }
0x2b: {  	s6 =	sld [smem:$0x3FB0]  }
0x2c: {  	s7 =	sld [smem:$0x3FB1]  }
0x2d: {  	s3 =	simm.s32 $0x108;
	s8 =	sld [smem:$0x3FB2]  }
0x2e: {  	s3 =	simm.s32 @!p0 $0x1082;
	s9 =	sld [smem:$0x3FB3]  }
0x2f: {  	lr =	sadd.s32 s0, s3;
	s0 =	sld [smem:$0x3FAA]  }
0x30: {  	s3 =	sld [smem:$0x3FAD]  }
0x31: {  	[smem:$0x3FB6] =	sst s10  }
0x32: {  	s10 =	sld [smem:$0x3FB4];
	_ =	sdelay $0x3  }
0x33: {  	p0 =	seq.s32 s10, $0x1;
	s10 =	sld [smem:$0x3FB6];
	_ =	sdelay $0x3  }
0x34: {  	[smem:$0x3FB6] =	sst s10  }
0x35: {  	s10 =	sld [smem:$0x3FB5];
	_ =	sdelay $0x3  }
0x36: {  	p1 =	seq.s32 s10, $0x1;
	s10 =	sld [smem:$0x3FB6];
	_ =	sdelay $0x3  }
0x37: {  	[smem:$0x3FB6] =	sst s10  }
0x38: {  	s10 =	sld [smem:$0x3FB7]  }
0x39: {  	_ = 	snop;
	(pc) =	sbr.ind lr, $3  }
0x3a: {  	_ = 	snop  }
0x3b: {  	_ = 	snop  }
0x3c: {  	p2 =	seq.s32 s10, $0x1;
	s10 =	sld [smem:$0x3FB6]  }
0x3d: {  	_ =	shalt  }
0x3e: {  	_ =	shalt  }
0x3f: {  	_ =	shalt  }
0x40: {  	_ =	shalt  }
0x41: {  	_ =	shalt  }
0x42: {  	_ =	shalt  }
0x43: {  	_ =	shalt  }
0x44: {  	_ =	shalt  }
0x45: {  	_ =	shalt  }
0x46: {  	_ =	shalt  }
0x47: {  	_ =	shalt  }
0x48: {  	_ =	shalt  }
0x49: {  	_ =	shalt  }
0x4a: {  	_ =	shalt  }
0x4b: {  	_ =	shalt  }
0x4c: {  	_ =	shalt  }
0x4d: {  	_ =	shalt  }
0x4e: {  	_ =	shalt  }
0x4f: {  	_ =	shalt  }
0x50: {  	_ =	shalt  }
0x51: {  	_ =	shalt  }
0x52: {  	_ =	shalt  }
0x53: {  	_ =	shalt  }
0x54: {  	_ =	shalt  }
0x55: {  	_ =	shalt  }
0x56: {  	_ =	shalt  }
0x57: {  	_ =	shalt  }
0x58: {  	_ =	shalt  }
0x59: {  	_ =	shalt  }
0x5a: {  	_ =	shalt  }
0x5b: {  	_ =	shalt  }
0x5c: {  	_ =	shalt  }
0x5d: {  	_ =	shalt  }
0x5e: {  	_ =	shalt  }
0x5f: {  	_ =	shalt  }
0x60: {  	_ =	shalt  }
0x61: {  	_ =	shalt  }
0x62: {  	_ =	shalt  }
0x63: {  	_ =	shalt  }
0x64: {  	_ =	shalt  }
0x65: {  	_ =	shalt  }
0x66: {  	_ =	shalt  }
0x67: {  	_ =	shalt  }
0x68: {  	_ =	shalt  }
0x69: {  	_ =	shalt  }
0x6a: {  	_ =	shalt  }
0x6b: {  	_ =	shalt  }
0x6c: {  	_ =	shalt  }
0x6d: {  	_ =	shalt  }
0x6e: {  	_ =	shalt  }
0x6f: {  	_ =	shalt  }
0x70: {  	_ =	shalt  }
0x71: {  	_ =	shalt  }
0x72: {  	_ =	shalt  }
0x73: {  	_ =	shalt  }
0x74: {  	_ =	shalt  }
0x75: {  	_ =	shalt  }
0x76: {  	_ =	shalt  }
0x77: {  	_ =	shalt  }
0x78: {  	_ =	shalt  }
0x79: {  	_ =	shalt  }
0x7a: {  	_ =	shalt  }
0x7b: {  	_ =	shalt  }
0x7c: {  	_ =	shalt  }
0x7d: {  	_ =	shalt  }
0x7e: {  	_ =	shalt  }
0x7f: {  	_ =	shalt  }
0x80: {  	_ =	shalt  }
0x81: {  	_ =	shalt  }
0x82: {  	_ =	shalt  }
0x83: {  	_ =	shalt  }
0x84: {  	_ =	shalt  }
0x85: {  	_ =	shalt  }
0x86: {  	_ =	shalt  }
0x87: {  	_ =	shalt  }
.Lfunc_end0:
.L_simem_size_0:
called_computation_lowered:
.L_overlay_start_0:
0x88: {  	s2 =	sld [smem:$0x3FD9]  }
0x89: {  	s3 =	sld [smem:$0x3FFE];
	_ =	sdelay $0x1  }
0x8a: {  	s1 =	srdreg.scid  }
0x8b: {  	s0 =	sand.u32 $0x1, s1  }
0x8c: {  	s17 =	sshll.u32 s0, $0xA;
	s2 =	sadd.s32 s3, s2  }
0x8d: {  	s2 =	sadd.s32 s2, s17  }
0x8e: {  	[smem:$0x3FC2] =	sst s2  }
0x8f: {  	_ = 	snop  }
0x90: {  	s2 =	sld [smem:$0x3FC9]  }
0x91: {  	s18 =	sld [smem:$0x3FC8]  }
0x92: {  	s4 =	sld [smem:$0x3FC5]  }
0x93: {  	s5 =	sld [smem:$0x3FC4]  }
0x94: {  	s6 =	sld [smem:$0x3FD0];
	(tm) =	ssettm $0x1  }
0x95: {  	s7 =	sld [smem:$0x3FFB];
	_ =	sdelay $0x3  }
0x96: {  	_ =	strace s7  }
0x97: {  	s7 =	sld [smem:$0x3FFC];
	_ =	sdelay $0x3  }
0x98: {  	_ =	strace s7  }
0x99: {  	s7 =	sld [smem:$0x3FFD];
	_ =	sdelay $0x3  }
0x9a: {  	_ =	strace s7  }
0x9b: {  	_ =	strace $0x8FFFFFFF  }
0x9c: {  	s19 =	sld [smem:$0x3FDB];
	_ =	sdelay $0x1  }
0x9d: {  	s8 =	simm.s32 $_scs_section_size  }
0x9e: {  	s9 =	simm.s32 $_size__tile_overlayer_lowered;
	s10 =	simm.s32 $_tile_overlayer_lowered  }
0x9f: {  	s22 =	simm.s32 $0x1BFF;
	s21 =	sshll.u32 s10, $0x1;
	s7 =	sadd.s32 s8, s19  }
0xa0: {  	s11 =	simm.s32 $0x0;
	s20 =	sshll.u32 s9, $0x1;
	s9 =	sadd.s32 s21, s7  }
0xa1: {  	[timem:s11], [sflag:s22] =	dma.local [hbm:s9], s20  }
0xa2: {  	_ =	swait.ge [sflag:s22], s20  }
0xa3: {  	s8 =	ssub.s32 $0x0, s20;
	[sflag:s22] =	ssyncset.done $0x0  }
0xa4: {  	[sflag:s22] =	ssyncadd.s32 s8;
	_ =	sdelay $0x1  }
0xa5: {  	s23 =	simm.s32 $0x1B8B  }
0xa6: {  	_ =	swait.ge [sflag:s23], $0x1  }
0xa7: {  	[sflag:s23] =	ssyncset.done $0x0  }
0xa8: {  	s25 =	simm.s32 $0x1B8E;
	s24 =	sld [smem:$0x3FFE];
	[sflag:s23] =	ssyncadd.s32 $0xFFFFFFFF  }
0xa9: {  	s26 =	simm.s32 $execute0_lowered;
	[smem:$0x3FD2] =	sst s25  }
0xaa: {  	s9 =	sshll.u32 s26, $0x1;
	_ =	strace $0x80000046;
	[dreg:$0x1] =	wrdreg $0xFFFFFFFF  }
0xab: {  	s28 =	simm.s32 $_size_execute0_lowered;
	s7 =	sadd.s32 s7, s9;
	[dreg:$0x0] =	wrdreg $0x0  }
0xac: {  	s9 =	sshll.u32 s28, $0x1;
	[dreg:$0x2] =	wrdreg s7  }
0xad: {  	[dreg:$0x3] =	wrdreg s9  }
0xae: {  	[dreg:$0x4] =	wrdreg $0xC0  }
0xaf: {  	_ =	task [dreg:s11], $0x5FFFF  }
0xb0: {  	[dreg:$0x1] =	wrdreg $0xFFFFFFFF  }
0xb1: {  	[dreg:$0x0] =	wrdreg $0x60  }
0xb2: {  	[dreg:$0x2] =	wrdreg s2  }
0xb3: {  	[dreg:$0x3] =	wrdreg s18  }
0xb4: {  	[dreg:$0x4] =	wrdreg s24  }
0xb5: {  	[dreg:$0x5] =	wrdreg s4  }
0xb6: {  	[dreg:$0x6] =	wrdreg s5  }
0xb7: {  	[dreg:$0x7] =	wrdreg s6  }
0xb8: {  	[dreg:$0x8] =	wrdreg $0x9  }
0xb9: {  	_ =	task.clear_ibuf [dreg:s11], $0x9FFFF;
	_ =	strace $0x90000046  }
0xba: {  	s29 =	simm.s32 $0x9;
	_ =	strace $0x80000048  }
0xbb: {  	_ =	swait.ge [sflag:s29], $0x1  }
0xbc: {  	[sflag:s29] =	ssyncadd.s32 $0xFFFFFFFF  }
0xbd: {  	_ =	strace $0x90000048  }
0xbe: {  	_ =	sfence  }
0xbf: {  	s30 =	sld [smem:$0x0];
	_ =	sdelay $0x2  }
0xc0: {  	s31 =	sshll.u32 s1, $0xD;
	s1 =	sshrl.u32 s1, $0x2  }
0xc1: {  	s3 =	sand.u32 $0x4000, s31;
	s1 =	sadd.s32 s1, s30  }
0xc2: {  	s0 =	sor.u32 s3, s0;
	s1 =	sshll.u32 s1, $0x11  }
0xc3: {  	s0 =	sor.u32 s1, s0  }
0xc4: {  	s0 =	sadd.s32 $0x8F2B, s0  }
0xc5: {  	[sflag:s0] =	ssyncadd.remote.s32 $0x1  }
0xc6: {  	_ =	sfence.sel $0xFFFF  }
0xc7: {  	[dreg:$0x0] =	wrdreg $0xFFFFFFFF;
	(pc) =	sbr.abs _section_cstart, $3  }
0xc8: {  	[dreg:$0x1] =	wrdreg $0xFFFFFFFF  }
0xc9: {  	_ =	task.clear_ibuf [dreg:s11], $0x2FFFF;
	_ =	strace $0x9FFFFFFF  }
0xca: {  	(tm) =	ssettm $0x7FFFFFFF  }
0xcb: {  	_ =	shalt  }
tec
execute0_lowered:
.L_overlay_start_1:
0x0: {  	(tag) =	ssettag $0x1  }
0x1: {  	s0 =	rddreg [dreg:$0x0]  }
0x2: {  	s1 =	rddreg [dreg:$0x1]  }
0x3: {  	s2 =	rddreg [dreg:$0x2]  }
0x4: {  	s3 =	rddreg [dreg:$0x5]  }
0x5: {  	s9 =	simm.s32 $0x0;
	s4 =	srdreg.scid;
	s6 =	stileid.u32  }
0x6: {  	[smem:$0x7FF] =	sst s9;
	s4 =	sand.u32 $0x1, s4;
	s5 =	sshll.u32 s6, $0x1  }
0x7: {  	s6 =	sshll.u32 s6, $0x7;
	s8 =	sadd.s32 $0x186E00, s2;
	s2 =	sadd.s32 $0x400, s2  }
0x8: {  	_ =	strace $0x80000047;
	s5 =	sor.u32 s4, s5;
	s4 =	ssub.s32 $0x2, s4  }
0x9: {  	[dreg:$0x7] =	wrdreg s8;
	s7 =	sshll.u32 s5, $0x4;
	s25 =	sshrl.u32 s4, $0x1  }
0xa: {  	[dreg:$0x8] =	wrdreg s2;
	s6 =	sor.u32 s6, s7;
	s26 =	ssub.s32 s4, s25  }
.Ltmp0:
0xb: {  	vm0 =	vcmask $0x300;
	vm1 =	vcmask $0x704;
	vm2 =	vcmask $0xB08;
	s28 =	sand.u32 $0x670, s6;
	s31 =	smax.u32 s26, $0x1;
	(pc) =	sbr.rel .LBB2_1-.Ltmp0, $4  }
0xc: {  	vm3 =	vcmask $0xF0C;
	vm4 =	vcmask $0x1310;
	vm5 =	vcmask $0x1714;
	s0 =	sadd.s32 s0, s28;
	[dreg:$0xc] =	wrdreg s31  }
0xd: {  	vm6 =	vcmask $0x1B18;
	vm7 =	vcmask $0x1F1C;
	vm8 =	vcmask $0x2320;
	s30 =	sshll.u32 s5, $0x6;
	s29 =	sadd.s32 s1, s28;
	[dreg:$0x9] =	wrdreg s0  }
0xe: {  	vm9 =	vcmask $0x2724;
	vm10 =	vcmask $0x2B28;
	vm11 =	vcmask $0x2F2C;
	[dreg:$0xa] =	wrdreg s29;
	s0 =	sadd.s32 s3, s30  }
0xf: {  	vm12 =	vcmask $0x3330;
	vm13 =	vcmask $0x3734;
	vm14 =	vcmask $0x3B38;
	s1 =	simm.s32 $0x0;
	s3 =	simm.s32 $0x3;
	[dreg:$0xb] =	wrdreg s0  }
.LBB2_5:
0x10: {  	s0 =	rddreg [dreg:$0xb];
	s1 =	simm.s32 $0x2500;
	s3 =	simm.s32 $0x3  }
0x11: {  	[hbm4b:s0+s9] =	stream.linear.scatter [tilespmem:s1], [sflag:$0x3], $0x200, $0x38;
	[tilespmem:$0x2700] =	vst v63  }
0x12: {  	_ =	swait.ge [sflag:s3], $0x200  }
0x13: {  	s30 =	rddreg [dreg:$0xd]  }
0x14: {  	s31 =	rddreg [dreg:$0xc];
	s1 =	sadd.s32 $0x1, s30  }
0x15: {  	p0 =	sne.s32 s1, s31  }
.Ltmp1:
0x16: {  	_ = 	snop;
	(pc) =	sbr.rel @!p0 .LBB2_6-.Ltmp1, $3  }
0x17: {  	_ =	sdelay $0x1  }
0x18: {  	[sflag:s3] =	ssyncset.done $0x0  }
0x19: {  	[sflag:s3] =	ssyncadd.s32 $0xFFFFFE00  }
.LBB2_1:
0x1a: {  	[dreg:$0xd] =	wrdreg s1  }
0x1b: {  	s0 =	rddreg [dreg:$0x9];
	s14 =	simm.s32 $0x80;
	s2 =	simm.s32 $0x400  }
0x1c: {  	[tilespmem:s9], [sflag:$0x3] =	stream.strided.gather [hbm4b:s0+s14], $0x200, s2, s14, $0x38;
	[tilespmem:$0x2700] =	vst v63  }
0x1d: {  	_ =	swait.ge [sflag:s3], $0x200  }
0x1e: {  	[sflag:s3] =	ssyncset.done $0x0  }
0x1f: {  	s4 =	simm.s32 $0x200;
	s15 =	rddreg [dreg:$0xa];
	[sflag:s3] =	ssyncadd.s32 $0xFFFFFE00  }
0x20: {  	[tilespmem:s4], [sflag:$0x3] =	stream.strided.gather [hbm4b:s15+s14], $0x200, s2, s14, $0x38;
	[tilespmem:$0x2700] =	vst v63  }
0x21: {  	_ =	swait.ge [sflag:s3], $0x200  }
0x22: {  	[sflag:s3] =	ssyncset.done $0x0  }
0x23: {  	[sflag:s3] =	ssyncadd.s32 $0xFFFFFE00  }
0x24: {  	s17 =	simm.s32 $0x2400;
	s16 =	rddreg [dreg:$0x3]  }
0x25: {  	[tilespmem:s17], [sflag:$0x3] =	stream.linear.gather [hbm4b:s16+s9], $0x80, $0x38;
	[tilespmem:$0x2700] =	vst v63  }
0x26: {  	_ =	swait.ge [sflag:s3], $0x80  }
0x27: {  	[sflag:s3] =	ssyncset.done $0x0  }
0x28: {  	[sflag:s3] =	ssyncadd.s32 $0xFFFFFF80  }
0x29: {  	s19 =	simm.s32 $0x2480;
	s18 =	rddreg [dreg:$0x4]  }
0x2a: {  	[tilespmem:s19], [sflag:$0x3] =	stream.linear.gather [hbm4b:s18+s9], $0x80, $0x38;
	[tilespmem:$0x2700] =	vst v63  }
0x2b: {  	_ =	swait.ge [sflag:s3], $0x80  }
0x2c: {  	[sflag:s3] =	ssyncset.done $0x0  }
0x2d: {  	[sflag:s3] =	ssyncadd.s32 $0xFFFFFF80  }
0x2e: {  	v0 =	vld [tilespmem:$0x0];
	_ =	sdelay $0x1  }
0x2f: {  	v1 =	vld [tilespmem:$0x200];
	_ =	sdelay $0x2  }
0x30: {  	v5 =	vshll.u32 v0, $0x4  }
0x31: {  	(v2sf) =	vpush v5, $0x0  }
0x32: {  	v4 =	vshll.u32 v1, $0x4  }
0x33: {  	(v2sf) =	vpush v4, $0x0;
	_ =	sdelay $0x1  }
0x34: {  	(v2sf) =	vpush v5, $0x1;
	_ =	sdelay $0x2  }
0x35: {  	(v2sf) =	vpush v4, $0x1;
	_ =	sdelay $0x7  }
0x36: {  	s20 =	spop (v2sf);
	(v2sf) =	vpush v5, $0x2;
	_ =	sdelay $0x1  }
0x37: {  	s21 =	spop (v2sf);
	(v2sf) =	vpush v4, $0x2;
	_ =	sdelay $0x1  }
0x38: {  	s23 =	spop (v2sf);
	(v2sf) =	vpush v5, $0x3;
	_ =	sdelay $0x2  }
0x39: {  	s25 =	spop (v2sf);
	(v2sf) =	vpush v4, $0x3;
	_ =	sdelay $0x3  }
0x3a: {  	v2 =	vld [tilespmem:$0x2480]  }
0x3b: {  	s1 =	rddreg [dreg:$0x7];
	v3 =	vld [tilespmem:$0x2490];
	s0 =	sand.u32 $0x1FFFFFF0, s20  }
0x3c: {  	v0 =	vld [tilespmem:$0x2400];
	s0 =	sadd.s32 s1, s0  }
0x3d: {  	v1 =	vld [tilespmem:$0x2410];
	[tilespmem:s2], [sflag:$0x1] =	stream.linear.gather [hbm4b:s0+s9], $0x80, $0x38  }
0x3e: {  	s28 =	spop (v2sf);
	(v2sf) =	vpush v5, $0x4  }
0x3f: {  	s0 =	sand.u32 $0x1FFFFFF0, s21;
	s2 =	rddreg [dreg:$0x8]  }
0x40: {  	s22 =	simm.s32 $0x1400;
	s0 =	sadd.s32 s2, s0;
	s30 =	spop (v2sf);
	(v2sf) =	vpush v4, $0x4  }
0x41: {  	[tilespmem:s22], [sflag:$0x1] =	stream.linear.gather [hbm4b:s0+s9], $0x80, $0x38;
	[tilespmem:$0x2700] =	vst v63  }
0x42: {  	s0 =	sand.u32 $0x1FFFFFF0, s23;
	s4 =	spop (v2sf);
	(v2sf) =	vpush v5, $0x5  }
0x43: {  	s24 =	simm.s32 $0x480;
	s0 =	sadd.s32 s1, s0  }
0x44: {  	[tilespmem:s24], [sflag:$0x1] =	stream.linear.gather [hbm4b:s0+s9], $0x80, $0x38;
	[tilespmem:$0x2700] =	vst v63  }
0x45: {  	s6 =	spop (v2sf);
	(v2sf) =	vpush v4, $0x5  }
0x46: {  	s0 =	sand.u32 $0x1FFFFFF0, s25  }
0x47: {  	s26 =	simm.s32 $0x1480;
	s0 =	sadd.s32 s2, s0  }
0x48: {  	[tilespmem:s26], [sflag:$0x1] =	stream.linear.gather [hbm4b:s0+s9], $0x80, $0x38;
	[tilespmem:$0x2700] =	vst v63  }
0x49: {  	s0 =	sand.u32 $0x1FFFFFF0, s28  }
0x4a: {  	s29 =	simm.s32 $0x500;
	s0 =	sadd.s32 s1, s0  }
0x4b: {  	[tilespmem:s29], [sflag:$0x1] =	stream.linear.gather [hbm4b:s0+s9], $0x80, $0x38;
	[tilespmem:$0x2700] =	vst v63  }
0x4c: {  	s0 =	sand.u32 $0x1FFFFFF0, s30  }
0x4d: {  	s31 =	simm.s32 $0x1500;
	s0 =	sadd.s32 s2, s0;
	s8 =	spop (v2sf);
	(v2sf) =	vpush v5, $0x6  }
0x4e: {  	[tilespmem:s31], [sflag:$0x1] =	stream.linear.gather [hbm4b:s0+s9], $0x80, $0x38;
	[tilespmem:$0x2700] =	vst v63  }
0x4f: {  	s11 =	spop (v2sf);
	(v2sf) =	vpush v4, $0x6  }
0x50: {  	s0 =	sand.u32 $0x1FFFFFF0, s4  }
0x51: {  	s5 =	simm.s32 $0x580;
	s0 =	sadd.s32 s1, s0;
	s13 =	spop (v2sf);
	(v2sf) =	vpush v5, $0x7  }
0x52: {  	[tilespmem:s5], [sflag:$0x1] =	stream.linear.gather [hbm4b:s0+s9], $0x80, $0x38;
	[tilespmem:$0x2700] =	vst v63  }
0x53: {  	s0 =	sand.u32 $0x1FFFFFF0, s6  }
0x54: {  	s7 =	simm.s32 $0x1580;
	s0 =	sadd.s32 s2, s0;
	s15 =	spop (v2sf);
	(v2sf) =	vpush v4, $0x7  }
0x55: {  	[tilespmem:s7], [sflag:$0x1] =	stream.linear.gather [hbm4b:s0+s9], $0x80, $0x38;
	[tilespmem:$0x2700] =	vst v63  }
0x56: {  	s0 =	sand.u32 $0x1FFFFFF0, s8  }
0x57: {  	s10 =	simm.s32 $0x600;
	s0 =	sadd.s32 s1, s0  }
0x58: {  	[tilespmem:s10], [sflag:$0x1] =	stream.linear.gather [hbm4b:s0+s9], $0x80, $0x38;
	[tilespmem:$0x2700] =	vst v63  }
0x59: {  	s0 =	sand.u32 $0x1FFFFFF0, s11  }
0x5a: {  	s12 =	simm.s32 $0x1600;
	s0 =	sadd.s32 s2, s0  }
0x5b: {  	[tilespmem:s12], [sflag:$0x1] =	stream.linear.gather [hbm4b:s0+s9], $0x80, $0x38;
	[tilespmem:$0x2700] =	vst v63  }
0x5c: {  	s17 =	spop (v2sf);
	(v2sf) =	vpush v5, $0x8  }
0x5d: {  	s0 =	sand.u32 $0x1FFFFFF0, s13  }
0x5e: {  	s14 =	simm.s32 $0x680;
	s0 =	sadd.s32 s1, s0;
	s19 =	spop (v2sf);
	(v2sf) =	vpush v4, $0x8  }
0x5f: {  	[tilespmem:s14], [sflag:$0x1] =	stream.linear.gather [hbm4b:s0+s9], $0x80, $0x38;
	[tilespmem:$0x2700] =	vst v63  }
0x60: {  	s0 =	sand.u32 $0x1FFFFFF0, s15;
	s21 =	spop (v2sf);
	(v2sf) =	vpush v5, $0x9  }
0x61: {  	s16 =	simm.s32 $0x1680;
	s0 =	sadd.s32 s2, s0  }
0x62: {  	[tilespmem:s16], [sflag:$0x1] =	stream.linear.gather [hbm4b:s0+s9], $0x80, $0x38;
	[tilespmem:$0x2700] =	vst v63  }
0x63: {  	s23 =	spop (v2sf);
	(v2sf) =	vpush v4, $0x9  }
0x64: {  	s0 =	sand.u32 $0x1FFFFFF0, s17  }
0x65: {  	s18 =	simm.s32 $0x700;
	s0 =	sadd.s32 s1, s0  }
0x66: {  	[tilespmem:s18], [sflag:$0x1] =	stream.linear.gather [hbm4b:s0+s9], $0x80, $0x38;
	[tilespmem:$0x2700] =	vst v63  }
0x67: {  	s0 =	sand.u32 $0x1FFFFFF0, s19  }
0x68: {  	s20 =	simm.s32 $0x1700;
	s0 =	sadd.s32 s2, s0  }
0x69: {  	[tilespmem:s20], [sflag:$0x1] =	stream.linear.gather [hbm4b:s0+s9], $0x80, $0x38;
	[tilespmem:$0x2700] =	vst v63  }
0x6a: {  	s0 =	sand.u32 $0x1FFFFFF0, s21  }
0x6b: {  	s22 =	simm.s32 $0x780;
	s0 =	sadd.s32 s1, s0;
	s25 =	spop (v2sf);
	(v2sf) =	vpush v5, $0xA  }
0x6c: {  	[tilespmem:s22], [sflag:$0x1] =	stream.linear.gather [hbm4b:s0+s9], $0x80, $0x38;
	[tilespmem:$0x2700] =	vst v63  }
0x6d: {  	s28 =	spop (v2sf);
	(v2sf) =	vpush v4, $0xA  }
0x6e: {  	s0 =	sand.u32 $0x1FFFFFF0, s23  }
0x6f: {  	s24 =	simm.s32 $0x1780;
	s0 =	sadd.s32 s2, s0;
	s30 =	spop (v2sf);
	(v2sf) =	vpush v5, $0xB  }
0x70: {  	[tilespmem:s24], [sflag:$0x1] =	stream.linear.gather [hbm4b:s0+s9], $0x80, $0x38;
	[tilespmem:$0x2700] =	vst v63  }
0x71: {  	s0 =	sand.u32 $0x1FFFFFF0, s25  }
0x72: {  	s26 =	simm.s32 $0x800;
	s0 =	sadd.s32 s1, s0;
	s4 =	spop (v2sf);
	(v2sf) =	vpush v4, $0xB  }
0x73: {  	[tilespmem:s26], [sflag:$0x1] =	stream.linear.gather [hbm4b:s0+s9], $0x80, $0x38;
	[tilespmem:$0x2700] =	vst v63  }
0x74: {  	s0 =	sand.u32 $0x1FFFFFF0, s28  }
0x75: {  	s29 =	simm.s32 $0x1800;
	s0 =	sadd.s32 s2, s0  }
0x76: {  	[tilespmem:s29], [sflag:$0x1] =	stream.linear.gather [hbm4b:s0+s9], $0x80, $0x38;
	[tilespmem:$0x2700] =	vst v63  }
0x77: {  	s0 =	sand.u32 $0x1FFFFFF0, s30  }
0x78: {  	s31 =	simm.s32 $0x880;
	s0 =	sadd.s32 s1, s0  }
0x79: {  	[tilespmem:s31], [sflag:$0x1] =	stream.linear.gather [hbm4b:s0+s9], $0x80, $0x38;
	[tilespmem:$0x2700] =	vst v63  }
0x7a: {  	s6 =	spop (v2sf);
	(v2sf) =	vpush v5, $0xC  }
0x7b: {  	s0 =	sand.u32 $0x1FFFFFF0, s4  }
0x7c: {  	s5 =	simm.s32 $0x1880;
	s0 =	sadd.s32 s2, s0;
	s8 =	spop (v2sf);
	(v2sf) =	vpush v4, $0xC  }
0x7d: {  	[tilespmem:s5], [sflag:$0x1] =	stream.linear.gather [hbm4b:s0+s9], $0x80, $0x38;
	[tilespmem:$0x2700] =	vst v63  }
0x7e: {  	s0 =	sand.u32 $0x1FFFFFF0, s6;
	s11 =	spop (v2sf);
	(v2sf) =	vpush v5, $0xD  }
0x7f: {  	s7 =	simm.s32 $0x900;
	s0 =	sadd.s32 s1, s0  }
0x80: {  	[tilespmem:s7], [sflag:$0x1] =	stream.linear.gather [hbm4b:s0+s9], $0x80, $0x38;
	[tilespmem:$0x2700] =	vst v63  }
0x81: {  	s13 =	spop (v2sf);
	(v2sf) =	vpush v4, $0xD  }
0x82: {  	s0 =	sand.u32 $0x1FFFFFF0, s8  }
0x83: {  	s10 =	simm.s32 $0x1900;
	s0 =	sadd.s32 s2, s0  }
0x84: {  	[tilespmem:s10], [sflag:$0x1] =	stream.linear.gather [hbm4b:s0+s9], $0x80, $0x38;
	[tilespmem:$0x2700] =	vst v63  }
0x85: {  	s0 =	sand.u32 $0x1FFFFFF0, s11  }
0x86: {  	s12 =	simm.s32 $0x980;
	s0 =	sadd.s32 s1, s0  }
0x87: {  	[tilespmem:s12], [sflag:$0x1] =	stream.linear.gather [hbm4b:s0+s9], $0x80, $0x38;
	[tilespmem:$0x2700] =	vst v63  }
0x88: {  	s0 =	sand.u32 $0x1FFFFFF0, s13  }
0x89: {  	s14 =	simm.s32 $0x1980;
	s0 =	sadd.s32 s2, s0;
	s15 =	spop (v2sf);
	(v2sf) =	vpush v5, $0xE  }
0x8a: {  	[tilespmem:s14], [sflag:$0x1] =	stream.linear.gather [hbm4b:s0+s9], $0x80, $0x38;
	[tilespmem:$0x2700] =	vst v63  }
0x8b: {  	s17 =	spop (v2sf);
	(v2sf) =	vpush v4, $0xE  }
0x8c: {  	s0 =	sand.u32 $0x1FFFFFF0, s15  }
0x8d: {  	s16 =	simm.s32 $0xA00;
	s0 =	sadd.s32 s1, s0;
	s19 =	spop (v2sf)  }
0x8e: {  	(v2sf) =	vpush v5, $0xF;
	[tilespmem:s16], [sflag:$0x1] =	stream.linear.gather [hbm4b:s0+s9], $0x80, $0x38;
	[tilespmem:$0x2700] =	vst v63  }
0x8f: {  	s0 =	sand.u32 $0x1FFFFFF0, s17  }
0x90: {  	s18 =	simm.s32 $0x1A00;
	s21 =	spop (v2sf);
	s0 =	sadd.s32 s2, s0  }
0x91: {  	(v2sf) =	vpush v4, $0xF;
	[tilespmem:s18], [sflag:$0x1] =	stream.linear.gather [hbm4b:s0+s9], $0x80, $0x38;
	[tilespmem:$0x2700] =	vst v63  }
0x92: {  	s0 =	sand.u32 $0x1FFFFFF0, s19  }
0x93: {  	s20 =	simm.s32 $0xA80;
	s0 =	sadd.s32 s1, s0  }
0x94: {  	[tilespmem:s20], [sflag:$0x1] =	stream.linear.gather [hbm4b:s0+s9], $0x80, $0x38;
	[tilespmem:$0x2700] =	vst v63  }
0x95: {  	s0 =	sand.u32 $0x1FFFFFF0, s21  }
0x96: {  	s22 =	simm.s32 $0x1A80;
	s0 =	sadd.s32 s2, s0  }
0x97: {  	[tilespmem:s22], [sflag:$0x1] =	stream.linear.gather [hbm4b:s0+s9], $0x80, $0x38;
	[tilespmem:$0x2700] =	vst v63  }
0x98: {  	s23 =	spop (v2sf)  }
0x99: {  	s0 =	sand.u32 $0x1FFFFFF0, s23  }
0x9a: {  	s24 =	simm.s32 $0xB00;
	s25 =	spop (v2sf);
	s0 =	sadd.s32 s1, s0  }
0x9b: {  	[tilespmem:s24], [sflag:$0x1] =	stream.linear.gather [hbm4b:s0+s9], $0x80, $0x38;
	[tilespmem:$0x2700] =	vst v63  }
0x9c: {  	s0 =	sand.u32 $0x1FFFFFF0, s25  }
0x9d: {  	s26 =	simm.s32 $0x1B00;
	s28 =	spop (v2sf);
	s0 =	sadd.s32 s2, s0  }
0x9e: {  	[tilespmem:s26], [sflag:$0x1] =	stream.linear.gather [hbm4b:s0+s9], $0x80, $0x38;
	[tilespmem:$0x2700] =	vst v63  }
0x9f: {  	s29 =	simm.s32 $0xB80;
	s0 =	sand.u32 $0x1FFFFFF0, s28  }
.Ltmp2:
0xa0: {  	s30 =	spop (v2sf);
	s0 =	sadd.s32 s1, s0;
	(pc) =	sbr.rel .LBB2_2-.Ltmp2, $4  }
0xa1: {  	[tilespmem:s29], [sflag:$0x1] =	stream.linear.gather [hbm4b:s0+s9], $0x80, $0x38;
	[tilespmem:$0x2700] =	vst v63  }
0xa2: {  	s0 =	sand.u32 $0x1FFFFFF0, s30  }
0xa3: {  	s31 =	simm.s32 $0x1B80;
	s1 =	simm.s32 $0x0;
	s0 =	sadd.s32 s2, s0  }
0xa4: {  	[tilespmem:s31], [sflag:$0x1] =	stream.linear.gather [hbm4b:s0+s9], $0x80, $0x38;
	[tilespmem:$0x2700] =	vst v63  }
.LBB2_4:
0xa5: {  	s0 =	simm.s32 $0x2  }
0xa6: {  	_ =	swait.ge [sflag:s0], $0x800  }
0xa7: {  	[sflag:s0] =	ssyncset.done $0x0  }
0xa8: {  	[sflag:s0] =	ssyncadd.s32 $0xFFFFF800  }
0xa9: {  	_ =	swait.ge [sflag:s0], $0x800  }
0xaa: {  	[sflag:s0] =	ssyncset.done $0x0  }
0xab: {  	[sflag:s0] =	ssyncadd.s32 $0xFFFFF800  }
0xac: {  	v4 =	vld [tilespmem:$0xC00]  }
0xad: {  	v5 =	vld [tilespmem:$0xC10]  }
0xae: {  	v6 =	vld [tilespmem:$0x1C00]  }
0xaf: {  	v7 =	vld [tilespmem:$0x1C10];
	_ =	sdelay $0x3  }
0xb0: {  	v4 =	vmul.f32 v4, v0;
	v5 =	vmul.f32 v5, v1  }
0xb1: {  	v6 =	vmul.f32 v6, v0;
	v7 =	vmul.f32 v7, v1  }
0xb2: {  	v4 =	vadd.f32 v4, v2;
	v5 =	vadd.f32 v5, v3  }
0xb3: {  	v6 =	vadd.f32 v6, v2;
	v7 =	vadd.f32 v7, v3;
	_ =	sdelay $0x1  }
0xb4: {  	v4 =	vmul.f32 v6, v4;
	v5 =	vmul.f32 v7, v5;
	_ =	sdelay $0x1  }
0xb5: {  	v4 =	vadd.f32 v5, v4;
	_ =	sdelay $0x1  }
0xb6: {  	v8 =	vld [tilespmem:$0x1C90];
	(v2sf) =	vpush v4, $0x0  }
0xb7: {  	v20 =	vld [tilespmem:$0xC90];
	(v2sf) =	vpush v4, $0x1  }
0xb8: {  	v21 =	vld [tilespmem:$0x1C80];
	(v2sf) =	vpush v4, $0x2  }
0xb9: {  	v5 =	vld [tilespmem:$0xC80];
	(v2sf) =	vpush v4, $0x3  }
0xba: {  	(v2sf) =	vpush v4, $0x4  }
0xbb: {  	v8 =	vmul.f32 v8, v1;
	(v2sf) =	vpush v4, $0x5  }
0xbc: {  	v6 =	vmul.f32 v20, v1;
	(v2sf) =	vpush v4, $0x6  }
0xbd: {  	v8 =	vadd.f32 v8, v3;
	v7 =	vmul.f32 v21, v0;
	(v2sf) =	vpush v4, $0x7  }
0xbe: {  	v6 =	vadd.f32 v6, v3;
	v5 =	vmul.f32 v5, v0;
	(v2sf) =	vpush v4, $0x8  }
0xbf: {  	v7 =	vadd.f32 v7, v2;
	(v2sf) =	vpush v4, $0x9  }
0xc0: {  	v5 =	vadd.f32 v5, v2;
	(v2sf) =	vpush v4, $0xA  }
0xc1: {  	(v2sf) =	vpush v4, $0xB  }
0xc2: {  	v6 =	vmul.f32 v8, v6;
	v5 =	vmul.f32 v7, v5;
	(v2sf) =	vpush v4, $0xC  }
0xc3: {  	(v2sf) =	vpush v4, $0xD  }
0xc4: {  	v5 =	vadd.f32 v6, v5;
	(v2sf) =	vpush v4, $0xE  }
0xc5: {  	(v2sf) =	vpush v4, $0xF;
	s9 =	spop (v2sf)  }
0xc6: {  	v24 =	vld [tilespmem:$0x1D10];
	(v2sf) =	vpush v5, $0x0;
	s14 =	spop (v2sf)  }
0xc7: {  	v23 =	vld [tilespmem:$0x1D00];
	(v2sf) =	vpush v5, $0x1;
	s10 =	spop (v2sf)  }
0xc8: {  	v22 =	vld [tilespmem:$0xD10];
	(v2sf) =	vpush v5, $0x2;
	s11 =	spop (v2sf)  }
0xc9: {  	v4 =	vld [tilespmem:$0xD00];
	(v2sf) =	vpush v5, $0x3;
	s13 =	spop (v2sf)  }
0xca: {  	(v2sf) =	vpush v5, $0x4;
	s1 =	spop (v2sf)  }
0xcb: {  	v8 =	vmul.f32 v24, v1;
	(v2sf) =	vpush v5, $0x5;
	s30 =	spop (v2sf)  }
0xcc: {  	v7 =	vmul.f32 v23, v0;
	(v2sf) =	vpush v5, $0x6;
	s16 =	spop (v2sf)  }
0xcd: {  	v8 =	vadd.f32 v8, v3;
	v6 =	vmul.f32 v22, v1;
	(v2sf) =	vpush v5, $0x7;
	s3 =	spop (v2sf)  }
0xce: {  	v7 =	vadd.f32 v7, v2;
	v4 =	vmul.f32 v4, v0;
	(v2sf) =	vpush v5, $0x8;
	s28 =	spop (v2sf)  }
0xcf: {  	v6 =	vadd.f32 v6, v3;
	(v2sf) =	vpush v5, $0x9;
	s29 =	spop (v2sf)  }
0xd0: {  	v4 =	vadd.f32 v4, v2;
	(v2sf) =	vpush v5, $0xA;
	s5 =	spop (v2sf)  }
0xd1: {  	s21 =	spop (v2sf);
	(v2sf) =	vpush v5, $0xB  }
0xd2: {  	v6 =	vmul.f32 v8, v6;
	v4 =	vmul.f32 v7, v4;
	s24 =	spop (v2sf);
	(v2sf) =	vpush v5, $0xC  }
0xd3: {  	s9 =	sadd.f32 s14, s9;
	s26 =	spop (v2sf);
	(v2sf) =	vpush v5, $0xD  }
0xd4: {  	s10 =	sadd.f32 s11, s10;
	v4 =	vadd.f32 v6, v4;
	s2 =	spop (v2sf);
	(v2sf) =	vpush v5, $0xE  }
0xd5: {  	s1 =	sadd.f32 s1, s13;
	s6 =	spop (v2sf);
	(v2sf) =	vpush v5, $0xF  }
0xd6: {  	s9 =	sadd.f32 s10, s9;
	s7 =	spop (v2sf);
	(v2sf) =	vpush v4, $0x0  }
0xd7: {  	s13 =	sadd.f32 s16, s30;
	s8 =	spop (v2sf)  }
0xd8: {  	s3 =	sadd.f32 s28, s3;
	s12 =	spop (v2sf)  }
0xd9: {  	s1 =	sadd.f32 s13, s1;
	s17 =	spop (v2sf)  }
0xda: {  	s5 =	sadd.f32 s5, s29;
	s15 =	spop (v2sf)  }
0xdb: {  	s1 =	sadd.f32 s1, s9;
	s18 =	spop (v2sf)  }
0xdc: {  	s16 =	sadd.f32 s24, s21;
	s19 =	spop (v2sf)  }
0xdd: {  	v27 =	vld [tilespmem:$0x1D90];
	s3 =	sadd.f32 s5, s3;
	s20 =	spop (v2sf)  }
0xde: {  	v26 =	vld [tilespmem:$0x1D80];
	s2 =	sadd.f32 s2, s26;
	(v2sf) =	vpush v4, $0x1;
	s22 =	spop (v2sf)  }
0xdf: {  	v25 =	vld [tilespmem:$0xD90];
	[smem:$0x754] =	sst s6;
	(v2sf) =	vpush v4, $0x2;
	s23 =	spop (v2sf)  }
0xe0: {  	v5 =	vld [tilespmem:$0xD80];
	[smem:$0x755] =	sst s7;
	(v2sf) =	vpush v4, $0x3;
	s25 =	spop (v2sf)  }
0xe1: {  	(v2sf) =	vpush v4, $0x4;
	[smem:$0x75B] =	sst s20;
	s20 =	spop (v2sf)  }
0xe2: {  	v8 =	vmul.f32 v27, v1;
	s2 =	sadd.f32 s2, s16;
	(v2sf) =	vpush v4, $0x5;
	s31 =	spop (v2sf)  }
0xe3: {  	v7 =	vmul.f32 v26, v0;
	(v2sf) =	vpush v4, $0x6;
	[smem:$0x75D] =	sst s23;
	s23 =	spop (v2sf)  }
0xe4: {  	v8 =	vadd.f32 v8, v3;
	v6 =	vmul.f32 v25, v1;
	[smem:$0x756] =	sst s8;
	(v2sf) =	vpush v4, $0x7;
	s4 =	spop (v2sf)  }
0xe5: {  	v7 =	vadd.f32 v7, v2;
	s16 =	sld [smem:$0x755];
	v5 =	vmul.f32 v5, v0;
	s6 =	spop (v2sf);
	(v2sf) =	vpush v4, $0x8  }
0xe6: {  	v6 =	vadd.f32 v6, v3;
	[smem:$0x757] =	sst s12;
	(v2sf) =	vpush v4, $0x9  }
0xe7: {  	s2 =	sadd.f32 s2, s3;
	v5 =	vadd.f32 v5, v2;
	(v2sf) =	vpush v4, $0xA  }
0xe8: {  	[smem:$0x758] =	sst s15;
	(v2sf) =	vpush v4, $0xB  }
0xe9: {  	v6 =	vmul.f32 v8, v6;
	s1 =	sadd.f32 s2, s1;
	v5 =	vmul.f32 v7, v5;
	(v2sf) =	vpush v4, $0xC  }
0xea: {  	[smem:$0x759] =	sst s18;
	(v2sf) =	vpush v4, $0xD  }
0xeb: {  	s5 =	sld [smem:$0x758];
	v5 =	vadd.f32 v6, v5;
	(v2sf) =	vpush v4, $0xE  }
0xec: {  	[smem:$0x75A] =	sst s19;
	(v2sf) =	vpush v4, $0xF  }
0xed: {  	[dreg:$0x11] =	wrdreg s1;
	s7 =	spop (v2sf);
	(v2sf) =	vpush v5, $0x0  }
0xee: {  	s9 =	sld [smem:$0x759];
	s8 =	spop (v2sf);
	(v2sf) =	vpush v5, $0x1  }
0xef: {  	[smem:$0x75C] =	sst s22;
	s12 =	spop (v2sf);
	(v2sf) =	vpush v5, $0x2  }
0xf0: {  	v28 =	vld [tilespmem:$0xE10];
	s5 =	sadd.f32 s5, s17;
	s15 =	spop (v2sf);
	(v2sf) =	vpush v5, $0x3  }
0xf1: {  	v29 =	vld [tilespmem:$0x1E00];
	[smem:$0x75E] =	sst s25;
	s18 =	spop (v2sf);
	(v2sf) =	vpush v5, $0x4  }
0xf2: {  	v30 =	vld [tilespmem:$0x1E10];
	[smem:$0x75F] =	sst s31;
	s19 =	spop (v2sf);
	(v2sf) =	vpush v5, $0x5  }
0xf3: {  	[smem:$0x761] =	sst s6;
	v4 =	vld [tilespmem:$0xE00];
	s6 =	spop (v2sf);
	(v2sf) =	vpush v5, $0x6  }
0xf4: {  	[smem:$0x767] =	sst s19;
	(v2sf) =	vpush v5, $0x7;
	s19 =	spop (v2sf)  }
0xf5: {  	[smem:$0x760] =	sst s4;
	(v2sf) =	vpush v5, $0x8;
	s25 =	spop (v2sf)  }
0xf6: {  	[smem:$0x766] =	sst s18;
	(v2sf) =	vpush v5, $0x9;
	s18 =	spop (v2sf)  }
0xf7: {  	v8 =	vmul.f32 v30, v1;
	v7 =	vmul.f32 v29, v0;
	[smem:$0x765] =	sst s15;
	(v2sf) =	vpush v5, $0xA;
	s15 =	spop (v2sf)  }
0xf8: {  	v6 =	vmul.f32 v28, v1;
	[smem:$0x762] =	sst s7;
	v4 =	vmul.f32 v4, v0;
	s4 =	spop (v2sf)  }
0xf9: {  	v8 =	vadd.f32 v8, v3;
	v7 =	vadd.f32 v7, v2;
	[smem:$0x763] =	sst s8;
	s8 =	spop (v2sf)  }
0xfa: {  	v6 =	vadd.f32 v6, v3;
	[smem:$0x764] =	sst s12;
	v4 =	vadd.f32 v4, v2;
	s7 =	spop (v2sf)  }
0xfb: {  	s19 =	sadd.f32 s25, s19;
	(v2sf) =	vpush v5, $0xB;
	s0 =	spop (v2sf)  }
0xfc: {  	v6 =	vmul.f32 v8, v6;
	v4 =	vmul.f32 v7, v4;
	s15 =	sadd.f32 s15, s18;
	(v2sf) =	vpush v5, $0xC;
	s12 =	spop (v2sf)  }
0xfd: {  	(v2sf) =	vpush v5, $0xD;
	s4 =	sadd.f32 s8, s4;
	s22 =	spop (v2sf)  }
0xfe: {  	v4 =	vadd.f32 v6, v4;
	(v2sf) =	vpush v5, $0xE;
	s0 =	sadd.f32 s0, s7;
	s31 =	spop (v2sf)  }
0xff: {  	(v2sf) =	vpush v5, $0xF;
	[smem:$0x769] =	sst s22;
	s22 =	spop (v2sf)  }
0x100: {  	(v2sf) =	vpush v4, $0x0;
	[smem:$0x76A] =	sst s31;
	s31 =	spop (v2sf)  }
0x101: {  	(v2sf) =	vpush v4, $0x1;
	[smem:$0x76B] =	sst s22;
	s22 =	spop (v2sf)  }
0x102: {  	[smem:$0x76C] =	sst s31;
	s31 =	spop (v2sf)  }
0x103: {  	(v2sf) =	vpush v4, $0x2;
	[smem:$0x76D] =	sst s22;
	s22 =	spop (v2sf)  }
0x104: {  	[smem:$0x76E] =	sst s31;
	s31 =	spop (v2sf)  }
0x105: {  	[smem:$0x768] =	sst s12;
	(v2sf) =	vpush v4, $0x3;
	s12 =	spop (v2sf)  }
0x106: {  	s0 =	sadd.f32 s0, s4;
	s14 =	spop (v2sf)  }
0x107: {  	(v2sf) =	vpush v4, $0x4;
	[smem:$0x772] =	sst s14  }
0x108: {  	(v2sf) =	vpush v4, $0x5;
	s14 =	sld [smem:$0x754]  }
0x109: {  	[smem:$0x76F] =	sst s22  }
0x10a: {  	[smem:$0x770] =	sst s31;
	s22 =	spop (v2sf)  }
0x10b: {  	s31 =	spop (v2sf);
	s2 =	sadd.f32 s16, s14  }
0x10c: {  	v32 =	vld [tilespmem:$0x1E80];
	(v2sf) =	vpush v4, $0x6;
	s28 =	spop (v2sf);
	s14 =	sld [smem:$0x75D]  }
0x10d: {  	v33 =	vld [tilespmem:$0x1E90];
	s29 =	spop (v2sf);
	s16 =	sld [smem:$0x75E]  }
0x10e: {  	v31 =	vld [tilespmem:$0xE90];
	[smem:$0x771] =	sst s12;
	s24 =	spop (v2sf)  }
0x10f: {  	v5 =	vld [tilespmem:$0xE80];
	s30 =	spop (v2sf);
	s29 =	sadd.f32 s24, s29  }
0x110: {  	(v2sf) =	vpush v4, $0x7;
	s21 =	spop (v2sf);
	s16 =	sadd.f32 s16, s14  }
0x111: {  	(v2sf) =	vpush v4, $0x8;
	[smem:$0x773] =	sst s21  }
0x112: {  	v8 =	vmul.f32 v33, v1;
	v7 =	vmul.f32 v32, v0;
	s26 =	spop (v2sf);
	s21 =	sld [smem:$0x756]  }
0x113: {  	v6 =	vmul.f32 v31, v1;
	[smem:$0x774] =	sst s26  }
0x114: {  	v8 =	vadd.f32 v8, v3;
	v7 =	vadd.f32 v7, v2;
	v5 =	vmul.f32 v5, v0;
	s10 =	spop (v2sf);
	s26 =	sld [smem:$0x757]  }
0x115: {  	v6 =	vadd.f32 v6, v3;
	(v2sf) =	vpush v4, $0x9;
	[smem:$0x775] =	sst s10  }
0x116: {  	v5 =	vadd.f32 v5, v2;
	(v2sf) =	vpush v4, $0xA;
	s11 =	spop (v2sf);
	s10 =	sld [smem:$0x75A]  }
0x117: {  	(v2sf) =	vpush v4, $0xB;
	[smem:$0x776] =	sst s11;
	s12 =	spop (v2sf)  }
0x118: {  	v6 =	vmul.f32 v8, v6;
	v5 =	vmul.f32 v7, v5;
	(v2sf) =	vpush v4, $0xC;
	[smem:$0x777] =	sst s12  }
0x119: {  	(v2sf) =	vpush v4, $0xD;
	s3 =	sadd.f32 s26, s21  }
0x11a: {  	v5 =	vadd.f32 v6, v5;
	(v2sf) =	vpush v4, $0xE;
	s12 =	sld [smem:$0x75B]  }
0x11b: {  	(v2sf) =	vpush v4, $0xF;
	s13 =	spop (v2sf);
	s21 =	sld [smem:$0x75F]  }
0x11c: {  	v36 =	vld [tilespmem:$0x1F10];
	(v2sf) =	vpush v5, $0x0;
	[smem:$0x778] =	sst s13  }
0x11d: {  	v35 =	vld [tilespmem:$0x1F00];
	(v2sf) =	vpush v5, $0x1;
	s9 =	sadd.f32 s10, s9  }
0x11e: {  	v34 =	vld [tilespmem:$0xF10];
	(v2sf) =	vpush v5, $0x2;
	s13 =	sld [smem:$0x75C]  }
0x11f: {  	v4 =	vld [tilespmem:$0xF00];
	(v2sf) =	vpush v5, $0x3;
	s17 =	spop (v2sf);
	s10 =	sld [smem:$0x760]  }
0x120: {  	(v2sf) =	vpush v5, $0x4;
	s11 =	spop (v2sf);
	s3 =	sadd.f32 s3, s2  }
0x121: {  	v8 =	vmul.f32 v36, v1;
	(v2sf) =	vpush v5, $0x5;
	[smem:$0x779] =	sst s11  }
0x122: {  	v7 =	vmul.f32 v35, v0;
	(v2sf) =	vpush v5, $0x6;
	s26 =	sadd.f32 s21, s20  }
0x123: {  	v8 =	vadd.f32 v8, v3;
	v6 =	vmul.f32 v34, v1;
	(v2sf) =	vpush v5, $0x7;
	s5 =	sadd.f32 s9, s5  }
0x124: {  	v7 =	vadd.f32 v7, v2;
	v4 =	vmul.f32 v4, v0;
	(v2sf) =	vpush v5, $0x8;
	s12 =	sadd.f32 s13, s12  }
0x125: {  	v6 =	vadd.f32 v6, v3;
	s11 =	spop (v2sf);
	(v2sf) =	vpush v5, $0x9;
	s23 =	sadd.f32 s10, s23  }
0x126: {  	v4 =	vadd.f32 v4, v2;
	s13 =	spop (v2sf);
	(v2sf) =	vpush v5, $0xA;
	s3 =	sadd.f32 s5, s3  }
0x127: {  	s20 =	spop (v2sf);
	(v2sf) =	vpush v5, $0xB;
	s12 =	sadd.f32 s16, s12  }
0x128: {  	v6 =	vmul.f32 v8, v6;
	v4 =	vmul.f32 v7, v4;
	s1 =	spop (v2sf);
	s21 =	sadd.f32 s23, s26;
	(v2sf) =	vpush v5, $0xC  }
0x129: {  	s13 =	sadd.f32 s20, s13;
	s10 =	spop (v2sf);
	(v2sf) =	vpush v5, $0xD  }
0x12a: {  	v4 =	vadd.f32 v6, v4;
	s14 =	spop (v2sf);
	s5 =	sadd.f32 s21, s12;
	(v2sf) =	vpush v5, $0xE  }
0x12b: {  	s1 =	sadd.f32 s10, s1;
	s2 =	spop (v2sf);
	(v2sf) =	vpush v5, $0xF  }
0x12c: {  	s2 =	sadd.f32 s2, s14;
	(v2sf) =	vpush v4, $0x0  }
0x12d: {  	s3 =	sadd.f32 s5, s3;
	(v2sf) =	vpush v4, $0x1  }
0x12e: {  	v37 =	vld [tilespmem:$0xF90];
	s23 =	spop (v2sf);
	s1 =	sadd.f32 s2, s1;
	(v2sf) =	vpush v4, $0x2  }
0x12f: {  	v5 =	vld [tilespmem:$0xF80];
	(v2sf) =	vpush v4, $0x3;
	[smem:$0x77A] =	sst s23  }
0x130: {  	[dreg:$0x13] =	wrdreg s3  }
0x131: {  	s16 =	sld [smem:$0x761]  }
0x132: {  	s26 =	spop (v2sf);
	s21 =	sld [smem:$0x762]  }
0x133: {  	[smem:$0x77B] =	sst s26  }
0x134: {  	s12 =	spop (v2sf);
	s26 =	sld [smem:$0x763]  }
0x135: {  	[smem:$0x77C] =	sst s12  }
0x136: {  	s23 =	spop (v2sf);
	s9 =	sadd.f32 s21, s16  }
0x137: {  	[smem:$0x77D] =	sst s23  }
0x138: {  	s16 =	sld [smem:$0x764]  }
0x139: {  	s21 =	spop (v2sf);
	s23 =	sld [smem:$0x765]  }
0x13a: {  	[smem:$0x77E] =	sst s21  }
0x13b: {  	s21 =	sld [smem:$0x768]  }
0x13c: {  	s10 =	sld [smem:$0x77D]  }
0x13d: {  	s12 =	sadd.f32 s16, s26  }
0x13e: {  	s26 =	sld [smem:$0x766]  }
0x13f: {  	s9 =	sadd.f32 s12, s9  }
0x140: {  	s12 =	sld [smem:$0x76B]  }
0x141: {  	s16 =	sadd.f32 s26, s23  }
0x142: {  	s23 =	spop (v2sf);
	s26 =	sld [smem:$0x767]  }
0x143: {  	[smem:$0x77F] =	sst s23;
	s23 =	spop (v2sf)  }
0x144: {  	[smem:$0x780] =	sst s23  }
0x145: {  	s23 =	sld [smem:$0x769]  }
0x146: {  	s14 =	sld [smem:$0x77F]  }
0x147: {  	s6 =	sadd.f32 s6, s26;
	s26 =	spop (v2sf)  }
0x148: {  	[smem:$0x781] =	sst s26  }
0x149: {  	s26 =	spop (v2sf);
	s6 =	sadd.f32 s6, s16  }
0x14a: {  	s18 =	spop (v2sf);
	s16 =	sadd.f32 s15, s19  }
0x14b: {  	s25 =	spop (v2sf);
	s9 =	sadd.f32 s6, s9  }
0x14c: {  	s7 =	spop (v2sf);
	s0 =	sadd.f32 s0, s16  }
0x14d: {  	s7 =	sadd.f32 s7, s25  }
0x14e: {  	s8 =	spop (v2sf);
	s0 =	sadd.f32 s0, s9  }
0x14f: {  	s6 =	spop (v2sf);
	s9 =	sld [smem:$0x76A]  }
0x150: {  	s6 =	sadd.f32 s6, s8  }
0x151: {  	[dreg:$0x15] =	wrdreg s0  }
0x152: {  	s0 =	sadd.f32 s23, s21  }
0x153: {  	(v2sf) =	vpush v4, $0x4;
	s21 =	sld [smem:$0x76D]  }
0x154: {  	s16 =	spop (v2sf);
	s3 =	sadd.f32 s12, s9  }
0x155: {  	(v2sf) =	vpush v4, $0x5;
	s4 =	spop (v2sf);
	s12 =	sld [smem:$0x76E]  }
0x156: {  	s19 =	spop (v2sf);
	s4 =	sadd.f32 s4, s16  }
0x157: {  	[smem:$0x782] =	sst s19  }
0x158: {  	(v2sf) =	vpush v4, $0x6;
	s5 =	spop (v2sf);
	s19 =	sld [smem:$0x76C]  }
0x159: {  	[smem:$0x783] =	sst s5  }
0x15a: {  	s0 =	sadd.f32 s3, s0  }
0x15b: {  	s15 =	spop (v2sf);
	s4 =	sadd.f32 s4, s6  }
0x15c: {  	[smem:$0x784] =	sst s15  }
0x15d: {  	s15 =	sld [smem:$0x76F]  }
0x15e: {  	s23 =	spop (v2sf);
	s5 =	sadd.f32 s21, s19  }
0x15f: {  	(v2sf) =	vpush v4, $0x7;
	[smem:$0x785] =	sst s23  }
0x160: {  	(v2sf) =	vpush v4, $0x8;
	s21 =	sld [smem:$0x770]  }
0x161: {  	s23 =	sld [smem:$0x771]  }
0x162: {  	s19 =	spop (v2sf);
	s25 =	sld [smem:$0x784]  }
0x163: {  	[smem:$0x786] =	sst s19  }
0x164: {  	s19 =	spop (v2sf);
	s9 =	sadd.f32 s15, s12  }
0x165: {  	[smem:$0x787] =	sst s19  }
0x166: {  	(v2sf) =	vpush v4, $0x9;
	s12 =	sadd.f32 s23, s21  }
0x167: {  	(v2sf) =	vpush v4, $0xA;
	s21 =	sld [smem:$0x772];
	s23 =	spop (v2sf)  }
0x168: {  	[smem:$0x788] =	sst s23  }
0x169: {  	s5 =	sadd.f32 s9, s5  }
0x16a: {  	v38 =	vld [tilespmem:$0x1F80];
	s9 =	sld [smem:$0x774]  }
0x16b: {  	v39 =	vld [tilespmem:$0x1F90];
	s6 =	sld [smem:$0x788]  }
0x16c: {  	s15 =	sadd.f32 s22, s21  }
0x16d: {  	v6 =	vmul.f32 v37, v1;
	s21 =	sadd.f32 s28, s31  }
0x16e: {  	v5 =	vmul.f32 v5, v0;
	s28 =	spop (v2sf);
	s0 =	sadd.f32 s5, s0  }
0x16f: {  	v6 =	vadd.f32 v6, v3;
	v7 =	vmul.f32 v38, v0;
	s5 =	sld [smem:$0x773];
	s22 =	spop (v2sf)  }
0x170: {  	v5 =	vadd.f32 v5, v2;
	v8 =	vmul.f32 v39, v1;
	(v2sf) =	vpush v4, $0xB;
	[smem:$0x789] =	sst s22  }
0x171: {  	v7 =	vadd.f32 v7, v2;
	(v2sf) =	vpush v4, $0xC;
	s23 =	sadd.f32 s15, s12  }
0x172: {  	v8 =	vadd.f32 v8, v3;
	(v2sf) =	vpush v4, $0xD;
	s24 =	sadd.f32 s29, s21  }
0x173: {  	s12 =	sld [smem:$0x775]  }
0x174: {  	v5 =	vmul.f32 v7, v5;
	v6 =	vmul.f32 v8, v6;
	s15 =	sld [smem:$0x776]  }
0x175: {  	s31 =	spop (v2sf);
	s21 =	sadd.f32 s5, s30  }
0x176: {  	v5 =	vadd.f32 v6, v5;
	(v2sf) =	vpush v4, $0xE;
	s29 =	spop (v2sf);
	s30 =	sld [smem:$0x778]  }
0x177: {  	(v2sf) =	vpush v4, $0xF;
	[smem:$0x78A] =	sst s29  }
0x178: {  	(v2sf) =	vpush v5, $0x0;
	s19 =	sadd.f32 s24, s23  }
0x179: {  	(v2sf) =	vpush v5, $0x1;
	s24 =	sld [smem:$0x777]  }
0x17a: {  	s23 =	sadd.f32 s12, s9  }
0x17b: {  	s9 =	sld [smem:$0x77C]  }
0x17c: {  	(v2sf) =	vpush v5, $0x2;
	s17 =	sadd.f32 s17, s30  }
0x17d: {  	(v2sf) =	vpush v5, $0x3;
	s30 =	sld [smem:$0x779]  }
0x17e: {  	s0 =	sadd.f32 s19, s0  }
0x17f: {  	s22 =	spop (v2sf);
	s19 =	sld [smem:$0x780]  }
0x180: {  	s29 =	spop (v2sf);
	s24 =	sadd.f32 s24, s15  }
0x181: {  	s3 =	spop (v2sf);
	s21 =	sadd.f32 s23, s21  }
0x182: {  	(v2sf) =	vpush v5, $0x4;
	s29 =	sadd.f32 s3, s29  }
0x183: {  	(v2sf) =	vpush v5, $0x5;
	[dreg:$0x17] =	wrdreg s0  }
0x184: {  	s10 =	sadd.f32 s10, s9  }
0x185: {  	s5 =	spop (v2sf);
	s11 =	sadd.f32 s11, s30  }
0x186: {  	(v2sf) =	vpush v5, $0x6;
	s12 =	spop (v2sf);
	s24 =	sadd.f32 s17, s24  }
0x187: {  	s15 =	spop (v2sf);
	s12 =	sadd.f32 s12, s5  }
0x188: {  	[smem:$0x78B] =	sst s15;
	s15 =	spop (v2sf)  }
0x189: {  	[smem:$0x78C] =	sst s15  }
0x18a: {  	v40 =	vld [tilespmem:$0x1010];
	(v2sf) =	vpush v5, $0x7;
	s11 =	sadd.f32 s13, s11  }
0x18b: {  	v41 =	vld [tilespmem:$0x2000];
	(v2sf) =	vpush v5, $0x8;
	s30 =	spop (v2sf);
	s12 =	sadd.f32 s12, s29  }
0x18c: {  	v42 =	vld [tilespmem:$0x2010];
	(v2sf) =	vpush v5, $0x9;
	[smem:$0x78D] =	sst s30;
	s15 =	spop (v2sf)  }
0x18d: {  	v4 =	vld [tilespmem:$0x1000];
	[smem:$0x78E] =	sst s15  }
0x18e: {  	s15 =	sadd.f32 s24, s21  }
0x18f: {  	s1 =	sadd.f32 s1, s11  }
0x190: {  	v7 =	vmul.f32 v41, v0;
	(v2sf) =	vpush v5, $0xA;
	s24 =	sld [smem:$0x77A]  }
0x191: {  	v8 =	vmul.f32 v42, v1;
	v6 =	vmul.f32 v40, v1;
	(v2sf) =	vpush v5, $0xB;
	s20 =	spop (v2sf);
	s11 =	sld [smem:$0x77E]  }
0x192: {  	v7 =	vadd.f32 v7, v2;
	v4 =	vmul.f32 v4, v0;
	[smem:$0x78F] =	sst s20;
	s23 =	spop (v2sf)  }
0x193: {  	v8 =	vadd.f32 v8, v3;
	v6 =	vadd.f32 v6, v3;
	[smem:$0x790] =	sst s23  }
0x194: {  	v4 =	vadd.f32 v4, v2;
	(v2sf) =	vpush v5, $0xC;
	s20 =	sadd.f32 s1, s15  }
0x195: {  	(v2sf) =	vpush v5, $0xD;
	s30 =	spop (v2sf);
	s1 =	sld [smem:$0x786]  }
0x196: {  	v6 =	vmul.f32 v8, v6;
	v4 =	vmul.f32 v7, v4;
	[smem:$0x791] =	sst s30  }
0x197: {  	s30 =	sld [smem:$0x77B]  }
0x198: {  	v4 =	vadd.f32 v6, v4;
	(v2sf) =	vpush v5, $0xE;
	s14 =	sadd.f32 s14, s11  }
0x199: {  	(v2sf) =	vpush v5, $0xF;
	s21 =	spop (v2sf);
	[dreg:$0x19] =	wrdreg s20  }
0x19a: {  	(v2sf) =	vpush v4, $0x0;
	s23 =	spop (v2sf);
	s20 =	sld [smem:$0x781]  }
0x19b: {  	(v2sf) =	vpush v4, $0x1;
	s17 =	spop (v2sf);
	s0 =	sadd.f32 s30, s24  }
0x19c: {  	s17 =	sadd.f32 s17, s23  }
0x19d: {  	s24 =	sadd.f32 s20, s19  }
0x19e: {  	(v2sf) =	vpush v4, $0x2;
	s20 =	sadd.f32 s18, s26  }
0x19f: {  	s2 =	spop (v2sf);
	s19 =	sld [smem:$0x782]  }
0x1a0: {  	s15 =	spop (v2sf);
	s0 =	sadd.f32 s10, s0  }
0x1a1: {  	(v2sf) =	vpush v4, $0x3;
	s15 =	sadd.f32 s15, s2  }
0x1a2: {  	(v2sf) =	vpush v4, $0x4;
	s10 =	sadd.f32 s24, s14  }
0x1a3: {  	s13 =	spop (v2sf);
	s7 =	sadd.f32 s7, s20  }
0x1a4: {  	s9 =	spop (v2sf);
	s20 =	sld [smem:$0x783]  }
0x1a5: {  	s9 =	sadd.f32 s9, s13  }
0x1a6: {  	s15 =	sadd.f32 s15, s17  }
0x1a7: {  	(v2sf) =	vpush v4, $0x5;
	s11 =	spop (v2sf);
	s7 =	sadd.f32 s4, s7  }
0x1a8: {  	(v2sf) =	vpush v4, $0x6;
	s18 =	spop (v2sf);
	s4 =	sld [smem:$0x787]  }
0x1a9: {  	s26 =	spop (v2sf);
	s11 =	sadd.f32 s18, s11  }
0x1aa: {  	[smem:$0x792] =	sst s26;
	s30 =	spop (v2sf)  }
0x1ab: {  	[smem:$0x793] =	sst s30  }
0x1ac: {  	v45 =	vld [tilespmem:$0x2090];
	s30 =	sld [smem:$0x785]  }
0x1ad: {  	v43 =	vld [tilespmem:$0x1090];
	s8 =	spop (v2sf);
	s1 =	sadd.f32 s4, s1  }
0x1ae: {  	v44 =	vld [tilespmem:$0x2080];
	[smem:$0x794] =	sst s8  }
0x1af: {  	v5 =	vld [tilespmem:$0x1080];
	(v2sf) =	vpush v4, $0x7;
	s8 =	sadd.f32 s10, s0  }
0x1b0: {  	(v2sf) =	vpush v4, $0x8;
	s26 =	spop (v2sf);
	s0 =	sadd.f32 s28, s6  }
0x1b1: {  	v8 =	vmul.f32 v45, v1;
	(v2sf) =	vpush v4, $0x9;
	s14 =	spop (v2sf);
	s17 =	sld [smem:$0x794]  }
0x1b2: {  	[smem:$0x795] =	sst s14  }
0x1b3: {  	v8 =	vadd.f32 v8, v3;
	v7 =	vmul.f32 v44, v0;
	s25 =	sadd.f32 s30, s25  }
0x1b4: {  	v6 =	vmul.f32 v43, v1;
	v5 =	vmul.f32 v5, v0;
	(v2sf) =	vpush v4, $0xA;
	s0 =	sadd.f32 s0, s1  }
0x1b5: {  	v7 =	vadd.f32 v7, v2;
	(v2sf) =	vpush v4, $0xB;
	s29 =	sadd.f32 s7, s8  }
0x1b6: {  	v6 =	vadd.f32 v6, v3;
	v5 =	vadd.f32 v5, v2;
	s24 =	spop (v2sf);
	s7 =	sld [smem:$0x78B]  }
0x1b7: {  	(v2sf) =	vpush v4, $0xC;
	s8 =	sld [smem:$0x78C];
	s16 =	spop (v2sf)  }
0x1b8: {  	v6 =	vmul.f32 v8, v6;
	v5 =	vmul.f32 v7, v5;
	(v2sf) =	vpush v4, $0xD;
	[smem:$0x796] =	sst s16  }
0x1b9: {  	s16 =	sadd.f32 s20, s19  }
0x1ba: {  	v5 =	vadd.f32 v6, v5;
	(v2sf) =	vpush v4, $0xE;
	s19 =	sld [smem:$0x789]  }
0x1bb: {  	(v2sf) =	vpush v4, $0xF;
	s20 =	sld [smem:$0x78A]  }
0x1bc: {  	(v2sf) =	vpush v5, $0x0;
	[dreg:$0x1b] =	wrdreg s29  }
0x1bd: {  	s29 =	sld [smem:$0x791]  }
0x1be: {  	(v2sf) =	vpush v5, $0x1;
	s14 =	spop (v2sf);
	s16 =	sadd.f32 s25, s16  }
0x1bf: {  	s30 =	spop (v2sf);
	s31 =	sadd.f32 s31, s19  }
0x1c0: {  	s10 =	spop (v2sf);
	s22 =	sadd.f32 s22, s20  }
0x1c1: {  	s30 =	sadd.f32 s10, s30  }
0x1c2: {  	s0 =	sadd.f32 s0, s16  }
0x1c3: {  	(v2sf) =	vpush v5, $0x2;
	s28 =	spop (v2sf);
	s16 =	sld [smem:$0x78E]  }
0x1c4: {  	s6 =	spop (v2sf);
	s1 =	sadd.f32 s22, s31  }
0x1c5: {  	(v2sf) =	vpush v5, $0x3;
	s28 =	sadd.f32 s6, s28  }
0x1c6: {  	s19 =	spop (v2sf);
	s1 =	sadd.f32 s12, s1  }
0x1c7: {  	s20 =	spop (v2sf);
	s12 =	sld [smem:$0x78D]  }
0x1c8: {  	(v2sf) =	vpush v5, $0x4;
	s19 =	sadd.f32 s20, s19  }
0x1c9: {  	s5 =	spop (v2sf);
	s28 =	sadd.f32 s28, s30  }
0x1ca: {  	s3 =	spop (v2sf);
	s0 =	sadd.f32 s1, s0  }
0x1cb: {  	(v2sf) =	vpush v5, $0x5;
	s4 =	spop (v2sf);
	s3 =	sadd.f32 s3, s5  }
0x1cc: {  	(v2sf) =	vpush v5, $0x6;
	[smem:$0x797] =	sst s4  }
0x1cd: {  	v46 =	vld [tilespmem:$0x1110];
	(v2sf) =	vpush v5, $0x7;
	s25 =	spop (v2sf);
	s1 =	sadd.f32 s16, s12  }
0x1ce: {  	v47 =	vld [tilespmem:$0x2100];
	[smem:$0x798] =	sst s25  }
0x1cf: {  	v48 =	vld [tilespmem:$0x2110];
	[dreg:$0x1d] =	wrdreg s0  }
0x1d0: {  	v4 =	vld [tilespmem:$0x1100];
	(v2sf) =	vpush v5, $0x8;
	s0 =	sadd.f32 s8, s7  }
0x1d1: {  	(v2sf) =	vpush v5, $0x9;
	s8 =	sadd.f32 s21, s29  }
0x1d2: {  	s31 =	spop (v2sf);
	s19 =	sadd.f32 s3, s19  }
0x1d3: {  	[smem:$0x799] =	sst s31  }
0x1d4: {  	v8 =	vmul.f32 v48, v1;
	v7 =	vmul.f32 v47, v0;
	(v2sf) =	vpush v5, $0xA;
	s22 =	spop (v2sf);
	s3 =	sld [smem:$0x798]  }
0x1d5: {  	v6 =	vmul.f32 v46, v1;
	v4 =	vmul.f32 v4, v0;
	(v2sf) =	vpush v5, $0xB;
	[smem:$0x79A] =	sst s22  }
0x1d6: {  	v8 =	vadd.f32 v8, v3;
	v7 =	vadd.f32 v7, v2;
	s22 =	sld [smem:$0x78F]  }
0x1d7: {  	v6 =	vadd.f32 v6, v3;
	v4 =	vadd.f32 v4, v2;
	s25 =	spop (v2sf);
	s1 =	sadd.f32 s1, s0  }
0x1d8: {  	(v2sf) =	vpush v5, $0xC;
	[smem:$0x79B] =	sst s25  }
0x1d9: {  	v6 =	vmul.f32 v8, v6;
	v4 =	vmul.f32 v7, v4;
	(v2sf) =	vpush v5, $0xD;
	s25 =	sld [smem:$0x790]  }
0x1da: {  	s0 =	sadd.f32 s26, s17;
	s31 =	spop (v2sf)  }
0x1db: {  	v4 =	vadd.f32 v6, v4;
	(v2sf) =	vpush v5, $0xE;
	[smem:$0x79C] =	sst s31;
	s31 =	spop (v2sf)  }
0x1dc: {  	(v2sf) =	vpush v5, $0xF;
	s7 =	sadd.f32 s25, s22;
	s25 =	spop (v2sf)  }
0x1dd: {  	(v2sf) =	vpush v4, $0x0;
	s31 =	sadd.f32 s25, s31  }
0x1de: {  	s29 =	sadd.f32 s8, s7  }
0x1df: {  	(v2sf) =	vpush v4, $0x1;
	s21 =	spop (v2sf);
	s8 =	sadd.f32 s11, s9  }
0x1e0: {  	s23 =	spop (v2sf);
	s11 =	sld [smem:$0x792]  }
0x1e1: {  	s23 =	sadd.f32 s23, s21  }
0x1e2: {  	(v2sf) =	vpush v4, $0x2;
	s2 =	sadd.f32 s29, s1  }
0x1e3: {  	s4 =	spop (v2sf);
	s8 =	sadd.f32 s8, s15  }
0x1e4: {  	s13 =	spop (v2sf);
	s15 =	sld [smem:$0x793]  }
0x1e5: {  	(v2sf) =	vpush v4, $0x3;
	s13 =	sadd.f32 s13, s4  }
0x1e6: {  	(v2sf) =	vpush v4, $0x4;
	s30 =	sadd.f32 s8, s2  }
0x1e7: {  	v51 =	vld [tilespmem:$0x2190];
	(v2sf) =	vpush v4, $0x5;
	s16 =	spop (v2sf);
	s2 =	sld [smem:$0x797]  }
0x1e8: {  	v50 =	vld [tilespmem:$0x2180];
	(v2sf) =	vpush v4, $0x6;
	s12 =	spop (v2sf);
	s8 =	sld [smem:$0x799]  }
0x1e9: {  	v49 =	vld [tilespmem:$0x1190];
	(v2sf) =	vpush v4, $0x7;
	s12 =	sadd.f32 s12, s16  }
0x1ea: {  	v5 =	vld [tilespmem:$0x1180];
	s18 =	spop (v2sf);
	s13 =	sadd.f32 s13, s23  }
0x1eb: {  	s7 =	spop (v2sf);
	[dreg:$0x1f] =	wrdreg s30  }
0x1ec: {  	v8 =	vmul.f32 v51, v1;
	s22 =	spop (v2sf);
	s7 =	sadd.f32 s7, s18  }
0x1ed: {  	v7 =	vmul.f32 v50, v0;
	[smem:$0x79D] =	sst s22  }
0x1ee: {  	v8 =	vadd.f32 v8, v3;
	v6 =	vmul.f32 v49, v1;
	s1 =	spop (v2sf);
	s22 =	sld [smem:$0x795]  }
0x1ef: {  	v7 =	vadd.f32 v7, v2;
	v5 =	vmul.f32 v5, v0;
	(v2sf) =	vpush v4, $0x8;
	[smem:$0x79E] =	sst s1  }
0x1f0: {  	v6 =	vadd.f32 v6, v3;
	(v2sf) =	vpush v4, $0x9;
	s1 =	sadd.f32 s15, s11  }
0x1f1: {  	v5 =	vadd.f32 v5, v2;
	(v2sf) =	vpush v4, $0xA;
	s9 =	spop (v2sf);
	s15 =	sld [smem:$0x796]  }
0x1f2: {  	(v2sf) =	vpush v4, $0xB;
	[smem:$0x79F] =	sst s9  }
0x1f3: {  	v6 =	vmul.f32 v8, v6;
	v5 =	vmul.f32 v7, v5;
	(v2sf) =	vpush v4, $0xC;
	s11 =	sadd.f32 s24, s22  }
0x1f4: {  	(v2sf) =	vpush v4, $0xD;
	s29 =	spop (v2sf);
	s0 =	sadd.f32 s0, s1  }
0x1f5: {  	v5 =	vadd.f32 v6, v5;
	(v2sf) =	vpush v4, $0xE;
	s26 =	spop (v2sf);
	s4 =	sld [smem:$0x79F]  }
0x1f6: {  	(v2sf) =	vpush v4, $0xF;
	s24 =	spop (v2sf);
	s14 =	sadd.f32 s14, s15  }
0x1f7: {  	(v2sf) =	vpush v5, $0x0;
	s22 =	spop (v2sf);
	s24 =	sadd.f32 s24, s26  }
0x1f8: {  	s15 =	spop (v2sf);
	s17 =	sadd.f32 s14, s11  }
0x1f9: {  	(v2sf) =	vpush v5, $0x1;
	s22 =	sadd.f32 s15, s22  }
0x1fa: {  	(v2sf) =	vpush v5, $0x2;
	s0 =	sadd.f32 s17, s0  }
0x1fb: {  	s17 =	sadd.f32 s19, s28  }
0x1fc: {  	s22 =	sadd.f32 s22, s24  }
0x1fd: {  	(v2sf) =	vpush v5, $0x3;
	s0 =	sadd.f32 s17, s0  }
0x1fe: {  	s20 =	spop (v2sf);
	s17 =	sld [smem:$0x79A]  }
0x1ff: {  	s10 =	spop (v2sf);
	[smem:$0x7A5] =	sst s0  }
0x200: {  	v54 =	vld [tilespmem:$0x2210];
	s11 =	spop (v2sf);
	s0 =	sadd.f32 s3, s2  }
0x201: {  	v53 =	vld [tilespmem:$0x2200];
	s9 =	spop (v2sf);
	s3 =	sld [smem:$0x79B]  }
0x202: {  	v52 =	vld [tilespmem:$0x1210];
	s14 =	spop (v2sf);
	s2 =	sadd.f32 s17, s8  }
0x203: {  	v4 =	vld [tilespmem:$0x1200];
	s5 =	spop (v2sf);
	s8 =	sld [smem:$0x79C]  }
0x204: {  	(v2sf) =	vpush v5, $0x4;
	s6 =	spop (v2sf);
	s5 =	sadd.f32 s5, s14  }
0x205: {  	v8 =	vmul.f32 v54, v1;
	(v2sf) =	vpush v5, $0x5;
	s28 =	spop (v2sf);
	s0 =	sadd.f32 s2, s0  }
0x206: {  	v7 =	vmul.f32 v53, v0;
	(v2sf) =	vpush v5, $0x6;
	s1 =	spop (v2sf);
	s2 =	sld [smem:$0x79E]  }
0x207: {  	v8 =	vadd.f32 v8, v3;
	v6 =	vmul.f32 v52, v1;
	(v2sf) =	vpush v5, $0x7;
	[smem:$0x7A0] =	sst s1  }
0x208: {  	v7 =	vadd.f32 v7, v2;
	v4 =	vmul.f32 v4, v0;
	(v2sf) =	vpush v5, $0x8;
	s30 =	spop (v2sf);
	s17 =	sadd.f32 s8, s3  }
0x209: {  	v6 =	vadd.f32 v6, v3;
	(v2sf) =	vpush v5, $0x9;
	s1 =	sld [smem:$0x79D];
	s19 =	spop (v2sf)  }
0x20a: {  	v4 =	vadd.f32 v4, v2;
	(v2sf) =	vpush v5, $0xA;
	[smem:$0x7A1] =	sst s19  }
0x20b: {  	(v2sf) =	vpush v5, $0xB;
	s8 =	sadd.f32 s31, s17  }
0x20c: {  	v6 =	vmul.f32 v8, v6;
	v4 =	vmul.f32 v7, v4;
	(v2sf) =	vpush v5, $0xC;
	s3 =	spop (v2sf);
	s17 =	sadd.f32 s7, s12  }
0x20d: {  	(v2sf) =	vpush v5, $0xD;
	[smem:$0x7A2] =	sst s3  }
0x20e: {  	v4 =	vadd.f32 v6, v4;
	(v2sf) =	vpush v5, $0xE;
	s2 =	sadd.f32 s2, s1  }
0x20f: {  	(v2sf) =	vpush v5, $0xF;
	s1 =	sadd.f32 s29, s4  }
0x210: {  	v57 =	vld [tilespmem:$0x2290];
	(v2sf) =	vpush v4, $0x0;
	s31 =	sadd.f32 s8, s0  }
0x211: {  	v56 =	vld [tilespmem:$0x2280];
	(v2sf) =	vpush v4, $0x1;
	s3 =	sadd.f32 s17, s13  }
0x212: {  	v55 =	vld [tilespmem:$0x1290];
	(v2sf) =	vpush v4, $0x2;
	s0 =	sadd.f32 s10, s20  }
0x213: {  	v5 =	vld [tilespmem:$0x1280];
	(v2sf) =	vpush v4, $0x3;
	s25 =	spop (v2sf);
	s20 =	sadd.f32 s9, s11  }
0x214: {  	(v2sf) =	vpush v4, $0x4;
	s21 =	spop (v2sf);
	s10 =	sadd.f32 s28, s6  }
0x215: {  	v8 =	vmul.f32 v57, v1;
	(v2sf) =	vpush v4, $0x5;
	s19 =	spop (v2sf);
	s2 =	sadd.f32 s1, s2  }
0x216: {  	v7 =	vmul.f32 v56, v0;
	(v2sf) =	vpush v4, $0x6;
	s21 =	sadd.f32 s21, s25;
	s16 =	spop (v2sf)  }
0x217: {  	v8 =	vadd.f32 v8, v3;
	v6 =	vmul.f32 v55, v1;
	(v2sf) =	vpush v4, $0x7;
	s20 =	sadd.f32 s20, s0;
	s18 =	spop (v2sf)  }
0x218: {  	v7 =	vadd.f32 v7, v2;
	v5 =	vmul.f32 v5, v0;
	(v2sf) =	vpush v4, $0x8;
	s5 =	sadd.f32 s10, s5;
	s23 =	spop (v2sf)  }
0x219: {  	v6 =	vadd.f32 v6, v3;
	(v2sf) =	vpush v4, $0x9;
	s2 =	sadd.f32 s22, s2;
	s12 =	spop (v2sf)  }
0x21a: {  	v5 =	vadd.f32 v5, v2;
	(v2sf) =	vpush v4, $0xA;
	s22 =	sld [smem:$0x7A1];
	s7 =	spop (v2sf)  }
0x21b: {  	(v2sf) =	vpush v4, $0xB;
	s1 =	sadd.f32 s16, s19;
	s13 =	spop (v2sf)  }
0x21c: {  	v6 =	vmul.f32 v8, v6;
	v5 =	vmul.f32 v7, v5;
	(v2sf) =	vpush v4, $0xC;
	s20 =	sadd.f32 s5, s20;
	s8 =	spop (v2sf)  }
0x21d: {  	(v2sf) =	vpush v4, $0xD;
	s5 =	sadd.f32 s3, s31;
	s29 =	spop (v2sf)  }
0x21e: {  	v5 =	vadd.f32 v6, v5;
	s31 =	sld [smem:$0x7A2];
	(v2sf) =	vpush v4, $0xE;
	s4 =	spop (v2sf)  }
0x21f: {  	s18 =	sadd.f32 s23, s18;
	(v2sf) =	vpush v4, $0xF;
	s15 =	spop (v2sf)  }
0x220: {  	v60 =	vld [tilespmem:$0x2310];
	s1 =	sadd.f32 s1, s21;
	(v2sf) =	vpush v5, $0x0;
	s26 =	spop (v2sf)  }
0x221: {  	v59 =	vld [tilespmem:$0x2300];
	[smem:$0x7A6] =	sst s5;
	(v2sf) =	vpush v5, $0x1;
	s17 =	spop (v2sf)  }
0x222: {  	v58 =	vld [tilespmem:$0x1310];
	(v2sf) =	vpush v5, $0x2;
	[smem:$0x7A4] =	sst s17;
	s17 =	spop (v2sf)  }
0x223: {  	v4 =	vld [tilespmem:$0x1300];
	s14 =	sadd.f32 s20, s2;
	(v2sf) =	vpush v5, $0x3;
	s28 =	spop (v2sf)  }
0x224: {  	s20 =	sld [smem:$0x7A0];
	(v2sf) =	vpush v5, $0x4;
	s11 =	spop (v2sf)  }
0x225: {  	v8 =	vmul.f32 v60, v1;
	[smem:$0x7A3] =	sst s15;
	(v2sf) =	vpush v5, $0x5;
	s15 =	spop (v2sf)  }
0x226: {  	v7 =	vmul.f32 v59, v0;
	s31 =	sadd.f32 s31, s22;
	(v2sf) =	vpush v5, $0x6;
	s9 =	spop (v2sf)  }
0x227: {  	v8 =	vadd.f32 v8, v3;
	v6 =	vmul.f32 v58, v1;
	s2 =	sadd.f32 s7, s12;
	(v2sf) =	vpush v5, $0x7;
	s10 =	spop (v2sf)  }
0x228: {  	v7 =	vadd.f32 v7, v2;
	[smem:$0x7A7] =	sst s14;
	v4 =	vmul.f32 v4, v0;
	(v2sf) =	vpush v5, $0x8;
	s6 =	spop (v2sf)  }
0x229: {  	v6 =	vadd.f32 v6, v3;
	s3 =	sadd.f32 s30, s20;
	(v2sf) =	vpush v5, $0x9;
	s24 =	spop (v2sf)  }
0x22a: {  	s0 =	sadd.f32 s8, s13;
	v4 =	vadd.f32 v4, v2;
	(v2sf) =	vpush v5, $0xA;
	s5 =	spop (v2sf)  }
0x22b: {  	s2 =	sadd.f32 s2, s18;
	(v2sf) =	vpush v5, $0xB;
	s14 =	spop (v2sf)  }
0x22c: {  	v6 =	vmul.f32 v8, v6;
	s4 =	sadd.f32 s4, s29;
	v4 =	vmul.f32 v7, v4;
	(v2sf) =	vpush v5, $0xC;
	s30 =	spop (v2sf)  }
0x22d: {  	s3 =	sadd.f32 s31, s3;
	(v2sf) =	vpush v5, $0xD;
	s22 =	spop (v2sf)  }
0x22e: {  	s0 =	sadd.f32 s4, s0;
	v4 =	vadd.f32 v6, v4;
	(v2sf) =	vpush v5, $0xE;
	s25 =	spop (v2sf)  }
0x22f: {  	s1 =	sadd.f32 s1, s3;
	(v2sf) =	vpush v5, $0xF;
	s16 =	spop (v2sf)  }
0x230: {  	v63 =	vld [tilespmem:$0x2390];
	s3 =	sld [smem:$0x7A3];
	(v2sf) =	vpush v4, $0x0;
	s19 =	spop (v2sf)  }
0x231: {  	v62 =	vld [tilespmem:$0x2380];
	s0 =	sadd.f32 s0, s2;
	(v2sf) =	vpush v4, $0x1;
	s12 =	spop (v2sf)  }
0x232: {  	v61 =	vld [tilespmem:$0x1390];
	s4 =	sld [smem:$0x7A4];
	(v2sf) =	vpush v4, $0x2;
	s13 =	spop (v2sf)  }
0x233: {  	s3 =	sadd.f32 s26, s3;
	v5 =	vld [tilespmem:$0x1380];
	(v2sf) =	vpush v4, $0x3;
	s20 =	spop (v2sf)  }
0x234: {  	s11 =	sadd.f32 s11, s28;
	(v2sf) =	vpush v4, $0x4;
	s7 =	spop (v2sf)  }
0x235: {  	v8 =	vmul.f32 v63, v1;
	s0 =	sadd.f32 s0, s1;
	(v2sf) =	vpush v4, $0x5;
	s8 =	spop (v2sf)  }
0x236: {  	v7 =	vmul.f32 v62, v0;
	s17 =	sadd.f32 s17, s4;
	(v2sf) =	vpush v4, $0x6;
	s18 =	spop (v2sf)  }
0x237: {  	v8 =	vadd.f32 v8, v3;
	v6 =	vmul.f32 v61, v1;
	s9 =	sadd.f32 s9, s15;
	(v2sf) =	vpush v4, $0x7;
	s21 =	spop (v2sf)  }
0x238: {  	v7 =	vadd.f32 v7, v2;
	s17 =	sadd.f32 s17, s3;
	v5 =	vmul.f32 v5, v0;
	(v2sf) =	vpush v4, $0x8;
	s23 =	spop (v2sf)  }
0x239: {  	v6 =	vadd.f32 v6, v3;
	s10 =	sadd.f32 s6, s10;
	(v2sf) =	vpush v4, $0x9;
	s29 =	spop (v2sf)  }
0x23a: {  	s11 =	sadd.f32 s9, s11;
	v5 =	vadd.f32 v5, v2;
	(v2sf) =	vpush v4, $0xA;
	s26 =	spop (v2sf)  }
0x23b: {  	s5 =	sadd.f32 s5, s24;
	(v2sf) =	vpush v4, $0xB;
	s31 =	spop (v2sf)  }
0x23c: {  	v6 =	vmul.f32 v8, v6;
	s17 =	sadd.f32 s11, s17;
	v5 =	vmul.f32 v7, v5;
	(v2sf) =	vpush v4, $0xC;
	s4 =	spop (v2sf)  }
0x23d: {  	s14 =	sadd.f32 s30, s14;
	(v2sf) =	vpush v4, $0xD;
	s2 =	spop (v2sf)  }
0x23e: {  	s22 =	sadd.f32 s25, s22;
	v5 =	vadd.f32 v6, v5;
	(v2sf) =	vpush v4, $0xE;
	s28 =	spop (v2sf)  }
0x23f: {  	s25 =	sadd.f32 s5, s10;
	(v2sf) =	vpush v4, $0xF;
	s24 =	spop (v2sf)  }
0x240: {  	s14 =	sadd.f32 s22, s14;
	(v2sf) =	vpush v5, $0x0;
	s30 =	spop (v2sf)  }
0x241: {  	s16 =	sadd.f32 s19, s16;
	(v2sf) =	vpush v5, $0x1;
	s6 =	spop (v2sf)  }
0x242: {  	s22 =	sadd.f32 s14, s25;
	(v2sf) =	vpush v5, $0x2;
	s3 =	spop (v2sf)  }
0x243: {  	s12 =	sadd.f32 s13, s12;
	(v2sf) =	vpush v5, $0x3;
	s9 =	spop (v2sf)  }
0x244: {  	s1 =	sadd.f32 s22, s17;
	(v2sf) =	vpush v5, $0x4;
	s5 =	spop (v2sf)  }
0x245: {  	s7 =	sadd.f32 s7, s20;
	(v2sf) =	vpush v5, $0x5;
	s10 =	spop (v2sf)  }
0x246: {  	s12 =	sadd.f32 s12, s16;
	s11 =	spop (v2sf)  }
0x247: {  	s8 =	sadd.f32 s18, s8;
	s14 =	spop (v2sf)  }
0x248: {  	s23 =	sadd.f32 s23, s21;
	s15 =	spop (v2sf)  }
0x249: {  	s7 =	sadd.f32 s8, s7;
	(v2sf) =	vpush v5, $0x6;
	s22 =	spop (v2sf)  }
0x24a: {  	s25 =	sadd.f32 s26, s29;
	(v2sf) =	vpush v5, $0x7;
	s17 =	spop (v2sf)  }
0x24b: {  	s4 =	sadd.f32 s4, s31;
	s13 =	spop (v2sf)  }
0x24c: {  	s2 =	sadd.f32 s28, s2;
	(v2sf) =	vpush v5, $0x8;
	s19 =	spop (v2sf)  }
0x24d: {  	s20 =	sadd.f32 s25, s23;
	(v2sf) =	vpush v5, $0x9;
	s18 =	spop (v2sf)  }
0x24e: {  	s2 =	sadd.f32 s2, s4;
	(v2sf) =	vpush v5, $0xA;
	s21 =	spop (v2sf)  }
0x24f: {  	s7 =	sadd.f32 s7, s12;
	(v2sf) =	vpush v5, $0xB;
	s26 =	spop (v2sf)  }
0x250: {  	s2 =	sadd.f32 s2, s20;
	(v2sf) =	vpush v5, $0xC;
	s31 =	spop (v2sf)  }
0x251: {  	s3 =	sadd.f32 s3, s6;
	(v2sf) =	vpush v5, $0xD;
	s28 =	spop (v2sf)  }
0x252: {  	s5 =	sadd.f32 s5, s9;
	(v2sf) =	vpush v5, $0xE;
	s16 =	spop (v2sf)  }
0x253: {  	(v2sf) =	vpush v5, $0xF;
	s25 =	sadd.f32 s31, s26;
	s8 =	spop (v2sf)  }
0x254: {  	s16 =	sadd.f32 s16, s28;
	s29 =	spop (v2sf)  }
0x255: {  	s8 =	sadd.f32 s29, s8  }
0x256: {  	s16 =	sadd.f32 s16, s25  }
0x257: {  	s25 =	sadd.f32 s30, s24  }
0x258: {  	s4 =	spop (v2sf);
	s30 =	rddreg [dreg:$0x13]  }
0x259: {  	s24 =	sld [smem:$0x7A5];
	s12 =	spop (v2sf)  }
0x25a: {  	s4 =	sadd.f32 s12, s4  }
0x25b: {  	s20 =	spop (v2sf);
	s3 =	sadd.f32 s3, s25  }
0x25c: {  	s25 =	sld [smem:$0x7A6];
	s31 =	spop (v2sf)  }
0x25d: {  	s28 =	spop (v2sf);
	s20 =	sadd.f32 s31, s20  }
0x25e: {  	s4 =	sadd.f32 s4, s8;
	s29 =	spop (v2sf)  }
0x25f: {  	s12 =	spop (v2sf);
	s23 =	sadd.f32 s29, s28  }
0x260: {  	s4 =	sadd.f32 s4, s16;
	s31 =	spop (v2sf)  }
0x261: {  	s28 =	rddreg [dreg:$0x11];
	s29 =	spop (v2sf)  }
0x262: {  	s12 =	sadd.f32 s31, s12;
	s31 =	spop (v2sf)  }
0x263: {  	s26 =	sadd.f32 s31, s29  }
0x264: {  	s23 =	sadd.f32 s23, s20  }
0x265: {  	s12 =	sadd.f32 s26, s12  }
0x266: {  	s16 =	rddreg [dreg:$0x17]  }
0x267: {  	s8 =	sadd.f32 s12, s23  }
0x268: {  	s20 =	rddreg [dreg:$0x1d]  }
0x269: {  	s4 =	sadd.f32 s8, s4  }
0x26a: {  	s29 =	sadd.f32 s15, s14  }
0x26b: {  	s31 =	sadd.f32 s17, s22;
	v4 =	vmov s4  }
0x26c: {  	s14 =	rddreg [dreg:$0x15];
	v4 =	vsel vm0, s28, v4  }
0x26d: {  	s15 =	sadd.f32 s19, s13;
	v4 =	vsel vm1, s30, v4  }
0x26e: {  	s17 =	sadd.f32 s21, s18;
	v4 =	vsel vm2, s14, v4  }
0x26f: {  	s18 =	rddreg [dreg:$0x19];
	v4 =	vsel vm3, s16, v4  }
0x270: {  	s19 =	rddreg [dreg:$0x1b];
	v4 =	vsel vm4, s18, v4  }
0x271: {  	s22 =	rddreg [dreg:$0x1f];
	v4 =	vsel vm5, s19, v4  }
0x272: {  	s26 =	sadd.f32 s11, s10;
	v4 =	vsel vm6, s20, v4  }
0x273: {  	s28 =	sld [smem:$0x7A7];
	v4 =	vsel vm7, s22, v4  }
0x274: {  	s21 =	sadd.f32 s31, s29;
	v4 =	vsel vm8, s24, v4  }
0x275: {  	s23 =	sadd.f32 s17, s15;
	v4 =	vsel vm9, s25, v4  }
0x276: {  	s4 =	sadd.f32 s26, s5;
	v4 =	vsel vm10, s28, v4  }
0x277: {  	s30 =	rddreg [dreg:$0xe];
	v4 =	vsel vm11, s0, v4  }
0x278: {  	s26 =	sadd.f32 s23, s21;
	v4 =	vsel vm12, s1, v4;
	s1 =	sadd.s32 $0x80, s30  }
0x279: {  	s3 =	sadd.f32 s4, s3;
	p0 =	sne.s32 s1, $0x800  }
.Ltmp3:
0x27a: {  	s2 =	sadd.f32 s2, s7;
	(pc) =	sbr.rel @!p0 .LBB2_5-.Ltmp3, $4  }
0x27b: {  	s29 =	sadd.f32 s26, s3  }
0x27c: {  	v4 =	vsel vm13, s2, v4  }
0x27d: {  	s31 =	rddreg [dreg:$0xf];
	v4 =	vsel vm14, s29, v4  }
0x27e: {  	s9 =	simm.s32 $0x0;
	[tilespmem:s31+$0x2510] =	vst v4  }
.LBB2_2:
0x27f: {  	s0 =	sshra.s32 s1, $0x2  }
0x280: {  	v4 =	vld [tilespmem:s0+$0x10];
	_ =	sdelay $0x1  }
0x281: {  	v6 =	vld [tilespmem:s0+$0x210];
	_ =	sdelay $0x2  }
0x282: {  	v5 =	vshll.u32 v4, $0x4  }
0x283: {  	(v2sf) =	vpush v5, $0x0  }
0x284: {  	v4 =	vshll.u32 v6, $0x4  }
0x285: {  	(v2sf) =	vpush v4, $0x0;
	_ =	sdelay $0x2  }
0x286: {  	(v2sf) =	vpush v5, $0x1;
	_ =	sdelay $0x2  }
0x287: {  	(v2sf) =	vpush v4, $0x1;
	_ =	sdelay $0x2  }
0x288: {  	(v2sf) =	vpush v5, $0x2;
	_ =	sdelay $0x2  }
0x289: {  	[dreg:$0xe] =	wrdreg s1;
	(v2sf) =	vpush v4, $0x2  }
0x28a: {  	s1 =	rddreg [dreg:$0x7];
	s19 =	spop (v2sf)  }
0x28b: {  	[dreg:$0xf] =	wrdreg s0;
	s0 =	sand.u32 $0x1FFFFFF0, s19  }
0x28c: {  	s2 =	simm.s32 $0xC00;
	(v2sf) =	vpush v5, $0x3;
	s20 =	spop (v2sf);
	s0 =	sadd.s32 s1, s0  }
0x28d: {  	[tilespmem:s2], [sflag:$0x2] =	stream.linear.gather [hbm4b:s0+s9], $0x80, $0x38;
	[tilespmem:$0x2700] =	vst v63  }
0x28e: {  	s0 =	sand.u32 $0x1FFFFFF0, s20;
	s2 =	rddreg [dreg:$0x8]  }
0x28f: {  	s3 =	simm.s32 $0x1C00;
	(v2sf) =	vpush v4, $0x3;
	s21 =	spop (v2sf);
	s0 =	sadd.s32 s2, s0  }
0x290: {  	[tilespmem:s3], [sflag:$0x2] =	stream.linear.gather [hbm4b:s0+s9], $0x80, $0x38;
	[tilespmem:$0x2700] =	vst v63  }
0x291: {  	s0 =	sand.u32 $0x1FFFFFF0, s21  }
0x292: {  	s22 =	simm.s32 $0xC80;
	(v2sf) =	vpush v5, $0x4;
	s23 =	spop (v2sf);
	s0 =	sadd.s32 s1, s0  }
0x293: {  	[tilespmem:s22], [sflag:$0x2] =	stream.linear.gather [hbm4b:s0+s9], $0x80, $0x38;
	[tilespmem:$0x2700] =	vst v63  }
0x294: {  	s0 =	sand.u32 $0x1FFFFFF0, s23  }
0x295: {  	s24 =	simm.s32 $0x1C80;
	(v2sf) =	vpush v4, $0x4;
	s25 =	spop (v2sf);
	s0 =	sadd.s32 s2, s0  }
0x296: {  	[tilespmem:s24], [sflag:$0x2] =	stream.linear.gather [hbm4b:s0+s9], $0x80, $0x38;
	[tilespmem:$0x2700] =	vst v63  }
0x297: {  	s0 =	sand.u32 $0x1FFFFFF0, s25  }
0x298: {  	s26 =	simm.s32 $0xD00;
	(v2sf) =	vpush v5, $0x5;
	s28 =	spop (v2sf);
	s0 =	sadd.s32 s1, s0  }
0x299: {  	[tilespmem:s26], [sflag:$0x2] =	stream.linear.gather [hbm4b:s0+s9], $0x80, $0x38;
	[tilespmem:$0x2700] =	vst v63  }
0x29a: {  	s0 =	sand.u32 $0x1FFFFFF0, s28  }
0x29b: {  	s29 =	simm.s32 $0x1D00;
	(v2sf) =	vpush v4, $0x5;
	s30 =	spop (v2sf);
	s0 =	sadd.s32 s2, s0  }
0x29c: {  	[tilespmem:s29], [sflag:$0x2] =	stream.linear.gather [hbm4b:s0+s9], $0x80, $0x38;
	[tilespmem:$0x2700] =	vst v63  }
0x29d: {  	s0 =	sand.u32 $0x1FFFFFF0, s30  }
0x29e: {  	s31 =	simm.s32 $0xD80;
	(v2sf) =	vpush v5, $0x6;
	s4 =	spop (v2sf);
	s0 =	sadd.s32 s1, s0  }
0x29f: {  	[tilespmem:s31], [sflag:$0x2] =	stream.linear.gather [hbm4b:s0+s9], $0x80, $0x38;
	[tilespmem:$0x2700] =	vst v63  }
0x2a0: {  	s0 =	sand.u32 $0x1FFFFFF0, s4  }
0x2a1: {  	s5 =	simm.s32 $0x1D80;
	(v2sf) =	vpush v4, $0x6;
	s6 =	spop (v2sf);
	s0 =	sadd.s32 s2, s0  }
0x2a2: {  	[tilespmem:s5], [sflag:$0x2] =	stream.linear.gather [hbm4b:s0+s9], $0x80, $0x38;
	[tilespmem:$0x2700] =	vst v63  }
0x2a3: {  	s0 =	sand.u32 $0x1FFFFFF0, s6  }
0x2a4: {  	s7 =	simm.s32 $0xE00;
	(v2sf) =	vpush v5, $0x7;
	s8 =	spop (v2sf);
	s0 =	sadd.s32 s1, s0  }
0x2a5: {  	[tilespmem:s7], [sflag:$0x2] =	stream.linear.gather [hbm4b:s0+s9], $0x80, $0x38;
	[tilespmem:$0x2700] =	vst v63  }
0x2a6: {  	s0 =	sand.u32 $0x1FFFFFF0, s8  }
0x2a7: {  	s10 =	simm.s32 $0x1E00;
	(v2sf) =	vpush v4, $0x7;
	s11 =	spop (v2sf);
	s0 =	sadd.s32 s2, s0  }
0x2a8: {  	[tilespmem:s10], [sflag:$0x2] =	stream.linear.gather [hbm4b:s0+s9], $0x80, $0x38;
	[tilespmem:$0x2700] =	vst v63  }
0x2a9: {  	s0 =	sand.u32 $0x1FFFFFF0, s11  }
0x2aa: {  	s12 =	simm.s32 $0xE80;
	(v2sf) =	vpush v5, $0x8;
	s13 =	spop (v2sf);
	s0 =	sadd.s32 s1, s0  }
0x2ab: {  	[tilespmem:s12], [sflag:$0x2] =	stream.linear.gather [hbm4b:s0+s9], $0x80, $0x38;
	[tilespmem:$0x2700] =	vst v63  }
0x2ac: {  	s0 =	sand.u32 $0x1FFFFFF0, s13  }
0x2ad: {  	s14 =	simm.s32 $0x1E80;
	(v2sf) =	vpush v4, $0x8;
	s15 =	spop (v2sf);
	s0 =	sadd.s32 s2, s0  }
0x2ae: {  	[tilespmem:s14], [sflag:$0x2] =	stream.linear.gather [hbm4b:s0+s9], $0x80, $0x38;
	[tilespmem:$0x2700] =	vst v63  }
0x2af: {  	s0 =	sand.u32 $0x1FFFFFF0, s15  }
0x2b0: {  	s16 =	simm.s32 $0xF00;
	(v2sf) =	vpush v5, $0x9;
	s17 =	spop (v2sf);
	s0 =	sadd.s32 s1, s0  }
0x2b1: {  	[tilespmem:s16], [sflag:$0x2] =	stream.linear.gather [hbm4b:s0+s9], $0x80, $0x38;
	[tilespmem:$0x2700] =	vst v63  }
0x2b2: {  	s0 =	sand.u32 $0x1FFFFFF0, s17  }
0x2b3: {  	s18 =	simm.s32 $0x1F00;
	(v2sf) =	vpush v4, $0x9;
	s19 =	spop (v2sf);
	s0 =	sadd.s32 s2, s0  }
0x2b4: {  	[tilespmem:s18], [sflag:$0x2] =	stream.linear.gather [hbm4b:s0+s9], $0x80, $0x38;
	[tilespmem:$0x2700] =	vst v63  }
0x2b5: {  	s0 =	sand.u32 $0x1FFFFFF0, s19  }
0x2b6: {  	s20 =	simm.s32 $0xF80;
	(v2sf) =	vpush v5, $0xA;
	s21 =	spop (v2sf);
	s0 =	sadd.s32 s1, s0  }
0x2b7: {  	[tilespmem:s20], [sflag:$0x2] =	stream.linear.gather [hbm4b:s0+s9], $0x80, $0x38;
	[tilespmem:$0x2700] =	vst v63  }
0x2b8: {  	s0 =	sand.u32 $0x1FFFFFF0, s21  }
0x2b9: {  	(v2sf) =	vpush v4, $0xA;
	s22 =	simm.s32 $0x1F80;
	s23 =	spop (v2sf);
	s0 =	sadd.s32 s2, s0  }
0x2ba: {  	[tilespmem:s22], [sflag:$0x2] =	stream.linear.gather [hbm4b:s0+s9], $0x80, $0x38;
	[tilespmem:$0x2700] =	vst v63  }
0x2bb: {  	s0 =	sand.u32 $0x1FFFFFF0, s23  }
0x2bc: {  	(v2sf) =	vpush v5, $0xB;
	s24 =	simm.s32 $0x1000;
	s25 =	spop (v2sf);
	s0 =	sadd.s32 s1, s0  }
0x2bd: {  	[tilespmem:s24], [sflag:$0x2] =	stream.linear.gather [hbm4b:s0+s9], $0x80, $0x38;
	[tilespmem:$0x2700] =	vst v63  }
0x2be: {  	s0 =	sand.u32 $0x1FFFFFF0, s25  }
0x2bf: {  	(v2sf) =	vpush v4, $0xB;
	s26 =	simm.s32 $0x2000;
	s28 =	spop (v2sf);
	s0 =	sadd.s32 s2, s0  }
0x2c0: {  	[tilespmem:s26], [sflag:$0x2] =	stream.linear.gather [hbm4b:s0+s9], $0x80, $0x38;
	[tilespmem:$0x2700] =	vst v63  }
0x2c1: {  	s0 =	sand.u32 $0x1FFFFFF0, s28  }
0x2c2: {  	(v2sf) =	vpush v5, $0xC;
	s29 =	simm.s32 $0x1080;
	s30 =	spop (v2sf);
	s0 =	sadd.s32 s1, s0  }
0x2c3: {  	[tilespmem:s29], [sflag:$0x2] =	stream.linear.gather [hbm4b:s0+s9], $0x80, $0x38;
	[tilespmem:$0x2700] =	vst v63  }
0x2c4: {  	s0 =	sand.u32 $0x1FFFFFF0, s30  }
0x2c5: {  	(v2sf) =	vpush v4, $0xC;
	s31 =	simm.s32 $0x2080;
	s4 =	spop (v2sf);
	s0 =	sadd.s32 s2, s0  }
0x2c6: {  	[tilespmem:s31], [sflag:$0x2] =	stream.linear.gather [hbm4b:s0+s9], $0x80, $0x38;
	[tilespmem:$0x2700] =	vst v63  }
0x2c7: {  	s0 =	sand.u32 $0x1FFFFFF0, s4  }
0x2c8: {  	(v2sf) =	vpush v5, $0xD;
	s5 =	simm.s32 $0x1100;
	s6 =	spop (v2sf);
	s0 =	sadd.s32 s1, s0  }
0x2c9: {  	[tilespmem:s5], [sflag:$0x2] =	stream.linear.gather [hbm4b:s0+s9], $0x80, $0x38;
	[tilespmem:$0x2700] =	vst v63  }
0x2ca: {  	s0 =	sand.u32 $0x1FFFFFF0, s6  }
0x2cb: {  	(v2sf) =	vpush v4, $0xD;
	s7 =	simm.s32 $0x2100;
	s8 =	spop (v2sf);
	s0 =	sadd.s32 s2, s0  }
0x2cc: {  	[tilespmem:s7], [sflag:$0x2] =	stream.linear.gather [hbm4b:s0+s9], $0x80, $0x38;
	[tilespmem:$0x2700] =	vst v63  }
0x2cd: {  	s0 =	sand.u32 $0x1FFFFFF0, s8  }
0x2ce: {  	(v2sf) =	vpush v5, $0xE;
	s10 =	simm.s32 $0x1180;
	s11 =	spop (v2sf);
	s0 =	sadd.s32 s1, s0  }
0x2cf: {  	[tilespmem:s10], [sflag:$0x2] =	stream.linear.gather [hbm4b:s0+s9], $0x80, $0x38;
	[tilespmem:$0x2700] =	vst v63  }
0x2d0: {  	s0 =	sand.u32 $0x1FFFFFF0, s11  }
0x2d1: {  	(v2sf) =	vpush v4, $0xE;
	s12 =	simm.s32 $0x2180;
	s13 =	spop (v2sf);
	s0 =	sadd.s32 s2, s0  }
0x2d2: {  	[tilespmem:s12], [sflag:$0x2] =	stream.linear.gather [hbm4b:s0+s9], $0x80, $0x38;
	[tilespmem:$0x2700] =	vst v63  }
0x2d3: {  	s0 =	sand.u32 $0x1FFFFFF0, s13  }
0x2d4: {  	(v2sf) =	vpush v5, $0xF;
	s14 =	simm.s32 $0x1200;
	s15 =	spop (v2sf);
	s0 =	sadd.s32 s1, s0  }
0x2d5: {  	[tilespmem:s14], [sflag:$0x2] =	stream.linear.gather [hbm4b:s0+s9], $0x80, $0x38;
	[tilespmem:$0x2700] =	vst v63  }
0x2d6: {  	s0 =	sand.u32 $0x1FFFFFF0, s15  }
0x2d7: {  	(v2sf) =	vpush v4, $0xF;
	s16 =	simm.s32 $0x2200;
	s17 =	spop (v2sf);
	s0 =	sadd.s32 s2, s0  }
0x2d8: {  	[tilespmem:s16], [sflag:$0x2] =	stream.linear.gather [hbm4b:s0+s9], $0x80, $0x38;
	[tilespmem:$0x2700] =	vst v63  }
0x2d9: {  	s0 =	sand.u32 $0x1FFFFFF0, s17  }
0x2da: {  	s18 =	simm.s32 $0x1280;
	s19 =	spop (v2sf);
	s0 =	sadd.s32 s1, s0  }
0x2db: {  	[tilespmem:s18], [sflag:$0x2] =	stream.linear.gather [hbm4b:s0+s9], $0x80, $0x38;
	[tilespmem:$0x2700] =	vst v63  }
0x2dc: {  	s0 =	sand.u32 $0x1FFFFFF0, s19  }
0x2dd: {  	s20 =	simm.s32 $0x2280;
	s21 =	spop (v2sf);
	s0 =	sadd.s32 s2, s0  }
0x2de: {  	[tilespmem:s20], [sflag:$0x2] =	stream.linear.gather [hbm4b:s0+s9], $0x80, $0x38;
	[tilespmem:$0x2700] =	vst v63  }
0x2df: {  	s0 =	sand.u32 $0x1FFFFFF0, s21  }
0x2e0: {  	s22 =	simm.s32 $0x1300;
	s23 =	spop (v2sf);
	s0 =	sadd.s32 s1, s0  }
0x2e1: {  	[tilespmem:s22], [sflag:$0x2] =	stream.linear.gather [hbm4b:s0+s9], $0x80, $0x38;
	[tilespmem:$0x2700] =	vst v63  }
0x2e2: {  	s0 =	sand.u32 $0x1FFFFFF0, s23  }
0x2e3: {  	s24 =	simm.s32 $0x2300;
	s25 =	spop (v2sf);
	s0 =	sadd.s32 s2, s0  }
0x2e4: {  	[tilespmem:s24], [sflag:$0x2] =	stream.linear.gather [hbm4b:s0+s9], $0x80, $0x38;
	[tilespmem:$0x2700] =	vst v63  }
0x2e5: {  	s0 =	sand.u32 $0x1FFFFFF0, s25  }
0x2e6: {  	s26 =	simm.s32 $0x1380;
	s28 =	spop (v2sf);
	s0 =	sadd.s32 s1, s0  }
0x2e7: {  	[tilespmem:s26], [sflag:$0x2] =	stream.linear.gather [hbm4b:s0+s9], $0x80, $0x38;
	[tilespmem:$0x2700] =	vst v63  }
0x2e8: {  	s0 =	sand.u32 $0x1FFFFFF0, s28  }
0x2e9: {  	s29 =	simm.s32 $0x2380;
	s30 =	simm.s32 $0x1;
	s0 =	sadd.s32 s2, s0  }
0x2ea: {  	[tilespmem:s29], [sflag:$0x2] =	stream.linear.gather [hbm4b:s0+s9], $0x80, $0x38;
	[tilespmem:$0x2700] =	vst v63  }
0x2eb: {  	_ =	swait.ge [sflag:s30], $0x800  }
0x2ec: {  	[sflag:s30] =	ssyncset.done $0x0  }
0x2ed: {  	[sflag:s30] =	ssyncadd.s32 $0xFFFFF800  }
0x2ee: {  	_ =	swait.ge [sflag:s30], $0x800  }
0x2ef: {  	[sflag:s30] =	ssyncset.done $0x0  }
0x2f0: {  	[sflag:s30] =	ssyncadd.s32 $0xFFFFF800  }
0x2f1: {  	v4 =	vld [tilespmem:$0x400]  }
0x2f2: {  	v5 =	vld [tilespmem:$0x410]  }
0x2f3: {  	v19 =	vld [tilespmem:$0x1400]  }
0x2f4: {  	v7 =	vld [tilespmem:$0x1410];
	_ =	sdelay $0x3  }
0x2f5: {  	v4 =	vmul.f32 v4, v0;
	v5 =	vmul.f32 v5, v1  }
0x2f6: {  	v6 =	vmul.f32 v19, v0;
	v7 =	vmul.f32 v7, v1  }
0x2f7: {  	v4 =	vadd.f32 v4, v2;
	v5 =	vadd.f32 v5, v3  }
0x2f8: {  	v6 =	vadd.f32 v6, v2;
	v7 =	vadd.f32 v7, v3;
	_ =	sdelay $0x1  }
0x2f9: {  	v4 =	vmul.f32 v6, v4;
	v5 =	vmul.f32 v7, v5;
	_ =	sdelay $0x1  }
0x2fa: {  	v4 =	vadd.f32 v5, v4;
	_ =	sdelay $0x1  }
0x2fb: {  	v8 =	vld [tilespmem:$0x1490];
	(v2sf) =	vpush v4, $0x0  }
0x2fc: {  	v20 =	vld [tilespmem:$0x490];
	(v2sf) =	vpush v4, $0x1  }
0x2fd: {  	v21 =	vld [tilespmem:$0x1480];
	(v2sf) =	vpush v4, $0x2  }
0x2fe: {  	v5 =	vld [tilespmem:$0x480];
	(v2sf) =	vpush v4, $0x3  }
0x2ff: {  	(v2sf) =	vpush v4, $0x4  }
0x300: {  	v8 =	vmul.f32 v8, v1;
	(v2sf) =	vpush v4, $0x5  }
0x301: {  	v6 =	vmul.f32 v20, v1;
	(v2sf) =	vpush v4, $0x6  }
0x302: {  	v8 =	vadd.f32 v8, v3;
	v7 =	vmul.f32 v21, v0;
	(v2sf) =	vpush v4, $0x7  }
0x303: {  	v6 =	vadd.f32 v6, v3;
	v5 =	vmul.f32 v5, v0;
	(v2sf) =	vpush v4, $0x8  }
0x304: {  	v7 =	vadd.f32 v7, v2;
	(v2sf) =	vpush v4, $0x9  }
0x305: {  	v5 =	vadd.f32 v5, v2;
	(v2sf) =	vpush v4, $0xA  }
0x306: {  	(v2sf) =	vpush v4, $0xB  }
0x307: {  	v6 =	vmul.f32 v8, v6;
	v5 =	vmul.f32 v7, v5;
	(v2sf) =	vpush v4, $0xC  }
0x308: {  	(v2sf) =	vpush v4, $0xD  }
0x309: {  	v5 =	vadd.f32 v6, v5;
	(v2sf) =	vpush v4, $0xE  }
0x30a: {  	(v2sf) =	vpush v4, $0xF;
	s2 =	spop (v2sf)  }
0x30b: {  	v24 =	vld [tilespmem:$0x1510];
	(v2sf) =	vpush v5, $0x0;
	s12 =	spop (v2sf)  }
0x30c: {  	v23 =	vld [tilespmem:$0x1500];
	(v2sf) =	vpush v5, $0x1;
	s7 =	spop (v2sf)  }
0x30d: {  	v22 =	vld [tilespmem:$0x510];
	(v2sf) =	vpush v5, $0x2;
	s8 =	spop (v2sf)  }
0x30e: {  	v4 =	vld [tilespmem:$0x500];
	(v2sf) =	vpush v5, $0x3;
	s29 =	spop (v2sf)  }
0x30f: {  	(v2sf) =	vpush v5, $0x4;
	s21 =	spop (v2sf)  }
0x310: {  	v8 =	vmul.f32 v24, v1;
	(v2sf) =	vpush v5, $0x5;
	s6 =	spop (v2sf)  }
0x311: {  	v7 =	vmul.f32 v23, v0;
	(v2sf) =	vpush v5, $0x6;
	s15 =	spop (v2sf)  }
0x312: {  	v8 =	vadd.f32 v8, v3;
	v6 =	vmul.f32 v22, v1;
	(v2sf) =	vpush v5, $0x7;
	s4 =	spop (v2sf)  }
0x313: {  	v7 =	vadd.f32 v7, v2;
	v4 =	vmul.f32 v4, v0;
	(v2sf) =	vpush v5, $0x8;
	s20 =	spop (v2sf)  }
0x314: {  	v6 =	vadd.f32 v6, v3;
	(v2sf) =	vpush v5, $0x9;
	s23 =	spop (v2sf)  }
0x315: {  	v4 =	vadd.f32 v4, v2;
	(v2sf) =	vpush v5, $0xA;
	s22 =	spop (v2sf)  }
0x316: {  	s28 =	spop (v2sf);
	(v2sf) =	vpush v5, $0xB  }
0x317: {  	v6 =	vmul.f32 v8, v6;
	v4 =	vmul.f32 v7, v4;
	s1 =	spop (v2sf);
	(v2sf) =	vpush v5, $0xC  }
0x318: {  	s0 =	spop (v2sf);
	(v2sf) =	vpush v5, $0xD  }
0x319: {  	v4 =	vadd.f32 v6, v4;
	s10 =	spop (v2sf);
	(v2sf) =	vpush v5, $0xE  }
0x31a: {  	s31 =	spop (v2sf);
	(v2sf) =	vpush v5, $0xF  }
0x31b: {  	s13 =	spop (v2sf);
	(v2sf) =	vpush v4, $0x0  }
0x31c: {  	s5 =	spop (v2sf)  }
0x31d: {  	s9 =	spop (v2sf)  }
0x31e: {  	s11 =	spop (v2sf)  }
0x31f: {  	s2 =	sadd.f32 s12, s2;
	s14 =	spop (v2sf)  }
0x320: {  	s8 =	sadd.f32 s8, s7;
	s16 =	spop (v2sf)  }
0x321: {  	s17 =	spop (v2sf)  }
0x322: {  	v27 =	vld [tilespmem:$0x1590];
	s2 =	sadd.f32 s8, s2;
	s18 =	spop (v2sf)  }
0x323: {  	v26 =	vld [tilespmem:$0x1580];
	s6 =	sadd.f32 s15, s6;
	(v2sf) =	vpush v4, $0x1;
	s19 =	spop (v2sf)  }
0x324: {  	v25 =	vld [tilespmem:$0x590];
	s4 =	sadd.f32 s20, s4;
	(v2sf) =	vpush v4, $0x2;
	s24 =	spop (v2sf)  }
0x325: {  	s1 =	sadd.f32 s1, s28;
	v5 =	vld [tilespmem:$0x580];
	(v2sf) =	vpush v4, $0x3;
	s25 =	spop (v2sf)  }
0x326: {  	(v2sf) =	vpush v4, $0x4;
	[smem:$0x7B2] =	sst s25;
	s25 =	spop (v2sf)  }
0x327: {  	v8 =	vmul.f32 v27, v1;
	s0 =	sadd.f32 s10, s0;
	(v2sf) =	vpush v4, $0x5;
	s26 =	spop (v2sf)  }
0x328: {  	v7 =	vmul.f32 v26, v0;
	[smem:$0x7A8] =	sst s31;
	(v2sf) =	vpush v4, $0x6;
	s30 =	spop (v2sf)  }
0x329: {  	v8 =	vadd.f32 v8, v3;
	v6 =	vmul.f32 v25, v1;
	s0 =	sadd.f32 s0, s1;
	(v2sf) =	vpush v4, $0x7;
	s31 =	spop (v2sf)  }
0x32a: {  	v7 =	vadd.f32 v7, v2;
	v5 =	vmul.f32 v5, v0;
	[smem:$0x7B5] =	sst s31;
	s31 =	spop (v2sf);
	(v2sf) =	vpush v4, $0x8  }
0x32b: {  	v6 =	vadd.f32 v6, v3;
	[smem:$0x7A9] =	sst s5;
	(v2sf) =	vpush v4, $0x9  }
0x32c: {  	[smem:$0x7AA] =	sst s9;
	v5 =	vadd.f32 v5, v2;
	(v2sf) =	vpush v4, $0xA  }
0x32d: {  	s7 =	sld [smem:$0x7A9];
	(v2sf) =	vpush v4, $0xB  }
0x32e: {  	v6 =	vmul.f32 v8, v6;
	[smem:$0x7AB] =	sst s11;
	v5 =	vmul.f32 v7, v5;
	(v2sf) =	vpush v4, $0xC  }
0x32f: {  	[smem:$0x7AC] =	sst s14;
	(v2sf) =	vpush v4, $0xD  }
0x330: {  	[smem:$0x7AD] =	sst s16;
	v5 =	vadd.f32 v6, v5;
	(v2sf) =	vpush v4, $0xE  }
0x331: {  	[smem:$0x7AE] =	sst s17;
	(v2sf) =	vpush v4, $0xF  }
0x332: {  	[smem:$0x7AF] =	sst s18;
	s5 =	spop (v2sf);
	(v2sf) =	vpush v5, $0x0  }
0x333: {  	[smem:$0x7B0] =	sst s19;
	s9 =	spop (v2sf);
	(v2sf) =	vpush v5, $0x1  }
0x334: {  	[smem:$0x7B1] =	sst s24;
	s11 =	spop (v2sf)  }
0x335: {  	[smem:$0x7B3] =	sst s26;
	s14 =	spop (v2sf);
	(v2sf) =	vpush v5, $0x2  }
0x336: {  	[smem:$0x7B4] =	sst s30;
	s16 =	spop (v2sf);
	(v2sf) =	vpush v5, $0x3  }
0x337: {  	[smem:$0x7B6] =	sst s5;
	s26 =	spop (v2sf)  }
0x338: {  	[smem:$0x7B9] =	sst s14;
	s14 =	spop (v2sf);
	(v2sf) =	vpush v5, $0x4  }
0x339: {  	[smem:$0x7B7] =	sst s9;
	(v2sf) =	vpush v5, $0x5;
	s24 =	spop (v2sf)  }
0x33a: {  	v28 =	vld [tilespmem:$0x610];
	[smem:$0x7B8] =	sst s11;
	(v2sf) =	vpush v5, $0x6;
	s30 =	spop (v2sf)  }
0x33b: {  	v29 =	vld [tilespmem:$0x1600];
	[smem:$0x7BA] =	sst s16;
	(v2sf) =	vpush v5, $0x7;
	s18 =	spop (v2sf)  }
0x33c: {  	v30 =	vld [tilespmem:$0x1610];
	s14 =	sadd.f32 s14, s26;
	s9 =	spop (v2sf)  }
0x33d: {  	v4 =	vld [tilespmem:$0x600];
	s30 =	sadd.f32 s30, s24;
	s5 =	spop (v2sf)  }
0x33e: {  	(v2sf) =	vpush v5, $0x8;
	s9 =	sadd.f32 s9, s18;
	s11 =	spop (v2sf)  }
0x33f: {  	s19 =	spop (v2sf);
	s5 =	sadd.f32 s11, s5  }
0x340: {  	(v2sf) =	vpush v5, $0x9;
	s9 =	sadd.f32 s9, s30;
	s3 =	spop (v2sf)  }
0x341: {  	v8 =	vmul.f32 v30, v1;
	v7 =	vmul.f32 v29, v0;
	(v2sf) =	vpush v5, $0xA;
	s16 =	spop (v2sf);
	s3 =	sadd.f32 s3, s19  }
0x342: {  	v6 =	vmul.f32 v28, v1;
	v4 =	vmul.f32 v4, v0;
	[smem:$0x7BB] =	sst s16;
	s17 =	spop (v2sf)  }
0x343: {  	v8 =	vadd.f32 v8, v3;
	v7 =	vadd.f32 v7, v2;
	[smem:$0x7BC] =	sst s17  }
0x344: {  	v6 =	vadd.f32 v6, v3;
	v4 =	vadd.f32 v4, v2;
	s17 =	spop (v2sf);
	s3 =	sadd.f32 s3, s5  }
0x345: {  	(v2sf) =	vpush v5, $0xB;
	[smem:$0x7BD] =	sst s17;
	s17 =	spop (v2sf)  }
0x346: {  	v6 =	vmul.f32 v8, v6;
	v4 =	vmul.f32 v7, v4;
	(v2sf) =	vpush v5, $0xC;
	[smem:$0x7BE] =	sst s17  }
0x347: {  	(v2sf) =	vpush v5, $0xD;
	s17 =	spop (v2sf);
	s3 =	sadd.f32 s3, s9  }
0x348: {  	v4 =	vadd.f32 v6, v4;
	(v2sf) =	vpush v5, $0xE;
	[smem:$0x7BF] =	sst s17;
	s17 =	spop (v2sf)  }
0x349: {  	(v2sf) =	vpush v5, $0xF;
	[smem:$0x7C0] =	sst s17;
	s17 =	spop (v2sf)  }
0x34a: {  	(v2sf) =	vpush v4, $0x0;
	[smem:$0x7C1] =	sst s17;
	s17 =	spop (v2sf)  }
0x34b: {  	(v2sf) =	vpush v4, $0x1;
	[smem:$0x7C2] =	sst s17  }
0x34c: {  	s17 =	sadd.f32 s21, s29  }
0x34d: {  	(v2sf) =	vpush v4, $0x2;
	s12 =	spop (v2sf);
	s21 =	sadd.f32 s22, s23  }
0x34e: {  	[smem:$0x7C3] =	sst s12  }
0x34f: {  	(v2sf) =	vpush v4, $0x3;
	s16 =	spop (v2sf);
	s6 =	sadd.f32 s6, s17  }
0x350: {  	s15 =	spop (v2sf);
	s4 =	sadd.f32 s21, s4  }
0x351: {  	(v2sf) =	vpush v4, $0x4;
	[smem:$0x7C4] =	sst s15  }
0x352: {  	s15 =	sadd.f32 s6, s2  }
0x353: {  	s0 =	sadd.f32 s0, s4  }
0x354: {  	(v2sf) =	vpush v4, $0x5;
	s12 =	spop (v2sf);
	s6 =	sld [smem:$0x7A8]  }
0x355: {  	s20 =	spop (v2sf);
	s0 =	sadd.f32 s0, s15  }
0x356: {  	s28 =	spop (v2sf);
	s15 =	sld [smem:$0x7AD]  }
0x357: {  	s29 =	spop (v2sf);
	[dreg:$0x10] =	wrdreg s0  }
0x358: {  	(v2sf) =	vpush v4, $0x6;
	s22 =	spop (v2sf);
	s0 =	sadd.f32 s13, s6  }
0x359: {  	v33 =	vld [tilespmem:$0x1690];
	s23 =	spop (v2sf);
	s13 =	sld [smem:$0x7AC]  }
0x35a: {  	v31 =	vld [tilespmem:$0x690];
	[smem:$0x7C5] =	sst s23;
	s8 =	spop (v2sf)  }
0x35b: {  	v32 =	vld [tilespmem:$0x1680];
	[smem:$0x7C6] =	sst s8  }
0x35c: {  	v5 =	vld [tilespmem:$0x680];
	s10 =	spop (v2sf);
	s8 =	sld [smem:$0x7AA]  }
0x35d: {  	[smem:$0x7C7] =	sst s10  }
0x35e: {  	v8 =	vmul.f32 v33, v1;
	s17 =	spop (v2sf);
	s10 =	sld [smem:$0x7AB]  }
0x35f: {  	(v2sf) =	vpush v4, $0x7;
	[smem:$0x7C8] =	sst s17  }
0x360: {  	v8 =	vadd.f32 v8, v3;
	v7 =	vmul.f32 v32, v0;
	(v2sf) =	vpush v4, $0x8;
	s21 =	spop (v2sf);
	s17 =	sld [smem:$0x7AE]  }
0x361: {  	v6 =	vmul.f32 v31, v1;
	v5 =	vmul.f32 v5, v0;
	(v2sf) =	vpush v4, $0x9;
	[smem:$0x7C9] =	sst s21  }
0x362: {  	v7 =	vadd.f32 v7, v2;
	(v2sf) =	vpush v4, $0xA;
	s1 =	sadd.f32 s8, s7  }
0x363: {  	v6 =	vadd.f32 v6, v3;
	v5 =	vadd.f32 v5, v2;
	s23 =	spop (v2sf);
	s21 =	sld [smem:$0x7AF]  }
0x364: {  	(v2sf) =	vpush v4, $0xB;
	[smem:$0x7CA] =	sst s23  }
0x365: {  	v6 =	vmul.f32 v8, v6;
	v5 =	vmul.f32 v7, v5;
	(v2sf) =	vpush v4, $0xC;
	s2 =	sadd.f32 s13, s10  }
0x366: {  	(v2sf) =	vpush v4, $0xD;
	s23 =	sld [smem:$0x7B0]  }
0x367: {  	v5 =	vadd.f32 v6, v5;
	(v2sf) =	vpush v4, $0xE;
	s4 =	spop (v2sf);
	s13 =	sld [smem:$0x7B1]  }
0x368: {  	(v2sf) =	vpush v4, $0xF;
	[smem:$0x7CB] =	sst s4  }
0x369: {  	v36 =	vld [tilespmem:$0x1710];
	(v2sf) =	vpush v5, $0x0;
	s4 =	sadd.f32 s17, s15  }
0x36a: {  	v35 =	vld [tilespmem:$0x1700];
	(v2sf) =	vpush v5, $0x1;
	s15 =	sld [smem:$0x7B2]  }
0x36b: {  	v34 =	vld [tilespmem:$0x710];
	(v2sf) =	vpush v5, $0x2;
	s0 =	sadd.f32 s1, s0  }
0x36c: {  	v4 =	vld [tilespmem:$0x700];
	(v2sf) =	vpush v5, $0x3;
	s6 =	sadd.f32 s23, s21  }
0x36d: {  	(v2sf) =	vpush v5, $0x4;
	s23 =	sld [smem:$0x7B3]  }
0x36e: {  	v8 =	vmul.f32 v36, v1;
	(v2sf) =	vpush v5, $0x5;
	s10 =	spop (v2sf);
	s4 =	sadd.f32 s4, s2  }
0x36f: {  	v7 =	vmul.f32 v35, v0;
	(v2sf) =	vpush v5, $0x6;
	s8 =	spop (v2sf);
	s13 =	sadd.f32 s15, s13  }
0x370: {  	v8 =	vadd.f32 v8, v3;
	v6 =	vmul.f32 v34, v1;
	(v2sf) =	vpush v5, $0x7;
	s21 =	spop (v2sf);
	s15 =	sld [smem:$0x7B4]  }
0x371: {  	v7 =	vadd.f32 v7, v2;
	v4 =	vmul.f32 v4, v0;
	(v2sf) =	vpush v5, $0x8;
	s17 =	spop (v2sf);
	s8 =	sadd.f32 s21, s8  }
0x372: {  	v6 =	vadd.f32 v6, v3;
	(v2sf) =	vpush v5, $0x9;
	[smem:$0x7CC] =	sst s17  }
0x373: {  	v4 =	vadd.f32 v4, v2;
	(v2sf) =	vpush v5, $0xA;
	s17 =	sld [smem:$0x7B5]  }
0x374: {  	s0 =	sadd.f32 s4, s0;
	(v2sf) =	vpush v5, $0xB  }
0x375: {  	v6 =	vmul.f32 v8, v6;
	v4 =	vmul.f32 v7, v4;
	s23 =	sadd.f32 s23, s25;
	s25 =	spop (v2sf);
	(v2sf) =	vpush v5, $0xC  }
0x376: {  	(v2sf) =	vpush v5, $0xD;
	s17 =	sadd.f32 s17, s15;
	s15 =	spop (v2sf)  }
0x377: {  	v4 =	vadd.f32 v6, v4;
	s6 =	sadd.f32 s13, s6;
	(v2sf) =	vpush v5, $0xE;
	s1 =	spop (v2sf)  }
0x378: {  	(v2sf) =	vpush v5, $0xF;
	s7 =	spop (v2sf);
	s13 =	sadd.f32 s17, s23  }
0x379: {  	s1 =	sadd.f32 s1, s15;
	(v2sf) =	vpush v4, $0x0;
	s2 =	spop (v2sf)  }
0x37a: {  	(v2sf) =	vpush v4, $0x1;
	s23 =	spop (v2sf);
	s2 =	sadd.f32 s2, s7  }
0x37b: {  	v37 =	vld [tilespmem:$0x790];
	(v2sf) =	vpush v4, $0x2;
	[smem:$0x7CD] =	sst s23  }
0x37c: {  	v38 =	vld [tilespmem:$0x1780];
	s17 =	spop (v2sf);
	(v2sf) =	vpush v4, $0x3;
	s1 =	sadd.f32 s2, s1  }
0x37d: {  	v5 =	vld [tilespmem:$0x780];
	(v2sf) =	vpush v4, $0x4;
	[smem:$0x7CE] =	sst s17  }
0x37e: {  	s17 =	sadd.f32 s13, s6  }
0x37f: {  	s23 =	sld [smem:$0x7B6]  }
0x380: {  	s13 =	sld [smem:$0x7B7]  }
0x381: {  	s30 =	sld [smem:$0x7BC]  }
0x382: {  	s9 =	sld [smem:$0x7BD]  }
0x383: {  	s4 =	spop (v2sf);
	s21 =	sld [smem:$0x7CC]  }
0x384: {  	[smem:$0x7CF] =	sst s4  }
0x385: {  	s0 =	sadd.f32 s17, s0  }
0x386: {  	s4 =	sadd.f32 s23, s31  }
0x387: {  	s23 =	sld [smem:$0x7B8]  }
0x388: {  	[dreg:$0x12] =	wrdreg s0  }
0x389: {  	s31 =	spop (v2sf);
	s21 =	sadd.f32 s25, s21  }
0x38a: {  	[smem:$0x7D0] =	sst s31;
	s31 =	spop (v2sf)  }
0x38b: {  	[smem:$0x7D1] =	sst s31  }
0x38c: {  	s31 =	sld [smem:$0x7BA]  }
0x38d: {  	s8 =	sadd.f32 s21, s8  }
0x38e: {  	s6 =	sadd.f32 s23, s13  }
0x38f: {  	s23 =	sld [smem:$0x7B9]  }
0x390: {  	s1 =	sadd.f32 s1, s8  }
0x391: {  	s8 =	sld [smem:$0x7CD]  }
0x392: {  	s6 =	sadd.f32 s6, s4  }
0x393: {  	s23 =	sadd.f32 s31, s23;
	s31 =	spop (v2sf)  }
0x394: {  	[smem:$0x7D2] =	sst s31;
	s26 =	spop (v2sf)  }
0x395: {  	[smem:$0x7D3] =	sst s26  }
0x396: {  	s14 =	sadd.f32 s14, s23  }
0x397: {  	s13 =	spop (v2sf);
	s23 =	sld [smem:$0x7BB]  }
0x398: {  	[smem:$0x7D4] =	sst s13  }
0x399: {  	s14 =	sadd.f32 s14, s6  }
0x39a: {  	s31 =	spop (v2sf);
	s0 =	sadd.f32 s30, s23  }
0x39b: {  	s4 =	spop (v2sf);
	s23 =	sld [smem:$0x7C0]  }
0x39c: {  	s4 =	sadd.f32 s4, s31  }
0x39d: {  	s24 =	spop (v2sf);
	s17 =	sadd.f32 s3, s14  }
0x39e: {  	s11 =	spop (v2sf);
	s14 =	sld [smem:$0x7BE]  }
0x39f: {  	s11 =	sadd.f32 s11, s24  }
0x3a0: {  	[dreg:$0x14] =	wrdreg s17  }
0x3a1: {  	s13 =	spop (v2sf);
	s3 =	sadd.f32 s14, s9  }
0x3a2: {  	s6 =	spop (v2sf);
	s14 =	sld [smem:$0x7C1]  }
0x3a3: {  	s6 =	sadd.f32 s6, s13  }
0x3a4: {  	s18 =	spop (v2sf);
	s4 =	sadd.f32 s11, s4  }
0x3a5: {  	(v2sf) =	vpush v4, $0x5;
	s26 =	spop (v2sf);
	s0 =	sadd.f32 s3, s0  }
0x3a6: {  	s19 =	spop (v2sf);
	s26 =	sadd.f32 s26, s18  }
0x3a7: {  	[smem:$0x7D5] =	sst s19  }
0x3a8: {  	s5 =	spop (v2sf);
	s19 =	sld [smem:$0x7BF]  }
0x3a9: {  	(v2sf) =	vpush v4, $0x6;
	[smem:$0x7D6] =	sst s5  }
0x3aa: {  	s6 =	sadd.f32 s26, s6  }
0x3ab: {  	s17 =	spop (v2sf);
	s18 =	sld [smem:$0x7D5]  }
0x3ac: {  	[smem:$0x7D7] =	sst s17  }
0x3ad: {  	s17 =	sld [smem:$0x7C2]  }
0x3ae: {  	(v2sf) =	vpush v4, $0x7;
	s30 =	spop (v2sf);
	s5 =	sadd.f32 s23, s19  }
0x3af: {  	[smem:$0x7D8] =	sst s30  }
0x3b0: {  	s23 =	sld [smem:$0x7C3]  }
0x3b1: {  	(v2sf) =	vpush v4, $0x8;
	s11 =	sadd.f32 s6, s4  }
0x3b2: {  	s19 =	spop (v2sf);
	s26 =	sld [smem:$0x7D7]  }
0x3b3: {  	[smem:$0x7D9] =	sst s19  }
0x3b4: {  	s30 =	spop (v2sf);
	s9 =	sadd.f32 s17, s14  }
0x3b5: {  	[smem:$0x7DA] =	sst s30  }
0x3b6: {  	s17 =	sld [smem:$0x7C4]  }
0x3b7: {  	s4 =	sld [smem:$0x7D9]  }
0x3b8: {  	s19 =	spop (v2sf);
	s14 =	sadd.f32 s16, s23  }
0x3b9: {  	[smem:$0x7DB] =	sst s19  }
0x3ba: {  	v39 =	vld [tilespmem:$0x1790];
	(v2sf) =	vpush v4, $0x9;
	s23 =	sadd.f32 s28, s20  }
0x3bb: {  	(v2sf) =	vpush v4, $0xA;
	s28 =	sadd.f32 s22, s29  }
0x3bc: {  	v7 =	vmul.f32 v38, v0;
	(v2sf) =	vpush v4, $0xB;
	s16 =	sld [smem:$0x7C7]  }
0x3bd: {  	s30 =	spop (v2sf);
	s6 =	sld [smem:$0x7DA]  }
0x3be: {  	v6 =	vmul.f32 v37, v1;
	v7 =	vadd.f32 v7, v2;
	[smem:$0x7DC] =	sst s30  }
0x3bf: {  	v5 =	vmul.f32 v5, v0;
	v8 =	vmul.f32 v39, v1;
	(v2sf) =	vpush v4, $0xC;
	s19 =	sadd.f32 s9, s5  }
0x3c0: {  	v6 =	vadd.f32 v6, v3;
	(v2sf) =	vpush v4, $0xD;
	s20 =	spop (v2sf);
	s12 =	sadd.f32 s12, s17  }
0x3c1: {  	v5 =	vadd.f32 v5, v2;
	v8 =	vadd.f32 v8, v3;
	[smem:$0x7DD] =	sst s20  }
0x3c2: {  	s23 =	sadd.f32 s28, s23  }
0x3c3: {  	v5 =	vmul.f32 v7, v5;
	v6 =	vmul.f32 v8, v6;
	s17 =	sld [smem:$0x7C8]  }
0x3c4: {  	s13 =	sld [smem:$0x7DC]  }
0x3c5: {  	v5 =	vadd.f32 v6, v5;
	(v2sf) =	vpush v4, $0xE;
	s0 =	sadd.f32 s19, s0  }
0x3c6: {  	(v2sf) =	vpush v4, $0xF;
	s19 =	sld [smem:$0x7C9]  }
0x3c7: {  	(v2sf) =	vpush v5, $0x0;
	s22 =	sadd.f32 s12, s14  }
0x3c8: {  	s12 =	sld [smem:$0x7C5]  }
0x3c9: {  	s29 =	spop (v2sf);
	s14 =	sld [smem:$0x7C6]  }
0x3ca: {  	(v2sf) =	vpush v5, $0x1;
	s30 =	spop (v2sf);
	s17 =	sadd.f32 s17, s16  }
0x3cb: {  	s28 =	spop (v2sf);
	s16 =	sld [smem:$0x7CB]  }
0x3cc: {  	s28 =	sadd.f32 s28, s30  }
0x3cd: {  	s9 =	sadd.f32 s23, s22  }
0x3ce: {  	s20 =	spop (v2sf);
	s22 =	sld [smem:$0x7CA]  }
0x3cf: {  	(v2sf) =	vpush v5, $0x2;
	s3 =	spop (v2sf);
	s14 =	sadd.f32 s14, s12  }
0x3d0: {  	(v2sf) =	vpush v5, $0x3;
	s20 =	sadd.f32 s3, s20  }
0x3d1: {  	s10 =	sadd.f32 s10, s16  }
0x3d2: {  	s0 =	sadd.f32 s9, s0  }
0x3d3: {  	s9 =	sld [smem:$0x7CE]  }
0x3d4: {  	(v2sf) =	vpush v5, $0x4;
	s23 =	spop (v2sf);
	s22 =	sadd.f32 s22, s19  }
0x3d5: {  	s19 =	spop (v2sf);
	[dreg:$0x16] =	wrdreg s0  }
0x3d6: {  	v41 =	vld [tilespmem:$0x1800];
	s12 =	spop (v2sf);
	s19 =	sadd.f32 s19, s23  }
0x3d7: {  	v42 =	vld [tilespmem:$0x1810];
	(v2sf) =	vpush v5, $0x5;
	[smem:$0x7DE] =	sst s12  }
0x3d8: {  	v40 =	vld [tilespmem:$0x810];
	s10 =	sadd.f32 s10, s22  }
0x3d9: {  	v4 =	vld [tilespmem:$0x800];
	(v2sf) =	vpush v5, $0x6;
	s16 =	spop (v2sf);
	s0 =	sadd.f32 s9, s8  }
0x3da: {  	[smem:$0x7DF] =	sst s16  }
0x3db: {  	v7 =	vmul.f32 v41, v0;
	s16 =	sadd.f32 s17, s14  }
0x3dc: {  	v8 =	vmul.f32 v42, v1;
	s14 =	sld [smem:$0x7D1]  }
0x3dd: {  	v7 =	vadd.f32 v7, v2;
	v6 =	vmul.f32 v40, v1;
	(v2sf) =	vpush v5, $0x7;
	s19 =	sadd.f32 s19, s20  }
0x3de: {  	v8 =	vadd.f32 v8, v3;
	v4 =	vmul.f32 v4, v0;
	(v2sf) =	vpush v5, $0x8;
	s25 =	spop (v2sf);
	s3 =	sld [smem:$0x7DE]  }
0x3df: {  	v6 =	vadd.f32 v6, v3;
	(v2sf) =	vpush v5, $0x9;
	[smem:$0x7E0] =	sst s25;
	s12 =	spop (v2sf)  }
0x3e0: {  	v4 =	vadd.f32 v4, v2;
	(v2sf) =	vpush v5, $0xA;
	[smem:$0x7E1] =	sst s12  }
0x3e1: {  	(v2sf) =	vpush v5, $0xB;
	s5 =	sadd.f32 s10, s16  }
0x3e2: {  	v6 =	vmul.f32 v8, v6;
	v4 =	vmul.f32 v7, v4;
	(v2sf) =	vpush v5, $0xC;
	s10 =	sld [smem:$0x7CF]  }
0x3e3: {  	(v2sf) =	vpush v5, $0xD;
	s15 =	spop (v2sf);
	s12 =	sld [smem:$0x7D0]  }
0x3e4: {  	v4 =	vadd.f32 v6, v4;
	(v2sf) =	vpush v5, $0xE;
	[smem:$0x7E2] =	sst s15  }
0x3e5: {  	(v2sf) =	vpush v5, $0xF;
	s15 =	sld [smem:$0x7D2]  }
0x3e6: {  	(v2sf) =	vpush v4, $0x0;
	s17 =	spop (v2sf);
	s20 =	sld [smem:$0x7E1]  }
0x3e7: {  	(v2sf) =	vpush v4, $0x1;
	[smem:$0x7E3] =	sst s17  }
0x3e8: {  	s25 =	spop (v2sf);
	s7 =	sadd.f32 s1, s5  }
0x3e9: {  	(v2sf) =	vpush v4, $0x2;
	[smem:$0x7E4] =	sst s25  }
0x3ea: {  	s1 =	sadd.f32 s12, s10  }
0x3eb: {  	(v2sf) =	vpush v4, $0x3;
	s12 =	sld [smem:$0x7D4]  }
0x3ec: {  	s17 =	spop (v2sf);
	[dreg:$0x18] =	wrdreg s7  }
0x3ed: {  	s21 =	spop (v2sf);
	s25 =	sadd.f32 s15, s14  }
0x3ee: {  	(v2sf) =	vpush v4, $0x4;
	s7 =	sld [smem:$0x7D3];
	s16 =	spop (v2sf)  }
0x3ef: {  	s0 =	sadd.f32 s1, s0;
	s22 =	spop (v2sf)  }
0x3f0: {  	s16 =	sadd.f32 s16, s21;
	s5 =	spop (v2sf)  }
0x3f1: {  	s14 =	sadd.f32 s12, s7;
	s9 =	spop (v2sf)  }
0x3f2: {  	(v2sf) =	vpush v4, $0x5;
	s22 =	sadd.f32 s5, s22;
	s10 =	spop (v2sf)  }
0x3f3: {  	(v2sf) =	vpush v4, $0x6;
	s8 =	sadd.f32 s14, s25;
	s12 =	spop (v2sf)  }
0x3f4: {  	s16 =	sadd.f32 s22, s16;
	s7 =	spop (v2sf)  }
0x3f5: {  	v44 =	vld [tilespmem:$0x1880];
	s15 =	spop (v2sf);
	s12 =	sadd.f32 s7, s12  }
0x3f6: {  	v45 =	vld [tilespmem:$0x1890];
	[smem:$0x7E5] =	sst s15;
	s24 =	spop (v2sf)  }
0x3f7: {  	v43 =	vld [tilespmem:$0x890];
	(v2sf) =	vpush v4, $0x7;
	[smem:$0x7E6] =	sst s24  }
0x3f8: {  	v5 =	vld [tilespmem:$0x880];
	(v2sf) =	vpush v4, $0x8;
	s31 =	spop (v2sf);
	s24 =	sld [smem:$0x7D6]  }
0x3f9: {  	[smem:$0x7E7] =	sst s31  }
0x3fa: {  	(v2sf) =	vpush v4, $0x9;
	s2 =	spop (v2sf);
	s31 =	sld [smem:$0x7D8]  }
0x3fb: {  	v8 =	vmul.f32 v45, v1;
	v7 =	vmul.f32 v44, v0;
	(v2sf) =	vpush v4, $0xA;
	[smem:$0x7E8] =	sst s2  }
0x3fc: {  	v6 =	vmul.f32 v43, v1;
	s2 =	sadd.f32 s8, s0  }
0x3fd: {  	v8 =	vadd.f32 v8, v3;
	v7 =	vadd.f32 v7, v2;
	v5 =	vmul.f32 v5, v0;
	s14 =	spop (v2sf);
	s8 =	sld [smem:$0x7DB]  }
0x3fe: {  	v6 =	vadd.f32 v6, v3;
	(v2sf) =	vpush v4, $0xB;
	[smem:$0x7E9] =	sst s14  }
0x3ff: {  	v5 =	vadd.f32 v5, v2;
	(v2sf) =	vpush v4, $0xC;
	s24 =	sadd.f32 s24, s18  }
0x400: {  	(v2sf) =	vpush v4, $0xD;
	s18 =	sld [smem:$0x7DD]  }
0x401: {  	v6 =	vmul.f32 v8, v6;
	v5 =	vmul.f32 v7, v5;
	s25 =	spop (v2sf);
	s31 =	sadd.f32 s31, s26  }
0x402: {  	s15 =	spop (v2sf);
	s2 =	sadd.f32 s11, s2  }
0x403: {  	v5 =	vadd.f32 v6, v5;
	(v2sf) =	vpush v4, $0xE;
	[smem:$0x7EA] =	sst s15  }
0x404: {  	(v2sf) =	vpush v4, $0xF;
	s0 =	sadd.f32 s13, s8  }
0x405: {  	(v2sf) =	vpush v5, $0x0;
	s29 =	sadd.f32 s29, s18  }
0x406: {  	s15 =	spop (v2sf);
	s24 =	sadd.f32 s31, s24  }
0x407: {  	s1 =	spop (v2sf);
	[dreg:$0x1a] =	wrdreg s2  }
0x408: {  	(v2sf) =	vpush v5, $0x1;
	[smem:$0x7EB] =	sst s1  }
0x409: {  	(v2sf) =	vpush v5, $0x2;
	s1 =	sadd.f32 s6, s4;
	s26 =	spop (v2sf)  }
0x40a: {  	s14 =	spop (v2sf);
	s18 =	sadd.f32 s28, s29  }
0x40b: {  	(v2sf) =	vpush v5, $0x3;
	[smem:$0x7EC] =	sst s14  }
0x40c: {  	s0 =	sadd.f32 s0, s1  }
0x40d: {  	s13 =	spop (v2sf);
	s1 =	sadd.f32 s19, s18  }
0x40e: {  	s30 =	spop (v2sf);
	s19 =	sld [smem:$0x7E0]  }
0x40f: {  	s8 =	spop (v2sf);
	s0 =	sadd.f32 s0, s24  }
0x410: {  	(v2sf) =	vpush v5, $0x4;
	s30 =	sadd.f32 s8, s30  }
0x411: {  	s0 =	sadd.f32 s1, s0  }
0x412: {  	s14 =	spop (v2sf);
	s1 =	sadd.f32 s20, s19  }
0x413: {  	v48 =	vld [tilespmem:$0x1910];
	(v2sf) =	vpush v5, $0x5;
	s6 =	spop (v2sf);
	s20 =	sld [smem:$0x7E6]  }
0x414: {  	v47 =	vld [tilespmem:$0x1900];
	(v2sf) =	vpush v5, $0x6;
	s4 =	spop (v2sf);
	s6 =	sadd.f32 s6, s14  }
0x415: {  	v46 =	vld [tilespmem:$0x910];
	[smem:$0x7ED] =	sst s4  }
0x416: {  	v4 =	vld [tilespmem:$0x900];
	[dreg:$0x1c] =	wrdreg s0  }
0x417: {  	s28 =	spop (v2sf);
	s4 =	sld [smem:$0x7DF]  }
0x418: {  	v8 =	vmul.f32 v48, v1;
	s23 =	spop (v2sf);
	s30 =	sadd.f32 s6, s30  }
0x419: {  	v7 =	vmul.f32 v47, v0;
	(v2sf) =	vpush v5, $0x7;
	[smem:$0x7EE] =	sst s23  }
0x41a: {  	v8 =	vadd.f32 v8, v3;
	v6 =	vmul.f32 v46, v1;
	(v2sf) =	vpush v5, $0x8;
	s29 =	spop (v2sf);
	s23 =	sld [smem:$0x7E2]  }
0x41b: {  	v7 =	vadd.f32 v7, v2;
	v4 =	vmul.f32 v4, v0;
	(v2sf) =	vpush v5, $0x9;
	[smem:$0x7EF] =	sst s29  }
0x41c: {  	v6 =	vadd.f32 v6, v3;
	(v2sf) =	vpush v5, $0xA;
	s11 =	sadd.f32 s4, s3  }
0x41d: {  	v4 =	vadd.f32 v4, v2;
	(v2sf) =	vpush v5, $0xB;
	s29 =	sld [smem:$0x7E3]  }
0x41e: {  	s4 =	sadd.f32 s10, s9  }
0x41f: {  	v6 =	vmul.f32 v8, v6;
	v4 =	vmul.f32 v7, v4;
	(v2sf) =	vpush v5, $0xC;
	s31 =	spop (v2sf);
	s6 =	sld [smem:$0x7EE]  }
0x420: {  	(v2sf) =	vpush v5, $0xD;
	[smem:$0x7F0] =	sst s31  }
0x421: {  	v4 =	vadd.f32 v6, v4;
	(v2sf) =	vpush v5, $0xE;
	s31 =	sld [smem:$0x7E4]  }
0x422: {  	(v2sf) =	vpush v5, $0xF;
	s24 =	spop (v2sf);
	s1 =	sadd.f32 s1, s11  }
0x423: {  	(v2sf) =	vpush v4, $0x0;
	s2 =	spop (v2sf);
	s12 =	sadd.f32 s12, s4  }
0x424: {  	[smem:$0x7F1] =	sst s2  }
0x425: {  	(v2sf) =	vpush v4, $0x1;
	s2 =	sadd.f32 s29, s23  }
0x426: {  	(v2sf) =	vpush v4, $0x2;
	s0 =	sadd.f32 s17, s31  }
0x427: {  	s4 =	sadd.f32 s12, s16  }
0x428: {  	s29 =	spop (v2sf);
	s16 =	sld [smem:$0x7E5]  }
0x429: {  	s17 =	spop (v2sf);
	s5 =	sadd.f32 s0, s2  }
0x42a: {  	(v2sf) =	vpush v4, $0x3;
	s21 =	spop (v2sf);
	s2 =	sld [smem:$0x7E8]  }
0x42b: {  	s18 =	spop (v2sf);
	s5 =	sadd.f32 s5, s1  }
0x42c: {  	(v2sf) =	vpush v4, $0x4;
	s9 =	spop (v2sf);
	s1 =	sld [smem:$0x7E7]  }
0x42d: {  	s18 =	sadd.f32 s9, s18  }
0x42e: {  	s19 =	spop (v2sf);
	s4 =	sadd.f32 s4, s5  }
0x42f: {  	s11 =	spop (v2sf);
	s5 =	sld [smem:$0x7ED]  }
0x430: {  	(v2sf) =	vpush v4, $0x5;
	s31 =	spop (v2sf);
	s1 =	sadd.f32 s2, s1  }
0x431: {  	(v2sf) =	vpush v4, $0x6;
	s7 =	spop (v2sf);
	[dreg:$0x1e] =	wrdreg s4  }
0x432: {  	(v2sf) =	vpush v4, $0x7;
	s10 =	spop (v2sf);
	s7 =	sadd.f32 s7, s31  }
0x433: {  	[smem:$0x7F2] =	sst s10  }
0x434: {  	s22 =	spop (v2sf);
	s10 =	sld [smem:$0x7E9]  }
0x435: {  	s12 =	spop (v2sf);
	s31 =	sld [smem:$0x7F2]  }
0x436: {  	[smem:$0x7F3] =	sst s12  }
0x437: {  	v49 =	vld [tilespmem:$0x990];
	(v2sf) =	vpush v4, $0x8;
	s12 =	sadd.f32 s20, s16  }
0x438: {  	v50 =	vld [tilespmem:$0x1980];
	(v2sf) =	vpush v4, $0x9;
	s16 =	sld [smem:$0x7EA]  }
0x439: {  	v51 =	vld [tilespmem:$0x1990];
	s23 =	spop (v2sf);
	s20 =	sld [smem:$0x7EB]  }
0x43a: {  	v5 =	vld [tilespmem:$0x980];
	(v2sf) =	vpush v4, $0xA;
	[smem:$0x7F4] =	sst s23  }
0x43b: {  	(v2sf) =	vpush v4, $0xB;
	s3 =	spop (v2sf);
	s2 =	sadd.f32 s25, s10  }
0x43c: {  	(v2sf) =	vpush v4, $0xC;
	[smem:$0x7F5] =	sst s3  }
0x43d: {  	(v2sf) =	vpush v4, $0xD;
	s1 =	sadd.f32 s1, s12  }
0x43e: {  	v8 =	vmul.f32 v51, v1;
	v7 =	vmul.f32 v50, v0;
	s0 =	sadd.f32 s15, s16  }
0x43f: {  	v6 =	vmul.f32 v49, v1;
	v5 =	vmul.f32 v5, v0;
	s25 =	spop (v2sf);
	s3 =	sadd.f32 s26, s20  }
0x440: {  	v8 =	vadd.f32 v8, v3;
	v7 =	vadd.f32 v7, v2;
	s23 =	spop (v2sf);
	s26 =	sld [smem:$0x7EC]  }
0x441: {  	v6 =	vadd.f32 v6, v3;
	v5 =	vadd.f32 v5, v2;
	s20 =	spop (v2sf);
	s0 =	sadd.f32 s0, s2  }
0x442: {  	(v2sf) =	vpush v4, $0xE;
	s20 =	sadd.f32 s20, s23  }
0x443: {  	v6 =	vmul.f32 v8, v6;
	v5 =	vmul.f32 v7, v5;
	(v2sf) =	vpush v4, $0xF;
	s13 =	sadd.f32 s13, s26  }
0x444: {  	s0 =	sadd.f32 s0, s1  }
0x445: {  	v5 =	vadd.f32 v6, v5;
	s1 =	sadd.f32 s28, s5  }
0x446: {  	s26 =	spop (v2sf);
	s5 =	sld [smem:$0x7F0]  }
0x447: {  	(v2sf) =	vpush v5, $0x0;
	s15 =	spop (v2sf);
	s12 =	sadd.f32 s13, s3  }
0x448: {  	(v2sf) =	vpush v5, $0x1;
	s26 =	sadd.f32 s15, s26  }
0x449: {  	(v2sf) =	vpush v5, $0x2;
	s16 =	spop (v2sf);
	s2 =	sadd.f32 s30, s12  }
0x44a: {  	s10 =	spop (v2sf);
	s30 =	sld [smem:$0x7EF]  }
0x44b: {  	s14 =	spop (v2sf);
	s10 =	sadd.f32 s10, s16  }
0x44c: {  	s13 =	spop (v2sf);
	s0 =	sadd.f32 s2, s0  }
0x44d: {  	(v2sf) =	vpush v5, $0x3;
	s13 =	sadd.f32 s13, s14  }
0x44e: {  	(v2sf) =	vpush v5, $0x4;
	s10 =	sadd.f32 s10, s26  }
0x44f: {  	s2 =	sadd.f32 s30, s6  }
0x450: {  	s6 =	sld [smem:$0x7F1]  }
0x451: {  	s12 =	spop (v2sf);
	[smem:$0x7FB] =	sst s0  }
0x452: {  	s8 =	spop (v2sf);
	s0 =	sadd.f32 s21, s17  }
0x453: {  	v54 =	vld [tilespmem:$0x1A10];
	s8 =	sadd.f32 s8, s12  }
0x454: {  	v53 =	vld [tilespmem:$0x1A00];
	s1 =	sadd.f32 s2, s1  }
0x455: {  	v52 =	vld [tilespmem:$0xA10];
	(v2sf) =	vpush v5, $0x5;
	s2 =	sld [smem:$0x7F4]  }
0x456: {  	v4 =	vld [tilespmem:$0xA00];
	(v2sf) =	vpush v5, $0x6;
	s3 =	spop (v2sf);
	s18 =	sadd.f32 s18, s0  }
0x457: {  	(v2sf) =	vpush v5, $0x7;
	s28 =	spop (v2sf);
	s8 =	sadd.f32 s8, s13  }
0x458: {  	v8 =	vmul.f32 v54, v1;
	s4 =	spop (v2sf);
	s3 =	sadd.f32 s28, s3  }
0x459: {  	v7 =	vmul.f32 v53, v0;
	[smem:$0x7F6] =	sst s4  }
0x45a: {  	v8 =	vadd.f32 v8, v3;
	v6 =	vmul.f32 v52, v1;
	s4 =	sadd.f32 s24, s5  }
0x45b: {  	v7 =	vadd.f32 v7, v2;
	v4 =	vmul.f32 v4, v0;
	(v2sf) =	vpush v5, $0x8;
	s5 =	sadd.f32 s29, s6  }
0x45c: {  	v6 =	vadd.f32 v6, v3;
	(v2sf) =	vpush v5, $0x9;
	s24 =	spop (v2sf);
	s6 =	sadd.f32 s11, s19  }
0x45d: {  	v4 =	vadd.f32 v4, v2;
	(v2sf) =	vpush v5, $0xA;
	s30 =	spop (v2sf);
	s8 =	sadd.f32 s8, s10  }
0x45e: {  	(v2sf) =	vpush v5, $0xB;
	[smem:$0x7F7] =	sst s30  }
0x45f: {  	v6 =	vmul.f32 v8, v6;
	v4 =	vmul.f32 v7, v4;
	(v2sf) =	vpush v5, $0xC;
	s9 =	sadd.f32 s5, s4  }
0x460: {  	(v2sf) =	vpush v5, $0xD;
	s0 =	sadd.f32 s7, s6  }
0x461: {  	v4 =	vadd.f32 v6, v4;
	(v2sf) =	vpush v5, $0xE;
	s4 =	sadd.f32 s22, s31  }
0x462: {  	(v2sf) =	vpush v5, $0xF;
	s6 =	sld [smem:$0x7F5]  }
0x463: {  	v57 =	vld [tilespmem:$0x1A90];
	(v2sf) =	vpush v4, $0x0;
	s10 =	sld [smem:$0x7F7]  }
0x464: {  	v56 =	vld [tilespmem:$0x1A80];
	(v2sf) =	vpush v4, $0x1;
	s30 =	spop (v2sf);
	s5 =	sadd.f32 s9, s1  }
0x465: {  	v55 =	vld [tilespmem:$0xA90];
	(v2sf) =	vpush v4, $0x2;
	s21 =	spop (v2sf);
	s18 =	sadd.f32 s0, s18  }
0x466: {  	v5 =	vld [tilespmem:$0xA80];
	(v2sf) =	vpush v4, $0x3;
	s19 =	spop (v2sf);
	s1 =	sld [smem:$0x7F3]  }
0x467: {  	(v2sf) =	vpush v4, $0x4;
	s19 =	sadd.f32 s19, s21  }
0x468: {  	v8 =	vmul.f32 v57, v1;
	(v2sf) =	vpush v4, $0x5;
	s18 =	sadd.f32 s18, s5  }
0x469: {  	v7 =	vmul.f32 v56, v0;
	(v2sf) =	vpush v4, $0x6;
	s14 =	sadd.f32 s30, s10  }
0x46a: {  	v8 =	vadd.f32 v8, v3;
	v6 =	vmul.f32 v55, v1;
	(v2sf) =	vpush v4, $0x7;
	s17 =	spop (v2sf);
	s0 =	sadd.f32 s2, s1  }
0x46b: {  	v7 =	vadd.f32 v7, v2;
	v5 =	vmul.f32 v5, v0;
	(v2sf) =	vpush v4, $0x8;
	s11 =	spop (v2sf);
	s1 =	sadd.f32 s25, s6  }
0x46c: {  	v6 =	vadd.f32 v6, v3;
	(v2sf) =	vpush v4, $0x9;
	s29 =	spop (v2sf);
	s17 =	sadd.f32 s11, s17  }
0x46d: {  	v5 =	vadd.f32 v5, v2;
	(v2sf) =	vpush v4, $0xA;
	s7 =	spop (v2sf);
	[smem:$0x7FC] =	sst s18  }
0x46e: {  	(v2sf) =	vpush v4, $0xB;
	s9 =	spop (v2sf);
	s0 =	sadd.f32 s0, s4  }
0x46f: {  	v6 =	vmul.f32 v8, v6;
	v5 =	vmul.f32 v7, v5;
	(v2sf) =	vpush v4, $0xC;
	s1 =	sadd.f32 s20, s1;
	s22 =	spop (v2sf)  }
0x470: {  	(v2sf) =	vpush v4, $0xD;
	s20 =	sld [smem:$0x7F6];
	s31 =	spop (v2sf)  }
0x471: {  	v5 =	vadd.f32 v6, v5;
	(v2sf) =	vpush v4, $0xE;
	s29 =	sadd.f32 s7, s29;
	s6 =	spop (v2sf)  }
0x472: {  	(v2sf) =	vpush v4, $0xF;
	s0 =	sadd.f32 s1, s0;
	s25 =	spop (v2sf)  }
0x473: {  	v60 =	vld [tilespmem:$0x1B10];
	(v2sf) =	vpush v5, $0x0;
	[smem:$0x7F8] =	sst s25;
	s25 =	spop (v2sf)  }
0x474: {  	v59 =	vld [tilespmem:$0x1B00];
	(v2sf) =	vpush v5, $0x1;
	s9 =	sadd.f32 s22, s9;
	s15 =	spop (v2sf)  }
0x475: {  	v58 =	vld [tilespmem:$0xB10];
	(v2sf) =	vpush v5, $0x2;
	s1 =	sadd.f32 s24, s20;
	s23 =	spop (v2sf)  }
0x476: {  	v4 =	vld [tilespmem:$0xB00];
	(v2sf) =	vpush v5, $0x3;
	s0 =	sadd.f32 s8, s0;
	s16 =	spop (v2sf)  }
0x477: {  	(v2sf) =	vpush v5, $0x4;
	[smem:$0x7FA] =	sst s16;
	s16 =	spop (v2sf)  }
0x478: {  	v8 =	vmul.f32 v60, v1;
	(v2sf) =	vpush v5, $0x5;
	[smem:$0x7F9] =	sst s15;
	s15 =	spop (v2sf)  }
0x479: {  	v7 =	vmul.f32 v59, v0;
	s6 =	sadd.f32 s6, s31;
	(v2sf) =	vpush v5, $0x6;
	s4 =	spop (v2sf)  }
0x47a: {  	v8 =	vadd.f32 v8, v3;
	v6 =	vmul.f32 v58, v1;
	s2 =	sadd.f32 s1, s3;
	(v2sf) =	vpush v5, $0x7;
	s13 =	spop (v2sf)  }
0x47b: {  	v7 =	vadd.f32 v7, v2;
	v4 =	vmul.f32 v4, v0;
	s1 =	sadd.f32 s19, s14;
	(v2sf) =	vpush v5, $0x8;
	s26 =	spop (v2sf)  }
0x47c: {  	v6 =	vadd.f32 v6, v3;
	[smem:$0x7FD] =	sst s0;
	(v2sf) =	vpush v5, $0x9;
	s12 =	spop (v2sf)  }
0x47d: {  	v4 =	vadd.f32 v4, v2;
	s0 =	sadd.f32 s29, s17;
	(v2sf) =	vpush v5, $0xA;
	s5 =	spop (v2sf)  }
0x47e: {  	s6 =	sadd.f32 s6, s9;
	(v2sf) =	vpush v5, $0xB;
	s8 =	spop (v2sf)  }
0x47f: {  	v6 =	vmul.f32 v8, v6;
	s9 =	sld [smem:$0x7F8];
	v4 =	vmul.f32 v7, v4;
	(v2sf) =	vpush v5, $0xC;
	s28 =	spop (v2sf)  }
0x480: {  	s1 =	sadd.f32 s1, s2;
	(v2sf) =	vpush v5, $0xD;
	s24 =	spop (v2sf)  }
0x481: {  	s17 =	sadd.f32 s6, s0;
	v4 =	vadd.f32 v6, v4;
	(v2sf) =	vpush v5, $0xE;
	s30 =	spop (v2sf)  }
0x482: {  	s2 =	sld [smem:$0x7F9];
	(v2sf) =	vpush v5, $0xF;
	s18 =	spop (v2sf)  }
0x483: {  	v63 =	vld [tilespmem:$0x1B90];
	s3 =	sadd.f32 s25, s9;
	(v2sf) =	vpush v4, $0x0;
	s20 =	spop (v2sf)  }
0x484: {  	v62 =	vld [tilespmem:$0x1B80];
	s6 =	sld [smem:$0x7FA];
	(v2sf) =	vpush v4, $0x1;
	s21 =	spop (v2sf)  }
0x485: {  	v61 =	vld [tilespmem:$0xB90];
	s9 =	sadd.f32 s23, s2;
	(v2sf) =	vpush v4, $0x2;
	s10 =	spop (v2sf)  }
0x486: {  	s15 =	sadd.f32 s4, s15;
	v5 =	vld [tilespmem:$0xB80];
	(v2sf) =	vpush v4, $0x3;
	s7 =	spop (v2sf)  }
0x487: {  	s16 =	sadd.f32 s16, s6;
	(v2sf) =	vpush v4, $0x4;
	s11 =	spop (v2sf)  }
0x488: {  	v8 =	vmul.f32 v63, v1;
	s23 =	sadd.f32 s26, s13;
	(v2sf) =	vpush v4, $0x5;
	s14 =	spop (v2sf)  }
0x489: {  	v7 =	vmul.f32 v62, v0;
	s15 =	sadd.f32 s15, s16;
	(v2sf) =	vpush v4, $0x6;
	s19 =	spop (v2sf)  }
0x48a: {  	v8 =	vadd.f32 v8, v3;
	v6 =	vmul.f32 v61, v1;
	s5 =	sadd.f32 s5, s12;
	(v2sf) =	vpush v4, $0x7;
	s22 =	spop (v2sf)  }
0x48b: {  	v7 =	vadd.f32 v7, v2;
	s8 =	sadd.f32 s28, s8;
	v5 =	vmul.f32 v5, v0;
	(v2sf) =	vpush v4, $0x8;
	s29 =	spop (v2sf)  }
0x48c: {  	v6 =	vadd.f32 v6, v3;
	s23 =	sadd.f32 s5, s23;
	(v2sf) =	vpush v4, $0x9;
	s31 =	spop (v2sf)  }
0x48d: {  	s24 =	sadd.f32 s30, s24;
	v5 =	vadd.f32 v5, v2;
	(v2sf) =	vpush v4, $0xA;
	s25 =	spop (v2sf)  }
0x48e: {  	s30 =	sadd.f32 s9, s3;
	(v2sf) =	vpush v4, $0xB;
	s0 =	spop (v2sf)  }
0x48f: {  	v6 =	vmul.f32 v8, v6;
	s24 =	sadd.f32 s24, s8;
	v5 =	vmul.f32 v7, v5;
	(v2sf) =	vpush v4, $0xC;
	s2 =	spop (v2sf)  }
0x490: {  	s30 =	sadd.f32 s15, s30;
	(v2sf) =	vpush v4, $0xD;
	s4 =	spop (v2sf)  }
0x491: {  	s23 =	sadd.f32 s24, s23;
	v5 =	vadd.f32 v6, v5;
	(v2sf) =	vpush v4, $0xE;
	s26 =	spop (v2sf)  }
0x492: {  	s24 =	sadd.f32 s17, s1;
	(v2sf) =	vpush v4, $0xF;
	s12 =	spop (v2sf)  }
0x493: {  	s17 =	sadd.f32 s20, s18;
	(v2sf) =	vpush v5, $0x0;
	s28 =	spop (v2sf)  }
0x494: {  	s10 =	sadd.f32 s10, s21;
	(v2sf) =	vpush v5, $0x1;
	s6 =	spop (v2sf)  }
0x495: {  	s1 =	sadd.f32 s23, s30;
	s9 =	spop (v2sf)  }
0x496: {  	s7 =	sadd.f32 s11, s7;
	s13 =	spop (v2sf)  }
0x497: {  	s10 =	sadd.f32 s10, s17;
	s3 =	spop (v2sf)  }
0x498: {  	s14 =	sadd.f32 s19, s14;
	s5 =	spop (v2sf)  }
0x499: {  	s30 =	sadd.f32 s29, s22;
	(v2sf) =	vpush v5, $0x2;
	s8 =	spop (v2sf)  }
0x49a: {  	s7 =	sadd.f32 s14, s7;
	(v2sf) =	vpush v5, $0x3;
	s15 =	spop (v2sf)  }
0x49b: {  	s25 =	sadd.f32 s25, s31;
	(v2sf) =	vpush v5, $0x4;
	s16 =	spop (v2sf)  }
0x49c: {  	s0 =	sadd.f32 s2, s0;
	(v2sf) =	vpush v5, $0x5;
	s23 =	spop (v2sf)  }
0x49d: {  	s4 =	sadd.f32 s26, s4;
	(v2sf) =	vpush v5, $0x6;
	s18 =	spop (v2sf)  }
0x49e: {  	s21 =	sadd.f32 s25, s30;
	(v2sf) =	vpush v5, $0x7;
	s20 =	spop (v2sf)  }
0x49f: {  	s0 =	sadd.f32 s4, s0;
	(v2sf) =	vpush v5, $0x8;
	s11 =	spop (v2sf)  }
0x4a0: {  	s7 =	sadd.f32 s7, s10;
	(v2sf) =	vpush v5, $0x9;
	s19 =	spop (v2sf)  }
0x4a1: {  	s0 =	sadd.f32 s0, s21;
	s22 =	spop (v2sf)  }
0x4a2: {  	s3 =	sadd.f32 s3, s13;
	(v2sf) =	vpush v5, $0xA;
	s29 =	spop (v2sf)  }
0x4a3: {  	s13 =	rddreg [dreg:$0x12];
	(v2sf) =	vpush v5, $0xB;
	s31 =	spop (v2sf)  }
0x4a4: {  	(v2sf) =	vpush v5, $0xC;
	s2 =	sadd.f32 s31, s29  }
0x4a5: {  	(v2sf) =	vpush v5, $0xD;
	s29 =	sadd.f32 s28, s12  }
0x4a6: {  	(v2sf) =	vpush v5, $0xE;
	s12 =	sadd.f32 s16, s15  }
0x4a7: {  	(v2sf) =	vpush v5, $0xF;
	s15 =	rddreg [dreg:$0x14]  }
0x4a8: {  	s26 =	spop (v2sf);
	s16 =	sadd.f32 s11, s20  }
0x4a9: {  	s20 =	rddreg [dreg:$0x1a];
	s17 =	spop (v2sf)  }
0x4aa: {  	s28 =	sld [smem:$0x7FC];
	s14 =	spop (v2sf)  }
0x4ab: {  	s17 =	sadd.f32 s17, s26;
	s30 =	spop (v2sf)  }
0x4ac: {  	s4 =	spop (v2sf);
	s14 =	sadd.f32 s30, s14  }
0x4ad: {  	s2 =	sadd.f32 s17, s2;
	s10 =	spop (v2sf)  }
0x4ae: {  	s17 =	rddreg [dreg:$0x16];
	s21 =	spop (v2sf)  }
0x4af: {  	s4 =	sadd.f32 s10, s4;
	s31 =	spop (v2sf)  }
0x4b0: {  	s21 =	sadd.f32 s31, s21  }
0x4b1: {  	s26 =	spop (v2sf);
	s4 =	sadd.f32 s4, s14  }
0x4b2: {  	s14 =	sadd.f32 s18, s23;
	s30 =	spop (v2sf)  }
0x4b3: {  	s18 =	sadd.f32 s22, s19;
	s10 =	spop (v2sf)  }
0x4b4: {  	s19 =	rddreg [dreg:$0x18];
	s31 =	spop (v2sf)  }
0x4b5: {  	s25 =	sadd.f32 s30, s26;
	s30 =	spop (v2sf)  }
0x4b6: {  	s10 =	sadd.f32 s31, s10;
	s31 =	spop (v2sf)  }
0x4b7: {  	s26 =	sadd.f32 s31, s30  }
0x4b8: {  	s25 =	sadd.f32 s25, s21  }
0x4b9: {  	s10 =	sadd.f32 s26, s10  }
0x4ba: {  	s2 =	sadd.f32 s4, s2  }
0x4bb: {  	s26 =	sadd.f32 s10, s25  }
0x4bc: {  	s23 =	rddreg [dreg:$0x1e]  }
0x4bd: {  	s2 =	sadd.f32 s26, s2  }
0x4be: {  	s30 =	sadd.f32 s9, s6  }
0x4bf: {  	s9 =	rddreg [dreg:$0x10];
	v4 =	vmov s2  }
0x4c0: {  	s22 =	sadd.f32 s14, s12;
	v4 =	vsel vm0, s9, v4  }
0x4c1: {  	s21 =	rddreg [dreg:$0x1c];
	v4 =	vsel vm1, s13, v4  }
0x4c2: {  	s31 =	sadd.f32 s8, s5;
	v4 =	vsel vm2, s15, v4  }
0x4c3: {  	s4 =	sadd.f32 s30, s29;
	v4 =	vsel vm3, s17, v4  }
0x4c4: {  	s29 =	sld [smem:$0x7FD];
	v4 =	vsel vm4, s19, v4  }
0x4c5: {  	s26 =	sld [smem:$0x7FB];
	v4 =	vsel vm5, s20, v4  }
0x4c6: {  	s30 =	rddreg [dreg:$0xe];
	v4 =	vsel vm6, s21, v4  }
0x4c7: {  	s25 =	sadd.f32 s18, s16;
	v4 =	vsel vm7, s23, v4  }
0x4c8: {  	s2 =	sadd.f32 s31, s3;
	v4 =	vsel vm8, s26, v4  }
0x4c9: {  	s3 =	sadd.f32 s25, s22;
	v4 =	vsel vm9, s28, v4  }
0x4ca: {  	p0 =	seq.s32 s30, $0x780;
	s2 =	sadd.f32 s2, s4;
	v4 =	vsel vm10, s29, v4  }
.Ltmp4:
0x4cb: {  	s0 =	sadd.f32 s0, s7;
	v4 =	vsel vm11, s24, v4;
	(pc) =	sbr.rel @p0 .LBB2_4-.Ltmp4, $4  }
0x4cc: {  	s2 =	sadd.f32 s3, s2;
	v4 =	vsel vm12, s1, v4  }
0x4cd: {  	v4 =	vsel vm13, s0, v4  }
0x4ce: {  	s31 =	rddreg [dreg:$0xf];
	v4 =	vsel vm14, s2, v4  }
0x4cf: {  	[tilespmem:s31+$0x2500] =	vst v4  }
0x4d0: {  	s0 =	rddreg [dreg:$0xf]  }
0x4d1: {  	v4 =	vld [tilespmem:s0+$0x20];
	_ =	sdelay $0x1  }
0x4d2: {  	v6 =	vld [tilespmem:s0+$0x220];
	_ =	sdelay $0x2  }
0x4d3: {  	v5 =	vshll.u32 v4, $0x4  }
0x4d4: {  	(v2sf) =	vpush v5, $0x0  }
0x4d5: {  	v4 =	vshll.u32 v6, $0x4  }
0x4d6: {  	(v2sf) =	vpush v4, $0x0;
	_ =	sdelay $0x1  }
0x4d7: {  	(v2sf) =	vpush v5, $0x1;
	_ =	sdelay $0x2  }
0x4d8: {  	(v2sf) =	vpush v4, $0x1;
	_ =	sdelay $0x7  }
0x4d9: {  	s21 =	spop (v2sf);
	(v2sf) =	vpush v5, $0x2;
	_ =	sdelay $0x1  }
0x4da: {  	s22 =	spop (v2sf);
	(v2sf) =	vpush v4, $0x2;
	_ =	sdelay $0x1  }
0x4db: {  	s23 =	spop (v2sf);
	(v2sf) =	vpush v5, $0x3;
	_ =	sdelay $0x2  }
0x4dc: {  	s25 =	spop (v2sf);
	(v2sf) =	vpush v4, $0x3;
	_ =	sdelay $0x4  }
0x4dd: {  	s2 =	rddreg [dreg:$0x7];
	s0 =	sand.u32 $0x1FFFFFF0, s21  }
0x4de: {  	s1 =	simm.s32 $0x0;
	s3 =	simm.s32 $0x400;
	s0 =	sadd.s32 s2, s0  }
0x4df: {  	[tilespmem:s3], [sflag:$0x1] =	stream.linear.gather [hbm4b:s0+s1], $0x80, $0x38;
	[tilespmem:$0x2700] =	vst v63  }
0x4e0: {  	s28 =	spop (v2sf);
	(v2sf) =	vpush v5, $0x4  }
0x4e1: {  	s0 =	sand.u32 $0x1FFFFFF0, s22;
	s3 =	rddreg [dreg:$0x8]  }
0x4e2: {  	s4 =	simm.s32 $0x1400;
	s0 =	sadd.s32 s3, s0;
	s30 =	spop (v2sf);
	(v2sf) =	vpush v4, $0x4  }
0x4e3: {  	[tilespmem:s4], [sflag:$0x1] =	stream.linear.gather [hbm4b:s0+s1], $0x80, $0x38;
	[tilespmem:$0x2700] =	vst v63  }
0x4e4: {  	s0 =	sand.u32 $0x1FFFFFF0, s23;
	s5 =	spop (v2sf);
	(v2sf) =	vpush v5, $0x5  }
0x4e5: {  	s24 =	simm.s32 $0x480;
	s0 =	sadd.s32 s2, s0  }
0x4e6: {  	[tilespmem:s24], [sflag:$0x1] =	stream.linear.gather [hbm4b:s0+s1], $0x80, $0x38;
	[tilespmem:$0x2700] =	vst v63  }
0x4e7: {  	s7 =	spop (v2sf);
	(v2sf) =	vpush v4, $0x5  }
0x4e8: {  	s0 =	sand.u32 $0x1FFFFFF0, s25  }
0x4e9: {  	s26 =	simm.s32 $0x1480;
	s0 =	sadd.s32 s3, s0  }
0x4ea: {  	[tilespmem:s26], [sflag:$0x1] =	stream.linear.gather [hbm4b:s0+s1], $0x80, $0x38;
	[tilespmem:$0x2700] =	vst v63  }
0x4eb: {  	s0 =	sand.u32 $0x1FFFFFF0, s28  }
0x4ec: {  	s29 =	simm.s32 $0x500;
	s0 =	sadd.s32 s2, s0  }
0x4ed: {  	[tilespmem:s29], [sflag:$0x1] =	stream.linear.gather [hbm4b:s0+s1], $0x80, $0x38;
	[tilespmem:$0x2700] =	vst v63  }
0x4ee: {  	s0 =	sand.u32 $0x1FFFFFF0, s30  }
0x4ef: {  	s31 =	simm.s32 $0x1500;
	s0 =	sadd.s32 s3, s0;
	s9 =	spop (v2sf);
	(v2sf) =	vpush v5, $0x6  }
0x4f0: {  	[tilespmem:s31], [sflag:$0x1] =	stream.linear.gather [hbm4b:s0+s1], $0x80, $0x38;
	[tilespmem:$0x2700] =	vst v63  }
0x4f1: {  	s11 =	spop (v2sf);
	(v2sf) =	vpush v4, $0x6  }
0x4f2: {  	s0 =	sand.u32 $0x1FFFFFF0, s5  }
0x4f3: {  	s6 =	simm.s32 $0x580;
	s0 =	sadd.s32 s2, s0;
	s13 =	spop (v2sf);
	(v2sf) =	vpush v5, $0x7  }
0x4f4: {  	[tilespmem:s6], [sflag:$0x1] =	stream.linear.gather [hbm4b:s0+s1], $0x80, $0x38;
	[tilespmem:$0x2700] =	vst v63  }
0x4f5: {  	s0 =	sand.u32 $0x1FFFFFF0, s7  }
0x4f6: {  	s8 =	simm.s32 $0x1580;
	s0 =	sadd.s32 s3, s0;
	s15 =	spop (v2sf);
	(v2sf) =	vpush v4, $0x7  }
0x4f7: {  	[tilespmem:s8], [sflag:$0x1] =	stream.linear.gather [hbm4b:s0+s1], $0x80, $0x38;
	[tilespmem:$0x2700] =	vst v63  }
0x4f8: {  	s0 =	sand.u32 $0x1FFFFFF0, s9  }
0x4f9: {  	s10 =	simm.s32 $0x600;
	s0 =	sadd.s32 s2, s0  }
0x4fa: {  	[tilespmem:s10], [sflag:$0x1] =	stream.linear.gather [hbm4b:s0+s1], $0x80, $0x38;
	[tilespmem:$0x2700] =	vst v63  }
0x4fb: {  	s0 =	sand.u32 $0x1FFFFFF0, s11  }
0x4fc: {  	s12 =	simm.s32 $0x1600;
	s0 =	sadd.s32 s3, s0  }
0x4fd: {  	[tilespmem:s12], [sflag:$0x1] =	stream.linear.gather [hbm4b:s0+s1], $0x80, $0x38;
	[tilespmem:$0x2700] =	vst v63  }
0x4fe: {  	s17 =	spop (v2sf);
	(v2sf) =	vpush v5, $0x8  }
0x4ff: {  	s0 =	sand.u32 $0x1FFFFFF0, s13  }
0x500: {  	s14 =	simm.s32 $0x680;
	s0 =	sadd.s32 s2, s0;
	s19 =	spop (v2sf);
	(v2sf) =	vpush v4, $0x8  }
0x501: {  	[tilespmem:s14], [sflag:$0x1] =	stream.linear.gather [hbm4b:s0+s1], $0x80, $0x38;
	[tilespmem:$0x2700] =	vst v63  }
0x502: {  	s0 =	sand.u32 $0x1FFFFFF0, s15;
	s21 =	spop (v2sf);
	(v2sf) =	vpush v5, $0x9  }
0x503: {  	s16 =	simm.s32 $0x1680;
	s0 =	sadd.s32 s3, s0  }
0x504: {  	[tilespmem:s16], [sflag:$0x1] =	stream.linear.gather [hbm4b:s0+s1], $0x80, $0x38;
	[tilespmem:$0x2700] =	vst v63  }
0x505: {  	s23 =	spop (v2sf);
	(v2sf) =	vpush v4, $0x9  }
0x506: {  	s0 =	sand.u32 $0x1FFFFFF0, s17  }
0x507: {  	s18 =	simm.s32 $0x700;
	s0 =	sadd.s32 s2, s0  }
0x508: {  	[tilespmem:s18], [sflag:$0x1] =	stream.linear.gather [hbm4b:s0+s1], $0x80, $0x38;
	[tilespmem:$0x2700] =	vst v63  }
0x509: {  	s0 =	sand.u32 $0x1FFFFFF0, s19  }
0x50a: {  	s20 =	simm.s32 $0x1700;
	s0 =	sadd.s32 s3, s0  }
0x50b: {  	[tilespmem:s20], [sflag:$0x1] =	stream.linear.gather [hbm4b:s0+s1], $0x80, $0x38;
	[tilespmem:$0x2700] =	vst v63  }
0x50c: {  	s0 =	sand.u32 $0x1FFFFFF0, s21  }
0x50d: {  	s22 =	simm.s32 $0x780;
	s0 =	sadd.s32 s2, s0;
	s25 =	spop (v2sf);
	(v2sf) =	vpush v5, $0xA  }
0x50e: {  	[tilespmem:s22], [sflag:$0x1] =	stream.linear.gather [hbm4b:s0+s1], $0x80, $0x38;
	[tilespmem:$0x2700] =	vst v63  }
0x50f: {  	s28 =	spop (v2sf);
	(v2sf) =	vpush v4, $0xA  }
0x510: {  	s0 =	sand.u32 $0x1FFFFFF0, s23  }
0x511: {  	s24 =	simm.s32 $0x1780;
	s0 =	sadd.s32 s3, s0;
	s30 =	spop (v2sf);
	(v2sf) =	vpush v5, $0xB  }
0x512: {  	[tilespmem:s24], [sflag:$0x1] =	stream.linear.gather [hbm4b:s0+s1], $0x80, $0x38;
	[tilespmem:$0x2700] =	vst v63  }
0x513: {  	s0 =	sand.u32 $0x1FFFFFF0, s25  }
0x514: {  	s26 =	simm.s32 $0x800;
	s0 =	sadd.s32 s2, s0;
	s5 =	spop (v2sf);
	(v2sf) =	vpush v4, $0xB  }
0x515: {  	[tilespmem:s26], [sflag:$0x1] =	stream.linear.gather [hbm4b:s0+s1], $0x80, $0x38;
	[tilespmem:$0x2700] =	vst v63  }
0x516: {  	s0 =	sand.u32 $0x1FFFFFF0, s28  }
0x517: {  	s29 =	simm.s32 $0x1800;
	s0 =	sadd.s32 s3, s0  }
0x518: {  	[tilespmem:s29], [sflag:$0x1] =	stream.linear.gather [hbm4b:s0+s1], $0x80, $0x38;
	[tilespmem:$0x2700] =	vst v63  }
0x519: {  	s0 =	sand.u32 $0x1FFFFFF0, s30  }
0x51a: {  	s31 =	simm.s32 $0x880;
	s0 =	sadd.s32 s2, s0  }
0x51b: {  	[tilespmem:s31], [sflag:$0x1] =	stream.linear.gather [hbm4b:s0+s1], $0x80, $0x38;
	[tilespmem:$0x2700] =	vst v63  }
0x51c: {  	s7 =	spop (v2sf);
	(v2sf) =	vpush v5, $0xC  }
0x51d: {  	s0 =	sand.u32 $0x1FFFFFF0, s5  }
0x51e: {  	s6 =	simm.s32 $0x1880;
	s0 =	sadd.s32 s3, s0;
	s9 =	spop (v2sf);
	(v2sf) =	vpush v4, $0xC  }
0x51f: {  	[tilespmem:s6], [sflag:$0x1] =	stream.linear.gather [hbm4b:s0+s1], $0x80, $0x38;
	[tilespmem:$0x2700] =	vst v63  }
0x520: {  	s0 =	sand.u32 $0x1FFFFFF0, s7;
	s11 =	spop (v2sf);
	(v2sf) =	vpush v5, $0xD  }
0x521: {  	s8 =	simm.s32 $0x900;
	s0 =	sadd.s32 s2, s0  }
0x522: {  	[tilespmem:s8], [sflag:$0x1] =	stream.linear.gather [hbm4b:s0+s1], $0x80, $0x38;
	[tilespmem:$0x2700] =	vst v63  }
0x523: {  	s13 =	spop (v2sf);
	(v2sf) =	vpush v4, $0xD  }
0x524: {  	s0 =	sand.u32 $0x1FFFFFF0, s9  }
0x525: {  	s10 =	simm.s32 $0x1900;
	s0 =	sadd.s32 s3, s0  }
0x526: {  	[tilespmem:s10], [sflag:$0x1] =	stream.linear.gather [hbm4b:s0+s1], $0x80, $0x38;
	[tilespmem:$0x2700] =	vst v63  }
0x527: {  	s0 =	sand.u32 $0x1FFFFFF0, s11  }
0x528: {  	s12 =	simm.s32 $0x980;
	s0 =	sadd.s32 s2, s0  }
0x529: {  	[tilespmem:s12], [sflag:$0x1] =	stream.linear.gather [hbm4b:s0+s1], $0x80, $0x38;
	[tilespmem:$0x2700] =	vst v63  }
0x52a: {  	s0 =	sand.u32 $0x1FFFFFF0, s13  }
0x52b: {  	s14 =	simm.s32 $0x1980;
	s0 =	sadd.s32 s3, s0;
	s15 =	spop (v2sf);
	(v2sf) =	vpush v5, $0xE  }
0x52c: {  	[tilespmem:s14], [sflag:$0x1] =	stream.linear.gather [hbm4b:s0+s1], $0x80, $0x38;
	[tilespmem:$0x2700] =	vst v63  }
0x52d: {  	s17 =	spop (v2sf);
	(v2sf) =	vpush v4, $0xE  }
0x52e: {  	s0 =	sand.u32 $0x1FFFFFF0, s15  }
0x52f: {  	s16 =	simm.s32 $0xA00;
	s0 =	sadd.s32 s2, s0;
	s19 =	spop (v2sf)  }
0x530: {  	(v2sf) =	vpush v5, $0xF;
	[tilespmem:s16], [sflag:$0x1] =	stream.linear.gather [hbm4b:s0+s1], $0x80, $0x38;
	[tilespmem:$0x2700] =	vst v63  }
0x531: {  	s0 =	sand.u32 $0x1FFFFFF0, s17  }
0x532: {  	s18 =	simm.s32 $0x1A00;
	s21 =	spop (v2sf);
	s0 =	sadd.s32 s3, s0  }
0x533: {  	(v2sf) =	vpush v4, $0xF;
	[tilespmem:s18], [sflag:$0x1] =	stream.linear.gather [hbm4b:s0+s1], $0x80, $0x38;
	[tilespmem:$0x2700] =	vst v63  }
0x534: {  	s0 =	sand.u32 $0x1FFFFFF0, s19  }
0x535: {  	s20 =	simm.s32 $0xA80;
	s0 =	sadd.s32 s2, s0  }
0x536: {  	[tilespmem:s20], [sflag:$0x1] =	stream.linear.gather [hbm4b:s0+s1], $0x80, $0x38;
	[tilespmem:$0x2700] =	vst v63  }
0x537: {  	s0 =	sand.u32 $0x1FFFFFF0, s21  }
0x538: {  	s22 =	simm.s32 $0x1A80;
	s0 =	sadd.s32 s3, s0  }
0x539: {  	[tilespmem:s22], [sflag:$0x1] =	stream.linear.gather [hbm4b:s0+s1], $0x80, $0x38;
	[tilespmem:$0x2700] =	vst v63  }
0x53a: {  	s23 =	spop (v2sf)  }
0x53b: {  	s0 =	sand.u32 $0x1FFFFFF0, s23  }
0x53c: {  	s24 =	simm.s32 $0xB00;
	s25 =	spop (v2sf);
	s0 =	sadd.s32 s2, s0  }
0x53d: {  	[tilespmem:s24], [sflag:$0x1] =	stream.linear.gather [hbm4b:s0+s1], $0x80, $0x38;
	[tilespmem:$0x2700] =	vst v63  }
0x53e: {  	s0 =	sand.u32 $0x1FFFFFF0, s25  }
0x53f: {  	s26 =	simm.s32 $0x1B00;
	s28 =	spop (v2sf);
	s0 =	sadd.s32 s3, s0  }
0x540: {  	[tilespmem:s26], [sflag:$0x1] =	stream.linear.gather [hbm4b:s0+s1], $0x80, $0x38;
	[tilespmem:$0x2700] =	vst v63  }
0x541: {  	s29 =	simm.s32 $0xB80;
	s0 =	sand.u32 $0x1FFFFFF0, s28  }
.Ltmp5:
0x542: {  	s30 =	spop (v2sf);
	s0 =	sadd.s32 s2, s0;
	(pc) =	sbr.rel .LBB2_4-.Ltmp5, $4  }
0x543: {  	[tilespmem:s29], [sflag:$0x1] =	stream.linear.gather [hbm4b:s0+s1], $0x80, $0x38;
	[tilespmem:$0x2700] =	vst v63  }
0x544: {  	s0 =	sand.u32 $0x1FFFFFF0, s30  }
0x545: {  	s31 =	simm.s32 $0x1B80;
	s0 =	sadd.s32 s3, s0  }
0x546: {  	[tilespmem:s31], [sflag:$0x1] =	stream.linear.gather [hbm4b:s0+s1], $0x80, $0x38;
	[tilespmem:$0x2700] =	vst v63  }
.LBB2_6:
0x547: {  	_ =	sfence.sel $0x180000  }
0x548: {  	[bflag:$0x0] =	sbarrier.arrive $0xFFFF  }
0x549: {  	_ =	strace $0x90000047  }
0x54a: {  	s0 =	stileid.u32;
	[bflag:$0x2] =	sbarrier.arrive $0xFFFF  }
0x54b: {  	p0 =	sne.s32 s0, $0x0;
	s0 =	rddreg [dreg:$0x6]  }
0x54c: {  	s0 =	sadd.s32 @!p0 $0x100000, s0  }
0x54d: {  	[sflag:s0] =	ssyncadd.tile.s32 @!p0 $0x1;
	_ =	shalt  }
.Lfunc_end2:
_tile_overlayer_lowered:
.L_overlay_start_2:
0x54e: {  	(tag) =	ssettag $0x2  }
0x54f: {  	s0 =	rddreg [dreg:$0x0];
	s2 =	stileid.u32  }
0x550: {  	s1 =	rddreg [dreg:$0x1];
	p0 =	sne.s32 s2, $0x0  }
0x551: {  	s3 =	rddreg [dreg:$0x2];
	[bflag:$0x3] =	sbarrier.arrive $0xFFFF;
	s2 =	simm.s32 @!p0 $0x1C03  }
0x552: {  	[timem:s3], [sflag:s2] =	dma.local @!p0 [hbm:s0], s1  }
0x553: {  	s0 =	simm.s32 @!p0 $0x3  }
0x554: {  	_ =	swait.ge @!p0 [sflag:s0], s1  }
0x555: {  	s1 =	ssub.s32 @!p0 $0x0, s1;
	[sflag:s0] =	ssyncset.done @!p0 $0x0  }
0x556: {  	[sflag:s0] =	ssyncadd.s32 @!p0 s1  }
0x557: {  	[bflag:$0x3] =	sbarrier.arrive $0xFFFF  }
0x558: {  	_ =	shalt  }

</sc_bundles>
